<compile_context>
chip_gen: v7x
topology: tpu7x:2x2x1
jax: 0.10.2.dev20260603
libtpu: 0.0.44.dev20260713+nightly
codegen_flags: <defaults>
</compile_context>

<pallas_src>
import functools

import jax
import jax.numpy as jnp
from jax import lax
from jax.experimental import pallas as pl
from jax.experimental.pallas import tpu as pltpu
from jax.experimental.pallas import tpu_sc as plsc

F = 128
K = 32
N_NODES = 10000
NC = 2
NS = 16
NW = NC * NS
NODES_PER_W = 320
GROWS = 64
GN = GROWS // K
NSTEPS = NODES_PER_W // GN
RING = 4
NOUTER = NSTEPS // RING
NOUTER_LAST = (N_NODES - (NW - 1) * NODES_PER_W) // GN // RING
KU = 4
LANES = 16
VPR = F // LANES
ROWS_PER_TILE = 640
LAST_TILE_ROWS = N_NODES - 15 * ROWS_PER_TILE
IDX_PER_W = NODES_PER_W * K
IDX_PER_W_LAST = (N_NODES - (NW - 1) * NODES_PER_W) * K


def _sc_body(x_hbm, adj_hbm, out_hbm, x_sh, idx_all,
             rows0, rows1, rows2, rows3, ob0, ob1, ob2, ob3,
             sem0, sem1, sem2, sem3, osem0, osem1, osem2, osem3):
    rows = (rows0, rows1, rows2, rows3)
    sems = (sem0, sem1, sem2, sem3)
    obs = (ob0, ob1, ob2, ob3)
    osems = (osem0, osem1, osem2, osem3)
    sid = lax.axis_index("s")
    wid = sid * NC + lax.axis_index("c")
    node_base = wid * NODES_PER_W
    n_outer = jnp.where(wid == NW - 1, NOUTER_LAST, NOUTER)

    @pl.when(sid < NS - 1)
    def _():
        pltpu.sync_copy(x_hbm.at[pl.ds(sid * ROWS_PER_TILE, ROWS_PER_TILE)],
                        x_sh.at[pl.ds(sid * ROWS_PER_TILE, ROWS_PER_TILE)])

    @pl.when(sid == NS - 1)
    def _():
        pltpu.sync_copy(
            x_hbm.at[pl.ds((NS - 1) * ROWS_PER_TILE, LAST_TILE_ROWS)],
            x_sh.at[pl.ds((NS - 1) * ROWS_PER_TILE, LAST_TILE_ROWS)])

    @pl.when(wid < NW - 1)
    def _():
        pltpu.sync_copy(adj_hbm.at[pl.ds(wid * IDX_PER_W, IDX_PER_W)],
                        idx_all)

    @pl.when(wid == NW - 1)
    def _():
        pltpu.sync_copy(
            adj_hbm.at[pl.ds((NW - 1) * IDX_PER_W, IDX_PER_W_LAST)],
            idx_all.at[pl.ds(0, IDX_PER_W_LAST)])
    plsc.subcore_barrier()

    def start(g, b):
        pltpu.async_copy(x_sh.at[idx_all.at[pl.ds(g * GROWS, GROWS)]],
                         rows[b], sems[b])

    for b in range(RING):
        start(b, b)

    def outer(gb, carry):
        for b in range(RING):
            g = gb * RING + b
            pltpu.make_async_copy(
                x_hbm.at[pl.ds(0, GROWS)], rows[b], sems[b]).wait()

            @pl.when(gb > 0)
            def _(b=b):
                pltpu.make_async_copy(
                    obs[b], out_hbm.at[pl.ds(node_base, GN)],
                    osems[b]).wait()

            for n in range(GN):
                def k_fn(kq, accs, b=b, n=n):
                    accs = list(accs)
                    for u in range(KU):
                        r = n * K + kq * KU + u
                        for j in range(VPR):
                            accs[j] = accs[j] + rows[b][
                                r, pl.ds(j * LANES, LANES)]
                    return tuple(accs)
                accs = lax.fori_loop(
                    0, K // KU, k_fn,
                    tuple(jnp.zeros((LANES,), jnp.float32)
                          for _ in range(VPR)))
                for j in range(VPR):
                    obs[b][n, pl.ds(j * LANES, LANES)] = accs[j]
            pltpu.async_copy(
                obs[b], out_hbm.at[pl.ds(node_base + g * GN, GN)], osems[b])

            @pl.when(gb < n_outer - 1)
            def _(g=g, b=b):
                start(g + RING, b)
        return carry

    lax.fori_loop(0, n_outer, outer, 0)
    for b in range(RING):
        pltpu.make_async_copy(
            obs[b], out_hbm.at[pl.ds(node_base, GN)], osems[b]).wait()


_sc_gather_sum = functools.partial(
    pl.kernel,
    mesh=plsc.VectorSubcoreMesh(core_axis_name="c", subcore_axis_name="s"),
    out_type=jax.ShapeDtypeStruct((N_NODES, F), jnp.float32),
    scratch_types=[
        pltpu.VMEM_SHARED((N_NODES, F), jnp.float32),
        pltpu.VMEM((IDX_PER_W,), jnp.int32),
        pltpu.VMEM((GROWS, F), jnp.float32),
        pltpu.VMEM((GROWS, F), jnp.float32),
        pltpu.VMEM((GROWS, F), jnp.float32),
        pltpu.VMEM((GROWS, F), jnp.float32),
        pltpu.VMEM((GN, F), jnp.float32),
        pltpu.VMEM((GN, F), jnp.float32),
        pltpu.VMEM((GN, F), jnp.float32),
        pltpu.VMEM((GN, F), jnp.float32),
        pltpu.SemaphoreType.DMA,
        pltpu.SemaphoreType.DMA,
        pltpu.SemaphoreType.DMA,
        pltpu.SemaphoreType.DMA,
        pltpu.SemaphoreType.DMA,
        pltpu.SemaphoreType.DMA,
        pltpu.SemaphoreType.DMA,
        pltpu.SemaphoreType.DMA,
    ],
)(_sc_body)


def _tc_self_body(x_ref, ws_ref, b_ref, o_ref):
    o_ref[...] = lax.dot_general(
        x_ref[...], ws_ref[...], (((1,), (0,)), ((), ())),
        precision=lax.Precision.HIGHEST,
        preferred_element_type=jnp.float32) + b_ref[...]


def _tc_self(x2, W_self, bias, n_rows, bm):
    return pl.pallas_call(
        _tc_self_body,
        grid=(n_rows // bm,),
        in_specs=[
            pl.BlockSpec((bm, F), lambda i: (i, 0)),
            pl.BlockSpec((F, F), lambda i: (0, 0)),
            pl.BlockSpec((1, F), lambda i: (0, 0)),
        ],
        out_specs=pl.BlockSpec((bm, F), lambda i: (i, 0)),
        out_shape=jax.ShapeDtypeStruct((n_rows, F), jnp.float32),
    )(x2, W_self, bias)


def _tc_comb_body(self_ref, nei_ref, wn_ref, o_ref):
    acc = self_ref[...] + lax.dot_general(
        nei_ref[...], wn_ref[...], (((1,), (0,)), ((), ())),
        precision=lax.Precision.DEFAULT,
        preferred_element_type=jnp.float32)
    o_ref[...] = jnp.maximum(acc, 0.0)


def _tc_comb(selfp, nei_sum, W_nei_scaled, n_rows, bm):
    return pl.pallas_call(
        _tc_comb_body,
        grid=(n_rows // bm,),
        in_specs=[
            pl.BlockSpec((bm, F), lambda i: (i, 0)),
            pl.BlockSpec((bm, F), lambda i: (i, 0)),
            pl.BlockSpec((F, F), lambda i: (0, 0)),
        ],
        out_specs=pl.BlockSpec((bm, F), lambda i: (i, 0)),
        out_shape=jax.ShapeDtypeStruct((n_rows, F), jnp.float32),
    )(selfp, nei_sum, W_nei_scaled)


def kernel(x, adj, W_self, b_self, W_nei, b_nei):
    B, N, Fd = x.shape
    Kd = adj.shape[-1]
    x2 = x.reshape(N, Fd)
    adj_flat = adj.astype(jnp.int32).reshape(N * Kd)
    nei_sum = _sc_gather_sum(x2, adj_flat)
    selfp = _tc_self(x2, W_self, (b_self + b_nei).reshape(1, Fd), N, 2000)
    out = _tc_comb(selfp, nei_sum, W_nei * (1.0 / Kd), N, 2000)
    return out.reshape(B, N, Fd)

# --- scband reference (transcript-rebuilt; emitter-appended) ---
"""Pipeline reference for scband-simple-graph-sagelayer-83803401879831 (READ-ONLY COPY).

The authoritative reference and input builder live on the scoring server;
editing this copy changes nothing except your own understanding.
"""

import jax, jax.numpy as jnp
import numpy as np

IN_DIM = 128
OUT_DIM = 128
B, N, K = 1, 10000, 32

def setup_inputs(seed: int = 0) -> dict:
    key = jax.random.key(seed)
    k1, k2, k3, k4, k5, k6 = jax.random.split(key, 6)
    x = jax.random.normal(k1, (B, N, IN_DIM), dtype=jnp.float32)
    adj = jax.random.randint(k2, (B, N, K), 0, N, dtype=jnp.int64)
    lim = 1.0 / np.sqrt(IN_DIM)
    W_self = jax.random.uniform(k3, (IN_DIM, OUT_DIM), dtype=jnp.float32, minval=-lim, maxval=lim)
    b_self = jax.random.uniform(k4, (OUT_DIM,), dtype=jnp.float32, minval=-lim, maxval=lim)
    W_nei = jax.random.uniform(k5, (IN_DIM, OUT_DIM), dtype=jnp.float32, minval=-lim, maxval=lim)
    b_nei = jax.random.uniform(k6, (OUT_DIM,), dtype=jnp.float32, minval=-lim, maxval=lim)
    return {"x": x, "adj": adj, "W_self": W_self, "b_self": b_self, "W_nei": W_nei, "b_nei": b_nei}

def reference(x, adj, W_self, b_self, W_nei, b_nei):
    Bd, Nd, Fd = x.shape
    Kd = adj.shape[-1]
    # gather neighbor features per k, matching the torch loop semantics
    nei_list = []
    for k in range(Kd):
        idx = jnp.broadcast_to(adj[:, :, k][:, :, None], (Bd, Nd, Fd))
        nei_list.append(jnp.take_along_axis(x, idx, axis=1))
    nei = jnp.stack(nei_list, axis=2)  # [B, N, K, F]
    nei_feat = nei.mean(axis=2)  # [B, N, F]
    out = jax.nn.relu(x @ W_self + b_self + nei_feat @ W_nei + b_nei)
    return out

if __name__ == "__main__":
    import jax
    _d = setup_inputs()
    print(jax.jit(kernel)(*tuple(_d.values())))

</pallas_src>

<mosaic_0001>
#map = affine_map<(d0, d1) -> (0, 0)>
#map1 = affine_map<(d0, d1) -> (0)>
module attributes {stable_mosaic.version = 14 : i64} {
  func.func @_sc_body(%arg0: i32, %arg1: i32, %arg2: memref<10000x128xf32, #tpu.memory_space<hbm>>, %arg3: memref<320000xi32, #tpu.memory_space<hbm>>, %arg4: memref<10000x128xf32, #tpu.memory_space<hbm>>, %arg5: memref<10000x128xf32, #tpu.memory_space<vmem_shared>>, %arg6: memref<10240xi32, #tpu.memory_space<vmem>>, %arg7: memref<64x128xf32, #tpu.memory_space<vmem>>, %arg8: memref<64x128xf32, #tpu.memory_space<vmem>>, %arg9: memref<64x128xf32, #tpu.memory_space<vmem>>, %arg10: memref<64x128xf32, #tpu.memory_space<vmem>>, %arg11: memref<2x128xf32, #tpu.memory_space<vmem>>, %arg12: memref<2x128xf32, #tpu.memory_space<vmem>>, %arg13: memref<2x128xf32, #tpu.memory_space<vmem>>, %arg14: memref<2x128xf32, #tpu.memory_space<vmem>>, %arg15: memref<!tpu.dma_semaphore, #tpu.memory_space<semaphore_mem>>, %arg16: memref<!tpu.dma_semaphore, #tpu.memory_space<semaphore_mem>>, %arg17: memref<!tpu.dma_semaphore, #tpu.memory_space<semaphore_mem>>, %arg18: memref<!tpu.dma_semaphore, #tpu.memory_space<semaphore_mem>>, %arg19: memref<!tpu.dma_semaphore, #tpu.memory_space<semaphore_mem>>, %arg20: memref<!tpu.dma_semaphore, #tpu.memory_space<semaphore_mem>>, %arg21: memref<!tpu.dma_semaphore, #tpu.memory_space<semaphore_mem>>, %arg22: memref<!tpu.dma_semaphore, #tpu.memory_space<semaphore_mem>>) attributes {dimension_semantics = [#tpu.dimension_semantics<core_parallel>, #tpu.dimension_semantics<subcore_parallel>], iteration_bounds = array<i64: 2, 16>, scalar_prefetch = 0 : i64, scratch_operands = 18 : i64, tpu.core_type = #tpu.core_type<sc_vector_subcore>, window_params = [{transform_indices = #map}, {transform_indices = #map1}, {transform_indices = #map}]} {
    %mul3A = arith.constant 2 : i32
    %mul3A_0 = arith.muli %arg1, %mul3A : i32
    %add3A = arith.addi %mul3A_0, %arg0 : i32
    %mul3A_1 = arith.constant 320 : i32
    %mul3A_2 = arith.muli %add3A, %mul3A_1 : i32
    %eq3A = arith.constant 31 : i32
    %eq3A_3 = arith.cmpi eq, %add3A, %eq3A : i32
    %jit3A = arith.constant 10 : i32
    %jit3A_4 = arith.constant 40 : i32
    %select_n3A = arith.select %eq3A_3, %jit3A, %jit3A_4 : i32
    %lt3A = arith.constant 15 : i32
    %lt3A_5 = arith.cmpi slt, %arg1, %lt3A : i32
    %convert_element_type3A = arith.extui %lt3A_5 : i1 to i32
    %cond3A = arith.constant 0 : i32
    %cond3A_6 = arith.cmpi ne, %convert_element_type3A, %cond3A : i32
    scf.if %cond3A_6 {
      %mul3A_65 = arith.constant 640 : i32
      %mul3A_66 = arith.muli %arg1, %mul3A_65 : i32
      %mul3A_67 = arith.constant 640 : i32
      %mul3A_68 = arith.muli %arg1, %mul3A_67 : i32
      "tpu.region"() ({
        %run_scoped3A = tpu.sem_alloc : memref<!tpu.dma_semaphore, #tpu.memory_space<semaphore_mem>>
        %dma_start3A_69 = arith.constant 0 : i32
        %dma_start3A_70 = tpu.memref_slice %arg5[%mul3A_68, %dma_start3A_69] : memref<10000x128xf32, #tpu.memory_space<vmem_shared>> -> memref<640x128xf32, #tpu.memory_space<vmem_shared>>
        %dma_start3A_71 = arith.constant 0 : i32
        %dma_start3A_72 = tpu.memref_slice %arg2[%mul3A_66, %dma_start3A_71] : memref<10000x128xf32, #tpu.memory_space<hbm>> -> memref<640x128xf32, #tpu.memory_space<hbm>>
        tpu.enqueue_dma source(%dma_start3A_72 : memref<640x128xf32, #tpu.memory_space<hbm>>) target(%dma_start3A_70 : memref<640x128xf32, #tpu.memory_space<vmem_shared>>) target_semaphore(%run_scoped3A : memref<!tpu.dma_semaphore, #tpu.memory_space<semaphore_mem>>)
        %dma_wait3A_73 = arith.constant 0 : i32
        %dma_wait3A_74 = tpu.memref_slice %arg5[%mul3A_68, %dma_wait3A_73] : memref<10000x128xf32, #tpu.memory_space<vmem_shared>> -> memref<640x128xf32, #tpu.memory_space<vmem_shared>>
        %dma_wait3A_75 = arith.constant 0 : i32
        %dma_wait3A_76 = tpu.memref_slice %arg2[%mul3A_66, %dma_wait3A_75] : memref<10000x128xf32, #tpu.memory_space<hbm>> -> memref<640x128xf32, #tpu.memory_space<hbm>>
        tpu.wait_dma2 semaphore(%run_scoped3A : memref<!tpu.dma_semaphore, #tpu.memory_space<semaphore_mem>>) src(%dma_wait3A_76 : memref<640x128xf32, #tpu.memory_space<hbm>>) dst(%dma_wait3A_74 : memref<640x128xf32, #tpu.memory_space<vmem_shared>>)
        tpu.yield
      }) : () -> ()
    } else {
    }
    %eq3A_7 = arith.constant 15 : i32
    %eq3A_8 = arith.cmpi eq, %arg1, %eq3A_7 : i32
    %convert_element_type3A_9 = arith.extui %eq3A_8 : i1 to i32
    %cond3A_10 = arith.constant 0 : i32
    %cond3A_11 = arith.cmpi ne, %convert_element_type3A_9, %cond3A_10 : i32
    scf.if %cond3A_11 {
      "tpu.region"() ({
        %run_scoped3A = tpu.sem_alloc : memref<!tpu.dma_semaphore, #tpu.memory_space<semaphore_mem>>
        %dma_start3A_65 = arith.constant 9600 : i32
        %dma_start3A_66 = arith.constant 0 : i32
        %dma_start3A_67 = tpu.memref_slice %arg5[%dma_start3A_65, %dma_start3A_66] : memref<10000x128xf32, #tpu.memory_space<vmem_shared>> -> memref<400x128xf32, #tpu.memory_space<vmem_shared>>
        %dma_start3A_68 = arith.constant 9600 : i32
        %dma_start3A_69 = arith.constant 0 : i32
        %dma_start3A_70 = tpu.memref_slice %arg2[%dma_start3A_68, %dma_start3A_69] : memref<10000x128xf32, #tpu.memory_space<hbm>> -> memref<400x128xf32, #tpu.memory_space<hbm>>
        tpu.enqueue_dma source(%dma_start3A_70 : memref<400x128xf32, #tpu.memory_space<hbm>>) target(%dma_start3A_67 : memref<400x128xf32, #tpu.memory_space<vmem_shared>>) target_semaphore(%run_scoped3A : memref<!tpu.dma_semaphore, #tpu.memory_space<semaphore_mem>>)
        %dma_wait3A_71 = arith.constant 9600 : i32
        %dma_wait3A_72 = arith.constant 0 : i32
        %dma_wait3A_73 = tpu.memref_slice %arg5[%dma_wait3A_71, %dma_wait3A_72] : memref<10000x128xf32, #tpu.memory_space<vmem_shared>> -> memref<400x128xf32, #tpu.memory_space<vmem_shared>>
        %dma_wait3A_74 = arith.constant 9600 : i32
        %dma_wait3A_75 = arith.constant 0 : i32
        %dma_wait3A_76 = tpu.memref_slice %arg2[%dma_wait3A_74, %dma_wait3A_75] : memref<10000x128xf32, #tpu.memory_space<hbm>> -> memref<400x128xf32, #tpu.memory_space<hbm>>
        tpu.wait_dma2 semaphore(%run_scoped3A : memref<!tpu.dma_semaphore, #tpu.memory_space<semaphore_mem>>) src(%dma_wait3A_76 : memref<400x128xf32, #tpu.memory_space<hbm>>) dst(%dma_wait3A_73 : memref<400x128xf32, #tpu.memory_space<vmem_shared>>)
        tpu.yield
      }) : () -> ()
    } else {
    }
    %lt3A_12 = arith.constant 31 : i32
    %lt3A_13 = arith.cmpi slt, %add3A, %lt3A_12 : i32
    %convert_element_type3A_14 = arith.extui %lt3A_13 : i1 to i32
    %cond3A_15 = arith.constant 0 : i32
    %cond3A_16 = arith.cmpi ne, %convert_element_type3A_14, %cond3A_15 : i32
    scf.if %cond3A_16 {
      %mul3A_65 = arith.constant 10240 : i32
      %mul3A_66 = arith.muli %add3A, %mul3A_65 : i32
      "tpu.region"() ({
        %run_scoped3A = tpu.sem_alloc : memref<!tpu.dma_semaphore, #tpu.memory_space<semaphore_mem>>
        %dma_start3A_67 = tpu.memref_slice %arg3[%mul3A_66] : memref<320000xi32, #tpu.memory_space<hbm>> -> memref<10240xi32, #tpu.memory_space<hbm>>
        %dma_start3A_68 = tpu.memref_slice %arg3[%mul3A_66] : memref<320000xi32, #tpu.memory_space<hbm>> -> memref<10240xi32, #tpu.memory_space<hbm>>
        tpu.enqueue_dma source(%dma_start3A_68 : memref<10240xi32, #tpu.memory_space<hbm>>) target(%arg6 : memref<10240xi32, #tpu.memory_space<vmem>>) target_semaphore(%run_scoped3A : memref<!tpu.dma_semaphore, #tpu.memory_space<semaphore_mem>>)
        %dma_wait3A_69 = tpu.memref_slice %arg3[%mul3A_66] : memref<320000xi32, #tpu.memory_space<hbm>> -> memref<10240xi32, #tpu.memory_space<hbm>>
        %dma_wait3A_70 = tpu.memref_slice %arg3[%mul3A_66] : memref<320000xi32, #tpu.memory_space<hbm>> -> memref<10240xi32, #tpu.memory_space<hbm>>
        tpu.wait_dma2 semaphore(%run_scoped3A : memref<!tpu.dma_semaphore, #tpu.memory_space<semaphore_mem>>) src(%dma_wait3A_70 : memref<10240xi32, #tpu.memory_space<hbm>>) dst(%arg6 : memref<10240xi32, #tpu.memory_space<vmem>>)
        tpu.yield
      }) : () -> ()
    } else {
    }
    %eq3A_17 = arith.constant 31 : i32
    %eq3A_18 = arith.cmpi eq, %add3A, %eq3A_17 : i32
    %convert_element_type3A_19 = arith.extui %eq3A_18 : i1 to i32
    %cond3A_20 = arith.constant 0 : i32
    %cond3A_21 = arith.cmpi ne, %convert_element_type3A_19, %cond3A_20 : i32
    scf.if %cond3A_21 {
      "tpu.region"() ({
        %run_scoped3A = tpu.sem_alloc : memref<!tpu.dma_semaphore, #tpu.memory_space<semaphore_mem>>
        %dma_start3A_65 = arith.constant 0 : i32
        %dma_start3A_66 = tpu.memref_slice %arg6[%dma_start3A_65] : memref<10240xi32, #tpu.memory_space<vmem>> -> memref<2560xi32, #tpu.memory_space<vmem>>
        %dma_start3A_67 = arith.constant 317440 : i32
        %dma_start3A_68 = tpu.memref_slice %arg3[%dma_start3A_67] : memref<320000xi32, #tpu.memory_space<hbm>> -> memref<2560xi32, #tpu.memory_space<hbm>>
        %dma_start3A_69 = arith.constant 0 : i32
        %dma_start3A_70 = tpu.memref_slice %arg6[%dma_start3A_69] : memref<10240xi32, #tpu.memory_space<vmem>> -> memref<2560xi32, #tpu.memory_space<vmem>>
        %dma_start3A_71 = arith.constant 317440 : i32
        %dma_start3A_72 = tpu.memref_slice %arg3[%dma_start3A_71] : memref<320000xi32, #tpu.memory_space<hbm>> -> memref<2560xi32, #tpu.memory_space<hbm>>
        tpu.enqueue_dma source(%dma_start3A_72 : memref<2560xi32, #tpu.memory_space<hbm>>) target(%dma_start3A_70 : memref<2560xi32, #tpu.memory_space<vmem>>) target_semaphore(%run_scoped3A : memref<!tpu.dma_semaphore, #tpu.memory_space<semaphore_mem>>)
        %dma_wait3A_73 = arith.constant 0 : i32
        %dma_wait3A_74 = tpu.memref_slice %arg6[%dma_wait3A_73] : memref<10240xi32, #tpu.memory_space<vmem>> -> memref<2560xi32, #tpu.memory_space<vmem>>
        %dma_wait3A_75 = arith.constant 317440 : i32
        %dma_wait3A_76 = tpu.memref_slice %arg3[%dma_wait3A_75] : memref<320000xi32, #tpu.memory_space<hbm>> -> memref<2560xi32, #tpu.memory_space<hbm>>
        %dma_wait3A_77 = arith.constant 0 : i32
        %dma_wait3A_78 = tpu.memref_slice %arg6[%dma_wait3A_77] : memref<10240xi32, #tpu.memory_space<vmem>> -> memref<2560xi32, #tpu.memory_space<vmem>>
        %dma_wait3A_79 = arith.constant 317440 : i32
        %dma_wait3A_80 = tpu.memref_slice %arg3[%dma_wait3A_79] : memref<320000xi32, #tpu.memory_space<hbm>> -> memref<2560xi32, #tpu.memory_space<hbm>>
        tpu.wait_dma2 semaphore(%run_scoped3A : memref<!tpu.dma_semaphore, #tpu.memory_space<semaphore_mem>>) src(%dma_wait3A_80 : memref<2560xi32, #tpu.memory_space<hbm>>) dst(%dma_wait3A_78 : memref<2560xi32, #tpu.memory_space<vmem>>)
        tpu.yield
      }) : () -> ()
    } else {
    }
    %barrier3A = arith.constant 0 : index
    tpu.barrier barrier_id(%barrier3A)
    %dma_start3A = arith.constant 0 : i32
    %dma_start3A_22 = tpu.memref_slice %arg6[%dma_start3A] : memref<10240xi32, #tpu.memory_space<vmem>> -> memref<64xi32, #tpu.memory_space<vmem>>
    %dma_start3A_23 = arith.constant 0 : i32
    %dma_start3A_24 = arith.constant 0 : i32
    %dma_start3A_25 = tpu.memref_slice %arg5[%dma_start3A_23, %dma_start3A_24] : memref<10000x128xf32, #tpu.memory_space<vmem_shared>> -> memref<10000x128xf32, #tpu.memory_space<vmem_shared>>
    tpu.enqueue_indirect_dma source(%dma_start3A_25 : memref<10000x128xf32, #tpu.memory_space<vmem_shared>>) target(%arg7 : memref<64x128xf32, #tpu.memory_space<vmem>>) offsets(%dma_start3A_22 : memref<64xi32, #tpu.memory_space<vmem>>) semaphore(%arg15 : memref<!tpu.dma_semaphore, #tpu.memory_space<semaphore_mem>>)
    %dma_start3A_26 = arith.constant 64 : i32
    %dma_start3A_27 = tpu.memref_slice %arg6[%dma_start3A_26] : memref<10240xi32, #tpu.memory_space<vmem>> -> memref<64xi32, #tpu.memory_space<vmem>>
    %dma_start3A_28 = arith.constant 0 : i32
    %dma_start3A_29 = arith.constant 0 : i32
    %dma_start3A_30 = tpu.memref_slice %arg5[%dma_start3A_28, %dma_start3A_29] : memref<10000x128xf32, #tpu.memory_space<vmem_shared>> -> memref<10000x128xf32, #tpu.memory_space<vmem_shared>>
    tpu.enqueue_indirect_dma source(%dma_start3A_30 : memref<10000x128xf32, #tpu.memory_space<vmem_shared>>) target(%arg8 : memref<64x128xf32, #tpu.memory_space<vmem>>) offsets(%dma_start3A_27 : memref<64xi32, #tpu.memory_space<vmem>>) semaphore(%arg16 : memref<!tpu.dma_semaphore, #tpu.memory_space<semaphore_mem>>)
    %dma_start3A_31 = arith.constant 128 : i32
    %dma_start3A_32 = tpu.memref_slice %arg6[%dma_start3A_31] : memref<10240xi32, #tpu.memory_space<vmem>> -> memref<64xi32, #tpu.memory_space<vmem>>
    %dma_start3A_33 = arith.constant 0 : i32
    %dma_start3A_34 = arith.constant 0 : i32
    %dma_start3A_35 = tpu.memref_slice %arg5[%dma_start3A_33, %dma_start3A_34] : memref<10000x128xf32, #tpu.memory_space<vmem_shared>> -> memref<10000x128xf32, #tpu.memory_space<vmem_shared>>
    tpu.enqueue_indirect_dma source(%dma_start3A_35 : memref<10000x128xf32, #tpu.memory_space<vmem_shared>>) target(%arg9 : memref<64x128xf32, #tpu.memory_space<vmem>>) offsets(%dma_start3A_32 : memref<64xi32, #tpu.memory_space<vmem>>) semaphore(%arg17 : memref<!tpu.dma_semaphore, #tpu.memory_space<semaphore_mem>>)
    %dma_start3A_36 = arith.constant 192 : i32
    %dma_start3A_37 = tpu.memref_slice %arg6[%dma_start3A_36] : memref<10240xi32, #tpu.memory_space<vmem>> -> memref<64xi32, #tpu.memory_space<vmem>>
    %dma_start3A_38 = arith.constant 0 : i32
    %dma_start3A_39 = arith.constant 0 : i32
    %dma_start3A_40 = tpu.memref_slice %arg5[%dma_start3A_38, %dma_start3A_39] : memref<10000x128xf32, #tpu.memory_space<vmem_shared>> -> memref<10000x128xf32, #tpu.memory_space<vmem_shared>>
    tpu.enqueue_indirect_dma source(%dma_start3A_40 : memref<10000x128xf32, #tpu.memory_space<vmem_shared>>) target(%arg10 : memref<64x128xf32, #tpu.memory_space<vmem>>) offsets(%dma_start3A_37 : memref<64xi32, #tpu.memory_space<vmem>>) semaphore(%arg18 : memref<!tpu.dma_semaphore, #tpu.memory_space<semaphore_mem>>)
    %while3A = arith.constant 0 : i32
    %while3A_41 = arith.constant 0 : i32
    %while3A_42 = arith.subi %select_n3A, %while3A_41 : i32
    %while3A_43 = arith.addi %while3A_41, %while3A_42 : i32
    %while3A_44 = arith.constant 1 : i32
    %while3A_45 = arith.divsi %while3A_42, %while3A_44 : i32
    %while3A_46 = arith.muli %while3A_45, %while3A_44 : i32
    %while3A_47 = arith.addi %while3A_41, %while3A_46 : i32
    %while3A_48 = arith.constant 1 : i32
    scf.for %while3A_65 = %while3A_41 to %while3A_47 step %while3A_48  : i32 {
      %mul3A_66 = arith.constant 4 : i32
      %mul3A_67 = arith.muli %while3A_65, %mul3A_66 : i32
      %add3A_68 = arith.constant 0 : i32
      %add3A_69 = arith.addi %mul3A_67, %add3A_68 : i32
      %dma_wait3A_70 = arith.constant 0 : i32
      %dma_wait3A_71 = arith.constant 0 : i32
      %dma_wait3A_72 = tpu.memref_slice %arg2[%dma_wait3A_70, %dma_wait3A_71] : memref<10000x128xf32, #tpu.memory_space<hbm>> -> memref<64x128xf32, #tpu.memory_space<hbm>>
      %dma_wait3A_73 = arith.constant 0 : i32
      %dma_wait3A_74 = arith.constant 0 : i32
      %dma_wait3A_75 = tpu.memref_slice %arg2[%dma_wait3A_73, %dma_wait3A_74] : memref<10000x128xf32, #tpu.memory_space<hbm>> -> memref<64x128xf32, #tpu.memory_space<hbm>>
      tpu.wait_dma2 semaphore(%arg15 : memref<!tpu.dma_semaphore, #tpu.memory_space<semaphore_mem>>) src(%dma_wait3A_75 : memref<64x128xf32, #tpu.memory_space<hbm>>) dst(%arg7 : memref<64x128xf32, #tpu.memory_space<vmem>>)
      %gt3A = arith.constant 0 : i32
      %gt3A_76 = arith.cmpi sgt, %while3A_65, %gt3A : i32
      %convert_element_type3A_77 = arith.extui %gt3A_76 : i1 to i32
      %cond3A_78 = arith.constant 0 : i32
      %cond3A_79 = arith.cmpi ne, %convert_element_type3A_77, %cond3A_78 : i32
      scf.if %cond3A_79 {
        %dma_wait3A_733 = arith.constant 0 : i32
        %dma_wait3A_734 = tpu.memref_slice %arg4[%mul3A_2, %dma_wait3A_733] : memref<10000x128xf32, #tpu.memory_space<hbm>> -> memref<2x128xf32, #tpu.memory_space<hbm>>
        %dma_wait3A_735 = arith.constant 0 : i32
        %dma_wait3A_736 = tpu.memref_slice %arg4[%mul3A_2, %dma_wait3A_735] : memref<10000x128xf32, #tpu.memory_space<hbm>> -> memref<2x128xf32, #tpu.memory_space<hbm>>
        tpu.wait_dma2 semaphore(%arg19 : memref<!tpu.dma_semaphore, #tpu.memory_space<semaphore_mem>>) src(%arg11 : memref<2x128xf32, #tpu.memory_space<vmem>>) dst(%dma_wait3A_736 : memref<2x128xf32, #tpu.memory_space<hbm>>)
      } else {
      }
      %broadcast_in_dim3A = arith.constant 0.000000e+00 : f32
      %broadcast_in_dim3A_80 = vector.broadcast %broadcast_in_dim3A : f32 to vector<16xf32>
      %broadcast_in_dim3A_81 = arith.constant 0.000000e+00 : f32
      %broadcast_in_dim3A_82 = vector.broadcast %broadcast_in_dim3A_81 : f32 to vector<16xf32>
      %broadcast_in_dim3A_83 = arith.constant 0.000000e+00 : f32
      %broadcast_in_dim3A_84 = vector.broadcast %broadcast_in_dim3A_83 : f32 to vector<16xf32>
      %broadcast_in_dim3A_85 = arith.constant 0.000000e+00 : f32
      %broadcast_in_dim3A_86 = vector.broadcast %broadcast_in_dim3A_85 : f32 to vector<16xf32>
      %broadcast_in_dim3A_87 = arith.constant 0.000000e+00 : f32
      %broadcast_in_dim3A_88 = vector.broadcast %broadcast_in_dim3A_87 : f32 to vector<16xf32>
      %broadcast_in_dim3A_89 = arith.constant 0.000000e+00 : f32
      %broadcast_in_dim3A_90 = vector.broadcast %broadcast_in_dim3A_89 : f32 to vector<16xf32>
      %broadcast_in_dim3A_91 = arith.constant 0.000000e+00 : f32
      %broadcast_in_dim3A_92 = vector.broadcast %broadcast_in_dim3A_91 : f32 to vector<16xf32>
      %broadcast_in_dim3A_93 = arith.constant 0.000000e+00 : f32
      %broadcast_in_dim3A_94 = vector.broadcast %broadcast_in_dim3A_93 : f32 to vector<16xf32>
      %scan3A = arith.constant 0 : i32
      %scan3A_95 = arith.constant 8 : i32
      %scan3A_96 = arith.addi %scan3A, %scan3A_95 : i32
      %scan3A_97 = arith.constant 1 : i32
      %scan3A_98:8 = scf.for %scan3A_733 = %scan3A to %scan3A_96 step %scan3A_97 iter_args(%scan3A_734 = %broadcast_in_dim3A_80, %scan3A_735 = %broadcast_in_dim3A_82, %scan3A_736 = %broadcast_in_dim3A_84, %scan3A_737 = %broadcast_in_dim3A_86, %scan3A_738 = %broadcast_in_dim3A_88, %scan3A_739 = %broadcast_in_dim3A_90, %scan3A_740 = %broadcast_in_dim3A_92, %scan3A_741 = %broadcast_in_dim3A_94) -> (vector<16xf32>, vector<16xf32>, vector<16xf32>, vector<16xf32>, vector<16xf32>, vector<16xf32>, vector<16xf32>, vector<16xf32>)  : i32 {
        %mul3A_742 = arith.constant 4 : i32
        %mul3A_743 = arith.muli %scan3A_733, %mul3A_742 : i32
        %add3A_744 = arith.constant 0 : i32
        %add3A_745 = arith.addi %add3A_744, %mul3A_743 : i32
        %add3A_746 = arith.constant 0 : i32
        %add3A_747 = arith.addi %add3A_745, %add3A_746 : i32
        %get3A = arith.index_cast %add3A_747 : i32 to index
        %get3A_748 = arith.constant 0 : index
        %get3A_749 = tpu.vector_load %arg7[%get3A, %get3A_748] {strides = array<i32>} : memref<64x128xf32, #tpu.memory_space<vmem>>, vector<1x16xf32>,
        %get3A_750 = vector.shape_cast %get3A_749 : vector<1x16xf32> to vector<16xf32>
        %add3A_751 = arith.addf %scan3A_734, %get3A_750 : vector<16xf32>
        %get3A_752 = arith.index_cast %add3A_747 : i32 to index
        %get3A_753 = arith.constant 16 : index
        %get3A_754 = tpu.vector_load %arg7[%get3A_752, %get3A_753] {strides = array<i32>} : memref<64x128xf32, #tpu.memory_space<vmem>>, vector<1x16xf32>,
        %get3A_755 = vector.shape_cast %get3A_754 : vector<1x16xf32> to vector<16xf32>
        %add3A_756 = arith.addf %scan3A_735, %get3A_755 : vector<16xf32>
        %get3A_757 = arith.index_cast %add3A_747 : i32 to index
        %get3A_758 = arith.constant 32 : index
        %get3A_759 = tpu.vector_load %arg7[%get3A_757, %get3A_758] {strides = array<i32>} : memref<64x128xf32, #tpu.memory_space<vmem>>, vector<1x16xf32>,
        %get3A_760 = vector.shape_cast %get3A_759 : vector<1x16xf32> to vector<16xf32>
        %add3A_761 = arith.addf %scan3A_736, %get3A_760 : vector<16xf32>
        %get3A_762 = arith.index_cast %add3A_747 : i32 to index
        %get3A_763 = arith.constant 48 : index
        %get3A_764 = tpu.vector_load %arg7[%get3A_762, %get3A_763] {strides = array<i32>} : memref<64x128xf32, #tpu.memory_space<vmem>>, vector<1x16xf32>,
        %get3A_765 = vector.shape_cast %get3A_764 : vector<1x16xf32> to vector<16xf32>
        %add3A_766 = arith.addf %scan3A_737, %get3A_765 : vector<16xf32>
        %get3A_767 = arith.index_cast %add3A_747 : i32 to index
        %get3A_768 = arith.constant 64 : index
        %get3A_769 = tpu.vector_load %arg7[%get3A_767, %get3A_768] {strides = array<i32>} : memref<64x128xf32, #tpu.memory_space<vmem>>, vector<1x16xf32>,
        %get3A_770 = vector.shape_cast %get3A_769 : vector<1x16xf32> to vector<16xf32>
        %add3A_771 = arith.addf %scan3A_738, %get3A_770 : vector<16xf32>
        %get3A_772 = arith.index_cast %add3A_747 : i32 to index
        %get3A_773 = arith.constant 80 : index
        %get3A_774 = tpu.vector_load %arg7[%get3A_772, %get3A_773] {strides = array<i32>} : memref<64x128xf32, #tpu.memory_space<vmem>>, vector<1x16xf32>,
        %get3A_775 = vector.shape_cast %get3A_774 : vector<1x16xf32> to vector<16xf32>
        %add3A_776 = arith.addf %scan3A_739, %get3A_775 : vector<16xf32>
        %get3A_777 = arith.index_cast %add3A_747 : i32 to index
        %get3A_778 = arith.constant 96 : index
        %get3A_779 = tpu.vector_load %arg7[%get3A_777, %get3A_778] {strides = array<i32>} : memref<64x128xf32, #tpu.memory_space<vmem>>, vector<1x16xf32>,
        %get3A_780 = vector.shape_cast %get3A_779 : vector<1x16xf32> to vector<16xf32>
        %add3A_781 = arith.addf %scan3A_740, %get3A_780 : vector<16xf32>
        %get3A_782 = arith.index_cast %add3A_747 : i32 to index
        %get3A_783 = arith.constant 112 : index
        %get3A_784 = tpu.vector_load %arg7[%get3A_782, %get3A_783] {strides = array<i32>} : memref<64x128xf32, #tpu.memory_space<vmem>>, vector<1x16xf32>,
        %get3A_785 = vector.shape_cast %get3A_784 : vector<1x16xf32> to vector<16xf32>
        %add3A_786 = arith.addf %scan3A_741, %get3A_785 : vector<16xf32>
        %mul3A_787 = arith.constant 4 : i32
        %mul3A_788 = arith.muli %scan3A_733, %mul3A_787 : i32
        %add3A_789 = arith.constant 0 : i32
        %add3A_790 = arith.addi %add3A_789, %mul3A_788 : i32
        %add3A_791 = arith.constant 1 : i32
        %add3A_792 = arith.addi %add3A_790, %add3A_791 : i32
        %get3A_793 = arith.index_cast %add3A_792 : i32 to index
        %get3A_794 = arith.constant 0 : index
        %get3A_795 = tpu.vector_load %arg7[%get3A_793, %get3A_794] {strides = array<i32>} : memref<64x128xf32, #tpu.memory_space<vmem>>, vector<1x16xf32>,
        %get3A_796 = vector.shape_cast %get3A_795 : vector<1x16xf32> to vector<16xf32>
        %add3A_797 = arith.addf %add3A_751, %get3A_796 : vector<16xf32>
        %get3A_798 = arith.index_cast %add3A_792 : i32 to index
        %get3A_799 = arith.constant 16 : index
        %get3A_800 = tpu.vector_load %arg7[%get3A_798, %get3A_799] {strides = array<i32>} : memref<64x128xf32, #tpu.memory_space<vmem>>, vector<1x16xf32>,
        %get3A_801 = vector.shape_cast %get3A_800 : vector<1x16xf32> to vector<16xf32>
        %add3A_802 = arith.addf %add3A_756, %get3A_801 : vector<16xf32>
        %get3A_803 = arith.index_cast %add3A_792 : i32 to index
        %get3A_804 = arith.constant 32 : index
        %get3A_805 = tpu.vector_load %arg7[%get3A_803, %get3A_804] {strides = array<i32>} : memref<64x128xf32, #tpu.memory_space<vmem>>, vector<1x16xf32>,
        %get3A_806 = vector.shape_cast %get3A_805 : vector<1x16xf32> to vector<16xf32>
        %add3A_807 = arith.addf %add3A_761, %get3A_806 : vector<16xf32>
        %get3A_808 = arith.index_cast %add3A_792 : i32 to index
        %get3A_809 = arith.constant 48 : index
        %get3A_810 = tpu.vector_load %arg7[%get3A_808, %get3A_809] {strides = array<i32>} : memref<64x128xf32, #tpu.memory_space<vmem>>, vector<1x16xf32>,
        %get3A_811 = vector.shape_cast %get3A_810 : vector<1x16xf32> to vector<16xf32>
        %add3A_812 = arith.addf %add3A_766, %get3A_811 : vector<16xf32>
        %get3A_813 = arith.index_cast %add3A_792 : i32 to index
        %get3A_814 = arith.constant 64 : index
        %get3A_815 = tpu.vector_load %arg7[%get3A_813, %get3A_814] {strides = array<i32>} : memref<64x128xf32, #tpu.memory_space<vmem>>, vector<1x16xf32>,
        %get3A_816 = vector.shape_cast %get3A_815 : vector<1x16xf32> to vector<16xf32>
        %add3A_817 = arith.addf %add3A_771, %get3A_816 : vector<16xf32>
        %get3A_818 = arith.index_cast %add3A_792 : i32 to index
        %get3A_819 = arith.constant 80 : index
        %get3A_820 = tpu.vector_load %arg7[%get3A_818, %get3A_819] {strides = array<i32>} : memref<64x128xf32, #tpu.memory_space<vmem>>, vector<1x16xf32>,
        %get3A_821 = vector.shape_cast %get3A_820 : vector<1x16xf32> to vector<16xf32>
        %add3A_822 = arith.addf %add3A_776, %get3A_821 : vector<16xf32>
        %get3A_823 = arith.index_cast %add3A_792 : i32 to index
        %get3A_824 = arith.constant 96 : index
        %get3A_825 = tpu.vector_load %arg7[%get3A_823, %get3A_824] {strides = array<i32>} : memref<64x128xf32, #tpu.memory_space<vmem>>, vector<1x16xf32>,
        %get3A_826 = vector.shape_cast %get3A_825 : vector<1x16xf32> to vector<16xf32>
        %add3A_827 = arith.addf %add3A_781, %get3A_826 : vector<16xf32>
        %get3A_828 = arith.index_cast %add3A_792 : i32 to index
        %get3A_829 = arith.constant 112 : index
        %get3A_830 = tpu.vector_load %arg7[%get3A_828, %get3A_829] {strides = array<i32>} : memref<64x128xf32, #tpu.memory_space<vmem>>, vector<1x16xf32>,
        %get3A_831 = vector.shape_cast %get3A_830 : vector<1x16xf32> to vector<16xf32>
        %add3A_832 = arith.addf %add3A_786, %get3A_831 : vector<16xf32>
        %mul3A_833 = arith.constant 4 : i32
        %mul3A_834 = arith.muli %scan3A_733, %mul3A_833 : i32
        %add3A_835 = arith.constant 0 : i32
        %add3A_836 = arith.addi %add3A_835, %mul3A_834 : i32
        %add3A_837 = arith.constant 2 : i32
        %add3A_838 = arith.addi %add3A_836, %add3A_837 : i32
        %get3A_839 = arith.index_cast %add3A_838 : i32 to index
        %get3A_840 = arith.constant 0 : index
        %get3A_841 = tpu.vector_load %arg7[%get3A_839, %get3A_840] {strides = array<i32>} : memref<64x128xf32, #tpu.memory_space<vmem>>, vector<1x16xf32>,
        %get3A_842 = vector.shape_cast %get3A_841 : vector<1x16xf32> to vector<16xf32>
        %add3A_843 = arith.addf %add3A_797, %get3A_842 : vector<16xf32>
        %get3A_844 = arith.index_cast %add3A_838 : i32 to index
        %get3A_845 = arith.constant 16 : index
        %get3A_846 = tpu.vector_load %arg7[%get3A_844, %get3A_845] {strides = array<i32>} : memref<64x128xf32, #tpu.memory_space<vmem>>, vector<1x16xf32>,
        %get3A_847 = vector.shape_cast %get3A_846 : vector<1x16xf32> to vector<16xf32>
        %add3A_848 = arith.addf %add3A_802, %get3A_847 : vector<16xf32>
        %get3A_849 = arith.index_cast %add3A_838 : i32 to index
        %get3A_850 = arith.constant 32 : index
        %get3A_851 = tpu.vector_load %arg7[%get3A_849, %get3A_850] {strides = array<i32>} : memref<64x128xf32, #tpu.memory_space<vmem>>, vector<1x16xf32>,
        %get3A_852 = vector.shape_cast %get3A_851 : vector<1x16xf32> to vector<16xf32>
        %add3A_853 = arith.addf %add3A_807, %get3A_852 : vector<16xf32>
        %get3A_854 = arith.index_cast %add3A_838 : i32 to index
        %get3A_855 = arith.constant 48 : index
        %get3A_856 = tpu.vector_load %arg7[%get3A_854, %get3A_855] {strides = array<i32>} : memref<64x128xf32, #tpu.memory_space<vmem>>, vector<1x16xf32>,
        %get3A_857 = vector.shape_cast %get3A_856 : vector<1x16xf32> to vector<16xf32>
        %add3A_858 = arith.addf %add3A_812, %get3A_857 : vector<16xf32>
        %get3A_859 = arith.index_cast %add3A_838 : i32 to index
        %get3A_860 = arith.constant 64 : index
        %get3A_861 = tpu.vector_load %arg7[%get3A_859, %get3A_860] {strides = array<i32>} : memref<64x128xf32, #tpu.memory_space<vmem>>, vector<1x16xf32>,
        %get3A_862 = vector.shape_cast %get3A_861 : vector<1x16xf32> to vector<16xf32>
        %add3A_863 = arith.addf %add3A_817, %get3A_862 : vector<16xf32>
        %get3A_864 = arith.index_cast %add3A_838 : i32 to index
        %get3A_865 = arith.constant 80 : index
        %get3A_866 = tpu.vector_load %arg7[%get3A_864, %get3A_865] {strides = array<i32>} : memref<64x128xf32, #tpu.memory_space<vmem>>, vector<1x16xf32>,
        %get3A_867 = vector.shape_cast %get3A_866 : vector<1x16xf32> to vector<16xf32>
        %add3A_868 = arith.addf %add3A_822, %get3A_867 : vector<16xf32>
        %get3A_869 = arith.index_cast %add3A_838 : i32 to index
        %get3A_870 = arith.constant 96 : index
        %get3A_871 = tpu.vector_load %arg7[%get3A_869, %get3A_870] {strides = array<i32>} : memref<64x128xf32, #tpu.memory_space<vmem>>, vector<1x16xf32>,
        %get3A_872 = vector.shape_cast %get3A_871 : vector<1x16xf32> to vector<16xf32>
        %add3A_873 = arith.addf %add3A_827, %get3A_872 : vector<16xf32>
        %get3A_874 = arith.index_cast %add3A_838 : i32 to index
        %get3A_875 = arith.constant 112 : index
        %get3A_876 = tpu.vector_load %arg7[%get3A_874, %get3A_875] {strides = array<i32>} : memref<64x128xf32, #tpu.memory_space<vmem>>, vector<1x16xf32>,
        %get3A_877 = vector.shape_cast %get3A_876 : vector<1x16xf32> to vector<16xf32>
        %add3A_878 = arith.addf %add3A_832, %get3A_877 : vector<16xf32>
        %mul3A_879 = arith.constant 4 : i32
        %mul3A_880 = arith.muli %scan3A_733, %mul3A_879 : i32
        %add3A_881 = arith.constant 0 : i32
        %add3A_882 = arith.addi %add3A_881, %mul3A_880 : i32
        %add3A_883 = arith.constant 3 : i32
        %add3A_884 = arith.addi %add3A_882, %add3A_883 : i32
        %get3A_885 = arith.index_cast %add3A_884 : i32 to index
        %get3A_886 = arith.constant 0 : index
        %get3A_887 = tpu.vector_load %arg7[%get3A_885, %get3A_886] {strides = array<i32>} : memref<64x128xf32, #tpu.memory_space<vmem>>, vector<1x16xf32>,
        %get3A_888 = vector.shape_cast %get3A_887 : vector<1x16xf32> to vector<16xf32>
        %add3A_889 = arith.addf %add3A_843, %get3A_888 : vector<16xf32>
        %get3A_890 = arith.index_cast %add3A_884 : i32 to index
        %get3A_891 = arith.constant 16 : index
        %get3A_892 = tpu.vector_load %arg7[%get3A_890, %get3A_891] {strides = array<i32>} : memref<64x128xf32, #tpu.memory_space<vmem>>, vector<1x16xf32>,
        %get3A_893 = vector.shape_cast %get3A_892 : vector<1x16xf32> to vector<16xf32>
        %add3A_894 = arith.addf %add3A_848, %get3A_893 : vector<16xf32>
        %get3A_895 = arith.index_cast %add3A_884 : i32 to index
        %get3A_896 = arith.constant 32 : index
        %get3A_897 = tpu.vector_load %arg7[%get3A_895, %get3A_896] {strides = array<i32>} : memref<64x128xf32, #tpu.memory_space<vmem>>, vector<1x16xf32>,
        %get3A_898 = vector.shape_cast %get3A_897 : vector<1x16xf32> to vector<16xf32>
        %add3A_899 = arith.addf %add3A_853, %get3A_898 : vector<16xf32>
        %get3A_900 = arith.index_cast %add3A_884 : i32 to index
        %get3A_901 = arith.constant 48 : index
        %get3A_902 = tpu.vector_load %arg7[%get3A_900, %get3A_901] {strides = array<i32>} : memref<64x128xf32, #tpu.memory_space<vmem>>, vector<1x16xf32>,
        %get3A_903 = vector.shape_cast %get3A_902 : vector<1x16xf32> to vector<16xf32>
        %add3A_904 = arith.addf %add3A_858, %get3A_903 : vector<16xf32>
        %get3A_905 = arith.index_cast %add3A_884 : i32 to index
        %get3A_906 = arith.constant 64 : index
        %get3A_907 = tpu.vector_load %arg7[%get3A_905, %get3A_906] {strides = array<i32>} : memref<64x128xf32, #tpu.memory_space<vmem>>, vector<1x16xf32>,
        %get3A_908 = vector.shape_cast %get3A_907 : vector<1x16xf32> to vector<16xf32>
        %add3A_909 = arith.addf %add3A_863, %get3A_908 : vector<16xf32>
        %get3A_910 = arith.index_cast %add3A_884 : i32 to index
        %get3A_911 = arith.constant 80 : index
        %get3A_912 = tpu.vector_load %arg7[%get3A_910, %get3A_911] {strides = array<i32>} : memref<64x128xf32, #tpu.memory_space<vmem>>, vector<1x16xf32>,
        %get3A_913 = vector.shape_cast %get3A_912 : vector<1x16xf32> to vector<16xf32>
        %add3A_914 = arith.addf %add3A_868, %get3A_913 : vector<16xf32>
        %get3A_915 = arith.index_cast %add3A_884 : i32 to index
        %get3A_916 = arith.constant 96 : index
        %get3A_917 = tpu.vector_load %arg7[%get3A_915, %get3A_916] {strides = array<i32>} : memref<64x128xf32, #tpu.memory_space<vmem>>, vector<1x16xf32>,
        %get3A_918 = vector.shape_cast %get3A_917 : vector<1x16xf32> to vector<16xf32>
        %add3A_919 = arith.addf %add3A_873, %get3A_918 : vector<16xf32>
        %get3A_920 = arith.index_cast %add3A_884 : i32 to index
        %get3A_921 = arith.constant 112 : index
        %get3A_922 = tpu.vector_load %arg7[%get3A_920, %get3A_921] {strides = array<i32>} : memref<64x128xf32, #tpu.memory_space<vmem>>, vector<1x16xf32>,
        %get3A_923 = vector.shape_cast %get3A_922 : vector<1x16xf32> to vector<16xf32>
        %add3A_924 = arith.addf %add3A_878, %get3A_923 : vector<16xf32>
        scf.yield %add3A_889, %add3A_894, %add3A_899, %add3A_904, %add3A_909, %add3A_914, %add3A_919, %add3A_924 : vector<16xf32>, vector<16xf32>, vector<16xf32>, vector<16xf32>, vector<16xf32>, vector<16xf32>, vector<16xf32>, vector<16xf32>
      }
      %scan3A_99 = arith.constant 8 : i32
      %swap3A = arith.constant 0 : i32
      %swap3A_100 = arith.index_cast %swap3A : i32 to index
      %swap3A_101 = arith.constant 0 : index
      %swap3A_102 = tpu.vector_load %arg11[%swap3A_100, %swap3A_101] {strides = array<i32>} : memref<2x128xf32, #tpu.memory_space<vmem>>, vector<1x16xf32>,
      %swap3A_103 = vector.shape_cast %swap3A_102 : vector<1x16xf32> to vector<16xf32>
      %swap3A_104 = vector.shape_cast %scan3A_98#0 : vector<16xf32> to vector<1x16xf32>
      tpu.vector_store %arg11[%swap3A_100, %swap3A_101], %swap3A_104 {strides = array<i32>} : memref<2x128xf32, #tpu.memory_space<vmem>>, vector<1x16xf32>,
      %swap3A_105 = arith.constant 0 : i32
      %swap3A_106 = arith.index_cast %swap3A_105 : i32 to index
      %swap3A_107 = arith.constant 16 : index
      %swap3A_108 = tpu.vector_load %arg11[%swap3A_106, %swap3A_107] {strides = array<i32>} : memref<2x128xf32, #tpu.memory_space<vmem>>, vector<1x16xf32>,
      %swap3A_109 = vector.shape_cast %swap3A_108 : vector<1x16xf32> to vector<16xf32>
      %swap3A_110 = vector.shape_cast %scan3A_98#1 : vector<16xf32> to vector<1x16xf32>
      tpu.vector_store %arg11[%swap3A_106, %swap3A_107], %swap3A_110 {strides = array<i32>} : memref<2x128xf32, #tpu.memory_space<vmem>>, vector<1x16xf32>,
      %swap3A_111 = arith.constant 0 : i32
      %swap3A_112 = arith.index_cast %swap3A_111 : i32 to index
      %swap3A_113 = arith.constant 32 : index
      %swap3A_114 = tpu.vector_load %arg11[%swap3A_112, %swap3A_113] {strides = array<i32>} : memref<2x128xf32, #tpu.memory_space<vmem>>, vector<1x16xf32>,
      %swap3A_115 = vector.shape_cast %swap3A_114 : vector<1x16xf32> to vector<16xf32>
      %swap3A_116 = vector.shape_cast %scan3A_98#2 : vector<16xf32> to vector<1x16xf32>
      tpu.vector_store %arg11[%swap3A_112, %swap3A_113], %swap3A_116 {strides = array<i32>} : memref<2x128xf32, #tpu.memory_space<vmem>>, vector<1x16xf32>,
      %swap3A_117 = arith.constant 0 : i32
      %swap3A_118 = arith.index_cast %swap3A_117 : i32 to index
      %swap3A_119 = arith.constant 48 : index
      %swap3A_120 = tpu.vector_load %arg11[%swap3A_118, %swap3A_119] {strides = array<i32>} : memref<2x128xf32, #tpu.memory_space<vmem>>, vector<1x16xf32>,
      %swap3A_121 = vector.shape_cast %swap3A_120 : vector<1x16xf32> to vector<16xf32>
      %swap3A_122 = vector.shape_cast %scan3A_98#3 : vector<16xf32> to vector<1x16xf32>
      tpu.vector_store %arg11[%swap3A_118, %swap3A_119], %swap3A_122 {strides = array<i32>} : memref<2x128xf32, #tpu.memory_space<vmem>>, vector<1x16xf32>,
      %swap3A_123 = arith.constant 0 : i32
      %swap3A_124 = arith.index_cast %swap3A_123 : i32 to index
      %swap3A_125 = arith.constant 64 : index
      %swap3A_126 = tpu.vector_load %arg11[%swap3A_124, %swap3A_125] {strides = array<i32>} : memref<2x128xf32, #tpu.memory_space<vmem>>, vector<1x16xf32>,
      %swap3A_127 = vector.shape_cast %swap3A_126 : vector<1x16xf32> to vector<16xf32>
      %swap3A_128 = vector.shape_cast %scan3A_98#4 : vector<16xf32> to vector<1x16xf32>
      tpu.vector_store %arg11[%swap3A_124, %swap3A_125], %swap3A_128 {strides = array<i32>} : memref<2x128xf32, #tpu.memory_space<vmem>>, vector<1x16xf32>,
      %swap3A_129 = arith.constant 0 : i32
      %swap3A_130 = arith.index_cast %swap3A_129 : i32 to index
      %swap3A_131 = arith.constant 80 : index
      %swap3A_132 = tpu.vector_load %arg11[%swap3A_130, %swap3A_131] {strides = array<i32>} : memref<2x128xf32, #tpu.memory_space<vmem>>, vector<1x16xf32>,
      %swap3A_133 = vector.shape_cast %swap3A_132 : vector<1x16xf32> to vector<16xf32>
      %swap3A_134 = vector.shape_cast %scan3A_98#5 : vector<16xf32> to vector<1x16xf32>
      tpu.vector_store %arg11[%swap3A_130, %swap3A_131], %swap3A_134 {strides = array<i32>} : memref<2x128xf32, #tpu.memory_space<vmem>>, vector<1x16xf32>,
      %swap3A_135 = arith.constant 0 : i32
      %swap3A_136 = arith.index_cast %swap3A_135 : i32 to index
      %swap3A_137 = arith.constant 96 : index
      %swap3A_138 = tpu.vector_load %arg11[%swap3A_136, %swap3A_137] {strides = array<i32>} : memref<2x128xf32, #tpu.memory_space<vmem>>, vector<1x16xf32>,
      %swap3A_139 = vector.shape_cast %swap3A_138 : vector<1x16xf32> to vector<16xf32>
      %swap3A_140 = vector.shape_cast %scan3A_98#6 : vector<16xf32> to vector<1x16xf32>
      tpu.vector_store %arg11[%swap3A_136, %swap3A_137], %swap3A_140 {strides = array<i32>} : memref<2x128xf32, #tpu.memory_space<vmem>>, vector<1x16xf32>,
      %swap3A_141 = arith.constant 0 : i32
      %swap3A_142 = arith.index_cast %swap3A_141 : i32 to index
      %swap3A_143 = arith.constant 112 : index
      %swap3A_144 = tpu.vector_load %arg11[%swap3A_142, %swap3A_143] {strides = array<i32>} : memref<2x128xf32, #tpu.memory_space<vmem>>, vector<1x16xf32>,
      %swap3A_145 = vector.shape_cast %swap3A_144 : vector<1x16xf32> to vector<16xf32>
      %swap3A_146 = vector.shape_cast %scan3A_98#7 : vector<16xf32> to vector<1x16xf32>
      tpu.vector_store %arg11[%swap3A_142, %swap3A_143], %swap3A_146 {strides = array<i32>} : memref<2x128xf32, #tpu.memory_space<vmem>>, vector<1x16xf32>,
      %broadcast_in_dim3A_147 = arith.constant 0.000000e+00 : f32
      %broadcast_in_dim3A_148 = vector.broadcast %broadcast_in_dim3A_147 : f32 to vector<16xf32>
      %broadcast_in_dim3A_149 = arith.constant 0.000000e+00 : f32
      %broadcast_in_dim3A_150 = vector.broadcast %broadcast_in_dim3A_149 : f32 to vector<16xf32>
      %broadcast_in_dim3A_151 = arith.constant 0.000000e+00 : f32
      %broadcast_in_dim3A_152 = vector.broadcast %broadcast_in_dim3A_151 : f32 to vector<16xf32>
      %broadcast_in_dim3A_153 = arith.constant 0.000000e+00 : f32
      %broadcast_in_dim3A_154 = vector.broadcast %broadcast_in_dim3A_153 : f32 to vector<16xf32>
      %broadcast_in_dim3A_155 = arith.constant 0.000000e+00 : f32
      %broadcast_in_dim3A_156 = vector.broadcast %broadcast_in_dim3A_155 : f32 to vector<16xf32>
      %broadcast_in_dim3A_157 = arith.constant 0.000000e+00 : f32
      %broadcast_in_dim3A_158 = vector.broadcast %broadcast_in_dim3A_157 : f32 to vector<16xf32>
      %broadcast_in_dim3A_159 = arith.constant 0.000000e+00 : f32
      %broadcast_in_dim3A_160 = vector.broadcast %broadcast_in_dim3A_159 : f32 to vector<16xf32>
      %broadcast_in_dim3A_161 = arith.constant 0.000000e+00 : f32
      %broadcast_in_dim3A_162 = vector.broadcast %broadcast_in_dim3A_161 : f32 to vector<16xf32>
      %scan3A_163 = arith.constant 0 : i32
      %scan3A_164 = arith.constant 8 : i32
      %scan3A_165 = arith.addi %scan3A_163, %scan3A_164 : i32
      %scan3A_166 = arith.constant 1 : i32
      %scan3A_167:8 = scf.for %scan3A_733 = %scan3A_163 to %scan3A_165 step %scan3A_166 iter_args(%scan3A_734 = %broadcast_in_dim3A_148, %scan3A_735 = %broadcast_in_dim3A_150, %scan3A_736 = %broadcast_in_dim3A_152, %scan3A_737 = %broadcast_in_dim3A_154, %scan3A_738 = %broadcast_in_dim3A_156, %scan3A_739 = %broadcast_in_dim3A_158, %scan3A_740 = %broadcast_in_dim3A_160, %scan3A_741 = %broadcast_in_dim3A_162) -> (vector<16xf32>, vector<16xf32>, vector<16xf32>, vector<16xf32>, vector<16xf32>, vector<16xf32>, vector<16xf32>, vector<16xf32>)  : i32 {
        %mul3A_742 = arith.constant 4 : i32
        %mul3A_743 = arith.muli %scan3A_733, %mul3A_742 : i32
        %add3A_744 = arith.constant 32 : i32
        %add3A_745 = arith.addi %add3A_744, %mul3A_743 : i32
        %add3A_746 = arith.constant 0 : i32
        %add3A_747 = arith.addi %add3A_745, %add3A_746 : i32
        %get3A = arith.index_cast %add3A_747 : i32 to index
        %get3A_748 = arith.constant 0 : index
        %get3A_749 = tpu.vector_load %arg7[%get3A, %get3A_748] {strides = array<i32>} : memref<64x128xf32, #tpu.memory_space<vmem>>, vector<1x16xf32>,
        %get3A_750 = vector.shape_cast %get3A_749 : vector<1x16xf32> to vector<16xf32>
        %add3A_751 = arith.addf %scan3A_734, %get3A_750 : vector<16xf32>
        %get3A_752 = arith.index_cast %add3A_747 : i32 to index
        %get3A_753 = arith.constant 16 : index
        %get3A_754 = tpu.vector_load %arg7[%get3A_752, %get3A_753] {strides = array<i32>} : memref<64x128xf32, #tpu.memory_space<vmem>>, vector<1x16xf32>,
        %get3A_755 = vector.shape_cast %get3A_754 : vector<1x16xf32> to vector<16xf32>
        %add3A_756 = arith.addf %scan3A_735, %get3A_755 : vector<16xf32>
        %get3A_757 = arith.index_cast %add3A_747 : i32 to index
        %get3A_758 = arith.constant 32 : index
        %get3A_759 = tpu.vector_load %arg7[%get3A_757, %get3A_758] {strides = array<i32>} : memref<64x128xf32, #tpu.memory_space<vmem>>, vector<1x16xf32>,
        %get3A_760 = vector.shape_cast %get3A_759 : vector<1x16xf32> to vector<16xf32>
        %add3A_761 = arith.addf %scan3A_736, %get3A_760 : vector<16xf32>
        %get3A_762 = arith.index_cast %add3A_747 : i32 to index
        %get3A_763 = arith.constant 48 : index
        %get3A_764 = tpu.vector_load %arg7[%get3A_762, %get3A_763] {strides = array<i32>} : memref<64x128xf32, #tpu.memory_space<vmem>>, vector<1x16xf32>,
        %get3A_765 = vector.shape_cast %get3A_764 : vector<1x16xf32> to vector<16xf32>
        %add3A_766 = arith.addf %scan3A_737, %get3A_765 : vector<16xf32>
        %get3A_767 = arith.index_cast %add3A_747 : i32 to index
        %get3A_768 = arith.constant 64 : index
        %get3A_769 = tpu.vector_load %arg7[%get3A_767, %get3A_768] {strides = array<i32>} : memref<64x128xf32, #tpu.memory_space<vmem>>, vector<1x16xf32>,
        %get3A_770 = vector.shape_cast %get3A_769 : vector<1x16xf32> to vector<16xf32>
        %add3A_771 = arith.addf %scan3A_738, %get3A_770 : vector<16xf32>
        %get3A_772 = arith.index_cast %add3A_747 : i32 to index
        %get3A_773 = arith.constant 80 : index
        %get3A_774 = tpu.vector_load %arg7[%get3A_772, %get3A_773] {strides = array<i32>} : memref<64x128xf32, #tpu.memory_space<vmem>>, vector<1x16xf32>,
        %get3A_775 = vector.shape_cast %get3A_774 : vector<1x16xf32> to vector<16xf32>
        %add3A_776 = arith.addf %scan3A_739, %get3A_775 : vector<16xf32>
        %get3A_777 = arith.index_cast %add3A_747 : i32 to index
        %get3A_778 = arith.constant 96 : index
        %get3A_779 = tpu.vector_load %arg7[%get3A_777, %get3A_778] {strides = array<i32>} : memref<64x128xf32, #tpu.memory_space<vmem>>, vector<1x16xf32>,
        %get3A_780 = vector.shape_cast %get3A_779 : vector<1x16xf32> to vector<16xf32>
        %add3A_781 = arith.addf %scan3A_740, %get3A_780 : vector<16xf32>
        %get3A_782 = arith.index_cast %add3A_747 : i32 to index
        %get3A_783 = arith.constant 112 : index
        %get3A_784 = tpu.vector_load %arg7[%get3A_782, %get3A_783] {strides = array<i32>} : memref<64x128xf32, #tpu.memory_space<vmem>>, vector<1x16xf32>,
        %get3A_785 = vector.shape_cast %get3A_784 : vector<1x16xf32> to vector<16xf32>
        %add3A_786 = arith.addf %scan3A_741, %get3A_785 : vector<16xf32>
        %mul3A_787 = arith.constant 4 : i32
        %mul3A_788 = arith.muli %scan3A_733, %mul3A_787 : i32
        %add3A_789 = arith.constant 32 : i32
        %add3A_790 = arith.addi %add3A_789, %mul3A_788 : i32
        %add3A_791 = arith.constant 1 : i32
        %add3A_792 = arith.addi %add3A_790, %add3A_791 : i32
        %get3A_793 = arith.index_cast %add3A_792 : i32 to index
        %get3A_794 = arith.constant 0 : index
        %get3A_795 = tpu.vector_load %arg7[%get3A_793, %get3A_794] {strides = array<i32>} : memref<64x128xf32, #tpu.memory_space<vmem>>, vector<1x16xf32>,
        %get3A_796 = vector.shape_cast %get3A_795 : vector<1x16xf32> to vector<16xf32>
        %add3A_797 = arith.addf %add3A_751, %get3A_796 : vector<16xf32>
        %get3A_798 = arith.index_cast %add3A_792 : i32 to index
        %get3A_799 = arith.constant 16 : index
        %get3A_800 = tpu.vector_load %arg7[%get3A_798, %get3A_799] {strides = array<i32>} : memref<64x128xf32, #tpu.memory_space<vmem>>, vector<1x16xf32>,
        %get3A_801 = vector.shape_cast %get3A_800 : vector<1x16xf32> to vector<16xf32>
        %add3A_802 = arith.addf %add3A_756, %get3A_801 : vector<16xf32>
        %get3A_803 = arith.index_cast %add3A_792 : i32 to index
        %get3A_804 = arith.constant 32 : index
        %get3A_805 = tpu.vector_load %arg7[%get3A_803, %get3A_804] {strides = array<i32>} : memref<64x128xf32, #tpu.memory_space<vmem>>, vector<1x16xf32>,
        %get3A_806 = vector.shape_cast %get3A_805 : vector<1x16xf32> to vector<16xf32>
        %add3A_807 = arith.addf %add3A_761, %get3A_806 : vector<16xf32>
        %get3A_808 = arith.index_cast %add3A_792 : i32 to index
        %get3A_809 = arith.constant 48 : index
        %get3A_810 = tpu.vector_load %arg7[%get3A_808, %get3A_809] {strides = array<i32>} : memref<64x128xf32, #tpu.memory_space<vmem>>, vector<1x16xf32>,
        %get3A_811 = vector.shape_cast %get3A_810 : vector<1x16xf32> to vector<16xf32>
        %add3A_812 = arith.addf %add3A_766, %get3A_811 : vector<16xf32>
        %get3A_813 = arith.index_cast %add3A_792 : i32 to index
        %get3A_814 = arith.constant 64 : index
        %get3A_815 = tpu.vector_load %arg7[%get3A_813, %get3A_814] {strides = array<i32>} : memref<64x128xf32, #tpu.memory_space<vmem>>, vector<1x16xf32>,
        %get3A_816 = vector.shape_cast %get3A_815 : vector<1x16xf32> to vector<16xf32>
        %add3A_817 = arith.addf %add3A_771, %get3A_816 : vector<16xf32>
        %get3A_818 = arith.index_cast %add3A_792 : i32 to index
        %get3A_819 = arith.constant 80 : index
        %get3A_820 = tpu.vector_load %arg7[%get3A_818, %get3A_819] {strides = array<i32>} : memref<64x128xf32, #tpu.memory_space<vmem>>, vector<1x16xf32>,
        %get3A_821 = vector.shape_cast %get3A_820 : vector<1x16xf32> to vector<16xf32>
        %add3A_822 = arith.addf %add3A_776, %get3A_821 : vector<16xf32>
        %get3A_823 = arith.index_cast %add3A_792 : i32 to index
        %get3A_824 = arith.constant 96 : index
        %get3A_825 = tpu.vector_load %arg7[%get3A_823, %get3A_824] {strides = array<i32>} : memref<64x128xf32, #tpu.memory_space<vmem>>, vector<1x16xf32>,
        %get3A_826 = vector.shape_cast %get3A_825 : vector<1x16xf32> to vector<16xf32>
        %add3A_827 = arith.addf %add3A_781, %get3A_826 : vector<16xf32>
        %get3A_828 = arith.index_cast %add3A_792 : i32 to index
        %get3A_829 = arith.constant 112 : index
        %get3A_830 = tpu.vector_load %arg7[%get3A_828, %get3A_829] {strides = array<i32>} : memref<64x128xf32, #tpu.memory_space<vmem>>, vector<1x16xf32>,
        %get3A_831 = vector.shape_cast %get3A_830 : vector<1x16xf32> to vector<16xf32>
        %add3A_832 = arith.addf %add3A_786, %get3A_831 : vector<16xf32>
        %mul3A_833 = arith.constant 4 : i32
        %mul3A_834 = arith.muli %scan3A_733, %mul3A_833 : i32
        %add3A_835 = arith.constant 32 : i32
        %add3A_836 = arith.addi %add3A_835, %mul3A_834 : i32
        %add3A_837 = arith.constant 2 : i32
        %add3A_838 = arith.addi %add3A_836, %add3A_837 : i32
        %get3A_839 = arith.index_cast %add3A_838 : i32 to index
        %get3A_840 = arith.constant 0 : index
        %get3A_841 = tpu.vector_load %arg7[%get3A_839, %get3A_840] {strides = array<i32>} : memref<64x128xf32, #tpu.memory_space<vmem>>, vector<1x16xf32>,
        %get3A_842 = vector.shape_cast %get3A_841 : vector<1x16xf32> to vector<16xf32>
        %add3A_843 = arith.addf %add3A_797, %get3A_842 : vector<16xf32>
        %get3A_844 = arith.index_cast %add3A_838 : i32 to index
        %get3A_845 = arith.constant 16 : index
        %get3A_846 = tpu.vector_load %arg7[%get3A_844, %get3A_845] {strides = array<i32>} : memref<64x128xf32, #tpu.memory_space<vmem>>, vector<1x16xf32>,
        %get3A_847 = vector.shape_cast %get3A_846 : vector<1x16xf32> to vector<16xf32>
        %add3A_848 = arith.addf %add3A_802, %get3A_847 : vector<16xf32>
        %get3A_849 = arith.index_cast %add3A_838 : i32 to index
        %get3A_850 = arith.constant 32 : index
        %get3A_851 = tpu.vector_load %arg7[%get3A_849, %get3A_850] {strides = array<i32>} : memref<64x128xf32, #tpu.memory_space<vmem>>, vector<1x16xf32>,
        %get3A_852 = vector.shape_cast %get3A_851 : vector<1x16xf32> to vector<16xf32>
        %add3A_853 = arith.addf %add3A_807, %get3A_852 : vector<16xf32>
        %get3A_854 = arith.index_cast %add3A_838 : i32 to index
        %get3A_855 = arith.constant 48 : index
        %get3A_856 = tpu.vector_load %arg7[%get3A_854, %get3A_855] {strides = array<i32>} : memref<64x128xf32, #tpu.memory_space<vmem>>, vector<1x16xf32>,
        %get3A_857 = vector.shape_cast %get3A_856 : vector<1x16xf32> to vector<16xf32>
        %add3A_858 = arith.addf %add3A_812, %get3A_857 : vector<16xf32>
        %get3A_859 = arith.index_cast %add3A_838 : i32 to index
        %get3A_860 = arith.constant 64 : index
        %get3A_861 = tpu.vector_load %arg7[%get3A_859, %get3A_860] {strides = array<i32>} : memref<64x128xf32, #tpu.memory_space<vmem>>, vector<1x16xf32>,
        %get3A_862 = vector.shape_cast %get3A_861 : vector<1x16xf32> to vector<16xf32>
        %add3A_863 = arith.addf %add3A_817, %get3A_862 : vector<16xf32>
        %get3A_864 = arith.index_cast %add3A_838 : i32 to index
        %get3A_865 = arith.constant 80 : index
        %get3A_866 = tpu.vector_load %arg7[%get3A_864, %get3A_865] {strides = array<i32>} : memref<64x128xf32, #tpu.memory_space<vmem>>, vector<1x16xf32>,
        %get3A_867 = vector.shape_cast %get3A_866 : vector<1x16xf32> to vector<16xf32>
        %add3A_868 = arith.addf %add3A_822, %get3A_867 : vector<16xf32>
        %get3A_869 = arith.index_cast %add3A_838 : i32 to index
        %get3A_870 = arith.constant 96 : index
        %get3A_871 = tpu.vector_load %arg7[%get3A_869, %get3A_870] {strides = array<i32>} : memref<64x128xf32, #tpu.memory_space<vmem>>, vector<1x16xf32>,
        %get3A_872 = vector.shape_cast %get3A_871 : vector<1x16xf32> to vector<16xf32>
        %add3A_873 = arith.addf %add3A_827, %get3A_872 : vector<16xf32>
        %get3A_874 = arith.index_cast %add3A_838 : i32 to index
        %get3A_875 = arith.constant 112 : index
        %get3A_876 = tpu.vector_load %arg7[%get3A_874, %get3A_875] {strides = array<i32>} : memref<64x128xf32, #tpu.memory_space<vmem>>, vector<1x16xf32>,
        %get3A_877 = vector.shape_cast %get3A_876 : vector<1x16xf32> to vector<16xf32>
        %add3A_878 = arith.addf %add3A_832, %get3A_877 : vector<16xf32>
        %mul3A_879 = arith.constant 4 : i32
        %mul3A_880 = arith.muli %scan3A_733, %mul3A_879 : i32
        %add3A_881 = arith.constant 32 : i32
        %add3A_882 = arith.addi %add3A_881, %mul3A_880 : i32
        %add3A_883 = arith.constant 3 : i32
        %add3A_884 = arith.addi %add3A_882, %add3A_883 : i32
        %get3A_885 = arith.index_cast %add3A_884 : i32 to index
        %get3A_886 = arith.constant 0 : index
        %get3A_887 = tpu.vector_load %arg7[%get3A_885, %get3A_886] {strides = array<i32>} : memref<64x128xf32, #tpu.memory_space<vmem>>, vector<1x16xf32>,
        %get3A_888 = vector.shape_cast %get3A_887 : vector<1x16xf32> to vector<16xf32>
        %add3A_889 = arith.addf %add3A_843, %get3A_888 : vector<16xf32>
        %get3A_890 = arith.index_cast %add3A_884 : i32 to index
        %get3A_891 = arith.constant 16 : index
        %get3A_892 = tpu.vector_load %arg7[%get3A_890, %get3A_891] {strides = array<i32>} : memref<64x128xf32, #tpu.memory_space<vmem>>, vector<1x16xf32>,
        %get3A_893 = vector.shape_cast %get3A_892 : vector<1x16xf32> to vector<16xf32>
        %add3A_894 = arith.addf %add3A_848, %get3A_893 : vector<16xf32>
        %get3A_895 = arith.index_cast %add3A_884 : i32 to index
        %get3A_896 = arith.constant 32 : index
        %get3A_897 = tpu.vector_load %arg7[%get3A_895, %get3A_896] {strides = array<i32>} : memref<64x128xf32, #tpu.memory_space<vmem>>, vector<1x16xf32>,
        %get3A_898 = vector.shape_cast %get3A_897 : vector<1x16xf32> to vector<16xf32>
        %add3A_899 = arith.addf %add3A_853, %get3A_898 : vector<16xf32>
        %get3A_900 = arith.index_cast %add3A_884 : i32 to index
        %get3A_901 = arith.constant 48 : index
        %get3A_902 = tpu.vector_load %arg7[%get3A_900, %get3A_901] {strides = array<i32>} : memref<64x128xf32, #tpu.memory_space<vmem>>, vector<1x16xf32>,
        %get3A_903 = vector.shape_cast %get3A_902 : vector<1x16xf32> to vector<16xf32>
        %add3A_904 = arith.addf %add3A_858, %get3A_903 : vector<16xf32>
        %get3A_905 = arith.index_cast %add3A_884 : i32 to index
        %get3A_906 = arith.constant 64 : index
        %get3A_907 = tpu.vector_load %arg7[%get3A_905, %get3A_906] {strides = array<i32>} : memref<64x128xf32, #tpu.memory_space<vmem>>, vector<1x16xf32>,
        %get3A_908 = vector.shape_cast %get3A_907 : vector<1x16xf32> to vector<16xf32>
        %add3A_909 = arith.addf %add3A_863, %get3A_908 : vector<16xf32>
        %get3A_910 = arith.index_cast %add3A_884 : i32 to index
        %get3A_911 = arith.constant 80 : index
        %get3A_912 = tpu.vector_load %arg7[%get3A_910, %get3A_911] {strides = array<i32>} : memref<64x128xf32, #tpu.memory_space<vmem>>, vector<1x16xf32>,
        %get3A_913 = vector.shape_cast %get3A_912 : vector<1x16xf32> to vector<16xf32>
        %add3A_914 = arith.addf %add3A_868, %get3A_913 : vector<16xf32>
        %get3A_915 = arith.index_cast %add3A_884 : i32 to index
        %get3A_916 = arith.constant 96 : index
        %get3A_917 = tpu.vector_load %arg7[%get3A_915, %get3A_916] {strides = array<i32>} : memref<64x128xf32, #tpu.memory_space<vmem>>, vector<1x16xf32>,
        %get3A_918 = vector.shape_cast %get3A_917 : vector<1x16xf32> to vector<16xf32>
        %add3A_919 = arith.addf %add3A_873, %get3A_918 : vector<16xf32>
        %get3A_920 = arith.index_cast %add3A_884 : i32 to index
        %get3A_921 = arith.constant 112 : index
        %get3A_922 = tpu.vector_load %arg7[%get3A_920, %get3A_921] {strides = array<i32>} : memref<64x128xf32, #tpu.memory_space<vmem>>, vector<1x16xf32>,
        %get3A_923 = vector.shape_cast %get3A_922 : vector<1x16xf32> to vector<16xf32>
        %add3A_924 = arith.addf %add3A_878, %get3A_923 : vector<16xf32>
        scf.yield %add3A_889, %add3A_894, %add3A_899, %add3A_904, %add3A_909, %add3A_914, %add3A_919, %add3A_924 : vector<16xf32>, vector<16xf32>, vector<16xf32>, vector<16xf32>, vector<16xf32>, vector<16xf32>, vector<16xf32>, vector<16xf32>
      }
      %scan3A_168 = arith.constant 8 : i32
      %swap3A_169 = arith.constant 1 : i32
      %swap3A_170 = arith.index_cast %swap3A_169 : i32 to index
      %swap3A_171 = arith.constant 0 : index
      %swap3A_172 = tpu.vector_load %arg11[%swap3A_170, %swap3A_171] {strides = array<i32>} : memref<2x128xf32, #tpu.memory_space<vmem>>, vector<1x16xf32>,
      %swap3A_173 = vector.shape_cast %swap3A_172 : vector<1x16xf32> to vector<16xf32>
      %swap3A_174 = vector.shape_cast %scan3A_167#0 : vector<16xf32> to vector<1x16xf32>
      tpu.vector_store %arg11[%swap3A_170, %swap3A_171], %swap3A_174 {strides = array<i32>} : memref<2x128xf32, #tpu.memory_space<vmem>>, vector<1x16xf32>,
      %swap3A_175 = arith.constant 1 : i32
      %swap3A_176 = arith.index_cast %swap3A_175 : i32 to index
      %swap3A_177 = arith.constant 16 : index
      %swap3A_178 = tpu.vector_load %arg11[%swap3A_176, %swap3A_177] {strides = array<i32>} : memref<2x128xf32, #tpu.memory_space<vmem>>, vector<1x16xf32>,
      %swap3A_179 = vector.shape_cast %swap3A_178 : vector<1x16xf32> to vector<16xf32>
      %swap3A_180 = vector.shape_cast %scan3A_167#1 : vector<16xf32> to vector<1x16xf32>
      tpu.vector_store %arg11[%swap3A_176, %swap3A_177], %swap3A_180 {strides = array<i32>} : memref<2x128xf32, #tpu.memory_space<vmem>>, vector<1x16xf32>,
      %swap3A_181 = arith.constant 1 : i32
      %swap3A_182 = arith.index_cast %swap3A_181 : i32 to index
      %swap3A_183 = arith.constant 32 : index
      %swap3A_184 = tpu.vector_load %arg11[%swap3A_182, %swap3A_183] {strides = array<i32>} : memref<2x128xf32, #tpu.memory_space<vmem>>, vector<1x16xf32>,
      %swap3A_185 = vector.shape_cast %swap3A_184 : vector<1x16xf32> to vector<16xf32>
      %swap3A_186 = vector.shape_cast %scan3A_167#2 : vector<16xf32> to vector<1x16xf32>
      tpu.vector_store %arg11[%swap3A_182, %swap3A_183], %swap3A_186 {strides = array<i32>} : memref<2x128xf32, #tpu.memory_space<vmem>>, vector<1x16xf32>,
      %swap3A_187 = arith.constant 1 : i32
      %swap3A_188 = arith.index_cast %swap3A_187 : i32 to index
      %swap3A_189 = arith.constant 48 : index
      %swap3A_190 = tpu.vector_load %arg11[%swap3A_188, %swap3A_189] {strides = array<i32>} : memref<2x128xf32, #tpu.memory_space<vmem>>, vector<1x16xf32>,
      %swap3A_191 = vector.shape_cast %swap3A_190 : vector<1x16xf32> to vector<16xf32>
      %swap3A_192 = vector.shape_cast %scan3A_167#3 : vector<16xf32> to vector<1x16xf32>
      tpu.vector_store %arg11[%swap3A_188, %swap3A_189], %swap3A_192 {strides = array<i32>} : memref<2x128xf32, #tpu.memory_space<vmem>>, vector<1x16xf32>,
      %swap3A_193 = arith.constant 1 : i32
      %swap3A_194 = arith.index_cast %swap3A_193 : i32 to index
      %swap3A_195 = arith.constant 64 : index
      %swap3A_196 = tpu.vector_load %arg11[%swap3A_194, %swap3A_195] {strides = array<i32>} : memref<2x128xf32, #tpu.memory_space<vmem>>, vector<1x16xf32>,
      %swap3A_197 = vector.shape_cast %swap3A_196 : vector<1x16xf32> to vector<16xf32>
      %swap3A_198 = vector.shape_cast %scan3A_167#4 : vector<16xf32> to vector<1x16xf32>
      tpu.vector_store %arg11[%swap3A_194, %swap3A_195], %swap3A_198 {strides = array<i32>} : memref<2x128xf32, #tpu.memory_space<vmem>>, vector<1x16xf32>,
      %swap3A_199 = arith.constant 1 : i32
      %swap3A_200 = arith.index_cast %swap3A_199 : i32 to index
      %swap3A_201 = arith.constant 80 : index
      %swap3A_202 = tpu.vector_load %arg11[%swap3A_200, %swap3A_201] {strides = array<i32>} : memref<2x128xf32, #tpu.memory_space<vmem>>, vector<1x16xf32>,
      %swap3A_203 = vector.shape_cast %swap3A_202 : vector<1x16xf32> to vector<16xf32>
      %swap3A_204 = vector.shape_cast %scan3A_167#5 : vector<16xf32> to vector<1x16xf32>
      tpu.vector_store %arg11[%swap3A_200, %swap3A_201], %swap3A_204 {strides = array<i32>} : memref<2x128xf32, #tpu.memory_space<vmem>>, vector<1x16xf32>,
      %swap3A_205 = arith.constant 1 : i32
      %swap3A_206 = arith.index_cast %swap3A_205 : i32 to index
      %swap3A_207 = arith.constant 96 : index
      %swap3A_208 = tpu.vector_load %arg11[%swap3A_206, %swap3A_207] {strides = array<i32>} : memref<2x128xf32, #tpu.memory_space<vmem>>, vector<1x16xf32>,
      %swap3A_209 = vector.shape_cast %swap3A_208 : vector<1x16xf32> to vector<16xf32>
      %swap3A_210 = vector.shape_cast %scan3A_167#6 : vector<16xf32> to vector<1x16xf32>
      tpu.vector_store %arg11[%swap3A_206, %swap3A_207], %swap3A_210 {strides = array<i32>} : memref<2x128xf32, #tpu.memory_space<vmem>>, vector<1x16xf32>,
      %swap3A_211 = arith.constant 1 : i32
      %swap3A_212 = arith.index_cast %swap3A_211 : i32 to index
      %swap3A_213 = arith.constant 112 : index
      %swap3A_214 = tpu.vector_load %arg11[%swap3A_212, %swap3A_213] {strides = array<i32>} : memref<2x128xf32, #tpu.memory_space<vmem>>, vector<1x16xf32>,
      %swap3A_215 = vector.shape_cast %swap3A_214 : vector<1x16xf32> to vector<16xf32>
      %swap3A_216 = vector.shape_cast %scan3A_167#7 : vector<16xf32> to vector<1x16xf32>
      tpu.vector_store %arg11[%swap3A_212, %swap3A_213], %swap3A_216 {strides = array<i32>} : memref<2x128xf32, #tpu.memory_space<vmem>>, vector<1x16xf32>,
      %mul3A_217 = arith.constant 2 : i32
      %mul3A_218 = arith.muli %add3A_69, %mul3A_217 : i32
      %add3A_219 = arith.addi %mul3A_2, %mul3A_218 : i32
      %dma_start3A_220 = arith.constant 0 : i32
      %dma_start3A_221 = tpu.memref_slice %arg4[%add3A_219, %dma_start3A_220] : memref<10000x128xf32, #tpu.memory_space<hbm>> -> memref<2x128xf32, #tpu.memory_space<hbm>>
      %dma_start3A_222 = arith.constant 0 : i32
      %dma_start3A_223 = tpu.memref_slice %arg4[%add3A_219, %dma_start3A_222] : memref<10000x128xf32, #tpu.memory_space<hbm>> -> memref<2x128xf32, #tpu.memory_space<hbm>>
      tpu.enqueue_dma source(%arg11 : memref<2x128xf32, #tpu.memory_space<vmem>>) target(%dma_start3A_223 : memref<2x128xf32, #tpu.memory_space<hbm>>) target_semaphore(%arg19 : memref<!tpu.dma_semaphore, #tpu.memory_space<semaphore_mem>>)
      %sub3A = arith.constant 1 : i32
      %sub3A_224 = arith.subi %select_n3A, %sub3A : i32
      %lt3A_225 = arith.cmpi slt, %while3A_65, %sub3A_224 : i32
      %convert_element_type3A_226 = arith.extui %lt3A_225 : i1 to i32
      %cond3A_227 = arith.constant 0 : i32
      %cond3A_228 = arith.cmpi ne, %convert_element_type3A_226, %cond3A_227 : i32
      scf.if %cond3A_228 {
        %add3A_733 = arith.constant 4 : i32
        %add3A_734 = arith.addi %add3A_69, %add3A_733 : i32
        %mul3A_735 = arith.constant 64 : i32
        %mul3A_736 = arith.muli %add3A_734, %mul3A_735 : i32
        %dma_start3A_737 = tpu.memref_slice %arg6[%mul3A_736] : memref<10240xi32, #tpu.memory_space<vmem>> -> memref<64xi32, #tpu.memory_space<vmem>>
        %dma_start3A_738 = arith.constant 0 : i32
        %dma_start3A_739 = arith.constant 0 : i32
        %dma_start3A_740 = tpu.memref_slice %arg5[%dma_start3A_738, %dma_start3A_739] : memref<10000x128xf32, #tpu.memory_space<vmem_shared>> -> memref<10000x128xf32, #tpu.memory_space<vmem_shared>>
        tpu.enqueue_indirect_dma source(%dma_start3A_740 : memref<10000x128xf32, #tpu.memory_space<vmem_shared>>) target(%arg7 : memref<64x128xf32, #tpu.memory_space<vmem>>) offsets(%dma_start3A_737 : memref<64xi32, #tpu.memory_space<vmem>>) semaphore(%arg15 : memref<!tpu.dma_semaphore, #tpu.memory_space<semaphore_mem>>)
      } else {
      }
      %mul3A_229 = arith.constant 4 : i32
      %mul3A_230 = arith.muli %while3A_65, %mul3A_229 : i32
      %add3A_231 = arith.constant 1 : i32
      %add3A_232 = arith.addi %mul3A_230, %add3A_231 : i32
      %dma_wait3A_233 = arith.constant 0 : i32
      %dma_wait3A_234 = arith.constant 0 : i32
      %dma_wait3A_235 = tpu.memref_slice %arg2[%dma_wait3A_233, %dma_wait3A_234] : memref<10000x128xf32, #tpu.memory_space<hbm>> -> memref<64x128xf32, #tpu.memory_space<hbm>>
      %dma_wait3A_236 = arith.constant 0 : i32
      %dma_wait3A_237 = arith.constant 0 : i32
      %dma_wait3A_238 = tpu.memref_slice %arg2[%dma_wait3A_236, %dma_wait3A_237] : memref<10000x128xf32, #tpu.memory_space<hbm>> -> memref<64x128xf32, #tpu.memory_space<hbm>>
      tpu.wait_dma2 semaphore(%arg16 : memref<!tpu.dma_semaphore, #tpu.memory_space<semaphore_mem>>) src(%dma_wait3A_238 : memref<64x128xf32, #tpu.memory_space<hbm>>) dst(%arg8 : memref<64x128xf32, #tpu.memory_space<vmem>>)
      %gt3A_239 = arith.constant 0 : i32
      %gt3A_240 = arith.cmpi sgt, %while3A_65, %gt3A_239 : i32
      %convert_element_type3A_241 = arith.extui %gt3A_240 : i1 to i32
      %cond3A_242 = arith.constant 0 : i32
      %cond3A_243 = arith.cmpi ne, %convert_element_type3A_241, %cond3A_242 : i32
      scf.if %cond3A_243 {
        %dma_wait3A_733 = arith.constant 0 : i32
        %dma_wait3A_734 = tpu.memref_slice %arg4[%mul3A_2, %dma_wait3A_733] : memref<10000x128xf32, #tpu.memory_space<hbm>> -> memref<2x128xf32, #tpu.memory_space<hbm>>
        %dma_wait3A_735 = arith.constant 0 : i32
        %dma_wait3A_736 = tpu.memref_slice %arg4[%mul3A_2, %dma_wait3A_735] : memref<10000x128xf32, #tpu.memory_space<hbm>> -> memref<2x128xf32, #tpu.memory_space<hbm>>
        tpu.wait_dma2 semaphore(%arg20 : memref<!tpu.dma_semaphore, #tpu.memory_space<semaphore_mem>>) src(%arg12 : memref<2x128xf32, #tpu.memory_space<vmem>>) dst(%dma_wait3A_736 : memref<2x128xf32, #tpu.memory_space<hbm>>)
      } else {
      }
      %broadcast_in_dim3A_244 = arith.constant 0.000000e+00 : f32
      %broadcast_in_dim3A_245 = vector.broadcast %broadcast_in_dim3A_244 : f32 to vector<16xf32>
      %broadcast_in_dim3A_246 = arith.constant 0.000000e+00 : f32
      %broadcast_in_dim3A_247 = vector.broadcast %broadcast_in_dim3A_246 : f32 to vector<16xf32>
      %broadcast_in_dim3A_248 = arith.constant 0.000000e+00 : f32
      %broadcast_in_dim3A_249 = vector.broadcast %broadcast_in_dim3A_248 : f32 to vector<16xf32>
      %broadcast_in_dim3A_250 = arith.constant 0.000000e+00 : f32
      %broadcast_in_dim3A_251 = vector.broadcast %broadcast_in_dim3A_250 : f32 to vector<16xf32>
      %broadcast_in_dim3A_252 = arith.constant 0.000000e+00 : f32
      %broadcast_in_dim3A_253 = vector.broadcast %broadcast_in_dim3A_252 : f32 to vector<16xf32>
      %broadcast_in_dim3A_254 = arith.constant 0.000000e+00 : f32
      %broadcast_in_dim3A_255 = vector.broadcast %broadcast_in_dim3A_254 : f32 to vector<16xf32>
      %broadcast_in_dim3A_256 = arith.constant 0.000000e+00 : f32
      %broadcast_in_dim3A_257 = vector.broadcast %broadcast_in_dim3A_256 : f32 to vector<16xf32>
      %broadcast_in_dim3A_258 = arith.constant 0.000000e+00 : f32
      %broadcast_in_dim3A_259 = vector.broadcast %broadcast_in_dim3A_258 : f32 to vector<16xf32>
      %scan3A_260 = arith.constant 0 : i32
      %scan3A_261 = arith.constant 8 : i32
      %scan3A_262 = arith.addi %scan3A_260, %scan3A_261 : i32
      %scan3A_263 = arith.constant 1 : i32
      %scan3A_264:8 = scf.for %scan3A_733 = %scan3A_260 to %scan3A_262 step %scan3A_263 iter_args(%scan3A_734 = %broadcast_in_dim3A_245, %scan3A_735 = %broadcast_in_dim3A_247, %scan3A_736 = %broadcast_in_dim3A_249, %scan3A_737 = %broadcast_in_dim3A_251, %scan3A_738 = %broadcast_in_dim3A_253, %scan3A_739 = %broadcast_in_dim3A_255, %scan3A_740 = %broadcast_in_dim3A_257, %scan3A_741 = %broadcast_in_dim3A_259) -> (vector<16xf32>, vector<16xf32>, vector<16xf32>, vector<16xf32>, vector<16xf32>, vector<16xf32>, vector<16xf32>, vector<16xf32>)  : i32 {
        %mul3A_742 = arith.constant 4 : i32
        %mul3A_743 = arith.muli %scan3A_733, %mul3A_742 : i32
        %add3A_744 = arith.constant 0 : i32
        %add3A_745 = arith.addi %add3A_744, %mul3A_743 : i32
        %add3A_746 = arith.constant 0 : i32
        %add3A_747 = arith.addi %add3A_745, %add3A_746 : i32
        %get3A = arith.index_cast %add3A_747 : i32 to index
        %get3A_748 = arith.constant 0 : index
        %get3A_749 = tpu.vector_load %arg8[%get3A, %get3A_748] {strides = array<i32>} : memref<64x128xf32, #tpu.memory_space<vmem>>, vector<1x16xf32>,
        %get3A_750 = vector.shape_cast %get3A_749 : vector<1x16xf32> to vector<16xf32>
        %add3A_751 = arith.addf %scan3A_734, %get3A_750 : vector<16xf32>
        %get3A_752 = arith.index_cast %add3A_747 : i32 to index
        %get3A_753 = arith.constant 16 : index
        %get3A_754 = tpu.vector_load %arg8[%get3A_752, %get3A_753] {strides = array<i32>} : memref<64x128xf32, #tpu.memory_space<vmem>>, vector<1x16xf32>,
        %get3A_755 = vector.shape_cast %get3A_754 : vector<1x16xf32> to vector<16xf32>
        %add3A_756 = arith.addf %scan3A_735, %get3A_755 : vector<16xf32>
        %get3A_757 = arith.index_cast %add3A_747 : i32 to index
        %get3A_758 = arith.constant 32 : index
        %get3A_759 = tpu.vector_load %arg8[%get3A_757, %get3A_758] {strides = array<i32>} : memref<64x128xf32, #tpu.memory_space<vmem>>, vector<1x16xf32>,
        %get3A_760 = vector.shape_cast %get3A_759 : vector<1x16xf32> to vector<16xf32>
        %add3A_761 = arith.addf %scan3A_736, %get3A_760 : vector<16xf32>
        %get3A_762 = arith.index_cast %add3A_747 : i32 to index
        %get3A_763 = arith.constant 48 : index
        %get3A_764 = tpu.vector_load %arg8[%get3A_762, %get3A_763] {strides = array<i32>} : memref<64x128xf32, #tpu.memory_space<vmem>>, vector<1x16xf32>,
        %get3A_765 = vector.shape_cast %get3A_764 : vector<1x16xf32> to vector<16xf32>
        %add3A_766 = arith.addf %scan3A_737, %get3A_765 : vector<16xf32>
        %get3A_767 = arith.index_cast %add3A_747 : i32 to index
        %get3A_768 = arith.constant 64 : index
        %get3A_769 = tpu.vector_load %arg8[%get3A_767, %get3A_768] {strides = array<i32>} : memref<64x128xf32, #tpu.memory_space<vmem>>, vector<1x16xf32>,
        %get3A_770 = vector.shape_cast %get3A_769 : vector<1x16xf32> to vector<16xf32>
        %add3A_771 = arith.addf %scan3A_738, %get3A_770 : vector<16xf32>
        %get3A_772 = arith.index_cast %add3A_747 : i32 to index
        %get3A_773 = arith.constant 80 : index
        %get3A_774 = tpu.vector_load %arg8[%get3A_772, %get3A_773] {strides = array<i32>} : memref<64x128xf32, #tpu.memory_space<vmem>>, vector<1x16xf32>,
        %get3A_775 = vector.shape_cast %get3A_774 : vector<1x16xf32> to vector<16xf32>
        %add3A_776 = arith.addf %scan3A_739, %get3A_775 : vector<16xf32>
        %get3A_777 = arith.index_cast %add3A_747 : i32 to index
        %get3A_778 = arith.constant 96 : index
        %get3A_779 = tpu.vector_load %arg8[%get3A_777, %get3A_778] {strides = array<i32>} : memref<64x128xf32, #tpu.memory_space<vmem>>, vector<1x16xf32>,
        %get3A_780 = vector.shape_cast %get3A_779 : vector<1x16xf32> to vector<16xf32>
        %add3A_781 = arith.addf %scan3A_740, %get3A_780 : vector<16xf32>
        %get3A_782 = arith.index_cast %add3A_747 : i32 to index
        %get3A_783 = arith.constant 112 : index
        %get3A_784 = tpu.vector_load %arg8[%get3A_782, %get3A_783] {strides = array<i32>} : memref<64x128xf32, #tpu.memory_space<vmem>>, vector<1x16xf32>,
        %get3A_785 = vector.shape_cast %get3A_784 : vector<1x16xf32> to vector<16xf32>
        %add3A_786 = arith.addf %scan3A_741, %get3A_785 : vector<16xf32>
        %mul3A_787 = arith.constant 4 : i32
        %mul3A_788 = arith.muli %scan3A_733, %mul3A_787 : i32
        %add3A_789 = arith.constant 0 : i32
        %add3A_790 = arith.addi %add3A_789, %mul3A_788 : i32
        %add3A_791 = arith.constant 1 : i32
        %add3A_792 = arith.addi %add3A_790, %add3A_791 : i32
        %get3A_793 = arith.index_cast %add3A_792 : i32 to index
        %get3A_794 = arith.constant 0 : index
        %get3A_795 = tpu.vector_load %arg8[%get3A_793, %get3A_794] {strides = array<i32>} : memref<64x128xf32, #tpu.memory_space<vmem>>, vector<1x16xf32>,
        %get3A_796 = vector.shape_cast %get3A_795 : vector<1x16xf32> to vector<16xf32>
        %add3A_797 = arith.addf %add3A_751, %get3A_796 : vector<16xf32>
        %get3A_798 = arith.index_cast %add3A_792 : i32 to index
        %get3A_799 = arith.constant 16 : index
        %get3A_800 = tpu.vector_load %arg8[%get3A_798, %get3A_799] {strides = array<i32>} : memref<64x128xf32, #tpu.memory_space<vmem>>, vector<1x16xf32>,
        %get3A_801 = vector.shape_cast %get3A_800 : vector<1x16xf32> to vector<16xf32>
        %add3A_802 = arith.addf %add3A_756, %get3A_801 : vector<16xf32>
        %get3A_803 = arith.index_cast %add3A_792 : i32 to index
        %get3A_804 = arith.constant 32 : index
        %get3A_805 = tpu.vector_load %arg8[%get3A_803, %get3A_804] {strides = array<i32>} : memref<64x128xf32, #tpu.memory_space<vmem>>, vector<1x16xf32>,
        %get3A_806 = vector.shape_cast %get3A_805 : vector<1x16xf32> to vector<16xf32>
        %add3A_807 = arith.addf %add3A_761, %get3A_806 : vector<16xf32>
        %get3A_808 = arith.index_cast %add3A_792 : i32 to index
        %get3A_809 = arith.constant 48 : index
        %get3A_810 = tpu.vector_load %arg8[%get3A_808, %get3A_809] {strides = array<i32>} : memref<64x128xf32, #tpu.memory_space<vmem>>, vector<1x16xf32>,
        %get3A_811 = vector.shape_cast %get3A_810 : vector<1x16xf32> to vector<16xf32>
        %add3A_812 = arith.addf %add3A_766, %get3A_811 : vector<16xf32>
        %get3A_813 = arith.index_cast %add3A_792 : i32 to index
        %get3A_814 = arith.constant 64 : index
        %get3A_815 = tpu.vector_load %arg8[%get3A_813, %get3A_814] {strides = array<i32>} : memref<64x128xf32, #tpu.memory_space<vmem>>, vector<1x16xf32>,
        %get3A_816 = vector.shape_cast %get3A_815 : vector<1x16xf32> to vector<16xf32>
        %add3A_817 = arith.addf %add3A_771, %get3A_816 : vector<16xf32>
        %get3A_818 = arith.index_cast %add3A_792 : i32 to index
        %get3A_819 = arith.constant 80 : index
        %get3A_820 = tpu.vector_load %arg8[%get3A_818, %get3A_819] {strides = array<i32>} : memref<64x128xf32, #tpu.memory_space<vmem>>, vector<1x16xf32>,
        %get3A_821 = vector.shape_cast %get3A_820 : vector<1x16xf32> to vector<16xf32>
        %add3A_822 = arith.addf %add3A_776, %get3A_821 : vector<16xf32>
        %get3A_823 = arith.index_cast %add3A_792 : i32 to index
        %get3A_824 = arith.constant 96 : index
        %get3A_825 = tpu.vector_load %arg8[%get3A_823, %get3A_824] {strides = array<i32>} : memref<64x128xf32, #tpu.memory_space<vmem>>, vector<1x16xf32>,
        %get3A_826 = vector.shape_cast %get3A_825 : vector<1x16xf32> to vector<16xf32>
        %add3A_827 = arith.addf %add3A_781, %get3A_826 : vector<16xf32>
        %get3A_828 = arith.index_cast %add3A_792 : i32 to index
        %get3A_829 = arith.constant 112 : index
        %get3A_830 = tpu.vector_load %arg8[%get3A_828, %get3A_829] {strides = array<i32>} : memref<64x128xf32, #tpu.memory_space<vmem>>, vector<1x16xf32>,
        %get3A_831 = vector.shape_cast %get3A_830 : vector<1x16xf32> to vector<16xf32>
        %add3A_832 = arith.addf %add3A_786, %get3A_831 : vector<16xf32>
        %mul3A_833 = arith.constant 4 : i32
        %mul3A_834 = arith.muli %scan3A_733, %mul3A_833 : i32
        %add3A_835 = arith.constant 0 : i32
        %add3A_836 = arith.addi %add3A_835, %mul3A_834 : i32
        %add3A_837 = arith.constant 2 : i32
        %add3A_838 = arith.addi %add3A_836, %add3A_837 : i32
        %get3A_839 = arith.index_cast %add3A_838 : i32 to index
        %get3A_840 = arith.constant 0 : index
        %get3A_841 = tpu.vector_load %arg8[%get3A_839, %get3A_840] {strides = array<i32>} : memref<64x128xf32, #tpu.memory_space<vmem>>, vector<1x16xf32>,
        %get3A_842 = vector.shape_cast %get3A_841 : vector<1x16xf32> to vector<16xf32>
        %add3A_843 = arith.addf %add3A_797, %get3A_842 : vector<16xf32>
        %get3A_844 = arith.index_cast %add3A_838 : i32 to index
        %get3A_845 = arith.constant 16 : index
        %get3A_846 = tpu.vector_load %arg8[%get3A_844, %get3A_845] {strides = array<i32>} : memref<64x128xf32, #tpu.memory_space<vmem>>, vector<1x16xf32>,
        %get3A_847 = vector.shape_cast %get3A_846 : vector<1x16xf32> to vector<16xf32>
        %add3A_848 = arith.addf %add3A_802, %get3A_847 : vector<16xf32>
        %get3A_849 = arith.index_cast %add3A_838 : i32 to index
        %get3A_850 = arith.constant 32 : index
        %get3A_851 = tpu.vector_load %arg8[%get3A_849, %get3A_850] {strides = array<i32>} : memref<64x128xf32, #tpu.memory_space<vmem>>, vector<1x16xf32>,
        %get3A_852 = vector.shape_cast %get3A_851 : vector<1x16xf32> to vector<16xf32>
        %add3A_853 = arith.addf %add3A_807, %get3A_852 : vector<16xf32>
        %get3A_854 = arith.index_cast %add3A_838 : i32 to index
        %get3A_855 = arith.constant 48 : index
        %get3A_856 = tpu.vector_load %arg8[%get3A_854, %get3A_855] {strides = array<i32>} : memref<64x128xf32, #tpu.memory_space<vmem>>, vector<1x16xf32>,
        %get3A_857 = vector.shape_cast %get3A_856 : vector<1x16xf32> to vector<16xf32>
        %add3A_858 = arith.addf %add3A_812, %get3A_857 : vector<16xf32>
        %get3A_859 = arith.index_cast %add3A_838 : i32 to index
        %get3A_860 = arith.constant 64 : index
        %get3A_861 = tpu.vector_load %arg8[%get3A_859, %get3A_860] {strides = array<i32>} : memref<64x128xf32, #tpu.memory_space<vmem>>, vector<1x16xf32>,
        %get3A_862 = vector.shape_cast %get3A_861 : vector<1x16xf32> to vector<16xf32>
        %add3A_863 = arith.addf %add3A_817, %get3A_862 : vector<16xf32>
        %get3A_864 = arith.index_cast %add3A_838 : i32 to index
        %get3A_865 = arith.constant 80 : index
        %get3A_866 = tpu.vector_load %arg8[%get3A_864, %get3A_865] {strides = array<i32>} : memref<64x128xf32, #tpu.memory_space<vmem>>, vector<1x16xf32>,
        %get3A_867 = vector.shape_cast %get3A_866 : vector<1x16xf32> to vector<16xf32>
        %add3A_868 = arith.addf %add3A_822, %get3A_867 : vector<16xf32>
        %get3A_869 = arith.index_cast %add3A_838 : i32 to index
        %get3A_870 = arith.constant 96 : index
        %get3A_871 = tpu.vector_load %arg8[%get3A_869, %get3A_870] {strides = array<i32>} : memref<64x128xf32, #tpu.memory_space<vmem>>, vector<1x16xf32>,
        %get3A_872 = vector.shape_cast %get3A_871 : vector<1x16xf32> to vector<16xf32>
        %add3A_873 = arith.addf %add3A_827, %get3A_872 : vector<16xf32>
        %get3A_874 = arith.index_cast %add3A_838 : i32 to index
        %get3A_875 = arith.constant 112 : index
        %get3A_876 = tpu.vector_load %arg8[%get3A_874, %get3A_875] {strides = array<i32>} : memref<64x128xf32, #tpu.memory_space<vmem>>, vector<1x16xf32>,
        %get3A_877 = vector.shape_cast %get3A_876 : vector<1x16xf32> to vector<16xf32>
        %add3A_878 = arith.addf %add3A_832, %get3A_877 : vector<16xf32>
        %mul3A_879 = arith.constant 4 : i32
        %mul3A_880 = arith.muli %scan3A_733, %mul3A_879 : i32
        %add3A_881 = arith.constant 0 : i32
        %add3A_882 = arith.addi %add3A_881, %mul3A_880 : i32
        %add3A_883 = arith.constant 3 : i32
        %add3A_884 = arith.addi %add3A_882, %add3A_883 : i32
        %get3A_885 = arith.index_cast %add3A_884 : i32 to index
        %get3A_886 = arith.constant 0 : index
        %get3A_887 = tpu.vector_load %arg8[%get3A_885, %get3A_886] {strides = array<i32>} : memref<64x128xf32, #tpu.memory_space<vmem>>, vector<1x16xf32>,
        %get3A_888 = vector.shape_cast %get3A_887 : vector<1x16xf32> to vector<16xf32>
        %add3A_889 = arith.addf %add3A_843, %get3A_888 : vector<16xf32>
        %get3A_890 = arith.index_cast %add3A_884 : i32 to index
        %get3A_891 = arith.constant 16 : index
        %get3A_892 = tpu.vector_load %arg8[%get3A_890, %get3A_891] {strides = array<i32>} : memref<64x128xf32, #tpu.memory_space<vmem>>, vector<1x16xf32>,
        %get3A_893 = vector.shape_cast %get3A_892 : vector<1x16xf32> to vector<16xf32>
        %add3A_894 = arith.addf %add3A_848, %get3A_893 : vector<16xf32>
        %get3A_895 = arith.index_cast %add3A_884 : i32 to index
        %get3A_896 = arith.constant 32 : index
        %get3A_897 = tpu.vector_load %arg8[%get3A_895, %get3A_896] {strides = array<i32>} : memref<64x128xf32, #tpu.memory_space<vmem>>, vector<1x16xf32>,
        %get3A_898 = vector.shape_cast %get3A_897 : vector<1x16xf32> to vector<16xf32>
        %add3A_899 = arith.addf %add3A_853, %get3A_898 : vector<16xf32>
        %get3A_900 = arith.index_cast %add3A_884 : i32 to index
        %get3A_901 = arith.constant 48 : index
        %get3A_902 = tpu.vector_load %arg8[%get3A_900, %get3A_901] {strides = array<i32>} : memref<64x128xf32, #tpu.memory_space<vmem>>, vector<1x16xf32>,
        %get3A_903 = vector.shape_cast %get3A_902 : vector<1x16xf32> to vector<16xf32>
        %add3A_904 = arith.addf %add3A_858, %get3A_903 : vector<16xf32>
        %get3A_905 = arith.index_cast %add3A_884 : i32 to index
        %get3A_906 = arith.constant 64 : index
        %get3A_907 = tpu.vector_load %arg8[%get3A_905, %get3A_906] {strides = array<i32>} : memref<64x128xf32, #tpu.memory_space<vmem>>, vector<1x16xf32>,
        %get3A_908 = vector.shape_cast %get3A_907 : vector<1x16xf32> to vector<16xf32>
        %add3A_909 = arith.addf %add3A_863, %get3A_908 : vector<16xf32>
        %get3A_910 = arith.index_cast %add3A_884 : i32 to index
        %get3A_911 = arith.constant 80 : index
        %get3A_912 = tpu.vector_load %arg8[%get3A_910, %get3A_911] {strides = array<i32>} : memref<64x128xf32, #tpu.memory_space<vmem>>, vector<1x16xf32>,
        %get3A_913 = vector.shape_cast %get3A_912 : vector<1x16xf32> to vector<16xf32>
        %add3A_914 = arith.addf %add3A_868, %get3A_913 : vector<16xf32>
        %get3A_915 = arith.index_cast %add3A_884 : i32 to index
        %get3A_916 = arith.constant 96 : index
        %get3A_917 = tpu.vector_load %arg8[%get3A_915, %get3A_916] {strides = array<i32>} : memref<64x128xf32, #tpu.memory_space<vmem>>, vector<1x16xf32>,
        %get3A_918 = vector.shape_cast %get3A_917 : vector<1x16xf32> to vector<16xf32>
        %add3A_919 = arith.addf %add3A_873, %get3A_918 : vector<16xf32>
        %get3A_920 = arith.index_cast %add3A_884 : i32 to index
        %get3A_921 = arith.constant 112 : index
        %get3A_922 = tpu.vector_load %arg8[%get3A_920, %get3A_921] {strides = array<i32>} : memref<64x128xf32, #tpu.memory_space<vmem>>, vector<1x16xf32>,
        %get3A_923 = vector.shape_cast %get3A_922 : vector<1x16xf32> to vector<16xf32>
        %add3A_924 = arith.addf %add3A_878, %get3A_923 : vector<16xf32>
        scf.yield %add3A_889, %add3A_894, %add3A_899, %add3A_904, %add3A_909, %add3A_914, %add3A_919, %add3A_924 : vector<16xf32>, vector<16xf32>, vector<16xf32>, vector<16xf32>, vector<16xf32>, vector<16xf32>, vector<16xf32>, vector<16xf32>
      }
      %scan3A_265 = arith.constant 8 : i32
      %swap3A_266 = arith.constant 0 : i32
      %swap3A_267 = arith.index_cast %swap3A_266 : i32 to index
      %swap3A_268 = arith.constant 0 : index
      %swap3A_269 = tpu.vector_load %arg12[%swap3A_267, %swap3A_268] {strides = array<i32>} : memref<2x128xf32, #tpu.memory_space<vmem>>, vector<1x16xf32>,
      %swap3A_270 = vector.shape_cast %swap3A_269 : vector<1x16xf32> to vector<16xf32>
      %swap3A_271 = vector.shape_cast %scan3A_264#0 : vector<16xf32> to vector<1x16xf32>
      tpu.vector_store %arg12[%swap3A_267, %swap3A_268], %swap3A_271 {strides = array<i32>} : memref<2x128xf32, #tpu.memory_space<vmem>>, vector<1x16xf32>,
      %swap3A_272 = arith.constant 0 : i32
      %swap3A_273 = arith.index_cast %swap3A_272 : i32 to index
      %swap3A_274 = arith.constant 16 : index
      %swap3A_275 = tpu.vector_load %arg12[%swap3A_273, %swap3A_274] {strides = array<i32>} : memref<2x128xf32, #tpu.memory_space<vmem>>, vector<1x16xf32>,
      %swap3A_276 = vector.shape_cast %swap3A_275 : vector<1x16xf32> to vector<16xf32>
      %swap3A_277 = vector.shape_cast %scan3A_264#1 : vector<16xf32> to vector<1x16xf32>
      tpu.vector_store %arg12[%swap3A_273, %swap3A_274], %swap3A_277 {strides = array<i32>} : memref<2x128xf32, #tpu.memory_space<vmem>>, vector<1x16xf32>,
      %swap3A_278 = arith.constant 0 : i32
      %swap3A_279 = arith.index_cast %swap3A_278 : i32 to index
      %swap3A_280 = arith.constant 32 : index
      %swap3A_281 = tpu.vector_load %arg12[%swap3A_279, %swap3A_280] {strides = array<i32>} : memref<2x128xf32, #tpu.memory_space<vmem>>, vector<1x16xf32>,
      %swap3A_282 = vector.shape_cast %swap3A_281 : vector<1x16xf32> to vector<16xf32>
      %swap3A_283 = vector.shape_cast %scan3A_264#2 : vector<16xf32> to vector<1x16xf32>
      tpu.vector_store %arg12[%swap3A_279, %swap3A_280], %swap3A_283 {strides = array<i32>} : memref<2x128xf32, #tpu.memory_space<vmem>>, vector<1x16xf32>,
      %swap3A_284 = arith.constant 0 : i32
      %swap3A_285 = arith.index_cast %swap3A_284 : i32 to index
      %swap3A_286 = arith.constant 48 : index
      %swap3A_287 = tpu.vector_load %arg12[%swap3A_285, %swap3A_286] {strides = array<i32>} : memref<2x128xf32, #tpu.memory_space<vmem>>, vector<1x16xf32>,
      %swap3A_288 = vector.shape_cast %swap3A_287 : vector<1x16xf32> to vector<16xf32>
      %swap3A_289 = vector.shape_cast %scan3A_264#3 : vector<16xf32> to vector<1x16xf32>
      tpu.vector_store %arg12[%swap3A_285, %swap3A_286], %swap3A_289 {strides = array<i32>} : memref<2x128xf32, #tpu.memory_space<vmem>>, vector<1x16xf32>,
      %swap3A_290 = arith.constant 0 : i32
      %swap3A_291 = arith.index_cast %swap3A_290 : i32 to index
      %swap3A_292 = arith.constant 64 : index
      %swap3A_293 = tpu.vector_load %arg12[%swap3A_291, %swap3A_292] {strides = array<i32>} : memref<2x128xf32, #tpu.memory_space<vmem>>, vector<1x16xf32>,
      %swap3A_294 = vector.shape_cast %swap3A_293 : vector<1x16xf32> to vector<16xf32>
      %swap3A_295 = vector.shape_cast %scan3A_264#4 : vector<16xf32> to vector<1x16xf32>
      tpu.vector_store %arg12[%swap3A_291, %swap3A_292], %swap3A_295 {strides = array<i32>} : memref<2x128xf32, #tpu.memory_space<vmem>>, vector<1x16xf32>,
      %swap3A_296 = arith.constant 0 : i32
      %swap3A_297 = arith.index_cast %swap3A_296 : i32 to index
      %swap3A_298 = arith.constant 80 : index
      %swap3A_299 = tpu.vector_load %arg12[%swap3A_297, %swap3A_298] {strides = array<i32>} : memref<2x128xf32, #tpu.memory_space<vmem>>, vector<1x16xf32>,
      %swap3A_300 = vector.shape_cast %swap3A_299 : vector<1x16xf32> to vector<16xf32>
      %swap3A_301 = vector.shape_cast %scan3A_264#5 : vector<16xf32> to vector<1x16xf32>
      tpu.vector_store %arg12[%swap3A_297, %swap3A_298], %swap3A_301 {strides = array<i32>} : memref<2x128xf32, #tpu.memory_space<vmem>>, vector<1x16xf32>,
      %swap3A_302 = arith.constant 0 : i32
      %swap3A_303 = arith.index_cast %swap3A_302 : i32 to index
      %swap3A_304 = arith.constant 96 : index
      %swap3A_305 = tpu.vector_load %arg12[%swap3A_303, %swap3A_304] {strides = array<i32>} : memref<2x128xf32, #tpu.memory_space<vmem>>, vector<1x16xf32>,
      %swap3A_306 = vector.shape_cast %swap3A_305 : vector<1x16xf32> to vector<16xf32>
      %swap3A_307 = vector.shape_cast %scan3A_264#6 : vector<16xf32> to vector<1x16xf32>
      tpu.vector_store %arg12[%swap3A_303, %swap3A_304], %swap3A_307 {strides = array<i32>} : memref<2x128xf32, #tpu.memory_space<vmem>>, vector<1x16xf32>,
      %swap3A_308 = arith.constant 0 : i32
      %swap3A_309 = arith.index_cast %swap3A_308 : i32 to index
      %swap3A_310 = arith.constant 112 : index
      %swap3A_311 = tpu.vector_load %arg12[%swap3A_309, %swap3A_310] {strides = array<i32>} : memref<2x128xf32, #tpu.memory_space<vmem>>, vector<1x16xf32>,
      %swap3A_312 = vector.shape_cast %swap3A_311 : vector<1x16xf32> to vector<16xf32>
      %swap3A_313 = vector.shape_cast %scan3A_264#7 : vector<16xf32> to vector<1x16xf32>
      tpu.vector_store %arg12[%swap3A_309, %swap3A_310], %swap3A_313 {strides = array<i32>} : memref<2x128xf32, #tpu.memory_space<vmem>>, vector<1x16xf32>,
      %broadcast_in_dim3A_314 = arith.constant 0.000000e+00 : f32
      %broadcast_in_dim3A_315 = vector.broadcast %broadcast_in_dim3A_314 : f32 to vector<16xf32>
      %broadcast_in_dim3A_316 = arith.constant 0.000000e+00 : f32
      %broadcast_in_dim3A_317 = vector.broadcast %broadcast_in_dim3A_316 : f32 to vector<16xf32>
      %broadcast_in_dim3A_318 = arith.constant 0.000000e+00 : f32
      %broadcast_in_dim3A_319 = vector.broadcast %broadcast_in_dim3A_318 : f32 to vector<16xf32>
      %broadcast_in_dim3A_320 = arith.constant 0.000000e+00 : f32
      %broadcast_in_dim3A_321 = vector.broadcast %broadcast_in_dim3A_320 : f32 to vector<16xf32>
      %broadcast_in_dim3A_322 = arith.constant 0.000000e+00 : f32
      %broadcast_in_dim3A_323 = vector.broadcast %broadcast_in_dim3A_322 : f32 to vector<16xf32>
      %broadcast_in_dim3A_324 = arith.constant 0.000000e+00 : f32
      %broadcast_in_dim3A_325 = vector.broadcast %broadcast_in_dim3A_324 : f32 to vector<16xf32>
      %broadcast_in_dim3A_326 = arith.constant 0.000000e+00 : f32
      %broadcast_in_dim3A_327 = vector.broadcast %broadcast_in_dim3A_326 : f32 to vector<16xf32>
      %broadcast_in_dim3A_328 = arith.constant 0.000000e+00 : f32
      %broadcast_in_dim3A_329 = vector.broadcast %broadcast_in_dim3A_328 : f32 to vector<16xf32>
      %scan3A_330 = arith.constant 0 : i32
      %scan3A_331 = arith.constant 8 : i32
      %scan3A_332 = arith.addi %scan3A_330, %scan3A_331 : i32
      %scan3A_333 = arith.constant 1 : i32
      %scan3A_334:8 = scf.for %scan3A_733 = %scan3A_330 to %scan3A_332 step %scan3A_333 iter_args(%scan3A_734 = %broadcast_in_dim3A_315, %scan3A_735 = %broadcast_in_dim3A_317, %scan3A_736 = %broadcast_in_dim3A_319, %scan3A_737 = %broadcast_in_dim3A_321, %scan3A_738 = %broadcast_in_dim3A_323, %scan3A_739 = %broadcast_in_dim3A_325, %scan3A_740 = %broadcast_in_dim3A_327, %scan3A_741 = %broadcast_in_dim3A_329) -> (vector<16xf32>, vector<16xf32>, vector<16xf32>, vector<16xf32>, vector<16xf32>, vector<16xf32>, vector<16xf32>, vector<16xf32>)  : i32 {
        %mul3A_742 = arith.constant 4 : i32
        %mul3A_743 = arith.muli %scan3A_733, %mul3A_742 : i32
        %add3A_744 = arith.constant 32 : i32
        %add3A_745 = arith.addi %add3A_744, %mul3A_743 : i32
        %add3A_746 = arith.constant 0 : i32
        %add3A_747 = arith.addi %add3A_745, %add3A_746 : i32
        %get3A = arith.index_cast %add3A_747 : i32 to index
        %get3A_748 = arith.constant 0 : index
        %get3A_749 = tpu.vector_load %arg8[%get3A, %get3A_748] {strides = array<i32>} : memref<64x128xf32, #tpu.memory_space<vmem>>, vector<1x16xf32>,
        %get3A_750 = vector.shape_cast %get3A_749 : vector<1x16xf32> to vector<16xf32>
        %add3A_751 = arith.addf %scan3A_734, %get3A_750 : vector<16xf32>
        %get3A_752 = arith.index_cast %add3A_747 : i32 to index
        %get3A_753 = arith.constant 16 : index
        %get3A_754 = tpu.vector_load %arg8[%get3A_752, %get3A_753] {strides = array<i32>} : memref<64x128xf32, #tpu.memory_space<vmem>>, vector<1x16xf32>,
        %get3A_755 = vector.shape_cast %get3A_754 : vector<1x16xf32> to vector<16xf32>
        %add3A_756 = arith.addf %scan3A_735, %get3A_755 : vector<16xf32>
        %get3A_757 = arith.index_cast %add3A_747 : i32 to index
        %get3A_758 = arith.constant 32 : index
        %get3A_759 = tpu.vector_load %arg8[%get3A_757, %get3A_758] {strides = array<i32>} : memref<64x128xf32, #tpu.memory_space<vmem>>, vector<1x16xf32>,
        %get3A_760 = vector.shape_cast %get3A_759 : vector<1x16xf32> to vector<16xf32>
        %add3A_761 = arith.addf %scan3A_736, %get3A_760 : vector<16xf32>
        %get3A_762 = arith.index_cast %add3A_747 : i32 to index
        %get3A_763 = arith.constant 48 : index
        %get3A_764 = tpu.vector_load %arg8[%get3A_762, %get3A_763] {strides = array<i32>} : memref<64x128xf32, #tpu.memory_space<vmem>>, vector<1x16xf32>,
        %get3A_765 = vector.shape_cast %get3A_764 : vector<1x16xf32> to vector<16xf32>
        %add3A_766 = arith.addf %scan3A_737, %get3A_765 : vector<16xf32>
        %get3A_767 = arith.index_cast %add3A_747 : i32 to index
        %get3A_768 = arith.constant 64 : index
        %get3A_769 = tpu.vector_load %arg8[%get3A_767, %get3A_768] {strides = array<i32>} : memref<64x128xf32, #tpu.memory_space<vmem>>, vector<1x16xf32>,
        %get3A_770 = vector.shape_cast %get3A_769 : vector<1x16xf32> to vector<16xf32>
        %add3A_771 = arith.addf %scan3A_738, %get3A_770 : vector<16xf32>
        %get3A_772 = arith.index_cast %add3A_747 : i32 to index
        %get3A_773 = arith.constant 80 : index
        %get3A_774 = tpu.vector_load %arg8[%get3A_772, %get3A_773] {strides = array<i32>} : memref<64x128xf32, #tpu.memory_space<vmem>>, vector<1x16xf32>,
        %get3A_775 = vector.shape_cast %get3A_774 : vector<1x16xf32> to vector<16xf32>
        %add3A_776 = arith.addf %scan3A_739, %get3A_775 : vector<16xf32>
        %get3A_777 = arith.index_cast %add3A_747 : i32 to index
        %get3A_778 = arith.constant 96 : index
        %get3A_779 = tpu.vector_load %arg8[%get3A_777, %get3A_778] {strides = array<i32>} : memref<64x128xf32, #tpu.memory_space<vmem>>, vector<1x16xf32>,
        %get3A_780 = vector.shape_cast %get3A_779 : vector<1x16xf32> to vector<16xf32>
        %add3A_781 = arith.addf %scan3A_740, %get3A_780 : vector<16xf32>
        %get3A_782 = arith.index_cast %add3A_747 : i32 to index
        %get3A_783 = arith.constant 112 : index
        %get3A_784 = tpu.vector_load %arg8[%get3A_782, %get3A_783] {strides = array<i32>} : memref<64x128xf32, #tpu.memory_space<vmem>>, vector<1x16xf32>,
        %get3A_785 = vector.shape_cast %get3A_784 : vector<1x16xf32> to vector<16xf32>
        %add3A_786 = arith.addf %scan3A_741, %get3A_785 : vector<16xf32>
        %mul3A_787 = arith.constant 4 : i32
        %mul3A_788 = arith.muli %scan3A_733, %mul3A_787 : i32
        %add3A_789 = arith.constant 32 : i32
        %add3A_790 = arith.addi %add3A_789, %mul3A_788 : i32
        %add3A_791 = arith.constant 1 : i32
        %add3A_792 = arith.addi %add3A_790, %add3A_791 : i32
        %get3A_793 = arith.index_cast %add3A_792 : i32 to index
        %get3A_794 = arith.constant 0 : index
        %get3A_795 = tpu.vector_load %arg8[%get3A_793, %get3A_794] {strides = array<i32>} : memref<64x128xf32, #tpu.memory_space<vmem>>, vector<1x16xf32>,
        %get3A_796 = vector.shape_cast %get3A_795 : vector<1x16xf32> to vector<16xf32>
        %add3A_797 = arith.addf %add3A_751, %get3A_796 : vector<16xf32>
        %get3A_798 = arith.index_cast %add3A_792 : i32 to index
        %get3A_799 = arith.constant 16 : index
        %get3A_800 = tpu.vector_load %arg8[%get3A_798, %get3A_799] {strides = array<i32>} : memref<64x128xf32, #tpu.memory_space<vmem>>, vector<1x16xf32>,
        %get3A_801 = vector.shape_cast %get3A_800 : vector<1x16xf32> to vector<16xf32>
        %add3A_802 = arith.addf %add3A_756, %get3A_801 : vector<16xf32>
        %get3A_803 = arith.index_cast %add3A_792 : i32 to index
        %get3A_804 = arith.constant 32 : index
        %get3A_805 = tpu.vector_load %arg8[%get3A_803, %get3A_804] {strides = array<i32>} : memref<64x128xf32, #tpu.memory_space<vmem>>, vector<1x16xf32>,
        %get3A_806 = vector.shape_cast %get3A_805 : vector<1x16xf32> to vector<16xf32>
        %add3A_807 = arith.addf %add3A_761, %get3A_806 : vector<16xf32>
        %get3A_808 = arith.index_cast %add3A_792 : i32 to index
        %get3A_809 = arith.constant 48 : index
        %get3A_810 = tpu.vector_load %arg8[%get3A_808, %get3A_809] {strides = array<i32>} : memref<64x128xf32, #tpu.memory_space<vmem>>, vector<1x16xf32>,
        %get3A_811 = vector.shape_cast %get3A_810 : vector<1x16xf32> to vector<16xf32>
        %add3A_812 = arith.addf %add3A_766, %get3A_811 : vector<16xf32>
        %get3A_813 = arith.index_cast %add3A_792 : i32 to index
        %get3A_814 = arith.constant 64 : index
        %get3A_815 = tpu.vector_load %arg8[%get3A_813, %get3A_814] {strides = array<i32>} : memref<64x128xf32, #tpu.memory_space<vmem>>, vector<1x16xf32>,
        %get3A_816 = vector.shape_cast %get3A_815 : vector<1x16xf32> to vector<16xf32>
        %add3A_817 = arith.addf %add3A_771, %get3A_816 : vector<16xf32>
        %get3A_818 = arith.index_cast %add3A_792 : i32 to index
        %get3A_819 = arith.constant 80 : index
        %get3A_820 = tpu.vector_load %arg8[%get3A_818, %get3A_819] {strides = array<i32>} : memref<64x128xf32, #tpu.memory_space<vmem>>, vector<1x16xf32>,
        %get3A_821 = vector.shape_cast %get3A_820 : vector<1x16xf32> to vector<16xf32>
        %add3A_822 = arith.addf %add3A_776, %get3A_821 : vector<16xf32>
        %get3A_823 = arith.index_cast %add3A_792 : i32 to index
        %get3A_824 = arith.constant 96 : index
        %get3A_825 = tpu.vector_load %arg8[%get3A_823, %get3A_824] {strides = array<i32>} : memref<64x128xf32, #tpu.memory_space<vmem>>, vector<1x16xf32>,
        %get3A_826 = vector.shape_cast %get3A_825 : vector<1x16xf32> to vector<16xf32>
        %add3A_827 = arith.addf %add3A_781, %get3A_826 : vector<16xf32>
        %get3A_828 = arith.index_cast %add3A_792 : i32 to index
        %get3A_829 = arith.constant 112 : index
        %get3A_830 = tpu.vector_load %arg8[%get3A_828, %get3A_829] {strides = array<i32>} : memref<64x128xf32, #tpu.memory_space<vmem>>, vector<1x16xf32>,
        %get3A_831 = vector.shape_cast %get3A_830 : vector<1x16xf32> to vector<16xf32>
        %add3A_832 = arith.addf %add3A_786, %get3A_831 : vector<16xf32>
        %mul3A_833 = arith.constant 4 : i32
        %mul3A_834 = arith.muli %scan3A_733, %mul3A_833 : i32
        %add3A_835 = arith.constant 32 : i32
        %add3A_836 = arith.addi %add3A_835, %mul3A_834 : i32
        %add3A_837 = arith.constant 2 : i32
        %add3A_838 = arith.addi %add3A_836, %add3A_837 : i32
        %get3A_839 = arith.index_cast %add3A_838 : i32 to index
        %get3A_840 = arith.constant 0 : index
        %get3A_841 = tpu.vector_load %arg8[%get3A_839, %get3A_840] {strides = array<i32>} : memref<64x128xf32, #tpu.memory_space<vmem>>, vector<1x16xf32>,
        %get3A_842 = vector.shape_cast %get3A_841 : vector<1x16xf32> to vector<16xf32>
        %add3A_843 = arith.addf %add3A_797, %get3A_842 : vector<16xf32>
        %get3A_844 = arith.index_cast %add3A_838 : i32 to index
        %get3A_845 = arith.constant 16 : index
        %get3A_846 = tpu.vector_load %arg8[%get3A_844, %get3A_845] {strides = array<i32>} : memref<64x128xf32, #tpu.memory_space<vmem>>, vector<1x16xf32>,
        %get3A_847 = vector.shape_cast %get3A_846 : vector<1x16xf32> to vector<16xf32>
        %add3A_848 = arith.addf %add3A_802, %get3A_847 : vector<16xf32>
        %get3A_849 = arith.index_cast %add3A_838 : i32 to index
        %get3A_850 = arith.constant 32 : index
        %get3A_851 = tpu.vector_load %arg8[%get3A_849, %get3A_850] {strides = array<i32>} : memref<64x128xf32, #tpu.memory_space<vmem>>, vector<1x16xf32>,
        %get3A_852 = vector.shape_cast %get3A_851 : vector<1x16xf32> to vector<16xf32>
        %add3A_853 = arith.addf %add3A_807, %get3A_852 : vector<16xf32>
        %get3A_854 = arith.index_cast %add3A_838 : i32 to index
        %get3A_855 = arith.constant 48 : index
        %get3A_856 = tpu.vector_load %arg8[%get3A_854, %get3A_855] {strides = array<i32>} : memref<64x128xf32, #tpu.memory_space<vmem>>, vector<1x16xf32>,
        %get3A_857 = vector.shape_cast %get3A_856 : vector<1x16xf32> to vector<16xf32>
        %add3A_858 = arith.addf %add3A_812, %get3A_857 : vector<16xf32>
        %get3A_859 = arith.index_cast %add3A_838 : i32 to index
        %get3A_860 = arith.constant 64 : index
        %get3A_861 = tpu.vector_load %arg8[%get3A_859, %get3A_860] {strides = array<i32>} : memref<64x128xf32, #tpu.memory_space<vmem>>, vector<1x16xf32>,
        %get3A_862 = vector.shape_cast %get3A_861 : vector<1x16xf32> to vector<16xf32>
        %add3A_863 = arith.addf %add3A_817, %get3A_862 : vector<16xf32>
        %get3A_864 = arith.index_cast %add3A_838 : i32 to index
        %get3A_865 = arith.constant 80 : index
        %get3A_866 = tpu.vector_load %arg8[%get3A_864, %get3A_865] {strides = array<i32>} : memref<64x128xf32, #tpu.memory_space<vmem>>, vector<1x16xf32>,
        %get3A_867 = vector.shape_cast %get3A_866 : vector<1x16xf32> to vector<16xf32>
        %add3A_868 = arith.addf %add3A_822, %get3A_867 : vector<16xf32>
        %get3A_869 = arith.index_cast %add3A_838 : i32 to index
        %get3A_870 = arith.constant 96 : index
        %get3A_871 = tpu.vector_load %arg8[%get3A_869, %get3A_870] {strides = array<i32>} : memref<64x128xf32, #tpu.memory_space<vmem>>, vector<1x16xf32>,
        %get3A_872 = vector.shape_cast %get3A_871 : vector<1x16xf32> to vector<16xf32>
        %add3A_873 = arith.addf %add3A_827, %get3A_872 : vector<16xf32>
        %get3A_874 = arith.index_cast %add3A_838 : i32 to index
        %get3A_875 = arith.constant 112 : index
        %get3A_876 = tpu.vector_load %arg8[%get3A_874, %get3A_875] {strides = array<i32>} : memref<64x128xf32, #tpu.memory_space<vmem>>, vector<1x16xf32>,
        %get3A_877 = vector.shape_cast %get3A_876 : vector<1x16xf32> to vector<16xf32>
        %add3A_878 = arith.addf %add3A_832, %get3A_877 : vector<16xf32>
        %mul3A_879 = arith.constant 4 : i32
        %mul3A_880 = arith.muli %scan3A_733, %mul3A_879 : i32
        %add3A_881 = arith.constant 32 : i32
        %add3A_882 = arith.addi %add3A_881, %mul3A_880 : i32
        %add3A_883 = arith.constant 3 : i32
        %add3A_884 = arith.addi %add3A_882, %add3A_883 : i32
        %get3A_885 = arith.index_cast %add3A_884 : i32 to index
        %get3A_886 = arith.constant 0 : index
        %get3A_887 = tpu.vector_load %arg8[%get3A_885, %get3A_886] {strides = array<i32>} : memref<64x128xf32, #tpu.memory_space<vmem>>, vector<1x16xf32>,
        %get3A_888 = vector.shape_cast %get3A_887 : vector<1x16xf32> to vector<16xf32>
        %add3A_889 = arith.addf %add3A_843, %get3A_888 : vector<16xf32>
        %get3A_890 = arith.index_cast %add3A_884 : i32 to index
        %get3A_891 = arith.constant 16 : index
        %get3A_892 = tpu.vector_load %arg8[%get3A_890, %get3A_891] {strides = array<i32>} : memref<64x128xf32, #tpu.memory_space<vmem>>, vector<1x16xf32>,
        %get3A_893 = vector.shape_cast %get3A_892 : vector<1x16xf32> to vector<16xf32>
        %add3A_894 = arith.addf %add3A_848, %get3A_893 : vector<16xf32>
        %get3A_895 = arith.index_cast %add3A_884 : i32 to index
        %get3A_896 = arith.constant 32 : index
        %get3A_897 = tpu.vector_load %arg8[%get3A_895, %get3A_896] {strides = array<i32>} : memref<64x128xf32, #tpu.memory_space<vmem>>, vector<1x16xf32>,
        %get3A_898 = vector.shape_cast %get3A_897 : vector<1x16xf32> to vector<16xf32>
        %add3A_899 = arith.addf %add3A_853, %get3A_898 : vector<16xf32>
        %get3A_900 = arith.index_cast %add3A_884 : i32 to index
        %get3A_901 = arith.constant 48 : index
        %get3A_902 = tpu.vector_load %arg8[%get3A_900, %get3A_901] {strides = array<i32>} : memref<64x128xf32, #tpu.memory_space<vmem>>, vector<1x16xf32>,
        %get3A_903 = vector.shape_cast %get3A_902 : vector<1x16xf32> to vector<16xf32>
        %add3A_904 = arith.addf %add3A_858, %get3A_903 : vector<16xf32>
        %get3A_905 = arith.index_cast %add3A_884 : i32 to index
        %get3A_906 = arith.constant 64 : index
        %get3A_907 = tpu.vector_load %arg8[%get3A_905, %get3A_906] {strides = array<i32>} : memref<64x128xf32, #tpu.memory_space<vmem>>, vector<1x16xf32>,
        %get3A_908 = vector.shape_cast %get3A_907 : vector<1x16xf32> to vector<16xf32>
        %add3A_909 = arith.addf %add3A_863, %get3A_908 : vector<16xf32>
        %get3A_910 = arith.index_cast %add3A_884 : i32 to index
        %get3A_911 = arith.constant 80 : index
        %get3A_912 = tpu.vector_load %arg8[%get3A_910, %get3A_911] {strides = array<i32>} : memref<64x128xf32, #tpu.memory_space<vmem>>, vector<1x16xf32>,
        %get3A_913 = vector.shape_cast %get3A_912 : vector<1x16xf32> to vector<16xf32>
        %add3A_914 = arith.addf %add3A_868, %get3A_913 : vector<16xf32>
        %get3A_915 = arith.index_cast %add3A_884 : i32 to index
        %get3A_916 = arith.constant 96 : index
        %get3A_917 = tpu.vector_load %arg8[%get3A_915, %get3A_916] {strides = array<i32>} : memref<64x128xf32, #tpu.memory_space<vmem>>, vector<1x16xf32>,
        %get3A_918 = vector.shape_cast %get3A_917 : vector<1x16xf32> to vector<16xf32>
        %add3A_919 = arith.addf %add3A_873, %get3A_918 : vector<16xf32>
        %get3A_920 = arith.index_cast %add3A_884 : i32 to index
        %get3A_921 = arith.constant 112 : index
        %get3A_922 = tpu.vector_load %arg8[%get3A_920, %get3A_921] {strides = array<i32>} : memref<64x128xf32, #tpu.memory_space<vmem>>, vector<1x16xf32>,
        %get3A_923 = vector.shape_cast %get3A_922 : vector<1x16xf32> to vector<16xf32>
        %add3A_924 = arith.addf %add3A_878, %get3A_923 : vector<16xf32>
        scf.yield %add3A_889, %add3A_894, %add3A_899, %add3A_904, %add3A_909, %add3A_914, %add3A_919, %add3A_924 : vector<16xf32>, vector<16xf32>, vector<16xf32>, vector<16xf32>, vector<16xf32>, vector<16xf32>, vector<16xf32>, vector<16xf32>
      }
      %scan3A_335 = arith.constant 8 : i32
      %swap3A_336 = arith.constant 1 : i32
      %swap3A_337 = arith.index_cast %swap3A_336 : i32 to index
      %swap3A_338 = arith.constant 0 : index
      %swap3A_339 = tpu.vector_load %arg12[%swap3A_337, %swap3A_338] {strides = array<i32>} : memref<2x128xf32, #tpu.memory_space<vmem>>, vector<1x16xf32>,
      %swap3A_340 = vector.shape_cast %swap3A_339 : vector<1x16xf32> to vector<16xf32>
      %swap3A_341 = vector.shape_cast %scan3A_334#0 : vector<16xf32> to vector<1x16xf32>
      tpu.vector_store %arg12[%swap3A_337, %swap3A_338], %swap3A_341 {strides = array<i32>} : memref<2x128xf32, #tpu.memory_space<vmem>>, vector<1x16xf32>,
      %swap3A_342 = arith.constant 1 : i32
      %swap3A_343 = arith.index_cast %swap3A_342 : i32 to index
      %swap3A_344 = arith.constant 16 : index
      %swap3A_345 = tpu.vector_load %arg12[%swap3A_343, %swap3A_344] {strides = array<i32>} : memref<2x128xf32, #tpu.memory_space<vmem>>, vector<1x16xf32>,
      %swap3A_346 = vector.shape_cast %swap3A_345 : vector<1x16xf32> to vector<16xf32>
      %swap3A_347 = vector.shape_cast %scan3A_334#1 : vector<16xf32> to vector<1x16xf32>
      tpu.vector_store %arg12[%swap3A_343, %swap3A_344], %swap3A_347 {strides = array<i32>} : memref<2x128xf32, #tpu.memory_space<vmem>>, vector<1x16xf32>,
      %swap3A_348 = arith.constant 1 : i32
      %swap3A_349 = arith.index_cast %swap3A_348 : i32 to index
      %swap3A_350 = arith.constant 32 : index
      %swap3A_351 = tpu.vector_load %arg12[%swap3A_349, %swap3A_350] {strides = array<i32>} : memref<2x128xf32, #tpu.memory_space<vmem>>, vector<1x16xf32>,
      %swap3A_352 = vector.shape_cast %swap3A_351 : vector<1x16xf32> to vector<16xf32>
      %swap3A_353 = vector.shape_cast %scan3A_334#2 : vector<16xf32> to vector<1x16xf32>
      tpu.vector_store %arg12[%swap3A_349, %swap3A_350], %swap3A_353 {strides = array<i32>} : memref<2x128xf32, #tpu.memory_space<vmem>>, vector<1x16xf32>,
      %swap3A_354 = arith.constant 1 : i32
      %swap3A_355 = arith.index_cast %swap3A_354 : i32 to index
      %swap3A_356 = arith.constant 48 : index
      %swap3A_357 = tpu.vector_load %arg12[%swap3A_355, %swap3A_356] {strides = array<i32>} : memref<2x128xf32, #tpu.memory_space<vmem>>, vector<1x16xf32>,
      %swap3A_358 = vector.shape_cast %swap3A_357 : vector<1x16xf32> to vector<16xf32>
      %swap3A_359 = vector.shape_cast %scan3A_334#3 : vector<16xf32> to vector<1x16xf32>
      tpu.vector_store %arg12[%swap3A_355, %swap3A_356], %swap3A_359 {strides = array<i32>} : memref<2x128xf32, #tpu.memory_space<vmem>>, vector<1x16xf32>,
      %swap3A_360 = arith.constant 1 : i32
      %swap3A_361 = arith.index_cast %swap3A_360 : i32 to index
      %swap3A_362 = arith.constant 64 : index
      %swap3A_363 = tpu.vector_load %arg12[%swap3A_361, %swap3A_362] {strides = array<i32>} : memref<2x128xf32, #tpu.memory_space<vmem>>, vector<1x16xf32>,
      %swap3A_364 = vector.shape_cast %swap3A_363 : vector<1x16xf32> to vector<16xf32>
      %swap3A_365 = vector.shape_cast %scan3A_334#4 : vector<16xf32> to vector<1x16xf32>
      tpu.vector_store %arg12[%swap3A_361, %swap3A_362], %swap3A_365 {strides = array<i32>} : memref<2x128xf32, #tpu.memory_space<vmem>>, vector<1x16xf32>,
      %swap3A_366 = arith.constant 1 : i32
      %swap3A_367 = arith.index_cast %swap3A_366 : i32 to index
      %swap3A_368 = arith.constant 80 : index
      %swap3A_369 = tpu.vector_load %arg12[%swap3A_367, %swap3A_368] {strides = array<i32>} : memref<2x128xf32, #tpu.memory_space<vmem>>, vector<1x16xf32>,
      %swap3A_370 = vector.shape_cast %swap3A_369 : vector<1x16xf32> to vector<16xf32>
      %swap3A_371 = vector.shape_cast %scan3A_334#5 : vector<16xf32> to vector<1x16xf32>
      tpu.vector_store %arg12[%swap3A_367, %swap3A_368], %swap3A_371 {strides = array<i32>} : memref<2x128xf32, #tpu.memory_space<vmem>>, vector<1x16xf32>,
      %swap3A_372 = arith.constant 1 : i32
      %swap3A_373 = arith.index_cast %swap3A_372 : i32 to index
      %swap3A_374 = arith.constant 96 : index
      %swap3A_375 = tpu.vector_load %arg12[%swap3A_373, %swap3A_374] {strides = array<i32>} : memref<2x128xf32, #tpu.memory_space<vmem>>, vector<1x16xf32>,
      %swap3A_376 = vector.shape_cast %swap3A_375 : vector<1x16xf32> to vector<16xf32>
      %swap3A_377 = vector.shape_cast %scan3A_334#6 : vector<16xf32> to vector<1x16xf32>
      tpu.vector_store %arg12[%swap3A_373, %swap3A_374], %swap3A_377 {strides = array<i32>} : memref<2x128xf32, #tpu.memory_space<vmem>>, vector<1x16xf32>,
      %swap3A_378 = arith.constant 1 : i32
      %swap3A_379 = arith.index_cast %swap3A_378 : i32 to index
      %swap3A_380 = arith.constant 112 : index
      %swap3A_381 = tpu.vector_load %arg12[%swap3A_379, %swap3A_380] {strides = array<i32>} : memref<2x128xf32, #tpu.memory_space<vmem>>, vector<1x16xf32>,
      %swap3A_382 = vector.shape_cast %swap3A_381 : vector<1x16xf32> to vector<16xf32>
      %swap3A_383 = vector.shape_cast %scan3A_334#7 : vector<16xf32> to vector<1x16xf32>
      tpu.vector_store %arg12[%swap3A_379, %swap3A_380], %swap3A_383 {strides = array<i32>} : memref<2x128xf32, #tpu.memory_space<vmem>>, vector<1x16xf32>,
      %mul3A_384 = arith.constant 2 : i32
      %mul3A_385 = arith.muli %add3A_232, %mul3A_384 : i32
      %add3A_386 = arith.addi %mul3A_2, %mul3A_385 : i32
      %dma_start3A_387 = arith.constant 0 : i32
      %dma_start3A_388 = tpu.memref_slice %arg4[%add3A_386, %dma_start3A_387] : memref<10000x128xf32, #tpu.memory_space<hbm>> -> memref<2x128xf32, #tpu.memory_space<hbm>>
      %dma_start3A_389 = arith.constant 0 : i32
      %dma_start3A_390 = tpu.memref_slice %arg4[%add3A_386, %dma_start3A_389] : memref<10000x128xf32, #tpu.memory_space<hbm>> -> memref<2x128xf32, #tpu.memory_space<hbm>>
      tpu.enqueue_dma source(%arg12 : memref<2x128xf32, #tpu.memory_space<vmem>>) target(%dma_start3A_390 : memref<2x128xf32, #tpu.memory_space<hbm>>) target_semaphore(%arg20 : memref<!tpu.dma_semaphore, #tpu.memory_space<semaphore_mem>>)
      %sub3A_391 = arith.constant 1 : i32
      %sub3A_392 = arith.subi %select_n3A, %sub3A_391 : i32
      %lt3A_393 = arith.cmpi slt, %while3A_65, %sub3A_392 : i32
      %convert_element_type3A_394 = arith.extui %lt3A_393 : i1 to i32
      %cond3A_395 = arith.constant 0 : i32
      %cond3A_396 = arith.cmpi ne, %convert_element_type3A_394, %cond3A_395 : i32
      scf.if %cond3A_396 {
        %add3A_733 = arith.constant 4 : i32
        %add3A_734 = arith.addi %add3A_232, %add3A_733 : i32
        %mul3A_735 = arith.constant 64 : i32
        %mul3A_736 = arith.muli %add3A_734, %mul3A_735 : i32
        %dma_start3A_737 = tpu.memref_slice %arg6[%mul3A_736] : memref<10240xi32, #tpu.memory_space<vmem>> -> memref<64xi32, #tpu.memory_space<vmem>>
        %dma_start3A_738 = arith.constant 0 : i32
        %dma_start3A_739 = arith.constant 0 : i32
        %dma_start3A_740 = tpu.memref_slice %arg5[%dma_start3A_738, %dma_start3A_739] : memref<10000x128xf32, #tpu.memory_space<vmem_shared>> -> memref<10000x128xf32, #tpu.memory_space<vmem_shared>>
        tpu.enqueue_indirect_dma source(%dma_start3A_740 : memref<10000x128xf32, #tpu.memory_space<vmem_shared>>) target(%arg8 : memref<64x128xf32, #tpu.memory_space<vmem>>) offsets(%dma_start3A_737 : memref<64xi32, #tpu.memory_space<vmem>>) semaphore(%arg16 : memref<!tpu.dma_semaphore, #tpu.memory_space<semaphore_mem>>)
      } else {
      }
      %mul3A_397 = arith.constant 4 : i32
      %mul3A_398 = arith.muli %while3A_65, %mul3A_397 : i32
      %add3A_399 = arith.constant 2 : i32
      %add3A_400 = arith.addi %mul3A_398, %add3A_399 : i32
      %dma_wait3A_401 = arith.constant 0 : i32
      %dma_wait3A_402 = arith.constant 0 : i32
      %dma_wait3A_403 = tpu.memref_slice %arg2[%dma_wait3A_401, %dma_wait3A_402] : memref<10000x128xf32, #tpu.memory_space<hbm>> -> memref<64x128xf32, #tpu.memory_space<hbm>>
      %dma_wait3A_404 = arith.constant 0 : i32
      %dma_wait3A_405 = arith.constant 0 : i32
      %dma_wait3A_406 = tpu.memref_slice %arg2[%dma_wait3A_404, %dma_wait3A_405] : memref<10000x128xf32, #tpu.memory_space<hbm>> -> memref<64x128xf32, #tpu.memory_space<hbm>>
      tpu.wait_dma2 semaphore(%arg17 : memref<!tpu.dma_semaphore, #tpu.memory_space<semaphore_mem>>) src(%dma_wait3A_406 : memref<64x128xf32, #tpu.memory_space<hbm>>) dst(%arg9 : memref<64x128xf32, #tpu.memory_space<vmem>>)
      %gt3A_407 = arith.constant 0 : i32
      %gt3A_408 = arith.cmpi sgt, %while3A_65, %gt3A_407 : i32
      %convert_element_type3A_409 = arith.extui %gt3A_408 : i1 to i32
      %cond3A_410 = arith.constant 0 : i32
      %cond3A_411 = arith.cmpi ne, %convert_element_type3A_409, %cond3A_410 : i32
      scf.if %cond3A_411 {
        %dma_wait3A_733 = arith.constant 0 : i32
        %dma_wait3A_734 = tpu.memref_slice %arg4[%mul3A_2, %dma_wait3A_733] : memref<10000x128xf32, #tpu.memory_space<hbm>> -> memref<2x128xf32, #tpu.memory_space<hbm>>
        %dma_wait3A_735 = arith.constant 0 : i32
        %dma_wait3A_736 = tpu.memref_slice %arg4[%mul3A_2, %dma_wait3A_735] : memref<10000x128xf32, #tpu.memory_space<hbm>> -> memref<2x128xf32, #tpu.memory_space<hbm>>
        tpu.wait_dma2 semaphore(%arg21 : memref<!tpu.dma_semaphore, #tpu.memory_space<semaphore_mem>>) src(%arg13 : memref<2x128xf32, #tpu.memory_space<vmem>>) dst(%dma_wait3A_736 : memref<2x128xf32, #tpu.memory_space<hbm>>)
      } else {
      }
      %broadcast_in_dim3A_412 = arith.constant 0.000000e+00 : f32
      %broadcast_in_dim3A_413 = vector.broadcast %broadcast_in_dim3A_412 : f32 to vector<16xf32>
      %broadcast_in_dim3A_414 = arith.constant 0.000000e+00 : f32
      %broadcast_in_dim3A_415 = vector.broadcast %broadcast_in_dim3A_414 : f32 to vector<16xf32>
      %broadcast_in_dim3A_416 = arith.constant 0.000000e+00 : f32
      %broadcast_in_dim3A_417 = vector.broadcast %broadcast_in_dim3A_416 : f32 to vector<16xf32>
      %broadcast_in_dim3A_418 = arith.constant 0.000000e+00 : f32
      %broadcast_in_dim3A_419 = vector.broadcast %broadcast_in_dim3A_418 : f32 to vector<16xf32>
      %broadcast_in_dim3A_420 = arith.constant 0.000000e+00 : f32
      %broadcast_in_dim3A_421 = vector.broadcast %broadcast_in_dim3A_420 : f32 to vector<16xf32>
      %broadcast_in_dim3A_422 = arith.constant 0.000000e+00 : f32
      %broadcast_in_dim3A_423 = vector.broadcast %broadcast_in_dim3A_422 : f32 to vector<16xf32>
      %broadcast_in_dim3A_424 = arith.constant 0.000000e+00 : f32
      %broadcast_in_dim3A_425 = vector.broadcast %broadcast_in_dim3A_424 : f32 to vector<16xf32>
      %broadcast_in_dim3A_426 = arith.constant 0.000000e+00 : f32
      %broadcast_in_dim3A_427 = vector.broadcast %broadcast_in_dim3A_426 : f32 to vector<16xf32>
      %scan3A_428 = arith.constant 0 : i32
      %scan3A_429 = arith.constant 8 : i32
      %scan3A_430 = arith.addi %scan3A_428, %scan3A_429 : i32
      %scan3A_431 = arith.constant 1 : i32
      %scan3A_432:8 = scf.for %scan3A_733 = %scan3A_428 to %scan3A_430 step %scan3A_431 iter_args(%scan3A_734 = %broadcast_in_dim3A_413, %scan3A_735 = %broadcast_in_dim3A_415, %scan3A_736 = %broadcast_in_dim3A_417, %scan3A_737 = %broadcast_in_dim3A_419, %scan3A_738 = %broadcast_in_dim3A_421, %scan3A_739 = %broadcast_in_dim3A_423, %scan3A_740 = %broadcast_in_dim3A_425, %scan3A_741 = %broadcast_in_dim3A_427) -> (vector<16xf32>, vector<16xf32>, vector<16xf32>, vector<16xf32>, vector<16xf32>, vector<16xf32>, vector<16xf32>, vector<16xf32>)  : i32 {
        %mul3A_742 = arith.constant 4 : i32
        %mul3A_743 = arith.muli %scan3A_733, %mul3A_742 : i32
        %add3A_744 = arith.constant 0 : i32
        %add3A_745 = arith.addi %add3A_744, %mul3A_743 : i32
        %add3A_746 = arith.constant 0 : i32
        %add3A_747 = arith.addi %add3A_745, %add3A_746 : i32
        %get3A = arith.index_cast %add3A_747 : i32 to index
        %get3A_748 = arith.constant 0 : index
        %get3A_749 = tpu.vector_load %arg9[%get3A, %get3A_748] {strides = array<i32>} : memref<64x128xf32, #tpu.memory_space<vmem>>, vector<1x16xf32>,
        %get3A_750 = vector.shape_cast %get3A_749 : vector<1x16xf32> to vector<16xf32>
        %add3A_751 = arith.addf %scan3A_734, %get3A_750 : vector<16xf32>
        %get3A_752 = arith.index_cast %add3A_747 : i32 to index
        %get3A_753 = arith.constant 16 : index
        %get3A_754 = tpu.vector_load %arg9[%get3A_752, %get3A_753] {strides = array<i32>} : memref<64x128xf32, #tpu.memory_space<vmem>>, vector<1x16xf32>,
        %get3A_755 = vector.shape_cast %get3A_754 : vector<1x16xf32> to vector<16xf32>
        %add3A_756 = arith.addf %scan3A_735, %get3A_755 : vector<16xf32>
        %get3A_757 = arith.index_cast %add3A_747 : i32 to index
        %get3A_758 = arith.constant 32 : index
        %get3A_759 = tpu.vector_load %arg9[%get3A_757, %get3A_758] {strides = array<i32>} : memref<64x128xf32, #tpu.memory_space<vmem>>, vector<1x16xf32>,
        %get3A_760 = vector.shape_cast %get3A_759 : vector<1x16xf32> to vector<16xf32>
        %add3A_761 = arith.addf %scan3A_736, %get3A_760 : vector<16xf32>
        %get3A_762 = arith.index_cast %add3A_747 : i32 to index
        %get3A_763 = arith.constant 48 : index
        %get3A_764 = tpu.vector_load %arg9[%get3A_762, %get3A_763] {strides = array<i32>} : memref<64x128xf32, #tpu.memory_space<vmem>>, vector<1x16xf32>,
        %get3A_765 = vector.shape_cast %get3A_764 : vector<1x16xf32> to vector<16xf32>
        %add3A_766 = arith.addf %scan3A_737, %get3A_765 : vector<16xf32>
        %get3A_767 = arith.index_cast %add3A_747 : i32 to index
        %get3A_768 = arith.constant 64 : index
        %get3A_769 = tpu.vector_load %arg9[%get3A_767, %get3A_768] {strides = array<i32>} : memref<64x128xf32, #tpu.memory_space<vmem>>, vector<1x16xf32>,
        %get3A_770 = vector.shape_cast %get3A_769 : vector<1x16xf32> to vector<16xf32>
        %add3A_771 = arith.addf %scan3A_738, %get3A_770 : vector<16xf32>
        %get3A_772 = arith.index_cast %add3A_747 : i32 to index
        %get3A_773 = arith.constant 80 : index
        %get3A_774 = tpu.vector_load %arg9[%get3A_772, %get3A_773] {strides = array<i32>} : memref<64x128xf32, #tpu.memory_space<vmem>>, vector<1x16xf32>,
        %get3A_775 = vector.shape_cast %get3A_774 : vector<1x16xf32> to vector<16xf32>
        %add3A_776 = arith.addf %scan3A_739, %get3A_775 : vector<16xf32>
        %get3A_777 = arith.index_cast %add3A_747 : i32 to index
        %get3A_778 = arith.constant 96 : index
        %get3A_779 = tpu.vector_load %arg9[%get3A_777, %get3A_778] {strides = array<i32>} : memref<64x128xf32, #tpu.memory_space<vmem>>, vector<1x16xf32>,
        %get3A_780 = vector.shape_cast %get3A_779 : vector<1x16xf32> to vector<16xf32>
        %add3A_781 = arith.addf %scan3A_740, %get3A_780 : vector<16xf32>
        %get3A_782 = arith.index_cast %add3A_747 : i32 to index
        %get3A_783 = arith.constant 112 : index
        %get3A_784 = tpu.vector_load %arg9[%get3A_782, %get3A_783] {strides = array<i32>} : memref<64x128xf32, #tpu.memory_space<vmem>>, vector<1x16xf32>,
        %get3A_785 = vector.shape_cast %get3A_784 : vector<1x16xf32> to vector<16xf32>
        %add3A_786 = arith.addf %scan3A_741, %get3A_785 : vector<16xf32>
        %mul3A_787 = arith.constant 4 : i32
        %mul3A_788 = arith.muli %scan3A_733, %mul3A_787 : i32
        %add3A_789 = arith.constant 0 : i32
        %add3A_790 = arith.addi %add3A_789, %mul3A_788 : i32
        %add3A_791 = arith.constant 1 : i32
        %add3A_792 = arith.addi %add3A_790, %add3A_791 : i32
        %get3A_793 = arith.index_cast %add3A_792 : i32 to index
        %get3A_794 = arith.constant 0 : index
        %get3A_795 = tpu.vector_load %arg9[%get3A_793, %get3A_794] {strides = array<i32>} : memref<64x128xf32, #tpu.memory_space<vmem>>, vector<1x16xf32>,
        %get3A_796 = vector.shape_cast %get3A_795 : vector<1x16xf32> to vector<16xf32>
        %add3A_797 = arith.addf %add3A_751, %get3A_796 : vector<16xf32>
        %get3A_798 = arith.index_cast %add3A_792 : i32 to index
        %get3A_799 = arith.constant 16 : index
        %get3A_800 = tpu.vector_load %arg9[%get3A_798, %get3A_799] {strides = array<i32>} : memref<64x128xf32, #tpu.memory_space<vmem>>, vector<1x16xf32>,
        %get3A_801 = vector.shape_cast %get3A_800 : vector<1x16xf32> to vector<16xf32>
        %add3A_802 = arith.addf %add3A_756, %get3A_801 : vector<16xf32>
        %get3A_803 = arith.index_cast %add3A_792 : i32 to index
        %get3A_804 = arith.constant 32 : index
        %get3A_805 = tpu.vector_load %arg9[%get3A_803, %get3A_804] {strides = array<i32>} : memref<64x128xf32, #tpu.memory_space<vmem>>, vector<1x16xf32>,
        %get3A_806 = vector.shape_cast %get3A_805 : vector<1x16xf32> to vector<16xf32>
        %add3A_807 = arith.addf %add3A_761, %get3A_806 : vector<16xf32>
        %get3A_808 = arith.index_cast %add3A_792 : i32 to index
        %get3A_809 = arith.constant 48 : index
        %get3A_810 = tpu.vector_load %arg9[%get3A_808, %get3A_809] {strides = array<i32>} : memref<64x128xf32, #tpu.memory_space<vmem>>, vector<1x16xf32>,
        %get3A_811 = vector.shape_cast %get3A_810 : vector<1x16xf32> to vector<16xf32>
        %add3A_812 = arith.addf %add3A_766, %get3A_811 : vector<16xf32>
        %get3A_813 = arith.index_cast %add3A_792 : i32 to index
        %get3A_814 = arith.constant 64 : index
        %get3A_815 = tpu.vector_load %arg9[%get3A_813, %get3A_814] {strides = array<i32>} : memref<64x128xf32, #tpu.memory_space<vmem>>, vector<1x16xf32>,
        %get3A_816 = vector.shape_cast %get3A_815 : vector<1x16xf32> to vector<16xf32>
        %add3A_817 = arith.addf %add3A_771, %get3A_816 : vector<16xf32>
        %get3A_818 = arith.index_cast %add3A_792 : i32 to index
        %get3A_819 = arith.constant 80 : index
        %get3A_820 = tpu.vector_load %arg9[%get3A_818, %get3A_819] {strides = array<i32>} : memref<64x128xf32, #tpu.memory_space<vmem>>, vector<1x16xf32>,
        %get3A_821 = vector.shape_cast %get3A_820 : vector<1x16xf32> to vector<16xf32>
        %add3A_822 = arith.addf %add3A_776, %get3A_821 : vector<16xf32>
        %get3A_823 = arith.index_cast %add3A_792 : i32 to index
        %get3A_824 = arith.constant 96 : index
        %get3A_825 = tpu.vector_load %arg9[%get3A_823, %get3A_824] {strides = array<i32>} : memref<64x128xf32, #tpu.memory_space<vmem>>, vector<1x16xf32>,
        %get3A_826 = vector.shape_cast %get3A_825 : vector<1x16xf32> to vector<16xf32>
        %add3A_827 = arith.addf %add3A_781, %get3A_826 : vector<16xf32>
        %get3A_828 = arith.index_cast %add3A_792 : i32 to index
        %get3A_829 = arith.constant 112 : index
        %get3A_830 = tpu.vector_load %arg9[%get3A_828, %get3A_829] {strides = array<i32>} : memref<64x128xf32, #tpu.memory_space<vmem>>, vector<1x16xf32>,
        %get3A_831 = vector.shape_cast %get3A_830 : vector<1x16xf32> to vector<16xf32>
        %add3A_832 = arith.addf %add3A_786, %get3A_831 : vector<16xf32>
        %mul3A_833 = arith.constant 4 : i32
        %mul3A_834 = arith.muli %scan3A_733, %mul3A_833 : i32
        %add3A_835 = arith.constant 0 : i32
        %add3A_836 = arith.addi %add3A_835, %mul3A_834 : i32
        %add3A_837 = arith.constant 2 : i32
        %add3A_838 = arith.addi %add3A_836, %add3A_837 : i32
        %get3A_839 = arith.index_cast %add3A_838 : i32 to index
        %get3A_840 = arith.constant 0 : index
        %get3A_841 = tpu.vector_load %arg9[%get3A_839, %get3A_840] {strides = array<i32>} : memref<64x128xf32, #tpu.memory_space<vmem>>, vector<1x16xf32>,
        %get3A_842 = vector.shape_cast %get3A_841 : vector<1x16xf32> to vector<16xf32>
        %add3A_843 = arith.addf %add3A_797, %get3A_842 : vector<16xf32>
        %get3A_844 = arith.index_cast %add3A_838 : i32 to index
        %get3A_845 = arith.constant 16 : index
        %get3A_846 = tpu.vector_load %arg9[%get3A_844, %get3A_845] {strides = array<i32>} : memref<64x128xf32, #tpu.memory_space<vmem>>, vector<1x16xf32>,
        %get3A_847 = vector.shape_cast %get3A_846 : vector<1x16xf32> to vector<16xf32>
        %add3A_848 = arith.addf %add3A_802, %get3A_847 : vector<16xf32>
        %get3A_849 = arith.index_cast %add3A_838 : i32 to index
        %get3A_850 = arith.constant 32 : index
        %get3A_851 = tpu.vector_load %arg9[%get3A_849, %get3A_850] {strides = array<i32>} : memref<64x128xf32, #tpu.memory_space<vmem>>, vector<1x16xf32>,
        %get3A_852 = vector.shape_cast %get3A_851 : vector<1x16xf32> to vector<16xf32>
        %add3A_853 = arith.addf %add3A_807, %get3A_852 : vector<16xf32>
        %get3A_854 = arith.index_cast %add3A_838 : i32 to index
        %get3A_855 = arith.constant 48 : index
        %get3A_856 = tpu.vector_load %arg9[%get3A_854, %get3A_855] {strides = array<i32>} : memref<64x128xf32, #tpu.memory_space<vmem>>, vector<1x16xf32>,
        %get3A_857 = vector.shape_cast %get3A_856 : vector<1x16xf32> to vector<16xf32>
        %add3A_858 = arith.addf %add3A_812, %get3A_857 : vector<16xf32>
        %get3A_859 = arith.index_cast %add3A_838 : i32 to index
        %get3A_860 = arith.constant 64 : index
        %get3A_861 = tpu.vector_load %arg9[%get3A_859, %get3A_860] {strides = array<i32>} : memref<64x128xf32, #tpu.memory_space<vmem>>, vector<1x16xf32>,
        %get3A_862 = vector.shape_cast %get3A_861 : vector<1x16xf32> to vector<16xf32>
        %add3A_863 = arith.addf %add3A_817, %get3A_862 : vector<16xf32>
        %get3A_864 = arith.index_cast %add3A_838 : i32 to index
        %get3A_865 = arith.constant 80 : index
        %get3A_866 = tpu.vector_load %arg9[%get3A_864, %get3A_865] {strides = array<i32>} : memref<64x128xf32, #tpu.memory_space<vmem>>, vector<1x16xf32>,
        %get3A_867 = vector.shape_cast %get3A_866 : vector<1x16xf32> to vector<16xf32>
        %add3A_868 = arith.addf %add3A_822, %get3A_867 : vector<16xf32>
        %get3A_869 = arith.index_cast %add3A_838 : i32 to index
        %get3A_870 = arith.constant 96 : index
        %get3A_871 = tpu.vector_load %arg9[%get3A_869, %get3A_870] {strides = array<i32>} : memref<64x128xf32, #tpu.memory_space<vmem>>, vector<1x16xf32>,
        %get3A_872 = vector.shape_cast %get3A_871 : vector<1x16xf32> to vector<16xf32>
        %add3A_873 = arith.addf %add3A_827, %get3A_872 : vector<16xf32>
        %get3A_874 = arith.index_cast %add3A_838 : i32 to index
        %get3A_875 = arith.constant 112 : index
        %get3A_876 = tpu.vector_load %arg9[%get3A_874, %get3A_875] {strides = array<i32>} : memref<64x128xf32, #tpu.memory_space<vmem>>, vector<1x16xf32>,
        %get3A_877 = vector.shape_cast %get3A_876 : vector<1x16xf32> to vector<16xf32>
        %add3A_878 = arith.addf %add3A_832, %get3A_877 : vector<16xf32>
        %mul3A_879 = arith.constant 4 : i32
        %mul3A_880 = arith.muli %scan3A_733, %mul3A_879 : i32
        %add3A_881 = arith.constant 0 : i32
        %add3A_882 = arith.addi %add3A_881, %mul3A_880 : i32
        %add3A_883 = arith.constant 3 : i32
        %add3A_884 = arith.addi %add3A_882, %add3A_883 : i32
        %get3A_885 = arith.index_cast %add3A_884 : i32 to index
        %get3A_886 = arith.constant 0 : index
        %get3A_887 = tpu.vector_load %arg9[%get3A_885, %get3A_886] {strides = array<i32>} : memref<64x128xf32, #tpu.memory_space<vmem>>, vector<1x16xf32>,
        %get3A_888 = vector.shape_cast %get3A_887 : vector<1x16xf32> to vector<16xf32>
        %add3A_889 = arith.addf %add3A_843, %get3A_888 : vector<16xf32>
        %get3A_890 = arith.index_cast %add3A_884 : i32 to index
        %get3A_891 = arith.constant 16 : index
        %get3A_892 = tpu.vector_load %arg9[%get3A_890, %get3A_891] {strides = array<i32>} : memref<64x128xf32, #tpu.memory_space<vmem>>, vector<1x16xf32>,
        %get3A_893 = vector.shape_cast %get3A_892 : vector<1x16xf32> to vector<16xf32>
        %add3A_894 = arith.addf %add3A_848, %get3A_893 : vector<16xf32>
        %get3A_895 = arith.index_cast %add3A_884 : i32 to index
        %get3A_896 = arith.constant 32 : index
        %get3A_897 = tpu.vector_load %arg9[%get3A_895, %get3A_896] {strides = array<i32>} : memref<64x128xf32, #tpu.memory_space<vmem>>, vector<1x16xf32>,
        %get3A_898 = vector.shape_cast %get3A_897 : vector<1x16xf32> to vector<16xf32>
        %add3A_899 = arith.addf %add3A_853, %get3A_898 : vector<16xf32>
        %get3A_900 = arith.index_cast %add3A_884 : i32 to index
        %get3A_901 = arith.constant 48 : index
        %get3A_902 = tpu.vector_load %arg9[%get3A_900, %get3A_901] {strides = array<i32>} : memref<64x128xf32, #tpu.memory_space<vmem>>, vector<1x16xf32>,
        %get3A_903 = vector.shape_cast %get3A_902 : vector<1x16xf32> to vector<16xf32>
        %add3A_904 = arith.addf %add3A_858, %get3A_903 : vector<16xf32>
        %get3A_905 = arith.index_cast %add3A_884 : i32 to index
        %get3A_906 = arith.constant 64 : index
        %get3A_907 = tpu.vector_load %arg9[%get3A_905, %get3A_906] {strides = array<i32>} : memref<64x128xf32, #tpu.memory_space<vmem>>, vector<1x16xf32>,
        %get3A_908 = vector.shape_cast %get3A_907 : vector<1x16xf32> to vector<16xf32>
        %add3A_909 = arith.addf %add3A_863, %get3A_908 : vector<16xf32>
        %get3A_910 = arith.index_cast %add3A_884 : i32 to index
        %get3A_911 = arith.constant 80 : index
        %get3A_912 = tpu.vector_load %arg9[%get3A_910, %get3A_911] {strides = array<i32>} : memref<64x128xf32, #tpu.memory_space<vmem>>, vector<1x16xf32>,
        %get3A_913 = vector.shape_cast %get3A_912 : vector<1x16xf32> to vector<16xf32>
        %add3A_914 = arith.addf %add3A_868, %get3A_913 : vector<16xf32>
        %get3A_915 = arith.index_cast %add3A_884 : i32 to index
        %get3A_916 = arith.constant 96 : index
        %get3A_917 = tpu.vector_load %arg9[%get3A_915, %get3A_916] {strides = array<i32>} : memref<64x128xf32, #tpu.memory_space<vmem>>, vector<1x16xf32>,
        %get3A_918 = vector.shape_cast %get3A_917 : vector<1x16xf32> to vector<16xf32>
        %add3A_919 = arith.addf %add3A_873, %get3A_918 : vector<16xf32>
        %get3A_920 = arith.index_cast %add3A_884 : i32 to index
        %get3A_921 = arith.constant 112 : index
        %get3A_922 = tpu.vector_load %arg9[%get3A_920, %get3A_921] {strides = array<i32>} : memref<64x128xf32, #tpu.memory_space<vmem>>, vector<1x16xf32>,
        %get3A_923 = vector.shape_cast %get3A_922 : vector<1x16xf32> to vector<16xf32>
        %add3A_924 = arith.addf %add3A_878, %get3A_923 : vector<16xf32>
        scf.yield %add3A_889, %add3A_894, %add3A_899, %add3A_904, %add3A_909, %add3A_914, %add3A_919, %add3A_924 : vector<16xf32>, vector<16xf32>, vector<16xf32>, vector<16xf32>, vector<16xf32>, vector<16xf32>, vector<16xf32>, vector<16xf32>
      }
      %scan3A_433 = arith.constant 8 : i32
      %swap3A_434 = arith.constant 0 : i32
      %swap3A_435 = arith.index_cast %swap3A_434 : i32 to index
      %swap3A_436 = arith.constant 0 : index
      %swap3A_437 = tpu.vector_load %arg13[%swap3A_435, %swap3A_436] {strides = array<i32>} : memref<2x128xf32, #tpu.memory_space<vmem>>, vector<1x16xf32>,
      %swap3A_438 = vector.shape_cast %swap3A_437 : vector<1x16xf32> to vector<16xf32>
      %swap3A_439 = vector.shape_cast %scan3A_432#0 : vector<16xf32> to vector<1x16xf32>
      tpu.vector_store %arg13[%swap3A_435, %swap3A_436], %swap3A_439 {strides = array<i32>} : memref<2x128xf32, #tpu.memory_space<vmem>>, vector<1x16xf32>,
      %swap3A_440 = arith.constant 0 : i32
      %swap3A_441 = arith.index_cast %swap3A_440 : i32 to index
      %swap3A_442 = arith.constant 16 : index
      %swap3A_443 = tpu.vector_load %arg13[%swap3A_441, %swap3A_442] {strides = array<i32>} : memref<2x128xf32, #tpu.memory_space<vmem>>, vector<1x16xf32>,
      %swap3A_444 = vector.shape_cast %swap3A_443 : vector<1x16xf32> to vector<16xf32>
      %swap3A_445 = vector.shape_cast %scan3A_432#1 : vector<16xf32> to vector<1x16xf32>
      tpu.vector_store %arg13[%swap3A_441, %swap3A_442], %swap3A_445 {strides = array<i32>} : memref<2x128xf32, #tpu.memory_space<vmem>>, vector<1x16xf32>,
      %swap3A_446 = arith.constant 0 : i32
      %swap3A_447 = arith.index_cast %swap3A_446 : i32 to index
      %swap3A_448 = arith.constant 32 : index
      %swap3A_449 = tpu.vector_load %arg13[%swap3A_447, %swap3A_448] {strides = array<i32>} : memref<2x128xf32, #tpu.memory_space<vmem>>, vector<1x16xf32>,
      %swap3A_450 = vector.shape_cast %swap3A_449 : vector<1x16xf32> to vector<16xf32>
      %swap3A_451 = vector.shape_cast %scan3A_432#2 : vector<16xf32> to vector<1x16xf32>
      tpu.vector_store %arg13[%swap3A_447, %swap3A_448], %swap3A_451 {strides = array<i32>} : memref<2x128xf32, #tpu.memory_space<vmem>>, vector<1x16xf32>,
      %swap3A_452 = arith.constant 0 : i32
      %swap3A_453 = arith.index_cast %swap3A_452 : i32 to index
      %swap3A_454 = arith.constant 48 : index
      %swap3A_455 = tpu.vector_load %arg13[%swap3A_453, %swap3A_454] {strides = array<i32>} : memref<2x128xf32, #tpu.memory_space<vmem>>, vector<1x16xf32>,
      %swap3A_456 = vector.shape_cast %swap3A_455 : vector<1x16xf32> to vector<16xf32>
      %swap3A_457 = vector.shape_cast %scan3A_432#3 : vector<16xf32> to vector<1x16xf32>
      tpu.vector_store %arg13[%swap3A_453, %swap3A_454], %swap3A_457 {strides = array<i32>} : memref<2x128xf32, #tpu.memory_space<vmem>>, vector<1x16xf32>,
      %swap3A_458 = arith.constant 0 : i32
      %swap3A_459 = arith.index_cast %swap3A_458 : i32 to index
      %swap3A_460 = arith.constant 64 : index
      %swap3A_461 = tpu.vector_load %arg13[%swap3A_459, %swap3A_460] {strides = array<i32>} : memref<2x128xf32, #tpu.memory_space<vmem>>, vector<1x16xf32>,
      %swap3A_462 = vector.shape_cast %swap3A_461 : vector<1x16xf32> to vector<16xf32>
      %swap3A_463 = vector.shape_cast %scan3A_432#4 : vector<16xf32> to vector<1x16xf32>
      tpu.vector_store %arg13[%swap3A_459, %swap3A_460], %swap3A_463 {strides = array<i32>} : memref<2x128xf32, #tpu.memory_space<vmem>>, vector<1x16xf32>,
      %swap3A_464 = arith.constant 0 : i32
      %swap3A_465 = arith.index_cast %swap3A_464 : i32 to index
      %swap3A_466 = arith.constant 80 : index
      %swap3A_467 = tpu.vector_load %arg13[%swap3A_465, %swap3A_466] {strides = array<i32>} : memref<2x128xf32, #tpu.memory_space<vmem>>, vector<1x16xf32>,
      %swap3A_468 = vector.shape_cast %swap3A_467 : vector<1x16xf32> to vector<16xf32>
      %swap3A_469 = vector.shape_cast %scan3A_432#5 : vector<16xf32> to vector<1x16xf32>
      tpu.vector_store %arg13[%swap3A_465, %swap3A_466], %swap3A_469 {strides = array<i32>} : memref<2x128xf32, #tpu.memory_space<vmem>>, vector<1x16xf32>,
      %swap3A_470 = arith.constant 0 : i32
      %swap3A_471 = arith.index_cast %swap3A_470 : i32 to index
      %swap3A_472 = arith.constant 96 : index
      %swap3A_473 = tpu.vector_load %arg13[%swap3A_471, %swap3A_472] {strides = array<i32>} : memref<2x128xf32, #tpu.memory_space<vmem>>, vector<1x16xf32>,
      %swap3A_474 = vector.shape_cast %swap3A_473 : vector<1x16xf32> to vector<16xf32>
      %swap3A_475 = vector.shape_cast %scan3A_432#6 : vector<16xf32> to vector<1x16xf32>
      tpu.vector_store %arg13[%swap3A_471, %swap3A_472], %swap3A_475 {strides = array<i32>} : memref<2x128xf32, #tpu.memory_space<vmem>>, vector<1x16xf32>,
      %swap3A_476 = arith.constant 0 : i32
      %swap3A_477 = arith.index_cast %swap3A_476 : i32 to index
      %swap3A_478 = arith.constant 112 : index
      %swap3A_479 = tpu.vector_load %arg13[%swap3A_477, %swap3A_478] {strides = array<i32>} : memref<2x128xf32, #tpu.memory_space<vmem>>, vector<1x16xf32>,
      %swap3A_480 = vector.shape_cast %swap3A_479 : vector<1x16xf32> to vector<16xf32>
      %swap3A_481 = vector.shape_cast %scan3A_432#7 : vector<16xf32> to vector<1x16xf32>
      tpu.vector_store %arg13[%swap3A_477, %swap3A_478], %swap3A_481 {strides = array<i32>} : memref<2x128xf32, #tpu.memory_space<vmem>>, vector<1x16xf32>,
      %broadcast_in_dim3A_482 = arith.constant 0.000000e+00 : f32
      %broadcast_in_dim3A_483 = vector.broadcast %broadcast_in_dim3A_482 : f32 to vector<16xf32>
      %broadcast_in_dim3A_484 = arith.constant 0.000000e+00 : f32
      %broadcast_in_dim3A_485 = vector.broadcast %broadcast_in_dim3A_484 : f32 to vector<16xf32>
      %broadcast_in_dim3A_486 = arith.constant 0.000000e+00 : f32
      %broadcast_in_dim3A_487 = vector.broadcast %broadcast_in_dim3A_486 : f32 to vector<16xf32>
      %broadcast_in_dim3A_488 = arith.constant 0.000000e+00 : f32
      %broadcast_in_dim3A_489 = vector.broadcast %broadcast_in_dim3A_488 : f32 to vector<16xf32>
      %broadcast_in_dim3A_490 = arith.constant 0.000000e+00 : f32
      %broadcast_in_dim3A_491 = vector.broadcast %broadcast_in_dim3A_490 : f32 to vector<16xf32>
      %broadcast_in_dim3A_492 = arith.constant 0.000000e+00 : f32
      %broadcast_in_dim3A_493 = vector.broadcast %broadcast_in_dim3A_492 : f32 to vector<16xf32>
      %broadcast_in_dim3A_494 = arith.constant 0.000000e+00 : f32
      %broadcast_in_dim3A_495 = vector.broadcast %broadcast_in_dim3A_494 : f32 to vector<16xf32>
      %broadcast_in_dim3A_496 = arith.constant 0.000000e+00 : f32
      %broadcast_in_dim3A_497 = vector.broadcast %broadcast_in_dim3A_496 : f32 to vector<16xf32>
      %scan3A_498 = arith.constant 0 : i32
      %scan3A_499 = arith.constant 8 : i32
      %scan3A_500 = arith.addi %scan3A_498, %scan3A_499 : i32
      %scan3A_501 = arith.constant 1 : i32
      %scan3A_502:8 = scf.for %scan3A_733 = %scan3A_498 to %scan3A_500 step %scan3A_501 iter_args(%scan3A_734 = %broadcast_in_dim3A_483, %scan3A_735 = %broadcast_in_dim3A_485, %scan3A_736 = %broadcast_in_dim3A_487, %scan3A_737 = %broadcast_in_dim3A_489, %scan3A_738 = %broadcast_in_dim3A_491, %scan3A_739 = %broadcast_in_dim3A_493, %scan3A_740 = %broadcast_in_dim3A_495, %scan3A_741 = %broadcast_in_dim3A_497) -> (vector<16xf32>, vector<16xf32>, vector<16xf32>, vector<16xf32>, vector<16xf32>, vector<16xf32>, vector<16xf32>, vector<16xf32>)  : i32 {
        %mul3A_742 = arith.constant 4 : i32
        %mul3A_743 = arith.muli %scan3A_733, %mul3A_742 : i32
        %add3A_744 = arith.constant 32 : i32
        %add3A_745 = arith.addi %add3A_744, %mul3A_743 : i32
        %add3A_746 = arith.constant 0 : i32
        %add3A_747 = arith.addi %add3A_745, %add3A_746 : i32
        %get3A = arith.index_cast %add3A_747 : i32 to index
        %get3A_748 = arith.constant 0 : index
        %get3A_749 = tpu.vector_load %arg9[%get3A, %get3A_748] {strides = array<i32>} : memref<64x128xf32, #tpu.memory_space<vmem>>, vector<1x16xf32>,
        %get3A_750 = vector.shape_cast %get3A_749 : vector<1x16xf32> to vector<16xf32>
        %add3A_751 = arith.addf %scan3A_734, %get3A_750 : vector<16xf32>
        %get3A_752 = arith.index_cast %add3A_747 : i32 to index
        %get3A_753 = arith.constant 16 : index
        %get3A_754 = tpu.vector_load %arg9[%get3A_752, %get3A_753] {strides = array<i32>} : memref<64x128xf32, #tpu.memory_space<vmem>>, vector<1x16xf32>,
        %get3A_755 = vector.shape_cast %get3A_754 : vector<1x16xf32> to vector<16xf32>
        %add3A_756 = arith.addf %scan3A_735, %get3A_755 : vector<16xf32>
        %get3A_757 = arith.index_cast %add3A_747 : i32 to index
        %get3A_758 = arith.constant 32 : index
        %get3A_759 = tpu.vector_load %arg9[%get3A_757, %get3A_758] {strides = array<i32>} : memref<64x128xf32, #tpu.memory_space<vmem>>, vector<1x16xf32>,
        %get3A_760 = vector.shape_cast %get3A_759 : vector<1x16xf32> to vector<16xf32>
        %add3A_761 = arith.addf %scan3A_736, %get3A_760 : vector<16xf32>
        %get3A_762 = arith.index_cast %add3A_747 : i32 to index
        %get3A_763 = arith.constant 48 : index
        %get3A_764 = tpu.vector_load %arg9[%get3A_762, %get3A_763] {strides = array<i32>} : memref<64x128xf32, #tpu.memory_space<vmem>>, vector<1x16xf32>,
        %get3A_765 = vector.shape_cast %get3A_764 : vector<1x16xf32> to vector<16xf32>
        %add3A_766 = arith.addf %scan3A_737, %get3A_765 : vector<16xf32>
        %get3A_767 = arith.index_cast %add3A_747 : i32 to index
        %get3A_768 = arith.constant 64 : index
        %get3A_769 = tpu.vector_load %arg9[%get3A_767, %get3A_768] {strides = array<i32>} : memref<64x128xf32, #tpu.memory_space<vmem>>, vector<1x16xf32>,
        %get3A_770 = vector.shape_cast %get3A_769 : vector<1x16xf32> to vector<16xf32>
        %add3A_771 = arith.addf %scan3A_738, %get3A_770 : vector<16xf32>
        %get3A_772 = arith.index_cast %add3A_747 : i32 to index
        %get3A_773 = arith.constant 80 : index
        %get3A_774 = tpu.vector_load %arg9[%get3A_772, %get3A_773] {strides = array<i32>} : memref<64x128xf32, #tpu.memory_space<vmem>>, vector<1x16xf32>,
        %get3A_775 = vector.shape_cast %get3A_774 : vector<1x16xf32> to vector<16xf32>
        %add3A_776 = arith.addf %scan3A_739, %get3A_775 : vector<16xf32>
        %get3A_777 = arith.index_cast %add3A_747 : i32 to index
        %get3A_778 = arith.constant 96 : index
        %get3A_779 = tpu.vector_load %arg9[%get3A_777, %get3A_778] {strides = array<i32>} : memref<64x128xf32, #tpu.memory_space<vmem>>, vector<1x16xf32>,
        %get3A_780 = vector.shape_cast %get3A_779 : vector<1x16xf32> to vector<16xf32>
        %add3A_781 = arith.addf %scan3A_740, %get3A_780 : vector<16xf32>
        %get3A_782 = arith.index_cast %add3A_747 : i32 to index
        %get3A_783 = arith.constant 112 : index
        %get3A_784 = tpu.vector_load %arg9[%get3A_782, %get3A_783] {strides = array<i32>} : memref<64x128xf32, #tpu.memory_space<vmem>>, vector<1x16xf32>,
        %get3A_785 = vector.shape_cast %get3A_784 : vector<1x16xf32> to vector<16xf32>
        %add3A_786 = arith.addf %scan3A_741, %get3A_785 : vector<16xf32>
        %mul3A_787 = arith.constant 4 : i32
        %mul3A_788 = arith.muli %scan3A_733, %mul3A_787 : i32
        %add3A_789 = arith.constant 32 : i32
        %add3A_790 = arith.addi %add3A_789, %mul3A_788 : i32
        %add3A_791 = arith.constant 1 : i32
        %add3A_792 = arith.addi %add3A_790, %add3A_791 : i32
        %get3A_793 = arith.index_cast %add3A_792 : i32 to index
        %get3A_794 = arith.constant 0 : index
        %get3A_795 = tpu.vector_load %arg9[%get3A_793, %get3A_794] {strides = array<i32>} : memref<64x128xf32, #tpu.memory_space<vmem>>, vector<1x16xf32>,
        %get3A_796 = vector.shape_cast %get3A_795 : vector<1x16xf32> to vector<16xf32>
        %add3A_797 = arith.addf %add3A_751, %get3A_796 : vector<16xf32>
        %get3A_798 = arith.index_cast %add3A_792 : i32 to index
        %get3A_799 = arith.constant 16 : index
        %get3A_800 = tpu.vector_load %arg9[%get3A_798, %get3A_799] {strides = array<i32>} : memref<64x128xf32, #tpu.memory_space<vmem>>, vector<1x16xf32>,
        %get3A_801 = vector.shape_cast %get3A_800 : vector<1x16xf32> to vector<16xf32>
        %add3A_802 = arith.addf %add3A_756, %get3A_801 : vector<16xf32>
        %get3A_803 = arith.index_cast %add3A_792 : i32 to index
        %get3A_804 = arith.constant 32 : index
        %get3A_805 = tpu.vector_load %arg9[%get3A_803, %get3A_804] {strides = array<i32>} : memref<64x128xf32, #tpu.memory_space<vmem>>, vector<1x16xf32>,
        %get3A_806 = vector.shape_cast %get3A_805 : vector<1x16xf32> to vector<16xf32>
        %add3A_807 = arith.addf %add3A_761, %get3A_806 : vector<16xf32>
        %get3A_808 = arith.index_cast %add3A_792 : i32 to index
        %get3A_809 = arith.constant 48 : index
        %get3A_810 = tpu.vector_load %arg9[%get3A_808, %get3A_809] {strides = array<i32>} : memref<64x128xf32, #tpu.memory_space<vmem>>, vector<1x16xf32>,
        %get3A_811 = vector.shape_cast %get3A_810 : vector<1x16xf32> to vector<16xf32>
        %add3A_812 = arith.addf %add3A_766, %get3A_811 : vector<16xf32>
        %get3A_813 = arith.index_cast %add3A_792 : i32 to index
        %get3A_814 = arith.constant 64 : index
        %get3A_815 = tpu.vector_load %arg9[%get3A_813, %get3A_814] {strides = array<i32>} : memref<64x128xf32, #tpu.memory_space<vmem>>, vector<1x16xf32>,
        %get3A_816 = vector.shape_cast %get3A_815 : vector<1x16xf32> to vector<16xf32>
        %add3A_817 = arith.addf %add3A_771, %get3A_816 : vector<16xf32>
        %get3A_818 = arith.index_cast %add3A_792 : i32 to index
        %get3A_819 = arith.constant 80 : index
        %get3A_820 = tpu.vector_load %arg9[%get3A_818, %get3A_819] {strides = array<i32>} : memref<64x128xf32, #tpu.memory_space<vmem>>, vector<1x16xf32>,
        %get3A_821 = vector.shape_cast %get3A_820 : vector<1x16xf32> to vector<16xf32>
        %add3A_822 = arith.addf %add3A_776, %get3A_821 : vector<16xf32>
        %get3A_823 = arith.index_cast %add3A_792 : i32 to index
        %get3A_824 = arith.constant 96 : index
        %get3A_825 = tpu.vector_load %arg9[%get3A_823, %get3A_824] {strides = array<i32>} : memref<64x128xf32, #tpu.memory_space<vmem>>, vector<1x16xf32>,
        %get3A_826 = vector.shape_cast %get3A_825 : vector<1x16xf32> to vector<16xf32>
        %add3A_827 = arith.addf %add3A_781, %get3A_826 : vector<16xf32>
        %get3A_828 = arith.index_cast %add3A_792 : i32 to index
        %get3A_829 = arith.constant 112 : index
        %get3A_830 = tpu.vector_load %arg9[%get3A_828, %get3A_829] {strides = array<i32>} : memref<64x128xf32, #tpu.memory_space<vmem>>, vector<1x16xf32>,
        %get3A_831 = vector.shape_cast %get3A_830 : vector<1x16xf32> to vector<16xf32>
        %add3A_832 = arith.addf %add3A_786, %get3A_831 : vector<16xf32>
        %mul3A_833 = arith.constant 4 : i32
        %mul3A_834 = arith.muli %scan3A_733, %mul3A_833 : i32
        %add3A_835 = arith.constant 32 : i32
        %add3A_836 = arith.addi %add3A_835, %mul3A_834 : i32
        %add3A_837 = arith.constant 2 : i32
        %add3A_838 = arith.addi %add3A_836, %add3A_837 : i32
        %get3A_839 = arith.index_cast %add3A_838 : i32 to index
        %get3A_840 = arith.constant 0 : index
        %get3A_841 = tpu.vector_load %arg9[%get3A_839, %get3A_840] {strides = array<i32>} : memref<64x128xf32, #tpu.memory_space<vmem>>, vector<1x16xf32>,
        %get3A_842 = vector.shape_cast %get3A_841 : vector<1x16xf32> to vector<16xf32>
        %add3A_843 = arith.addf %add3A_797, %get3A_842 : vector<16xf32>
        %get3A_844 = arith.index_cast %add3A_838 : i32 to index
        %get3A_845 = arith.constant 16 : index
        %get3A_846 = tpu.vector_load %arg9[%get3A_844, %get3A_845] {strides = array<i32>} : memref<64x128xf32, #tpu.memory_space<vmem>>, vector<1x16xf32>,
        %get3A_847 = vector.shape_cast %get3A_846 : vector<1x16xf32> to vector<16xf32>
        %add3A_848 = arith.addf %add3A_802, %get3A_847 : vector<16xf32>
        %get3A_849 = arith.index_cast %add3A_838 : i32 to index
        %get3A_850 = arith.constant 32 : index
        %get3A_851 = tpu.vector_load %arg9[%get3A_849, %get3A_850] {strides = array<i32>} : memref<64x128xf32, #tpu.memory_space<vmem>>, vector<1x16xf32>,
        %get3A_852 = vector.shape_cast %get3A_851 : vector<1x16xf32> to vector<16xf32>
        %add3A_853 = arith.addf %add3A_807, %get3A_852 : vector<16xf32>
        %get3A_854 = arith.index_cast %add3A_838 : i32 to index
        %get3A_855 = arith.constant 48 : index
        %get3A_856 = tpu.vector_load %arg9[%get3A_854, %get3A_855] {strides = array<i32>} : memref<64x128xf32, #tpu.memory_space<vmem>>, vector<1x16xf32>,
        %get3A_857 = vector.shape_cast %get3A_856 : vector<1x16xf32> to vector<16xf32>
        %add3A_858 = arith.addf %add3A_812, %get3A_857 : vector<16xf32>
        %get3A_859 = arith.index_cast %add3A_838 : i32 to index
        %get3A_860 = arith.constant 64 : index
        %get3A_861 = tpu.vector_load %arg9[%get3A_859, %get3A_860] {strides = array<i32>} : memref<64x128xf32, #tpu.memory_space<vmem>>, vector<1x16xf32>,
        %get3A_862 = vector.shape_cast %get3A_861 : vector<1x16xf32> to vector<16xf32>
        %add3A_863 = arith.addf %add3A_817, %get3A_862 : vector<16xf32>
        %get3A_864 = arith.index_cast %add3A_838 : i32 to index
        %get3A_865 = arith.constant 80 : index
        %get3A_866 = tpu.vector_load %arg9[%get3A_864, %get3A_865] {strides = array<i32>} : memref<64x128xf32, #tpu.memory_space<vmem>>, vector<1x16xf32>,
        %get3A_867 = vector.shape_cast %get3A_866 : vector<1x16xf32> to vector<16xf32>
        %add3A_868 = arith.addf %add3A_822, %get3A_867 : vector<16xf32>
        %get3A_869 = arith.index_cast %add3A_838 : i32 to index
        %get3A_870 = arith.constant 96 : index
        %get3A_871 = tpu.vector_load %arg9[%get3A_869, %get3A_870] {strides = array<i32>} : memref<64x128xf32, #tpu.memory_space<vmem>>, vector<1x16xf32>,
        %get3A_872 = vector.shape_cast %get3A_871 : vector<1x16xf32> to vector<16xf32>
        %add3A_873 = arith.addf %add3A_827, %get3A_872 : vector<16xf32>
        %get3A_874 = arith.index_cast %add3A_838 : i32 to index
        %get3A_875 = arith.constant 112 : index
        %get3A_876 = tpu.vector_load %arg9[%get3A_874, %get3A_875] {strides = array<i32>} : memref<64x128xf32, #tpu.memory_space<vmem>>, vector<1x16xf32>,
        %get3A_877 = vector.shape_cast %get3A_876 : vector<1x16xf32> to vector<16xf32>
        %add3A_878 = arith.addf %add3A_832, %get3A_877 : vector<16xf32>
        %mul3A_879 = arith.constant 4 : i32
        %mul3A_880 = arith.muli %scan3A_733, %mul3A_879 : i32
        %add3A_881 = arith.constant 32 : i32
        %add3A_882 = arith.addi %add3A_881, %mul3A_880 : i32
        %add3A_883 = arith.constant 3 : i32
        %add3A_884 = arith.addi %add3A_882, %add3A_883 : i32
        %get3A_885 = arith.index_cast %add3A_884 : i32 to index
        %get3A_886 = arith.constant 0 : index
        %get3A_887 = tpu.vector_load %arg9[%get3A_885, %get3A_886] {strides = array<i32>} : memref<64x128xf32, #tpu.memory_space<vmem>>, vector<1x16xf32>,
        %get3A_888 = vector.shape_cast %get3A_887 : vector<1x16xf32> to vector<16xf32>
        %add3A_889 = arith.addf %add3A_843, %get3A_888 : vector<16xf32>
        %get3A_890 = arith.index_cast %add3A_884 : i32 to index
        %get3A_891 = arith.constant 16 : index
        %get3A_892 = tpu.vector_load %arg9[%get3A_890, %get3A_891] {strides = array<i32>} : memref<64x128xf32, #tpu.memory_space<vmem>>, vector<1x16xf32>,
        %get3A_893 = vector.shape_cast %get3A_892 : vector<1x16xf32> to vector<16xf32>
        %add3A_894 = arith.addf %add3A_848, %get3A_893 : vector<16xf32>
        %get3A_895 = arith.index_cast %add3A_884 : i32 to index
        %get3A_896 = arith.constant 32 : index
        %get3A_897 = tpu.vector_load %arg9[%get3A_895, %get3A_896] {strides = array<i32>} : memref<64x128xf32, #tpu.memory_space<vmem>>, vector<1x16xf32>,
        %get3A_898 = vector.shape_cast %get3A_897 : vector<1x16xf32> to vector<16xf32>
        %add3A_899 = arith.addf %add3A_853, %get3A_898 : vector<16xf32>
        %get3A_900 = arith.index_cast %add3A_884 : i32 to index
        %get3A_901 = arith.constant 48 : index
        %get3A_902 = tpu.vector_load %arg9[%get3A_900, %get3A_901] {strides = array<i32>} : memref<64x128xf32, #tpu.memory_space<vmem>>, vector<1x16xf32>,
        %get3A_903 = vector.shape_cast %get3A_902 : vector<1x16xf32> to vector<16xf32>
        %add3A_904 = arith.addf %add3A_858, %get3A_903 : vector<16xf32>
        %get3A_905 = arith.index_cast %add3A_884 : i32 to index
        %get3A_906 = arith.constant 64 : index
        %get3A_907 = tpu.vector_load %arg9[%get3A_905, %get3A_906] {strides = array<i32>} : memref<64x128xf32, #tpu.memory_space<vmem>>, vector<1x16xf32>,
        %get3A_908 = vector.shape_cast %get3A_907 : vector<1x16xf32> to vector<16xf32>
        %add3A_909 = arith.addf %add3A_863, %get3A_908 : vector<16xf32>
        %get3A_910 = arith.index_cast %add3A_884 : i32 to index
        %get3A_911 = arith.constant 80 : index
        %get3A_912 = tpu.vector_load %arg9[%get3A_910, %get3A_911] {strides = array<i32>} : memref<64x128xf32, #tpu.memory_space<vmem>>, vector<1x16xf32>,
        %get3A_913 = vector.shape_cast %get3A_912 : vector<1x16xf32> to vector<16xf32>
        %add3A_914 = arith.addf %add3A_868, %get3A_913 : vector<16xf32>
        %get3A_915 = arith.index_cast %add3A_884 : i32 to index
        %get3A_916 = arith.constant 96 : index
        %get3A_917 = tpu.vector_load %arg9[%get3A_915, %get3A_916] {strides = array<i32>} : memref<64x128xf32, #tpu.memory_space<vmem>>, vector<1x16xf32>,
        %get3A_918 = vector.shape_cast %get3A_917 : vector<1x16xf32> to vector<16xf32>
        %add3A_919 = arith.addf %add3A_873, %get3A_918 : vector<16xf32>
        %get3A_920 = arith.index_cast %add3A_884 : i32 to index
        %get3A_921 = arith.constant 112 : index
        %get3A_922 = tpu.vector_load %arg9[%get3A_920, %get3A_921] {strides = array<i32>} : memref<64x128xf32, #tpu.memory_space<vmem>>, vector<1x16xf32>,
        %get3A_923 = vector.shape_cast %get3A_922 : vector<1x16xf32> to vector<16xf32>
        %add3A_924 = arith.addf %add3A_878, %get3A_923 : vector<16xf32>
        scf.yield %add3A_889, %add3A_894, %add3A_899, %add3A_904, %add3A_909, %add3A_914, %add3A_919, %add3A_924 : vector<16xf32>, vector<16xf32>, vector<16xf32>, vector<16xf32>, vector<16xf32>, vector<16xf32>, vector<16xf32>, vector<16xf32>
      }
      %scan3A_503 = arith.constant 8 : i32
      %swap3A_504 = arith.constant 1 : i32
      %swap3A_505 = arith.index_cast %swap3A_504 : i32 to index
      %swap3A_506 = arith.constant 0 : index
      %swap3A_507 = tpu.vector_load %arg13[%swap3A_505, %swap3A_506] {strides = array<i32>} : memref<2x128xf32, #tpu.memory_space<vmem>>, vector<1x16xf32>,
      %swap3A_508 = vector.shape_cast %swap3A_507 : vector<1x16xf32> to vector<16xf32>
      %swap3A_509 = vector.shape_cast %scan3A_502#0 : vector<16xf32> to vector<1x16xf32>
      tpu.vector_store %arg13[%swap3A_505, %swap3A_506], %swap3A_509 {strides = array<i32>} : memref<2x128xf32, #tpu.memory_space<vmem>>, vector<1x16xf32>,
      %swap3A_510 = arith.constant 1 : i32
      %swap3A_511 = arith.index_cast %swap3A_510 : i32 to index
      %swap3A_512 = arith.constant 16 : index
      %swap3A_513 = tpu.vector_load %arg13[%swap3A_511, %swap3A_512] {strides = array<i32>} : memref<2x128xf32, #tpu.memory_space<vmem>>, vector<1x16xf32>,
      %swap3A_514 = vector.shape_cast %swap3A_513 : vector<1x16xf32> to vector<16xf32>
      %swap3A_515 = vector.shape_cast %scan3A_502#1 : vector<16xf32> to vector<1x16xf32>
      tpu.vector_store %arg13[%swap3A_511, %swap3A_512], %swap3A_515 {strides = array<i32>} : memref<2x128xf32, #tpu.memory_space<vmem>>, vector<1x16xf32>,
      %swap3A_516 = arith.constant 1 : i32
      %swap3A_517 = arith.index_cast %swap3A_516 : i32 to index
      %swap3A_518 = arith.constant 32 : index
      %swap3A_519 = tpu.vector_load %arg13[%swap3A_517, %swap3A_518] {strides = array<i32>} : memref<2x128xf32, #tpu.memory_space<vmem>>, vector<1x16xf32>,
      %swap3A_520 = vector.shape_cast %swap3A_519 : vector<1x16xf32> to vector<16xf32>
      %swap3A_521 = vector.shape_cast %scan3A_502#2 : vector<16xf32> to vector<1x16xf32>
      tpu.vector_store %arg13[%swap3A_517, %swap3A_518], %swap3A_521 {strides = array<i32>} : memref<2x128xf32, #tpu.memory_space<vmem>>, vector<1x16xf32>,
      %swap3A_522 = arith.constant 1 : i32
      %swap3A_523 = arith.index_cast %swap3A_522 : i32 to index
      %swap3A_524 = arith.constant 48 : index
      %swap3A_525 = tpu.vector_load %arg13[%swap3A_523, %swap3A_524] {strides = array<i32>} : memref<2x128xf32, #tpu.memory_space<vmem>>, vector<1x16xf32>,
      %swap3A_526 = vector.shape_cast %swap3A_525 : vector<1x16xf32> to vector<16xf32>
      %swap3A_527 = vector.shape_cast %scan3A_502#3 : vector<16xf32> to vector<1x16xf32>
      tpu.vector_store %arg13[%swap3A_523, %swap3A_524], %swap3A_527 {strides = array<i32>} : memref<2x128xf32, #tpu.memory_space<vmem>>, vector<1x16xf32>,
      %swap3A_528 = arith.constant 1 : i32
      %swap3A_529 = arith.index_cast %swap3A_528 : i32 to index
      %swap3A_530 = arith.constant 64 : index
      %swap3A_531 = tpu.vector_load %arg13[%swap3A_529, %swap3A_530] {strides = array<i32>} : memref<2x128xf32, #tpu.memory_space<vmem>>, vector<1x16xf32>,
      %swap3A_532 = vector.shape_cast %swap3A_531 : vector<1x16xf32> to vector<16xf32>
      %swap3A_533 = vector.shape_cast %scan3A_502#4 : vector<16xf32> to vector<1x16xf32>
      tpu.vector_store %arg13[%swap3A_529, %swap3A_530], %swap3A_533 {strides = array<i32>} : memref<2x128xf32, #tpu.memory_space<vmem>>, vector<1x16xf32>,
      %swap3A_534 = arith.constant 1 : i32
      %swap3A_535 = arith.index_cast %swap3A_534 : i32 to index
      %swap3A_536 = arith.constant 80 : index
      %swap3A_537 = tpu.vector_load %arg13[%swap3A_535, %swap3A_536] {strides = array<i32>} : memref<2x128xf32, #tpu.memory_space<vmem>>, vector<1x16xf32>,
      %swap3A_538 = vector.shape_cast %swap3A_537 : vector<1x16xf32> to vector<16xf32>
      %swap3A_539 = vector.shape_cast %scan3A_502#5 : vector<16xf32> to vector<1x16xf32>
      tpu.vector_store %arg13[%swap3A_535, %swap3A_536], %swap3A_539 {strides = array<i32>} : memref<2x128xf32, #tpu.memory_space<vmem>>, vector<1x16xf32>,
      %swap3A_540 = arith.constant 1 : i32
      %swap3A_541 = arith.index_cast %swap3A_540 : i32 to index
      %swap3A_542 = arith.constant 96 : index
      %swap3A_543 = tpu.vector_load %arg13[%swap3A_541, %swap3A_542] {strides = array<i32>} : memref<2x128xf32, #tpu.memory_space<vmem>>, vector<1x16xf32>,
      %swap3A_544 = vector.shape_cast %swap3A_543 : vector<1x16xf32> to vector<16xf32>
      %swap3A_545 = vector.shape_cast %scan3A_502#6 : vector<16xf32> to vector<1x16xf32>
      tpu.vector_store %arg13[%swap3A_541, %swap3A_542], %swap3A_545 {strides = array<i32>} : memref<2x128xf32, #tpu.memory_space<vmem>>, vector<1x16xf32>,
      %swap3A_546 = arith.constant 1 : i32
      %swap3A_547 = arith.index_cast %swap3A_546 : i32 to index
      %swap3A_548 = arith.constant 112 : index
      %swap3A_549 = tpu.vector_load %arg13[%swap3A_547, %swap3A_548] {strides = array<i32>} : memref<2x128xf32, #tpu.memory_space<vmem>>, vector<1x16xf32>,
      %swap3A_550 = vector.shape_cast %swap3A_549 : vector<1x16xf32> to vector<16xf32>
      %swap3A_551 = vector.shape_cast %scan3A_502#7 : vector<16xf32> to vector<1x16xf32>
      tpu.vector_store %arg13[%swap3A_547, %swap3A_548], %swap3A_551 {strides = array<i32>} : memref<2x128xf32, #tpu.memory_space<vmem>>, vector<1x16xf32>,
      %mul3A_552 = arith.constant 2 : i32
      %mul3A_553 = arith.muli %add3A_400, %mul3A_552 : i32
      %add3A_554 = arith.addi %mul3A_2, %mul3A_553 : i32
      %dma_start3A_555 = arith.constant 0 : i32
      %dma_start3A_556 = tpu.memref_slice %arg4[%add3A_554, %dma_start3A_555] : memref<10000x128xf32, #tpu.memory_space<hbm>> -> memref<2x128xf32, #tpu.memory_space<hbm>>
      %dma_start3A_557 = arith.constant 0 : i32
      %dma_start3A_558 = tpu.memref_slice %arg4[%add3A_554, %dma_start3A_557] : memref<10000x128xf32, #tpu.memory_space<hbm>> -> memref<2x128xf32, #tpu.memory_space<hbm>>
      tpu.enqueue_dma source(%arg13 : memref<2x128xf32, #tpu.memory_space<vmem>>) target(%dma_start3A_558 : memref<2x128xf32, #tpu.memory_space<hbm>>) target_semaphore(%arg21 : memref<!tpu.dma_semaphore, #tpu.memory_space<semaphore_mem>>)
      %sub3A_559 = arith.constant 1 : i32
      %sub3A_560 = arith.subi %select_n3A, %sub3A_559 : i32
      %lt3A_561 = arith.cmpi slt, %while3A_65, %sub3A_560 : i32
      %convert_element_type3A_562 = arith.extui %lt3A_561 : i1 to i32
      %cond3A_563 = arith.constant 0 : i32
      %cond3A_564 = arith.cmpi ne, %convert_element_type3A_562, %cond3A_563 : i32
      scf.if %cond3A_564 {
        %add3A_733 = arith.constant 4 : i32
        %add3A_734 = arith.addi %add3A_400, %add3A_733 : i32
        %mul3A_735 = arith.constant 64 : i32
        %mul3A_736 = arith.muli %add3A_734, %mul3A_735 : i32
        %dma_start3A_737 = tpu.memref_slice %arg6[%mul3A_736] : memref<10240xi32, #tpu.memory_space<vmem>> -> memref<64xi32, #tpu.memory_space<vmem>>
        %dma_start3A_738 = arith.constant 0 : i32
        %dma_start3A_739 = arith.constant 0 : i32
        %dma_start3A_740 = tpu.memref_slice %arg5[%dma_start3A_738, %dma_start3A_739] : memref<10000x128xf32, #tpu.memory_space<vmem_shared>> -> memref<10000x128xf32, #tpu.memory_space<vmem_shared>>
        tpu.enqueue_indirect_dma source(%dma_start3A_740 : memref<10000x128xf32, #tpu.memory_space<vmem_shared>>) target(%arg9 : memref<64x128xf32, #tpu.memory_space<vmem>>) offsets(%dma_start3A_737 : memref<64xi32, #tpu.memory_space<vmem>>) semaphore(%arg17 : memref<!tpu.dma_semaphore, #tpu.memory_space<semaphore_mem>>)
      } else {
      }
      %mul3A_565 = arith.constant 4 : i32
      %mul3A_566 = arith.muli %while3A_65, %mul3A_565 : i32
      %add3A_567 = arith.constant 3 : i32
      %add3A_568 = arith.addi %mul3A_566, %add3A_567 : i32
      %dma_wait3A_569 = arith.constant 0 : i32
      %dma_wait3A_570 = arith.constant 0 : i32
      %dma_wait3A_571 = tpu.memref_slice %arg2[%dma_wait3A_569, %dma_wait3A_570] : memref<10000x128xf32, #tpu.memory_space<hbm>> -> memref<64x128xf32, #tpu.memory_space<hbm>>
      %dma_wait3A_572 = arith.constant 0 : i32
      %dma_wait3A_573 = arith.constant 0 : i32
      %dma_wait3A_574 = tpu.memref_slice %arg2[%dma_wait3A_572, %dma_wait3A_573] : memref<10000x128xf32, #tpu.memory_space<hbm>> -> memref<64x128xf32, #tpu.memory_space<hbm>>
      tpu.wait_dma2 semaphore(%arg18 : memref<!tpu.dma_semaphore, #tpu.memory_space<semaphore_mem>>) src(%dma_wait3A_574 : memref<64x128xf32, #tpu.memory_space<hbm>>) dst(%arg10 : memref<64x128xf32, #tpu.memory_space<vmem>>)
      %gt3A_575 = arith.constant 0 : i32
      %gt3A_576 = arith.cmpi sgt, %while3A_65, %gt3A_575 : i32
      %convert_element_type3A_577 = arith.extui %gt3A_576 : i1 to i32
      %cond3A_578 = arith.constant 0 : i32
      %cond3A_579 = arith.cmpi ne, %convert_element_type3A_577, %cond3A_578 : i32
      scf.if %cond3A_579 {
        %dma_wait3A_733 = arith.constant 0 : i32
        %dma_wait3A_734 = tpu.memref_slice %arg4[%mul3A_2, %dma_wait3A_733] : memref<10000x128xf32, #tpu.memory_space<hbm>> -> memref<2x128xf32, #tpu.memory_space<hbm>>
        %dma_wait3A_735 = arith.constant 0 : i32
        %dma_wait3A_736 = tpu.memref_slice %arg4[%mul3A_2, %dma_wait3A_735] : memref<10000x128xf32, #tpu.memory_space<hbm>> -> memref<2x128xf32, #tpu.memory_space<hbm>>
        tpu.wait_dma2 semaphore(%arg22 : memref<!tpu.dma_semaphore, #tpu.memory_space<semaphore_mem>>) src(%arg14 : memref<2x128xf32, #tpu.memory_space<vmem>>) dst(%dma_wait3A_736 : memref<2x128xf32, #tpu.memory_space<hbm>>)
      } else {
      }
      %broadcast_in_dim3A_580 = arith.constant 0.000000e+00 : f32
      %broadcast_in_dim3A_581 = vector.broadcast %broadcast_in_dim3A_580 : f32 to vector<16xf32>
      %broadcast_in_dim3A_582 = arith.constant 0.000000e+00 : f32
      %broadcast_in_dim3A_583 = vector.broadcast %broadcast_in_dim3A_582 : f32 to vector<16xf32>
      %broadcast_in_dim3A_584 = arith.constant 0.000000e+00 : f32
      %broadcast_in_dim3A_585 = vector.broadcast %broadcast_in_dim3A_584 : f32 to vector<16xf32>
      %broadcast_in_dim3A_586 = arith.constant 0.000000e+00 : f32
      %broadcast_in_dim3A_587 = vector.broadcast %broadcast_in_dim3A_586 : f32 to vector<16xf32>
      %broadcast_in_dim3A_588 = arith.constant 0.000000e+00 : f32
      %broadcast_in_dim3A_589 = vector.broadcast %broadcast_in_dim3A_588 : f32 to vector<16xf32>
      %broadcast_in_dim3A_590 = arith.constant 0.000000e+00 : f32
      %broadcast_in_dim3A_591 = vector.broadcast %broadcast_in_dim3A_590 : f32 to vector<16xf32>
      %broadcast_in_dim3A_592 = arith.constant 0.000000e+00 : f32
      %broadcast_in_dim3A_593 = vector.broadcast %broadcast_in_dim3A_592 : f32 to vector<16xf32>
      %broadcast_in_dim3A_594 = arith.constant 0.000000e+00 : f32
      %broadcast_in_dim3A_595 = vector.broadcast %broadcast_in_dim3A_594 : f32 to vector<16xf32>
      %scan3A_596 = arith.constant 0 : i32
      %scan3A_597 = arith.constant 8 : i32
      %scan3A_598 = arith.addi %scan3A_596, %scan3A_597 : i32
      %scan3A_599 = arith.constant 1 : i32
      %scan3A_600:8 = scf.for %scan3A_733 = %scan3A_596 to %scan3A_598 step %scan3A_599 iter_args(%scan3A_734 = %broadcast_in_dim3A_581, %scan3A_735 = %broadcast_in_dim3A_583, %scan3A_736 = %broadcast_in_dim3A_585, %scan3A_737 = %broadcast_in_dim3A_587, %scan3A_738 = %broadcast_in_dim3A_589, %scan3A_739 = %broadcast_in_dim3A_591, %scan3A_740 = %broadcast_in_dim3A_593, %scan3A_741 = %broadcast_in_dim3A_595) -> (vector<16xf32>, vector<16xf32>, vector<16xf32>, vector<16xf32>, vector<16xf32>, vector<16xf32>, vector<16xf32>, vector<16xf32>)  : i32 {
        %mul3A_742 = arith.constant 4 : i32
        %mul3A_743 = arith.muli %scan3A_733, %mul3A_742 : i32
        %add3A_744 = arith.constant 0 : i32
        %add3A_745 = arith.addi %add3A_744, %mul3A_743 : i32
        %add3A_746 = arith.constant 0 : i32
        %add3A_747 = arith.addi %add3A_745, %add3A_746 : i32
        %get3A = arith.index_cast %add3A_747 : i32 to index
        %get3A_748 = arith.constant 0 : index
        %get3A_749 = tpu.vector_load %arg10[%get3A, %get3A_748] {strides = array<i32>} : memref<64x128xf32, #tpu.memory_space<vmem>>, vector<1x16xf32>,
        %get3A_750 = vector.shape_cast %get3A_749 : vector<1x16xf32> to vector<16xf32>
        %add3A_751 = arith.addf %scan3A_734, %get3A_750 : vector<16xf32>
        %get3A_752 = arith.index_cast %add3A_747 : i32 to index
        %get3A_753 = arith.constant 16 : index
        %get3A_754 = tpu.vector_load %arg10[%get3A_752, %get3A_753] {strides = array<i32>} : memref<64x128xf32, #tpu.memory_space<vmem>>, vector<1x16xf32>,
        %get3A_755 = vector.shape_cast %get3A_754 : vector<1x16xf32> to vector<16xf32>
        %add3A_756 = arith.addf %scan3A_735, %get3A_755 : vector<16xf32>
        %get3A_757 = arith.index_cast %add3A_747 : i32 to index
        %get3A_758 = arith.constant 32 : index
        %get3A_759 = tpu.vector_load %arg10[%get3A_757, %get3A_758] {strides = array<i32>} : memref<64x128xf32, #tpu.memory_space<vmem>>, vector<1x16xf32>,
        %get3A_760 = vector.shape_cast %get3A_759 : vector<1x16xf32> to vector<16xf32>
        %add3A_761 = arith.addf %scan3A_736, %get3A_760 : vector<16xf32>
        %get3A_762 = arith.index_cast %add3A_747 : i32 to index
        %get3A_763 = arith.constant 48 : index
        %get3A_764 = tpu.vector_load %arg10[%get3A_762, %get3A_763] {strides = array<i32>} : memref<64x128xf32, #tpu.memory_space<vmem>>, vector<1x16xf32>,
        %get3A_765 = vector.shape_cast %get3A_764 : vector<1x16xf32> to vector<16xf32>
        %add3A_766 = arith.addf %scan3A_737, %get3A_765 : vector<16xf32>
        %get3A_767 = arith.index_cast %add3A_747 : i32 to index
        %get3A_768 = arith.constant 64 : index
        %get3A_769 = tpu.vector_load %arg10[%get3A_767, %get3A_768] {strides = array<i32>} : memref<64x128xf32, #tpu.memory_space<vmem>>, vector<1x16xf32>,
        %get3A_770 = vector.shape_cast %get3A_769 : vector<1x16xf32> to vector<16xf32>
        %add3A_771 = arith.addf %scan3A_738, %get3A_770 : vector<16xf32>
        %get3A_772 = arith.index_cast %add3A_747 : i32 to index
        %get3A_773 = arith.constant 80 : index
        %get3A_774 = tpu.vector_load %arg10[%get3A_772, %get3A_773] {strides = array<i32>} : memref<64x128xf32, #tpu.memory_space<vmem>>, vector<1x16xf32>,
        %get3A_775 = vector.shape_cast %get3A_774 : vector<1x16xf32> to vector<16xf32>
        %add3A_776 = arith.addf %scan3A_739, %get3A_775 : vector<16xf32>
        %get3A_777 = arith.index_cast %add3A_747 : i32 to index
        %get3A_778 = arith.constant 96 : index
        %get3A_779 = tpu.vector_load %arg10[%get3A_777, %get3A_778] {strides = array<i32>} : memref<64x128xf32, #tpu.memory_space<vmem>>, vector<1x16xf32>,
        %get3A_780 = vector.shape_cast %get3A_779 : vector<1x16xf32> to vector<16xf32>
        %add3A_781 = arith.addf %scan3A_740, %get3A_780 : vector<16xf32>
        %get3A_782 = arith.index_cast %add3A_747 : i32 to index
        %get3A_783 = arith.constant 112 : index
        %get3A_784 = tpu.vector_load %arg10[%get3A_782, %get3A_783] {strides = array<i32>} : memref<64x128xf32, #tpu.memory_space<vmem>>, vector<1x16xf32>,
        %get3A_785 = vector.shape_cast %get3A_784 : vector<1x16xf32> to vector<16xf32>
        %add3A_786 = arith.addf %scan3A_741, %get3A_785 : vector<16xf32>
        %mul3A_787 = arith.constant 4 : i32
        %mul3A_788 = arith.muli %scan3A_733, %mul3A_787 : i32
        %add3A_789 = arith.constant 0 : i32
        %add3A_790 = arith.addi %add3A_789, %mul3A_788 : i32
        %add3A_791 = arith.constant 1 : i32
        %add3A_792 = arith.addi %add3A_790, %add3A_791 : i32
        %get3A_793 = arith.index_cast %add3A_792 : i32 to index
        %get3A_794 = arith.constant 0 : index
        %get3A_795 = tpu.vector_load %arg10[%get3A_793, %get3A_794] {strides = array<i32>} : memref<64x128xf32, #tpu.memory_space<vmem>>, vector<1x16xf32>,
        %get3A_796 = vector.shape_cast %get3A_795 : vector<1x16xf32> to vector<16xf32>
        %add3A_797 = arith.addf %add3A_751, %get3A_796 : vector<16xf32>
        %get3A_798 = arith.index_cast %add3A_792 : i32 to index
        %get3A_799 = arith.constant 16 : index
        %get3A_800 = tpu.vector_load %arg10[%get3A_798, %get3A_799] {strides = array<i32>} : memref<64x128xf32, #tpu.memory_space<vmem>>, vector<1x16xf32>,
        %get3A_801 = vector.shape_cast %get3A_800 : vector<1x16xf32> to vector<16xf32>
        %add3A_802 = arith.addf %add3A_756, %get3A_801 : vector<16xf32>
        %get3A_803 = arith.index_cast %add3A_792 : i32 to index
        %get3A_804 = arith.constant 32 : index
        %get3A_805 = tpu.vector_load %arg10[%get3A_803, %get3A_804] {strides = array<i32>} : memref<64x128xf32, #tpu.memory_space<vmem>>, vector<1x16xf32>,
        %get3A_806 = vector.shape_cast %get3A_805 : vector<1x16xf32> to vector<16xf32>
        %add3A_807 = arith.addf %add3A_761, %get3A_806 : vector<16xf32>
        %get3A_808 = arith.index_cast %add3A_792 : i32 to index
        %get3A_809 = arith.constant 48 : index
        %get3A_810 = tpu.vector_load %arg10[%get3A_808, %get3A_809] {strides = array<i32>} : memref<64x128xf32, #tpu.memory_space<vmem>>, vector<1x16xf32>,
        %get3A_811 = vector.shape_cast %get3A_810 : vector<1x16xf32> to vector<16xf32>
        %add3A_812 = arith.addf %add3A_766, %get3A_811 : vector<16xf32>
        %get3A_813 = arith.index_cast %add3A_792 : i32 to index
        %get3A_814 = arith.constant 64 : index
        %get3A_815 = tpu.vector_load %arg10[%get3A_813, %get3A_814] {strides = array<i32>} : memref<64x128xf32, #tpu.memory_space<vmem>>, vector<1x16xf32>,
        %get3A_816 = vector.shape_cast %get3A_815 : vector<1x16xf32> to vector<16xf32>
        %add3A_817 = arith.addf %add3A_771, %get3A_816 : vector<16xf32>
        %get3A_818 = arith.index_cast %add3A_792 : i32 to index
        %get3A_819 = arith.constant 80 : index
        %get3A_820 = tpu.vector_load %arg10[%get3A_818, %get3A_819] {strides = array<i32>} : memref<64x128xf32, #tpu.memory_space<vmem>>, vector<1x16xf32>,
        %get3A_821 = vector.shape_cast %get3A_820 : vector<1x16xf32> to vector<16xf32>
        %add3A_822 = arith.addf %add3A_776, %get3A_821 : vector<16xf32>
        %get3A_823 = arith.index_cast %add3A_792 : i32 to index
        %get3A_824 = arith.constant 96 : index
        %get3A_825 = tpu.vector_load %arg10[%get3A_823, %get3A_824] {strides = array<i32>} : memref<64x128xf32, #tpu.memory_space<vmem>>, vector<1x16xf32>,
        %get3A_826 = vector.shape_cast %get3A_825 : vector<1x16xf32> to vector<16xf32>
        %add3A_827 = arith.addf %add3A_781, %get3A_826 : vector<16xf32>
        %get3A_828 = arith.index_cast %add3A_792 : i32 to index
        %get3A_829 = arith.constant 112 : index
        %get3A_830 = tpu.vector_load %arg10[%get3A_828, %get3A_829] {strides = array<i32>} : memref<64x128xf32, #tpu.memory_space<vmem>>, vector<1x16xf32>,
        %get3A_831 = vector.shape_cast %get3A_830 : vector<1x16xf32> to vector<16xf32>
        %add3A_832 = arith.addf %add3A_786, %get3A_831 : vector<16xf32>
        %mul3A_833 = arith.constant 4 : i32
        %mul3A_834 = arith.muli %scan3A_733, %mul3A_833 : i32
        %add3A_835 = arith.constant 0 : i32
        %add3A_836 = arith.addi %add3A_835, %mul3A_834 : i32
        %add3A_837 = arith.constant 2 : i32
        %add3A_838 = arith.addi %add3A_836, %add3A_837 : i32
        %get3A_839 = arith.index_cast %add3A_838 : i32 to index
        %get3A_840 = arith.constant 0 : index
        %get3A_841 = tpu.vector_load %arg10[%get3A_839, %get3A_840] {strides = array<i32>} : memref<64x128xf32, #tpu.memory_space<vmem>>, vector<1x16xf32>,
        %get3A_842 = vector.shape_cast %get3A_841 : vector<1x16xf32> to vector<16xf32>
        %add3A_843 = arith.addf %add3A_797, %get3A_842 : vector<16xf32>
        %get3A_844 = arith.index_cast %add3A_838 : i32 to index
        %get3A_845 = arith.constant 16 : index
        %get3A_846 = tpu.vector_load %arg10[%get3A_844, %get3A_845] {strides = array<i32>} : memref<64x128xf32, #tpu.memory_space<vmem>>, vector<1x16xf32>,
        %get3A_847 = vector.shape_cast %get3A_846 : vector<1x16xf32> to vector<16xf32>
        %add3A_848 = arith.addf %add3A_802, %get3A_847 : vector<16xf32>
        %get3A_849 = arith.index_cast %add3A_838 : i32 to index
        %get3A_850 = arith.constant 32 : index
        %get3A_851 = tpu.vector_load %arg10[%get3A_849, %get3A_850] {strides = array<i32>} : memref<64x128xf32, #tpu.memory_space<vmem>>, vector<1x16xf32>,
        %get3A_852 = vector.shape_cast %get3A_851 : vector<1x16xf32> to vector<16xf32>
        %add3A_853 = arith.addf %add3A_807, %get3A_852 : vector<16xf32>
        %get3A_854 = arith.index_cast %add3A_838 : i32 to index
        %get3A_855 = arith.constant 48 : index
        %get3A_856 = tpu.vector_load %arg10[%get3A_854, %get3A_855] {strides = array<i32>} : memref<64x128xf32, #tpu.memory_space<vmem>>, vector<1x16xf32>,
        %get3A_857 = vector.shape_cast %get3A_856 : vector<1x16xf32> to vector<16xf32>
        %add3A_858 = arith.addf %add3A_812, %get3A_857 : vector<16xf32>
        %get3A_859 = arith.index_cast %add3A_838 : i32 to index
        %get3A_860 = arith.constant 64 : index
        %get3A_861 = tpu.vector_load %arg10[%get3A_859, %get3A_860] {strides = array<i32>} : memref<64x128xf32, #tpu.memory_space<vmem>>, vector<1x16xf32>,
        %get3A_862 = vector.shape_cast %get3A_861 : vector<1x16xf32> to vector<16xf32>
        %add3A_863 = arith.addf %add3A_817, %get3A_862 : vector<16xf32>
        %get3A_864 = arith.index_cast %add3A_838 : i32 to index
        %get3A_865 = arith.constant 80 : index
        %get3A_866 = tpu.vector_load %arg10[%get3A_864, %get3A_865] {strides = array<i32>} : memref<64x128xf32, #tpu.memory_space<vmem>>, vector<1x16xf32>,
        %get3A_867 = vector.shape_cast %get3A_866 : vector<1x16xf32> to vector<16xf32>
        %add3A_868 = arith.addf %add3A_822, %get3A_867 : vector<16xf32>
        %get3A_869 = arith.index_cast %add3A_838 : i32 to index
        %get3A_870 = arith.constant 96 : index
        %get3A_871 = tpu.vector_load %arg10[%get3A_869, %get3A_870] {strides = array<i32>} : memref<64x128xf32, #tpu.memory_space<vmem>>, vector<1x16xf32>,
        %get3A_872 = vector.shape_cast %get3A_871 : vector<1x16xf32> to vector<16xf32>
        %add3A_873 = arith.addf %add3A_827, %get3A_872 : vector<16xf32>
        %get3A_874 = arith.index_cast %add3A_838 : i32 to index
        %get3A_875 = arith.constant 112 : index
        %get3A_876 = tpu.vector_load %arg10[%get3A_874, %get3A_875] {strides = array<i32>} : memref<64x128xf32, #tpu.memory_space<vmem>>, vector<1x16xf32>,
        %get3A_877 = vector.shape_cast %get3A_876 : vector<1x16xf32> to vector<16xf32>
        %add3A_878 = arith.addf %add3A_832, %get3A_877 : vector<16xf32>
        %mul3A_879 = arith.constant 4 : i32
        %mul3A_880 = arith.muli %scan3A_733, %mul3A_879 : i32
        %add3A_881 = arith.constant 0 : i32
        %add3A_882 = arith.addi %add3A_881, %mul3A_880 : i32
        %add3A_883 = arith.constant 3 : i32
        %add3A_884 = arith.addi %add3A_882, %add3A_883 : i32
        %get3A_885 = arith.index_cast %add3A_884 : i32 to index
        %get3A_886 = arith.constant 0 : index
        %get3A_887 = tpu.vector_load %arg10[%get3A_885, %get3A_886] {strides = array<i32>} : memref<64x128xf32, #tpu.memory_space<vmem>>, vector<1x16xf32>,
        %get3A_888 = vector.shape_cast %get3A_887 : vector<1x16xf32> to vector<16xf32>
        %add3A_889 = arith.addf %add3A_843, %get3A_888 : vector<16xf32>
        %get3A_890 = arith.index_cast %add3A_884 : i32 to index
        %get3A_891 = arith.constant 16 : index
        %get3A_892 = tpu.vector_load %arg10[%get3A_890, %get3A_891] {strides = array<i32>} : memref<64x128xf32, #tpu.memory_space<vmem>>, vector<1x16xf32>,
        %get3A_893 = vector.shape_cast %get3A_892 : vector<1x16xf32> to vector<16xf32>
        %add3A_894 = arith.addf %add3A_848, %get3A_893 : vector<16xf32>
        %get3A_895 = arith.index_cast %add3A_884 : i32 to index
        %get3A_896 = arith.constant 32 : index
        %get3A_897 = tpu.vector_load %arg10[%get3A_895, %get3A_896] {strides = array<i32>} : memref<64x128xf32, #tpu.memory_space<vmem>>, vector<1x16xf32>,
        %get3A_898 = vector.shape_cast %get3A_897 : vector<1x16xf32> to vector<16xf32>
        %add3A_899 = arith.addf %add3A_853, %get3A_898 : vector<16xf32>
        %get3A_900 = arith.index_cast %add3A_884 : i32 to index
        %get3A_901 = arith.constant 48 : index
        %get3A_902 = tpu.vector_load %arg10[%get3A_900, %get3A_901] {strides = array<i32>} : memref<64x128xf32, #tpu.memory_space<vmem>>, vector<1x16xf32>,
        %get3A_903 = vector.shape_cast %get3A_902 : vector<1x16xf32> to vector<16xf32>
        %add3A_904 = arith.addf %add3A_858, %get3A_903 : vector<16xf32>
        %get3A_905 = arith.index_cast %add3A_884 : i32 to index
        %get3A_906 = arith.constant 64 : index
        %get3A_907 = tpu.vector_load %arg10[%get3A_905, %get3A_906] {strides = array<i32>} : memref<64x128xf32, #tpu.memory_space<vmem>>, vector<1x16xf32>,
        %get3A_908 = vector.shape_cast %get3A_907 : vector<1x16xf32> to vector<16xf32>
        %add3A_909 = arith.addf %add3A_863, %get3A_908 : vector<16xf32>
        %get3A_910 = arith.index_cast %add3A_884 : i32 to index
        %get3A_911 = arith.constant 80 : index
        %get3A_912 = tpu.vector_load %arg10[%get3A_910, %get3A_911] {strides = array<i32>} : memref<64x128xf32, #tpu.memory_space<vmem>>, vector<1x16xf32>,
        %get3A_913 = vector.shape_cast %get3A_912 : vector<1x16xf32> to vector<16xf32>
        %add3A_914 = arith.addf %add3A_868, %get3A_913 : vector<16xf32>
        %get3A_915 = arith.index_cast %add3A_884 : i32 to index
        %get3A_916 = arith.constant 96 : index
        %get3A_917 = tpu.vector_load %arg10[%get3A_915, %get3A_916] {strides = array<i32>} : memref<64x128xf32, #tpu.memory_space<vmem>>, vector<1x16xf32>,
        %get3A_918 = vector.shape_cast %get3A_917 : vector<1x16xf32> to vector<16xf32>
        %add3A_919 = arith.addf %add3A_873, %get3A_918 : vector<16xf32>
        %get3A_920 = arith.index_cast %add3A_884 : i32 to index
        %get3A_921 = arith.constant 112 : index
        %get3A_922 = tpu.vector_load %arg10[%get3A_920, %get3A_921] {strides = array<i32>} : memref<64x128xf32, #tpu.memory_space<vmem>>, vector<1x16xf32>,
        %get3A_923 = vector.shape_cast %get3A_922 : vector<1x16xf32> to vector<16xf32>
        %add3A_924 = arith.addf %add3A_878, %get3A_923 : vector<16xf32>
        scf.yield %add3A_889, %add3A_894, %add3A_899, %add3A_904, %add3A_909, %add3A_914, %add3A_919, %add3A_924 : vector<16xf32>, vector<16xf32>, vector<16xf32>, vector<16xf32>, vector<16xf32>, vector<16xf32>, vector<16xf32>, vector<16xf32>
      }
      %scan3A_601 = arith.constant 8 : i32
      %swap3A_602 = arith.constant 0 : i32
      %swap3A_603 = arith.index_cast %swap3A_602 : i32 to index
      %swap3A_604 = arith.constant 0 : index
      %swap3A_605 = tpu.vector_load %arg14[%swap3A_603, %swap3A_604] {strides = array<i32>} : memref<2x128xf32, #tpu.memory_space<vmem>>, vector<1x16xf32>,
      %swap3A_606 = vector.shape_cast %swap3A_605 : vector<1x16xf32> to vector<16xf32>
      %swap3A_607 = vector.shape_cast %scan3A_600#0 : vector<16xf32> to vector<1x16xf32>
      tpu.vector_store %arg14[%swap3A_603, %swap3A_604], %swap3A_607 {strides = array<i32>} : memref<2x128xf32, #tpu.memory_space<vmem>>, vector<1x16xf32>,
      %swap3A_608 = arith.constant 0 : i32
      %swap3A_609 = arith.index_cast %swap3A_608 : i32 to index
      %swap3A_610 = arith.constant 16 : index
      %swap3A_611 = tpu.vector_load %arg14[%swap3A_609, %swap3A_610] {strides = array<i32>} : memref<2x128xf32, #tpu.memory_space<vmem>>, vector<1x16xf32>,
      %swap3A_612 = vector.shape_cast %swap3A_611 : vector<1x16xf32> to vector<16xf32>
      %swap3A_613 = vector.shape_cast %scan3A_600#1 : vector<16xf32> to vector<1x16xf32>
      tpu.vector_store %arg14[%swap3A_609, %swap3A_610], %swap3A_613 {strides = array<i32>} : memref<2x128xf32, #tpu.memory_space<vmem>>, vector<1x16xf32>,
      %swap3A_614 = arith.constant 0 : i32
      %swap3A_615 = arith.index_cast %swap3A_614 : i32 to index
      %swap3A_616 = arith.constant 32 : index
      %swap3A_617 = tpu.vector_load %arg14[%swap3A_615, %swap3A_616] {strides = array<i32>} : memref<2x128xf32, #tpu.memory_space<vmem>>, vector<1x16xf32>,
      %swap3A_618 = vector.shape_cast %swap3A_617 : vector<1x16xf32> to vector<16xf32>
      %swap3A_619 = vector.shape_cast %scan3A_600#2 : vector<16xf32> to vector<1x16xf32>
      tpu.vector_store %arg14[%swap3A_615, %swap3A_616], %swap3A_619 {strides = array<i32>} : memref<2x128xf32, #tpu.memory_space<vmem>>, vector<1x16xf32>,
      %swap3A_620 = arith.constant 0 : i32
      %swap3A_621 = arith.index_cast %swap3A_620 : i32 to index
      %swap3A_622 = arith.constant 48 : index
      %swap3A_623 = tpu.vector_load %arg14[%swap3A_621, %swap3A_622] {strides = array<i32>} : memref<2x128xf32, #tpu.memory_space<vmem>>, vector<1x16xf32>,
      %swap3A_624 = vector.shape_cast %swap3A_623 : vector<1x16xf32> to vector<16xf32>
      %swap3A_625 = vector.shape_cast %scan3A_600#3 : vector<16xf32> to vector<1x16xf32>
      tpu.vector_store %arg14[%swap3A_621, %swap3A_622], %swap3A_625 {strides = array<i32>} : memref<2x128xf32, #tpu.memory_space<vmem>>, vector<1x16xf32>,
      %swap3A_626 = arith.constant 0 : i32
      %swap3A_627 = arith.index_cast %swap3A_626 : i32 to index
      %swap3A_628 = arith.constant 64 : index
      %swap3A_629 = tpu.vector_load %arg14[%swap3A_627, %swap3A_628] {strides = array<i32>} : memref<2x128xf32, #tpu.memory_space<vmem>>, vector<1x16xf32>,
      %swap3A_630 = vector.shape_cast %swap3A_629 : vector<1x16xf32> to vector<16xf32>
      %swap3A_631 = vector.shape_cast %scan3A_600#4 : vector<16xf32> to vector<1x16xf32>
      tpu.vector_store %arg14[%swap3A_627, %swap3A_628], %swap3A_631 {strides = array<i32>} : memref<2x128xf32, #tpu.memory_space<vmem>>, vector<1x16xf32>,
      %swap3A_632 = arith.constant 0 : i32
      %swap3A_633 = arith.index_cast %swap3A_632 : i32 to index
      %swap3A_634 = arith.constant 80 : index
      %swap3A_635 = tpu.vector_load %arg14[%swap3A_633, %swap3A_634] {strides = array<i32>} : memref<2x128xf32, #tpu.memory_space<vmem>>, vector<1x16xf32>,
      %swap3A_636 = vector.shape_cast %swap3A_635 : vector<1x16xf32> to vector<16xf32>
      %swap3A_637 = vector.shape_cast %scan3A_600#5 : vector<16xf32> to vector<1x16xf32>
      tpu.vector_store %arg14[%swap3A_633, %swap3A_634], %swap3A_637 {strides = array<i32>} : memref<2x128xf32, #tpu.memory_space<vmem>>, vector<1x16xf32>,
      %swap3A_638 = arith.constant 0 : i32
      %swap3A_639 = arith.index_cast %swap3A_638 : i32 to index
      %swap3A_640 = arith.constant 96 : index
      %swap3A_641 = tpu.vector_load %arg14[%swap3A_639, %swap3A_640] {strides = array<i32>} : memref<2x128xf32, #tpu.memory_space<vmem>>, vector<1x16xf32>,
      %swap3A_642 = vector.shape_cast %swap3A_641 : vector<1x16xf32> to vector<16xf32>
      %swap3A_643 = vector.shape_cast %scan3A_600#6 : vector<16xf32> to vector<1x16xf32>
      tpu.vector_store %arg14[%swap3A_639, %swap3A_640], %swap3A_643 {strides = array<i32>} : memref<2x128xf32, #tpu.memory_space<vmem>>, vector<1x16xf32>,
      %swap3A_644 = arith.constant 0 : i32
      %swap3A_645 = arith.index_cast %swap3A_644 : i32 to index
      %swap3A_646 = arith.constant 112 : index
      %swap3A_647 = tpu.vector_load %arg14[%swap3A_645, %swap3A_646] {strides = array<i32>} : memref<2x128xf32, #tpu.memory_space<vmem>>, vector<1x16xf32>,
      %swap3A_648 = vector.shape_cast %swap3A_647 : vector<1x16xf32> to vector<16xf32>
      %swap3A_649 = vector.shape_cast %scan3A_600#7 : vector<16xf32> to vector<1x16xf32>
      tpu.vector_store %arg14[%swap3A_645, %swap3A_646], %swap3A_649 {strides = array<i32>} : memref<2x128xf32, #tpu.memory_space<vmem>>, vector<1x16xf32>,
      %broadcast_in_dim3A_650 = arith.constant 0.000000e+00 : f32
      %broadcast_in_dim3A_651 = vector.broadcast %broadcast_in_dim3A_650 : f32 to vector<16xf32>
      %broadcast_in_dim3A_652 = arith.constant 0.000000e+00 : f32
      %broadcast_in_dim3A_653 = vector.broadcast %broadcast_in_dim3A_652 : f32 to vector<16xf32>
      %broadcast_in_dim3A_654 = arith.constant 0.000000e+00 : f32
      %broadcast_in_dim3A_655 = vector.broadcast %broadcast_in_dim3A_654 : f32 to vector<16xf32>
      %broadcast_in_dim3A_656 = arith.constant 0.000000e+00 : f32
      %broadcast_in_dim3A_657 = vector.broadcast %broadcast_in_dim3A_656 : f32 to vector<16xf32>
      %broadcast_in_dim3A_658 = arith.constant 0.000000e+00 : f32
      %broadcast_in_dim3A_659 = vector.broadcast %broadcast_in_dim3A_658 : f32 to vector<16xf32>
      %broadcast_in_dim3A_660 = arith.constant 0.000000e+00 : f32
      %broadcast_in_dim3A_661 = vector.broadcast %broadcast_in_dim3A_660 : f32 to vector<16xf32>
      %broadcast_in_dim3A_662 = arith.constant 0.000000e+00 : f32
      %broadcast_in_dim3A_663 = vector.broadcast %broadcast_in_dim3A_662 : f32 to vector<16xf32>
      %broadcast_in_dim3A_664 = arith.constant 0.000000e+00 : f32
      %broadcast_in_dim3A_665 = vector.broadcast %broadcast_in_dim3A_664 : f32 to vector<16xf32>
      %scan3A_666 = arith.constant 0 : i32
      %scan3A_667 = arith.constant 8 : i32
      %scan3A_668 = arith.addi %scan3A_666, %scan3A_667 : i32
      %scan3A_669 = arith.constant 1 : i32
      %scan3A_670:8 = scf.for %scan3A_733 = %scan3A_666 to %scan3A_668 step %scan3A_669 iter_args(%scan3A_734 = %broadcast_in_dim3A_651, %scan3A_735 = %broadcast_in_dim3A_653, %scan3A_736 = %broadcast_in_dim3A_655, %scan3A_737 = %broadcast_in_dim3A_657, %scan3A_738 = %broadcast_in_dim3A_659, %scan3A_739 = %broadcast_in_dim3A_661, %scan3A_740 = %broadcast_in_dim3A_663, %scan3A_741 = %broadcast_in_dim3A_665) -> (vector<16xf32>, vector<16xf32>, vector<16xf32>, vector<16xf32>, vector<16xf32>, vector<16xf32>, vector<16xf32>, vector<16xf32>)  : i32 {
        %mul3A_742 = arith.constant 4 : i32
        %mul3A_743 = arith.muli %scan3A_733, %mul3A_742 : i32
        %add3A_744 = arith.constant 32 : i32
        %add3A_745 = arith.addi %add3A_744, %mul3A_743 : i32
        %add3A_746 = arith.constant 0 : i32
        %add3A_747 = arith.addi %add3A_745, %add3A_746 : i32
        %get3A = arith.index_cast %add3A_747 : i32 to index
        %get3A_748 = arith.constant 0 : index
        %get3A_749 = tpu.vector_load %arg10[%get3A, %get3A_748] {strides = array<i32>} : memref<64x128xf32, #tpu.memory_space<vmem>>, vector<1x16xf32>,
        %get3A_750 = vector.shape_cast %get3A_749 : vector<1x16xf32> to vector<16xf32>
        %add3A_751 = arith.addf %scan3A_734, %get3A_750 : vector<16xf32>
        %get3A_752 = arith.index_cast %add3A_747 : i32 to index
        %get3A_753 = arith.constant 16 : index
        %get3A_754 = tpu.vector_load %arg10[%get3A_752, %get3A_753] {strides = array<i32>} : memref<64x128xf32, #tpu.memory_space<vmem>>, vector<1x16xf32>,
        %get3A_755 = vector.shape_cast %get3A_754 : vector<1x16xf32> to vector<16xf32>
        %add3A_756 = arith.addf %scan3A_735, %get3A_755 : vector<16xf32>
        %get3A_757 = arith.index_cast %add3A_747 : i32 to index
        %get3A_758 = arith.constant 32 : index
        %get3A_759 = tpu.vector_load %arg10[%get3A_757, %get3A_758] {strides = array<i32>} : memref<64x128xf32, #tpu.memory_space<vmem>>, vector<1x16xf32>,
        %get3A_760 = vector.shape_cast %get3A_759 : vector<1x16xf32> to vector<16xf32>
        %add3A_761 = arith.addf %scan3A_736, %get3A_760 : vector<16xf32>
        %get3A_762 = arith.index_cast %add3A_747 : i32 to index
        %get3A_763 = arith.constant 48 : index
        %get3A_764 = tpu.vector_load %arg10[%get3A_762, %get3A_763] {strides = array<i32>} : memref<64x128xf32, #tpu.memory_space<vmem>>, vector<1x16xf32>,
        %get3A_765 = vector.shape_cast %get3A_764 : vector<1x16xf32> to vector<16xf32>
        %add3A_766 = arith.addf %scan3A_737, %get3A_765 : vector<16xf32>
        %get3A_767 = arith.index_cast %add3A_747 : i32 to index
        %get3A_768 = arith.constant 64 : index
        %get3A_769 = tpu.vector_load %arg10[%get3A_767, %get3A_768] {strides = array<i32>} : memref<64x128xf32, #tpu.memory_space<vmem>>, vector<1x16xf32>,
        %get3A_770 = vector.shape_cast %get3A_769 : vector<1x16xf32> to vector<16xf32>
        %add3A_771 = arith.addf %scan3A_738, %get3A_770 : vector<16xf32>
        %get3A_772 = arith.index_cast %add3A_747 : i32 to index
        %get3A_773 = arith.constant 80 : index
        %get3A_774 = tpu.vector_load %arg10[%get3A_772, %get3A_773] {strides = array<i32>} : memref<64x128xf32, #tpu.memory_space<vmem>>, vector<1x16xf32>,
        %get3A_775 = vector.shape_cast %get3A_774 : vector<1x16xf32> to vector<16xf32>
        %add3A_776 = arith.addf %scan3A_739, %get3A_775 : vector<16xf32>
        %get3A_777 = arith.index_cast %add3A_747 : i32 to index
        %get3A_778 = arith.constant 96 : index
        %get3A_779 = tpu.vector_load %arg10[%get3A_777, %get3A_778] {strides = array<i32>} : memref<64x128xf32, #tpu.memory_space<vmem>>, vector<1x16xf32>,
        %get3A_780 = vector.shape_cast %get3A_779 : vector<1x16xf32> to vector<16xf32>
        %add3A_781 = arith.addf %scan3A_740, %get3A_780 : vector<16xf32>
        %get3A_782 = arith.index_cast %add3A_747 : i32 to index
        %get3A_783 = arith.constant 112 : index
        %get3A_784 = tpu.vector_load %arg10[%get3A_782, %get3A_783] {strides = array<i32>} : memref<64x128xf32, #tpu.memory_space<vmem>>, vector<1x16xf32>,
        %get3A_785 = vector.shape_cast %get3A_784 : vector<1x16xf32> to vector<16xf32>
        %add3A_786 = arith.addf %scan3A_741, %get3A_785 : vector<16xf32>
        %mul3A_787 = arith.constant 4 : i32
        %mul3A_788 = arith.muli %scan3A_733, %mul3A_787 : i32
        %add3A_789 = arith.constant 32 : i32
        %add3A_790 = arith.addi %add3A_789, %mul3A_788 : i32
        %add3A_791 = arith.constant 1 : i32
        %add3A_792 = arith.addi %add3A_790, %add3A_791 : i32
        %get3A_793 = arith.index_cast %add3A_792 : i32 to index
        %get3A_794 = arith.constant 0 : index
        %get3A_795 = tpu.vector_load %arg10[%get3A_793, %get3A_794] {strides = array<i32>} : memref<64x128xf32, #tpu.memory_space<vmem>>, vector<1x16xf32>,
        %get3A_796 = vector.shape_cast %get3A_795 : vector<1x16xf32> to vector<16xf32>
        %add3A_797 = arith.addf %add3A_751, %get3A_796 : vector<16xf32>
        %get3A_798 = arith.index_cast %add3A_792 : i32 to index
        %get3A_799 = arith.constant 16 : index
        %get3A_800 = tpu.vector_load %arg10[%get3A_798, %get3A_799] {strides = array<i32>} : memref<64x128xf32, #tpu.memory_space<vmem>>, vector<1x16xf32>,
        %get3A_801 = vector.shape_cast %get3A_800 : vector<1x16xf32> to vector<16xf32>
        %add3A_802 = arith.addf %add3A_756, %get3A_801 : vector<16xf32>
        %get3A_803 = arith.index_cast %add3A_792 : i32 to index
        %get3A_804 = arith.constant 32 : index
        %get3A_805 = tpu.vector_load %arg10[%get3A_803, %get3A_804] {strides = array<i32>} : memref<64x128xf32, #tpu.memory_space<vmem>>, vector<1x16xf32>,
        %get3A_806 = vector.shape_cast %get3A_805 : vector<1x16xf32> to vector<16xf32>
        %add3A_807 = arith.addf %add3A_761, %get3A_806 : vector<16xf32>
        %get3A_808 = arith.index_cast %add3A_792 : i32 to index
        %get3A_809 = arith.constant 48 : index
        %get3A_810 = tpu.vector_load %arg10[%get3A_808, %get3A_809] {strides = array<i32>} : memref<64x128xf32, #tpu.memory_space<vmem>>, vector<1x16xf32>,
        %get3A_811 = vector.shape_cast %get3A_810 : vector<1x16xf32> to vector<16xf32>
        %add3A_812 = arith.addf %add3A_766, %get3A_811 : vector<16xf32>
        %get3A_813 = arith.index_cast %add3A_792 : i32 to index
        %get3A_814 = arith.constant 64 : index
        %get3A_815 = tpu.vector_load %arg10[%get3A_813, %get3A_814] {strides = array<i32>} : memref<64x128xf32, #tpu.memory_space<vmem>>, vector<1x16xf32>,
        %get3A_816 = vector.shape_cast %get3A_815 : vector<1x16xf32> to vector<16xf32>
        %add3A_817 = arith.addf %add3A_771, %get3A_816 : vector<16xf32>
        %get3A_818 = arith.index_cast %add3A_792 : i32 to index
        %get3A_819 = arith.constant 80 : index
        %get3A_820 = tpu.vector_load %arg10[%get3A_818, %get3A_819] {strides = array<i32>} : memref<64x128xf32, #tpu.memory_space<vmem>>, vector<1x16xf32>,
        %get3A_821 = vector.shape_cast %get3A_820 : vector<1x16xf32> to vector<16xf32>
        %add3A_822 = arith.addf %add3A_776, %get3A_821 : vector<16xf32>
        %get3A_823 = arith.index_cast %add3A_792 : i32 to index
        %get3A_824 = arith.constant 96 : index
        %get3A_825 = tpu.vector_load %arg10[%get3A_823, %get3A_824] {strides = array<i32>} : memref<64x128xf32, #tpu.memory_space<vmem>>, vector<1x16xf32>,
        %get3A_826 = vector.shape_cast %get3A_825 : vector<1x16xf32> to vector<16xf32>
        %add3A_827 = arith.addf %add3A_781, %get3A_826 : vector<16xf32>
        %get3A_828 = arith.index_cast %add3A_792 : i32 to index
        %get3A_829 = arith.constant 112 : index
        %get3A_830 = tpu.vector_load %arg10[%get3A_828, %get3A_829] {strides = array<i32>} : memref<64x128xf32, #tpu.memory_space<vmem>>, vector<1x16xf32>,
        %get3A_831 = vector.shape_cast %get3A_830 : vector<1x16xf32> to vector<16xf32>
        %add3A_832 = arith.addf %add3A_786, %get3A_831 : vector<16xf32>
        %mul3A_833 = arith.constant 4 : i32
        %mul3A_834 = arith.muli %scan3A_733, %mul3A_833 : i32
        %add3A_835 = arith.constant 32 : i32
        %add3A_836 = arith.addi %add3A_835, %mul3A_834 : i32
        %add3A_837 = arith.constant 2 : i32
        %add3A_838 = arith.addi %add3A_836, %add3A_837 : i32
        %get3A_839 = arith.index_cast %add3A_838 : i32 to index
        %get3A_840 = arith.constant 0 : index
        %get3A_841 = tpu.vector_load %arg10[%get3A_839, %get3A_840] {strides = array<i32>} : memref<64x128xf32, #tpu.memory_space<vmem>>, vector<1x16xf32>,
        %get3A_842 = vector.shape_cast %get3A_841 : vector<1x16xf32> to vector<16xf32>
        %add3A_843 = arith.addf %add3A_797, %get3A_842 : vector<16xf32>
        %get3A_844 = arith.index_cast %add3A_838 : i32 to index
        %get3A_845 = arith.constant 16 : index
        %get3A_846 = tpu.vector_load %arg10[%get3A_844, %get3A_845] {strides = array<i32>} : memref<64x128xf32, #tpu.memory_space<vmem>>, vector<1x16xf32>,
        %get3A_847 = vector.shape_cast %get3A_846 : vector<1x16xf32> to vector<16xf32>
        %add3A_848 = arith.addf %add3A_802, %get3A_847 : vector<16xf32>
        %get3A_849 = arith.index_cast %add3A_838 : i32 to index
        %get3A_850 = arith.constant 32 : index
        %get3A_851 = tpu.vector_load %arg10[%get3A_849, %get3A_850] {strides = array<i32>} : memref<64x128xf32, #tpu.memory_space<vmem>>, vector<1x16xf32>,
        %get3A_852 = vector.shape_cast %get3A_851 : vector<1x16xf32> to vector<16xf32>
        %add3A_853 = arith.addf %add3A_807, %get3A_852 : vector<16xf32>
        %get3A_854 = arith.index_cast %add3A_838 : i32 to index
        %get3A_855 = arith.constant 48 : index
        %get3A_856 = tpu.vector_load %arg10[%get3A_854, %get3A_855] {strides = array<i32>} : memref<64x128xf32, #tpu.memory_space<vmem>>, vector<1x16xf32>,
        %get3A_857 = vector.shape_cast %get3A_856 : vector<1x16xf32> to vector<16xf32>
        %add3A_858 = arith.addf %add3A_812, %get3A_857 : vector<16xf32>
        %get3A_859 = arith.index_cast %add3A_838 : i32 to index
        %get3A_860 = arith.constant 64 : index
        %get3A_861 = tpu.vector_load %arg10[%get3A_859, %get3A_860] {strides = array<i32>} : memref<64x128xf32, #tpu.memory_space<vmem>>, vector<1x16xf32>,
        %get3A_862 = vector.shape_cast %get3A_861 : vector<1x16xf32> to vector<16xf32>
        %add3A_863 = arith.addf %add3A_817, %get3A_862 : vector<16xf32>
        %get3A_864 = arith.index_cast %add3A_838 : i32 to index
        %get3A_865 = arith.constant 80 : index
        %get3A_866 = tpu.vector_load %arg10[%get3A_864, %get3A_865] {strides = array<i32>} : memref<64x128xf32, #tpu.memory_space<vmem>>, vector<1x16xf32>,
        %get3A_867 = vector.shape_cast %get3A_866 : vector<1x16xf32> to vector<16xf32>
        %add3A_868 = arith.addf %add3A_822, %get3A_867 : vector<16xf32>
        %get3A_869 = arith.index_cast %add3A_838 : i32 to index
        %get3A_870 = arith.constant 96 : index
        %get3A_871 = tpu.vector_load %arg10[%get3A_869, %get3A_870] {strides = array<i32>} : memref<64x128xf32, #tpu.memory_space<vmem>>, vector<1x16xf32>,
        %get3A_872 = vector.shape_cast %get3A_871 : vector<1x16xf32> to vector<16xf32>
        %add3A_873 = arith.addf %add3A_827, %get3A_872 : vector<16xf32>
        %get3A_874 = arith.index_cast %add3A_838 : i32 to index
        %get3A_875 = arith.constant 112 : index
        %get3A_876 = tpu.vector_load %arg10[%get3A_874, %get3A_875] {strides = array<i32>} : memref<64x128xf32, #tpu.memory_space<vmem>>, vector<1x16xf32>,
        %get3A_877 = vector.shape_cast %get3A_876 : vector<1x16xf32> to vector<16xf32>
        %add3A_878 = arith.addf %add3A_832, %get3A_877 : vector<16xf32>
        %mul3A_879 = arith.constant 4 : i32
        %mul3A_880 = arith.muli %scan3A_733, %mul3A_879 : i32
        %add3A_881 = arith.constant 32 : i32
        %add3A_882 = arith.addi %add3A_881, %mul3A_880 : i32
        %add3A_883 = arith.constant 3 : i32
        %add3A_884 = arith.addi %add3A_882, %add3A_883 : i32
        %get3A_885 = arith.index_cast %add3A_884 : i32 to index
        %get3A_886 = arith.constant 0 : index
        %get3A_887 = tpu.vector_load %arg10[%get3A_885, %get3A_886] {strides = array<i32>} : memref<64x128xf32, #tpu.memory_space<vmem>>, vector<1x16xf32>,
        %get3A_888 = vector.shape_cast %get3A_887 : vector<1x16xf32> to vector<16xf32>
        %add3A_889 = arith.addf %add3A_843, %get3A_888 : vector<16xf32>
        %get3A_890 = arith.index_cast %add3A_884 : i32 to index
        %get3A_891 = arith.constant 16 : index
        %get3A_892 = tpu.vector_load %arg10[%get3A_890, %get3A_891] {strides = array<i32>} : memref<64x128xf32, #tpu.memory_space<vmem>>, vector<1x16xf32>,
        %get3A_893 = vector.shape_cast %get3A_892 : vector<1x16xf32> to vector<16xf32>
        %add3A_894 = arith.addf %add3A_848, %get3A_893 : vector<16xf32>
        %get3A_895 = arith.index_cast %add3A_884 : i32 to index
        %get3A_896 = arith.constant 32 : index
        %get3A_897 = tpu.vector_load %arg10[%get3A_895, %get3A_896] {strides = array<i32>} : memref<64x128xf32, #tpu.memory_space<vmem>>, vector<1x16xf32>,
        %get3A_898 = vector.shape_cast %get3A_897 : vector<1x16xf32> to vector<16xf32>
        %add3A_899 = arith.addf %add3A_853, %get3A_898 : vector<16xf32>
        %get3A_900 = arith.index_cast %add3A_884 : i32 to index
        %get3A_901 = arith.constant 48 : index
        %get3A_902 = tpu.vector_load %arg10[%get3A_900, %get3A_901] {strides = array<i32>} : memref<64x128xf32, #tpu.memory_space<vmem>>, vector<1x16xf32>,
        %get3A_903 = vector.shape_cast %get3A_902 : vector<1x16xf32> to vector<16xf32>
        %add3A_904 = arith.addf %add3A_858, %get3A_903 : vector<16xf32>
        %get3A_905 = arith.index_cast %add3A_884 : i32 to index
        %get3A_906 = arith.constant 64 : index
        %get3A_907 = tpu.vector_load %arg10[%get3A_905, %get3A_906] {strides = array<i32>} : memref<64x128xf32, #tpu.memory_space<vmem>>, vector<1x16xf32>,
        %get3A_908 = vector.shape_cast %get3A_907 : vector<1x16xf32> to vector<16xf32>
        %add3A_909 = arith.addf %add3A_863, %get3A_908 : vector<16xf32>
        %get3A_910 = arith.index_cast %add3A_884 : i32 to index
        %get3A_911 = arith.constant 80 : index
        %get3A_912 = tpu.vector_load %arg10[%get3A_910, %get3A_911] {strides = array<i32>} : memref<64x128xf32, #tpu.memory_space<vmem>>, vector<1x16xf32>,
        %get3A_913 = vector.shape_cast %get3A_912 : vector<1x16xf32> to vector<16xf32>
        %add3A_914 = arith.addf %add3A_868, %get3A_913 : vector<16xf32>
        %get3A_915 = arith.index_cast %add3A_884 : i32 to index
        %get3A_916 = arith.constant 96 : index
        %get3A_917 = tpu.vector_load %arg10[%get3A_915, %get3A_916] {strides = array<i32>} : memref<64x128xf32, #tpu.memory_space<vmem>>, vector<1x16xf32>,
        %get3A_918 = vector.shape_cast %get3A_917 : vector<1x16xf32> to vector<16xf32>
        %add3A_919 = arith.addf %add3A_873, %get3A_918 : vector<16xf32>
        %get3A_920 = arith.index_cast %add3A_884 : i32 to index
        %get3A_921 = arith.constant 112 : index
        %get3A_922 = tpu.vector_load %arg10[%get3A_920, %get3A_921] {strides = array<i32>} : memref<64x128xf32, #tpu.memory_space<vmem>>, vector<1x16xf32>,
        %get3A_923 = vector.shape_cast %get3A_922 : vector<1x16xf32> to vector<16xf32>
        %add3A_924 = arith.addf %add3A_878, %get3A_923 : vector<16xf32>
        scf.yield %add3A_889, %add3A_894, %add3A_899, %add3A_904, %add3A_909, %add3A_914, %add3A_919, %add3A_924 : vector<16xf32>, vector<16xf32>, vector<16xf32>, vector<16xf32>, vector<16xf32>, vector<16xf32>, vector<16xf32>, vector<16xf32>
      }
      %scan3A_671 = arith.constant 8 : i32
      %swap3A_672 = arith.constant 1 : i32
      %swap3A_673 = arith.index_cast %swap3A_672 : i32 to index
      %swap3A_674 = arith.constant 0 : index
      %swap3A_675 = tpu.vector_load %arg14[%swap3A_673, %swap3A_674] {strides = array<i32>} : memref<2x128xf32, #tpu.memory_space<vmem>>, vector<1x16xf32>,
      %swap3A_676 = vector.shape_cast %swap3A_675 : vector<1x16xf32> to vector<16xf32>
      %swap3A_677 = vector.shape_cast %scan3A_670#0 : vector<16xf32> to vector<1x16xf32>
      tpu.vector_store %arg14[%swap3A_673, %swap3A_674], %swap3A_677 {strides = array<i32>} : memref<2x128xf32, #tpu.memory_space<vmem>>, vector<1x16xf32>,
      %swap3A_678 = arith.constant 1 : i32
      %swap3A_679 = arith.index_cast %swap3A_678 : i32 to index
      %swap3A_680 = arith.constant 16 : index
      %swap3A_681 = tpu.vector_load %arg14[%swap3A_679, %swap3A_680] {strides = array<i32>} : memref<2x128xf32, #tpu.memory_space<vmem>>, vector<1x16xf32>,
      %swap3A_682 = vector.shape_cast %swap3A_681 : vector<1x16xf32> to vector<16xf32>
      %swap3A_683 = vector.shape_cast %scan3A_670#1 : vector<16xf32> to vector<1x16xf32>
      tpu.vector_store %arg14[%swap3A_679, %swap3A_680], %swap3A_683 {strides = array<i32>} : memref<2x128xf32, #tpu.memory_space<vmem>>, vector<1x16xf32>,
      %swap3A_684 = arith.constant 1 : i32
      %swap3A_685 = arith.index_cast %swap3A_684 : i32 to index
      %swap3A_686 = arith.constant 32 : index
      %swap3A_687 = tpu.vector_load %arg14[%swap3A_685, %swap3A_686] {strides = array<i32>} : memref<2x128xf32, #tpu.memory_space<vmem>>, vector<1x16xf32>,
      %swap3A_688 = vector.shape_cast %swap3A_687 : vector<1x16xf32> to vector<16xf32>
      %swap3A_689 = vector.shape_cast %scan3A_670#2 : vector<16xf32> to vector<1x16xf32>
      tpu.vector_store %arg14[%swap3A_685, %swap3A_686], %swap3A_689 {strides = array<i32>} : memref<2x128xf32, #tpu.memory_space<vmem>>, vector<1x16xf32>,
      %swap3A_690 = arith.constant 1 : i32
      %swap3A_691 = arith.index_cast %swap3A_690 : i32 to index
      %swap3A_692 = arith.constant 48 : index
      %swap3A_693 = tpu.vector_load %arg14[%swap3A_691, %swap3A_692] {strides = array<i32>} : memref<2x128xf32, #tpu.memory_space<vmem>>, vector<1x16xf32>,
      %swap3A_694 = vector.shape_cast %swap3A_693 : vector<1x16xf32> to vector<16xf32>
      %swap3A_695 = vector.shape_cast %scan3A_670#3 : vector<16xf32> to vector<1x16xf32>
      tpu.vector_store %arg14[%swap3A_691, %swap3A_692], %swap3A_695 {strides = array<i32>} : memref<2x128xf32, #tpu.memory_space<vmem>>, vector<1x16xf32>,
      %swap3A_696 = arith.constant 1 : i32
      %swap3A_697 = arith.index_cast %swap3A_696 : i32 to index
      %swap3A_698 = arith.constant 64 : index
      %swap3A_699 = tpu.vector_load %arg14[%swap3A_697, %swap3A_698] {strides = array<i32>} : memref<2x128xf32, #tpu.memory_space<vmem>>, vector<1x16xf32>,
      %swap3A_700 = vector.shape_cast %swap3A_699 : vector<1x16xf32> to vector<16xf32>
      %swap3A_701 = vector.shape_cast %scan3A_670#4 : vector<16xf32> to vector<1x16xf32>
      tpu.vector_store %arg14[%swap3A_697, %swap3A_698], %swap3A_701 {strides = array<i32>} : memref<2x128xf32, #tpu.memory_space<vmem>>, vector<1x16xf32>,
      %swap3A_702 = arith.constant 1 : i32
      %swap3A_703 = arith.index_cast %swap3A_702 : i32 to index
      %swap3A_704 = arith.constant 80 : index
      %swap3A_705 = tpu.vector_load %arg14[%swap3A_703, %swap3A_704] {strides = array<i32>} : memref<2x128xf32, #tpu.memory_space<vmem>>, vector<1x16xf32>,
      %swap3A_706 = vector.shape_cast %swap3A_705 : vector<1x16xf32> to vector<16xf32>
      %swap3A_707 = vector.shape_cast %scan3A_670#5 : vector<16xf32> to vector<1x16xf32>
      tpu.vector_store %arg14[%swap3A_703, %swap3A_704], %swap3A_707 {strides = array<i32>} : memref<2x128xf32, #tpu.memory_space<vmem>>, vector<1x16xf32>,
      %swap3A_708 = arith.constant 1 : i32
      %swap3A_709 = arith.index_cast %swap3A_708 : i32 to index
      %swap3A_710 = arith.constant 96 : index
      %swap3A_711 = tpu.vector_load %arg14[%swap3A_709, %swap3A_710] {strides = array<i32>} : memref<2x128xf32, #tpu.memory_space<vmem>>, vector<1x16xf32>,
      %swap3A_712 = vector.shape_cast %swap3A_711 : vector<1x16xf32> to vector<16xf32>
      %swap3A_713 = vector.shape_cast %scan3A_670#6 : vector<16xf32> to vector<1x16xf32>
      tpu.vector_store %arg14[%swap3A_709, %swap3A_710], %swap3A_713 {strides = array<i32>} : memref<2x128xf32, #tpu.memory_space<vmem>>, vector<1x16xf32>,
      %swap3A_714 = arith.constant 1 : i32
      %swap3A_715 = arith.index_cast %swap3A_714 : i32 to index
      %swap3A_716 = arith.constant 112 : index
      %swap3A_717 = tpu.vector_load %arg14[%swap3A_715, %swap3A_716] {strides = array<i32>} : memref<2x128xf32, #tpu.memory_space<vmem>>, vector<1x16xf32>,
      %swap3A_718 = vector.shape_cast %swap3A_717 : vector<1x16xf32> to vector<16xf32>
      %swap3A_719 = vector.shape_cast %scan3A_670#7 : vector<16xf32> to vector<1x16xf32>
      tpu.vector_store %arg14[%swap3A_715, %swap3A_716], %swap3A_719 {strides = array<i32>} : memref<2x128xf32, #tpu.memory_space<vmem>>, vector<1x16xf32>,
      %mul3A_720 = arith.constant 2 : i32
      %mul3A_721 = arith.muli %add3A_568, %mul3A_720 : i32
      %add3A_722 = arith.addi %mul3A_2, %mul3A_721 : i32
      %dma_start3A_723 = arith.constant 0 : i32
      %dma_start3A_724 = tpu.memref_slice %arg4[%add3A_722, %dma_start3A_723] : memref<10000x128xf32, #tpu.memory_space<hbm>> -> memref<2x128xf32, #tpu.memory_space<hbm>>
      %dma_start3A_725 = arith.constant 0 : i32
      %dma_start3A_726 = tpu.memref_slice %arg4[%add3A_722, %dma_start3A_725] : memref<10000x128xf32, #tpu.memory_space<hbm>> -> memref<2x128xf32, #tpu.memory_space<hbm>>
      tpu.enqueue_dma source(%arg14 : memref<2x128xf32, #tpu.memory_space<vmem>>) target(%dma_start3A_726 : memref<2x128xf32, #tpu.memory_space<hbm>>) target_semaphore(%arg22 : memref<!tpu.dma_semaphore, #tpu.memory_space<semaphore_mem>>)
      %sub3A_727 = arith.constant 1 : i32
      %sub3A_728 = arith.subi %select_n3A, %sub3A_727 : i32
      %lt3A_729 = arith.cmpi slt, %while3A_65, %sub3A_728 : i32
      %convert_element_type3A_730 = arith.extui %lt3A_729 : i1 to i32
      %cond3A_731 = arith.constant 0 : i32
      %cond3A_732 = arith.cmpi ne, %convert_element_type3A_730, %cond3A_731 : i32
      scf.if %cond3A_732 {
        %add3A_733 = arith.constant 4 : i32
        %add3A_734 = arith.addi %add3A_568, %add3A_733 : i32
        %mul3A_735 = arith.constant 64 : i32
        %mul3A_736 = arith.muli %add3A_734, %mul3A_735 : i32
        %dma_start3A_737 = tpu.memref_slice %arg6[%mul3A_736] : memref<10240xi32, #tpu.memory_space<vmem>> -> memref<64xi32, #tpu.memory_space<vmem>>
        %dma_start3A_738 = arith.constant 0 : i32
        %dma_start3A_739 = arith.constant 0 : i32
        %dma_start3A_740 = tpu.memref_slice %arg5[%dma_start3A_738, %dma_start3A_739] : memref<10000x128xf32, #tpu.memory_space<vmem_shared>> -> memref<10000x128xf32, #tpu.memory_space<vmem_shared>>
        tpu.enqueue_indirect_dma source(%dma_start3A_740 : memref<10000x128xf32, #tpu.memory_space<vmem_shared>>) target(%arg10 : memref<64x128xf32, #tpu.memory_space<vmem>>) offsets(%dma_start3A_737 : memref<64xi32, #tpu.memory_space<vmem>>) semaphore(%arg18 : memref<!tpu.dma_semaphore, #tpu.memory_space<semaphore_mem>>)
      } else {
      }
    }
    %while3A_49 = arith.constant 1 : i32
    scf.for %while3A_65 = %while3A_47 to %while3A_43 step %while3A_49  : i32 {
      %mul3A_66 = arith.constant 4 : i32
      %mul3A_67 = arith.muli %while3A_65, %mul3A_66 : i32
      %add3A_68 = arith.constant 0 : i32
      %add3A_69 = arith.addi %mul3A_67, %add3A_68 : i32
      %dma_wait3A_70 = arith.constant 0 : i32
      %dma_wait3A_71 = arith.constant 0 : i32
      %dma_wait3A_72 = tpu.memref_slice %arg2[%dma_wait3A_70, %dma_wait3A_71] : memref<10000x128xf32, #tpu.memory_space<hbm>> -> memref<64x128xf32, #tpu.memory_space<hbm>>
      %dma_wait3A_73 = arith.constant 0 : i32
      %dma_wait3A_74 = arith.constant 0 : i32
      %dma_wait3A_75 = tpu.memref_slice %arg2[%dma_wait3A_73, %dma_wait3A_74] : memref<10000x128xf32, #tpu.memory_space<hbm>> -> memref<64x128xf32, #tpu.memory_space<hbm>>
      tpu.wait_dma2 semaphore(%arg15 : memref<!tpu.dma_semaphore, #tpu.memory_space<semaphore_mem>>) src(%dma_wait3A_75 : memref<64x128xf32, #tpu.memory_space<hbm>>) dst(%arg7 : memref<64x128xf32, #tpu.memory_space<vmem>>)
      %gt3A = arith.constant 0 : i32
      %gt3A_76 = arith.cmpi sgt, %while3A_65, %gt3A : i32
      %convert_element_type3A_77 = arith.extui %gt3A_76 : i1 to i32
      %cond3A_78 = arith.constant 0 : i32
      %cond3A_79 = arith.cmpi ne, %convert_element_type3A_77, %cond3A_78 : i32
      scf.if %cond3A_79 {
        %dma_wait3A_733 = arith.constant 0 : i32
        %dma_wait3A_734 = tpu.memref_slice %arg4[%mul3A_2, %dma_wait3A_733] : memref<10000x128xf32, #tpu.memory_space<hbm>> -> memref<2x128xf32, #tpu.memory_space<hbm>>
        %dma_wait3A_735 = arith.constant 0 : i32
        %dma_wait3A_736 = tpu.memref_slice %arg4[%mul3A_2, %dma_wait3A_735] : memref<10000x128xf32, #tpu.memory_space<hbm>> -> memref<2x128xf32, #tpu.memory_space<hbm>>
        tpu.wait_dma2 semaphore(%arg19 : memref<!tpu.dma_semaphore, #tpu.memory_space<semaphore_mem>>) src(%arg11 : memref<2x128xf32, #tpu.memory_space<vmem>>) dst(%dma_wait3A_736 : memref<2x128xf32, #tpu.memory_space<hbm>>)
      } else {
      }
      %broadcast_in_dim3A = arith.constant 0.000000e+00 : f32
      %broadcast_in_dim3A_80 = vector.broadcast %broadcast_in_dim3A : f32 to vector<16xf32>
      %broadcast_in_dim3A_81 = arith.constant 0.000000e+00 : f32
      %broadcast_in_dim3A_82 = vector.broadcast %broadcast_in_dim3A_81 : f32 to vector<16xf32>
      %broadcast_in_dim3A_83 = arith.constant 0.000000e+00 : f32
      %broadcast_in_dim3A_84 = vector.broadcast %broadcast_in_dim3A_83 : f32 to vector<16xf32>
      %broadcast_in_dim3A_85 = arith.constant 0.000000e+00 : f32
      %broadcast_in_dim3A_86 = vector.broadcast %broadcast_in_dim3A_85 : f32 to vector<16xf32>
      %broadcast_in_dim3A_87 = arith.constant 0.000000e+00 : f32
      %broadcast_in_dim3A_88 = vector.broadcast %broadcast_in_dim3A_87 : f32 to vector<16xf32>
      %broadcast_in_dim3A_89 = arith.constant 0.000000e+00 : f32
      %broadcast_in_dim3A_90 = vector.broadcast %broadcast_in_dim3A_89 : f32 to vector<16xf32>
      %broadcast_in_dim3A_91 = arith.constant 0.000000e+00 : f32
      %broadcast_in_dim3A_92 = vector.broadcast %broadcast_in_dim3A_91 : f32 to vector<16xf32>
      %broadcast_in_dim3A_93 = arith.constant 0.000000e+00 : f32
      %broadcast_in_dim3A_94 = vector.broadcast %broadcast_in_dim3A_93 : f32 to vector<16xf32>
      %scan3A = arith.constant 0 : i32
      %scan3A_95 = arith.constant 8 : i32
      %scan3A_96 = arith.addi %scan3A, %scan3A_95 : i32
      %scan3A_97 = arith.constant 1 : i32
      %scan3A_98:8 = scf.for %scan3A_733 = %scan3A to %scan3A_96 step %scan3A_97 iter_args(%scan3A_734 = %broadcast_in_dim3A_80, %scan3A_735 = %broadcast_in_dim3A_82, %scan3A_736 = %broadcast_in_dim3A_84, %scan3A_737 = %broadcast_in_dim3A_86, %scan3A_738 = %broadcast_in_dim3A_88, %scan3A_739 = %broadcast_in_dim3A_90, %scan3A_740 = %broadcast_in_dim3A_92, %scan3A_741 = %broadcast_in_dim3A_94) -> (vector<16xf32>, vector<16xf32>, vector<16xf32>, vector<16xf32>, vector<16xf32>, vector<16xf32>, vector<16xf32>, vector<16xf32>)  : i32 {
        %mul3A_742 = arith.constant 4 : i32
        %mul3A_743 = arith.muli %scan3A_733, %mul3A_742 : i32
        %add3A_744 = arith.constant 0 : i32
        %add3A_745 = arith.addi %add3A_744, %mul3A_743 : i32
        %add3A_746 = arith.constant 0 : i32
        %add3A_747 = arith.addi %add3A_745, %add3A_746 : i32
        %get3A = arith.index_cast %add3A_747 : i32 to index
        %get3A_748 = arith.constant 0 : index
        %get3A_749 = tpu.vector_load %arg7[%get3A, %get3A_748] {strides = array<i32>} : memref<64x128xf32, #tpu.memory_space<vmem>>, vector<1x16xf32>,
        %get3A_750 = vector.shape_cast %get3A_749 : vector<1x16xf32> to vector<16xf32>
        %add3A_751 = arith.addf %scan3A_734, %get3A_750 : vector<16xf32>
        %get3A_752 = arith.index_cast %add3A_747 : i32 to index
        %get3A_753 = arith.constant 16 : index
        %get3A_754 = tpu.vector_load %arg7[%get3A_752, %get3A_753] {strides = array<i32>} : memref<64x128xf32, #tpu.memory_space<vmem>>, vector<1x16xf32>,
        %get3A_755 = vector.shape_cast %get3A_754 : vector<1x16xf32> to vector<16xf32>
        %add3A_756 = arith.addf %scan3A_735, %get3A_755 : vector<16xf32>
        %get3A_757 = arith.index_cast %add3A_747 : i32 to index
        %get3A_758 = arith.constant 32 : index
        %get3A_759 = tpu.vector_load %arg7[%get3A_757, %get3A_758] {strides = array<i32>} : memref<64x128xf32, #tpu.memory_space<vmem>>, vector<1x16xf32>,
        %get3A_760 = vector.shape_cast %get3A_759 : vector<1x16xf32> to vector<16xf32>
        %add3A_761 = arith.addf %scan3A_736, %get3A_760 : vector<16xf32>
        %get3A_762 = arith.index_cast %add3A_747 : i32 to index
        %get3A_763 = arith.constant 48 : index
        %get3A_764 = tpu.vector_load %arg7[%get3A_762, %get3A_763] {strides = array<i32>} : memref<64x128xf32, #tpu.memory_space<vmem>>, vector<1x16xf32>,
        %get3A_765 = vector.shape_cast %get3A_764 : vector<1x16xf32> to vector<16xf32>
        %add3A_766 = arith.addf %scan3A_737, %get3A_765 : vector<16xf32>
        %get3A_767 = arith.index_cast %add3A_747 : i32 to index
        %get3A_768 = arith.constant 64 : index
        %get3A_769 = tpu.vector_load %arg7[%get3A_767, %get3A_768] {strides = array<i32>} : memref<64x128xf32, #tpu.memory_space<vmem>>, vector<1x16xf32>,
        %get3A_770 = vector.shape_cast %get3A_769 : vector<1x16xf32> to vector<16xf32>
        %add3A_771 = arith.addf %scan3A_738, %get3A_770 : vector<16xf32>
        %get3A_772 = arith.index_cast %add3A_747 : i32 to index
        %get3A_773 = arith.constant 80 : index
        %get3A_774 = tpu.vector_load %arg7[%get3A_772, %get3A_773] {strides = array<i32>} : memref<64x128xf32, #tpu.memory_space<vmem>>, vector<1x16xf32>,
        %get3A_775 = vector.shape_cast %get3A_774 : vector<1x16xf32> to vector<16xf32>
        %add3A_776 = arith.addf %scan3A_739, %get3A_775 : vector<16xf32>
        %get3A_777 = arith.index_cast %add3A_747 : i32 to index
        %get3A_778 = arith.constant 96 : index
        %get3A_779 = tpu.vector_load %arg7[%get3A_777, %get3A_778] {strides = array<i32>} : memref<64x128xf32, #tpu.memory_space<vmem>>, vector<1x16xf32>,
        %get3A_780 = vector.shape_cast %get3A_779 : vector<1x16xf32> to vector<16xf32>
        %add3A_781 = arith.addf %scan3A_740, %get3A_780 : vector<16xf32>
        %get3A_782 = arith.index_cast %add3A_747 : i32 to index
        %get3A_783 = arith.constant 112 : index
        %get3A_784 = tpu.vector_load %arg7[%get3A_782, %get3A_783] {strides = array<i32>} : memref<64x128xf32, #tpu.memory_space<vmem>>, vector<1x16xf32>,
        %get3A_785 = vector.shape_cast %get3A_784 : vector<1x16xf32> to vector<16xf32>
        %add3A_786 = arith.addf %scan3A_741, %get3A_785 : vector<16xf32>
        %mul3A_787 = arith.constant 4 : i32
        %mul3A_788 = arith.muli %scan3A_733, %mul3A_787 : i32
        %add3A_789 = arith.constant 0 : i32
        %add3A_790 = arith.addi %add3A_789, %mul3A_788 : i32
        %add3A_791 = arith.constant 1 : i32
        %add3A_792 = arith.addi %add3A_790, %add3A_791 : i32
        %get3A_793 = arith.index_cast %add3A_792 : i32 to index
        %get3A_794 = arith.constant 0 : index
        %get3A_795 = tpu.vector_load %arg7[%get3A_793, %get3A_794] {strides = array<i32>} : memref<64x128xf32, #tpu.memory_space<vmem>>, vector<1x16xf32>,
        %get3A_796 = vector.shape_cast %get3A_795 : vector<1x16xf32> to vector<16xf32>
        %add3A_797 = arith.addf %add3A_751, %get3A_796 : vector<16xf32>
        %get3A_798 = arith.index_cast %add3A_792 : i32 to index
        %get3A_799 = arith.constant 16 : index
        %get3A_800 = tpu.vector_load %arg7[%get3A_798, %get3A_799] {strides = array<i32>} : memref<64x128xf32, #tpu.memory_space<vmem>>, vector<1x16xf32>,
        %get3A_801 = vector.shape_cast %get3A_800 : vector<1x16xf32> to vector<16xf32>
        %add3A_802 = arith.addf %add3A_756, %get3A_801 : vector<16xf32>
        %get3A_803 = arith.index_cast %add3A_792 : i32 to index
        %get3A_804 = arith.constant 32 : index
        %get3A_805 = tpu.vector_load %arg7[%get3A_803, %get3A_804] {strides = array<i32>} : memref<64x128xf32, #tpu.memory_space<vmem>>, vector<1x16xf32>,
        %get3A_806 = vector.shape_cast %get3A_805 : vector<1x16xf32> to vector<16xf32>
        %add3A_807 = arith.addf %add3A_761, %get3A_806 : vector<16xf32>
        %get3A_808 = arith.index_cast %add3A_792 : i32 to index
        %get3A_809 = arith.constant 48 : index
        %get3A_810 = tpu.vector_load %arg7[%get3A_808, %get3A_809] {strides = array<i32>} : memref<64x128xf32, #tpu.memory_space<vmem>>, vector<1x16xf32>,
        %get3A_811 = vector.shape_cast %get3A_810 : vector<1x16xf32> to vector<16xf32>
        %add3A_812 = arith.addf %add3A_766, %get3A_811 : vector<16xf32>
        %get3A_813 = arith.index_cast %add3A_792 : i32 to index
        %get3A_814 = arith.constant 64 : index
        %get3A_815 = tpu.vector_load %arg7[%get3A_813, %get3A_814] {strides = array<i32>} : memref<64x128xf32, #tpu.memory_space<vmem>>, vector<1x16xf32>,
        %get3A_816 = vector.shape_cast %get3A_815 : vector<1x16xf32> to vector<16xf32>
        %add3A_817 = arith.addf %add3A_771, %get3A_816 : vector<16xf32>
        %get3A_818 = arith.index_cast %add3A_792 : i32 to index
        %get3A_819 = arith.constant 80 : index
        %get3A_820 = tpu.vector_load %arg7[%get3A_818, %get3A_819] {strides = array<i32>} : memref<64x128xf32, #tpu.memory_space<vmem>>, vector<1x16xf32>,
        %get3A_821 = vector.shape_cast %get3A_820 : vector<1x16xf32> to vector<16xf32>
        %add3A_822 = arith.addf %add3A_776, %get3A_821 : vector<16xf32>
        %get3A_823 = arith.index_cast %add3A_792 : i32 to index
        %get3A_824 = arith.constant 96 : index
        %get3A_825 = tpu.vector_load %arg7[%get3A_823, %get3A_824] {strides = array<i32>} : memref<64x128xf32, #tpu.memory_space<vmem>>, vector<1x16xf32>,
        %get3A_826 = vector.shape_cast %get3A_825 : vector<1x16xf32> to vector<16xf32>
        %add3A_827 = arith.addf %add3A_781, %get3A_826 : vector<16xf32>
        %get3A_828 = arith.index_cast %add3A_792 : i32 to index
        %get3A_829 = arith.constant 112 : index
        %get3A_830 = tpu.vector_load %arg7[%get3A_828, %get3A_829] {strides = array<i32>} : memref<64x128xf32, #tpu.memory_space<vmem>>, vector<1x16xf32>,
        %get3A_831 = vector.shape_cast %get3A_830 : vector<1x16xf32> to vector<16xf32>
        %add3A_832 = arith.addf %add3A_786, %get3A_831 : vector<16xf32>
        %mul3A_833 = arith.constant 4 : i32
        %mul3A_834 = arith.muli %scan3A_733, %mul3A_833 : i32
        %add3A_835 = arith.constant 0 : i32
        %add3A_836 = arith.addi %add3A_835, %mul3A_834 : i32
        %add3A_837 = arith.constant 2 : i32
        %add3A_838 = arith.addi %add3A_836, %add3A_837 : i32
        %get3A_839 = arith.index_cast %add3A_838 : i32 to index
        %get3A_840 = arith.constant 0 : index
        %get3A_841 = tpu.vector_load %arg7[%get3A_839, %get3A_840] {strides = array<i32>} : memref<64x128xf32, #tpu.memory_space<vmem>>, vector<1x16xf32>,
        %get3A_842 = vector.shape_cast %get3A_841 : vector<1x16xf32> to vector<16xf32>
        %add3A_843 = arith.addf %add3A_797, %get3A_842 : vector<16xf32>
        %get3A_844 = arith.index_cast %add3A_838 : i32 to index
        %get3A_845 = arith.constant 16 : index
        %get3A_846 = tpu.vector_load %arg7[%get3A_844, %get3A_845] {strides = array<i32>} : memref<64x128xf32, #tpu.memory_space<vmem>>, vector<1x16xf32>,
        %get3A_847 = vector.shape_cast %get3A_846 : vector<1x16xf32> to vector<16xf32>
        %add3A_848 = arith.addf %add3A_802, %get3A_847 : vector<16xf32>
        %get3A_849 = arith.index_cast %add3A_838 : i32 to index
        %get3A_850 = arith.constant 32 : index
        %get3A_851 = tpu.vector_load %arg7[%get3A_849, %get3A_850] {strides = array<i32>} : memref<64x128xf32, #tpu.memory_space<vmem>>, vector<1x16xf32>,
        %get3A_852 = vector.shape_cast %get3A_851 : vector<1x16xf32> to vector<16xf32>
        %add3A_853 = arith.addf %add3A_807, %get3A_852 : vector<16xf32>
        %get3A_854 = arith.index_cast %add3A_838 : i32 to index
        %get3A_855 = arith.constant 48 : index
        %get3A_856 = tpu.vector_load %arg7[%get3A_854, %get3A_855] {strides = array<i32>} : memref<64x128xf32, #tpu.memory_space<vmem>>, vector<1x16xf32>,
        %get3A_857 = vector.shape_cast %get3A_856 : vector<1x16xf32> to vector<16xf32>
        %add3A_858 = arith.addf %add3A_812, %get3A_857 : vector<16xf32>
        %get3A_859 = arith.index_cast %add3A_838 : i32 to index
        %get3A_860 = arith.constant 64 : index
        %get3A_861 = tpu.vector_load %arg7[%get3A_859, %get3A_860] {strides = array<i32>} : memref<64x128xf32, #tpu.memory_space<vmem>>, vector<1x16xf32>,
        %get3A_862 = vector.shape_cast %get3A_861 : vector<1x16xf32> to vector<16xf32>
        %add3A_863 = arith.addf %add3A_817, %get3A_862 : vector<16xf32>
        %get3A_864 = arith.index_cast %add3A_838 : i32 to index
        %get3A_865 = arith.constant 80 : index
        %get3A_866 = tpu.vector_load %arg7[%get3A_864, %get3A_865] {strides = array<i32>} : memref<64x128xf32, #tpu.memory_space<vmem>>, vector<1x16xf32>,
        %get3A_867 = vector.shape_cast %get3A_866 : vector<1x16xf32> to vector<16xf32>
        %add3A_868 = arith.addf %add3A_822, %get3A_867 : vector<16xf32>
        %get3A_869 = arith.index_cast %add3A_838 : i32 to index
        %get3A_870 = arith.constant 96 : index
        %get3A_871 = tpu.vector_load %arg7[%get3A_869, %get3A_870] {strides = array<i32>} : memref<64x128xf32, #tpu.memory_space<vmem>>, vector<1x16xf32>,
        %get3A_872 = vector.shape_cast %get3A_871 : vector<1x16xf32> to vector<16xf32>
        %add3A_873 = arith.addf %add3A_827, %get3A_872 : vector<16xf32>
        %get3A_874 = arith.index_cast %add3A_838 : i32 to index
        %get3A_875 = arith.constant 112 : index
        %get3A_876 = tpu.vector_load %arg7[%get3A_874, %get3A_875] {strides = array<i32>} : memref<64x128xf32, #tpu.memory_space<vmem>>, vector<1x16xf32>,
        %get3A_877 = vector.shape_cast %get3A_876 : vector<1x16xf32> to vector<16xf32>
        %add3A_878 = arith.addf %add3A_832, %get3A_877 : vector<16xf32>
        %mul3A_879 = arith.constant 4 : i32
        %mul3A_880 = arith.muli %scan3A_733, %mul3A_879 : i32
        %add3A_881 = arith.constant 0 : i32
        %add3A_882 = arith.addi %add3A_881, %mul3A_880 : i32
        %add3A_883 = arith.constant 3 : i32
        %add3A_884 = arith.addi %add3A_882, %add3A_883 : i32
        %get3A_885 = arith.index_cast %add3A_884 : i32 to index
        %get3A_886 = arith.constant 0 : index
        %get3A_887 = tpu.vector_load %arg7[%get3A_885, %get3A_886] {strides = array<i32>} : memref<64x128xf32, #tpu.memory_space<vmem>>, vector<1x16xf32>,
        %get3A_888 = vector.shape_cast %get3A_887 : vector<1x16xf32> to vector<16xf32>
        %add3A_889 = arith.addf %add3A_843, %get3A_888 : vector<16xf32>
        %get3A_890 = arith.index_cast %add3A_884 : i32 to index
        %get3A_891 = arith.constant 16 : index
        %get3A_892 = tpu.vector_load %arg7[%get3A_890, %get3A_891] {strides = array<i32>} : memref<64x128xf32, #tpu.memory_space<vmem>>, vector<1x16xf32>,
        %get3A_893 = vector.shape_cast %get3A_892 : vector<1x16xf32> to vector<16xf32>
        %add3A_894 = arith.addf %add3A_848, %get3A_893 : vector<16xf32>
        %get3A_895 = arith.index_cast %add3A_884 : i32 to index
        %get3A_896 = arith.constant 32 : index
        %get3A_897 = tpu.vector_load %arg7[%get3A_895, %get3A_896] {strides = array<i32>} : memref<64x128xf32, #tpu.memory_space<vmem>>, vector<1x16xf32>,
        %get3A_898 = vector.shape_cast %get3A_897 : vector<1x16xf32> to vector<16xf32>
        %add3A_899 = arith.addf %add3A_853, %get3A_898 : vector<16xf32>
        %get3A_900 = arith.index_cast %add3A_884 : i32 to index
        %get3A_901 = arith.constant 48 : index
        %get3A_902 = tpu.vector_load %arg7[%get3A_900, %get3A_901] {strides = array<i32>} : memref<64x128xf32, #tpu.memory_space<vmem>>, vector<1x16xf32>,
        %get3A_903 = vector.shape_cast %get3A_902 : vector<1x16xf32> to vector<16xf32>
        %add3A_904 = arith.addf %add3A_858, %get3A_903 : vector<16xf32>
        %get3A_905 = arith.index_cast %add3A_884 : i32 to index
        %get3A_906 = arith.constant 64 : index
        %get3A_907 = tpu.vector_load %arg7[%get3A_905, %get3A_906] {strides = array<i32>} : memref<64x128xf32, #tpu.memory_space<vmem>>, vector<1x16xf32>,
        %get3A_908 = vector.shape_cast %get3A_907 : vector<1x16xf32> to vector<16xf32>
        %add3A_909 = arith.addf %add3A_863, %get3A_908 : vector<16xf32>
        %get3A_910 = arith.index_cast %add3A_884 : i32 to index
        %get3A_911 = arith.constant 80 : index
        %get3A_912 = tpu.vector_load %arg7[%get3A_910, %get3A_911] {strides = array<i32>} : memref<64x128xf32, #tpu.memory_space<vmem>>, vector<1x16xf32>,
        %get3A_913 = vector.shape_cast %get3A_912 : vector<1x16xf32> to vector<16xf32>
        %add3A_914 = arith.addf %add3A_868, %get3A_913 : vector<16xf32>
        %get3A_915 = arith.index_cast %add3A_884 : i32 to index
        %get3A_916 = arith.constant 96 : index
        %get3A_917 = tpu.vector_load %arg7[%get3A_915, %get3A_916] {strides = array<i32>} : memref<64x128xf32, #tpu.memory_space<vmem>>, vector<1x16xf32>,
        %get3A_918 = vector.shape_cast %get3A_917 : vector<1x16xf32> to vector<16xf32>
        %add3A_919 = arith.addf %add3A_873, %get3A_918 : vector<16xf32>
        %get3A_920 = arith.index_cast %add3A_884 : i32 to index
        %get3A_921 = arith.constant 112 : index
        %get3A_922 = tpu.vector_load %arg7[%get3A_920, %get3A_921] {strides = array<i32>} : memref<64x128xf32, #tpu.memory_space<vmem>>, vector<1x16xf32>,
        %get3A_923 = vector.shape_cast %get3A_922 : vector<1x16xf32> to vector<16xf32>
        %add3A_924 = arith.addf %add3A_878, %get3A_923 : vector<16xf32>
        scf.yield %add3A_889, %add3A_894, %add3A_899, %add3A_904, %add3A_909, %add3A_914, %add3A_919, %add3A_924 : vector<16xf32>, vector<16xf32>, vector<16xf32>, vector<16xf32>, vector<16xf32>, vector<16xf32>, vector<16xf32>, vector<16xf32>
      }
      %scan3A_99 = arith.constant 8 : i32
      %swap3A = arith.constant 0 : i32
      %swap3A_100 = arith.index_cast %swap3A : i32 to index
      %swap3A_101 = arith.constant 0 : index
      %swap3A_102 = tpu.vector_load %arg11[%swap3A_100, %swap3A_101] {strides = array<i32>} : memref<2x128xf32, #tpu.memory_space<vmem>>, vector<1x16xf32>,
      %swap3A_103 = vector.shape_cast %swap3A_102 : vector<1x16xf32> to vector<16xf32>
      %swap3A_104 = vector.shape_cast %scan3A_98#0 : vector<16xf32> to vector<1x16xf32>
      tpu.vector_store %arg11[%swap3A_100, %swap3A_101], %swap3A_104 {strides = array<i32>} : memref<2x128xf32, #tpu.memory_space<vmem>>, vector<1x16xf32>,
      %swap3A_105 = arith.constant 0 : i32
      %swap3A_106 = arith.index_cast %swap3A_105 : i32 to index
      %swap3A_107 = arith.constant 16 : index
      %swap3A_108 = tpu.vector_load %arg11[%swap3A_106, %swap3A_107] {strides = array<i32>} : memref<2x128xf32, #tpu.memory_space<vmem>>, vector<1x16xf32>,
      %swap3A_109 = vector.shape_cast %swap3A_108 : vector<1x16xf32> to vector<16xf32>
      %swap3A_110 = vector.shape_cast %scan3A_98#1 : vector<16xf32> to vector<1x16xf32>
      tpu.vector_store %arg11[%swap3A_106, %swap3A_107], %swap3A_110 {strides = array<i32>} : memref<2x128xf32, #tpu.memory_space<vmem>>, vector<1x16xf32>,
      %swap3A_111 = arith.constant 0 : i32
      %swap3A_112 = arith.index_cast %swap3A_111 : i32 to index
      %swap3A_113 = arith.constant 32 : index
      %swap3A_114 = tpu.vector_load %arg11[%swap3A_112, %swap3A_113] {strides = array<i32>} : memref<2x128xf32, #tpu.memory_space<vmem>>, vector<1x16xf32>,
      %swap3A_115 = vector.shape_cast %swap3A_114 : vector<1x16xf32> to vector<16xf32>
      %swap3A_116 = vector.shape_cast %scan3A_98#2 : vector<16xf32> to vector<1x16xf32>
      tpu.vector_store %arg11[%swap3A_112, %swap3A_113], %swap3A_116 {strides = array<i32>} : memref<2x128xf32, #tpu.memory_space<vmem>>, vector<1x16xf32>,
      %swap3A_117 = arith.constant 0 : i32
      %swap3A_118 = arith.index_cast %swap3A_117 : i32 to index
      %swap3A_119 = arith.constant 48 : index
      %swap3A_120 = tpu.vector_load %arg11[%swap3A_118, %swap3A_119] {strides = array<i32>} : memref<2x128xf32, #tpu.memory_space<vmem>>, vector<1x16xf32>,
      %swap3A_121 = vector.shape_cast %swap3A_120 : vector<1x16xf32> to vector<16xf32>
      %swap3A_122 = vector.shape_cast %scan3A_98#3 : vector<16xf32> to vector<1x16xf32>
      tpu.vector_store %arg11[%swap3A_118, %swap3A_119], %swap3A_122 {strides = array<i32>} : memref<2x128xf32, #tpu.memory_space<vmem>>, vector<1x16xf32>,
      %swap3A_123 = arith.constant 0 : i32
      %swap3A_124 = arith.index_cast %swap3A_123 : i32 to index
      %swap3A_125 = arith.constant 64 : index
      %swap3A_126 = tpu.vector_load %arg11[%swap3A_124, %swap3A_125] {strides = array<i32>} : memref<2x128xf32, #tpu.memory_space<vmem>>, vector<1x16xf32>,
      %swap3A_127 = vector.shape_cast %swap3A_126 : vector<1x16xf32> to vector<16xf32>
      %swap3A_128 = vector.shape_cast %scan3A_98#4 : vector<16xf32> to vector<1x16xf32>
      tpu.vector_store %arg11[%swap3A_124, %swap3A_125], %swap3A_128 {strides = array<i32>} : memref<2x128xf32, #tpu.memory_space<vmem>>, vector<1x16xf32>,
      %swap3A_129 = arith.constant 0 : i32
      %swap3A_130 = arith.index_cast %swap3A_129 : i32 to index
      %swap3A_131 = arith.constant 80 : index
      %swap3A_132 = tpu.vector_load %arg11[%swap3A_130, %swap3A_131] {strides = array<i32>} : memref<2x128xf32, #tpu.memory_space<vmem>>, vector<1x16xf32>,
      %swap3A_133 = vector.shape_cast %swap3A_132 : vector<1x16xf32> to vector<16xf32>
      %swap3A_134 = vector.shape_cast %scan3A_98#5 : vector<16xf32> to vector<1x16xf32>
      tpu.vector_store %arg11[%swap3A_130, %swap3A_131], %swap3A_134 {strides = array<i32>} : memref<2x128xf32, #tpu.memory_space<vmem>>, vector<1x16xf32>,
      %swap3A_135 = arith.constant 0 : i32
      %swap3A_136 = arith.index_cast %swap3A_135 : i32 to index
      %swap3A_137 = arith.constant 96 : index
      %swap3A_138 = tpu.vector_load %arg11[%swap3A_136, %swap3A_137] {strides = array<i32>} : memref<2x128xf32, #tpu.memory_space<vmem>>, vector<1x16xf32>,
      %swap3A_139 = vector.shape_cast %swap3A_138 : vector<1x16xf32> to vector<16xf32>
      %swap3A_140 = vector.shape_cast %scan3A_98#6 : vector<16xf32> to vector<1x16xf32>
      tpu.vector_store %arg11[%swap3A_136, %swap3A_137], %swap3A_140 {strides = array<i32>} : memref<2x128xf32, #tpu.memory_space<vmem>>, vector<1x16xf32>,
      %swap3A_141 = arith.constant 0 : i32
      %swap3A_142 = arith.index_cast %swap3A_141 : i32 to index
      %swap3A_143 = arith.constant 112 : index
      %swap3A_144 = tpu.vector_load %arg11[%swap3A_142, %swap3A_143] {strides = array<i32>} : memref<2x128xf32, #tpu.memory_space<vmem>>, vector<1x16xf32>,
      %swap3A_145 = vector.shape_cast %swap3A_144 : vector<1x16xf32> to vector<16xf32>
      %swap3A_146 = vector.shape_cast %scan3A_98#7 : vector<16xf32> to vector<1x16xf32>
      tpu.vector_store %arg11[%swap3A_142, %swap3A_143], %swap3A_146 {strides = array<i32>} : memref<2x128xf32, #tpu.memory_space<vmem>>, vector<1x16xf32>,
      %broadcast_in_dim3A_147 = arith.constant 0.000000e+00 : f32
      %broadcast_in_dim3A_148 = vector.broadcast %broadcast_in_dim3A_147 : f32 to vector<16xf32>
      %broadcast_in_dim3A_149 = arith.constant 0.000000e+00 : f32
      %broadcast_in_dim3A_150 = vector.broadcast %broadcast_in_dim3A_149 : f32 to vector<16xf32>
      %broadcast_in_dim3A_151 = arith.constant 0.000000e+00 : f32
      %broadcast_in_dim3A_152 = vector.broadcast %broadcast_in_dim3A_151 : f32 to vector<16xf32>
      %broadcast_in_dim3A_153 = arith.constant 0.000000e+00 : f32
      %broadcast_in_dim3A_154 = vector.broadcast %broadcast_in_dim3A_153 : f32 to vector<16xf32>
      %broadcast_in_dim3A_155 = arith.constant 0.000000e+00 : f32
      %broadcast_in_dim3A_156 = vector.broadcast %broadcast_in_dim3A_155 : f32 to vector<16xf32>
      %broadcast_in_dim3A_157 = arith.constant 0.000000e+00 : f32
      %broadcast_in_dim3A_158 = vector.broadcast %broadcast_in_dim3A_157 : f32 to vector<16xf32>
      %broadcast_in_dim3A_159 = arith.constant 0.000000e+00 : f32
      %broadcast_in_dim3A_160 = vector.broadcast %broadcast_in_dim3A_159 : f32 to vector<16xf32>
      %broadcast_in_dim3A_161 = arith.constant 0.000000e+00 : f32
      %broadcast_in_dim3A_162 = vector.broadcast %broadcast_in_dim3A_161 : f32 to vector<16xf32>
      %scan3A_163 = arith.constant 0 : i32
      %scan3A_164 = arith.constant 8 : i32
      %scan3A_165 = arith.addi %scan3A_163, %scan3A_164 : i32
      %scan3A_166 = arith.constant 1 : i32
      %scan3A_167:8 = scf.for %scan3A_733 = %scan3A_163 to %scan3A_165 step %scan3A_166 iter_args(%scan3A_734 = %broadcast_in_dim3A_148, %scan3A_735 = %broadcast_in_dim3A_150, %scan3A_736 = %broadcast_in_dim3A_152, %scan3A_737 = %broadcast_in_dim3A_154, %scan3A_738 = %broadcast_in_dim3A_156, %scan3A_739 = %broadcast_in_dim3A_158, %scan3A_740 = %broadcast_in_dim3A_160, %scan3A_741 = %broadcast_in_dim3A_162) -> (vector<16xf32>, vector<16xf32>, vector<16xf32>, vector<16xf32>, vector<16xf32>, vector<16xf32>, vector<16xf32>, vector<16xf32>)  : i32 {
        %mul3A_742 = arith.constant 4 : i32
        %mul3A_743 = arith.muli %scan3A_733, %mul3A_742 : i32
        %add3A_744 = arith.constant 32 : i32
        %add3A_745 = arith.addi %add3A_744, %mul3A_743 : i32
        %add3A_746 = arith.constant 0 : i32
        %add3A_747 = arith.addi %add3A_745, %add3A_746 : i32
        %get3A = arith.index_cast %add3A_747 : i32 to index
        %get3A_748 = arith.constant 0 : index
        %get3A_749 = tpu.vector_load %arg7[%get3A, %get3A_748] {strides = array<i32>} : memref<64x128xf32, #tpu.memory_space<vmem>>, vector<1x16xf32>,
        %get3A_750 = vector.shape_cast %get3A_749 : vector<1x16xf32> to vector<16xf32>
        %add3A_751 = arith.addf %scan3A_734, %get3A_750 : vector<16xf32>
        %get3A_752 = arith.index_cast %add3A_747 : i32 to index
        %get3A_753 = arith.constant 16 : index
        %get3A_754 = tpu.vector_load %arg7[%get3A_752, %get3A_753] {strides = array<i32>} : memref<64x128xf32, #tpu.memory_space<vmem>>, vector<1x16xf32>,
        %get3A_755 = vector.shape_cast %get3A_754 : vector<1x16xf32> to vector<16xf32>
        %add3A_756 = arith.addf %scan3A_735, %get3A_755 : vector<16xf32>
        %get3A_757 = arith.index_cast %add3A_747 : i32 to index
        %get3A_758 = arith.constant 32 : index
        %get3A_759 = tpu.vector_load %arg7[%get3A_757, %get3A_758] {strides = array<i32>} : memref<64x128xf32, #tpu.memory_space<vmem>>, vector<1x16xf32>,
        %get3A_760 = vector.shape_cast %get3A_759 : vector<1x16xf32> to vector<16xf32>
        %add3A_761 = arith.addf %scan3A_736, %get3A_760 : vector<16xf32>
        %get3A_762 = arith.index_cast %add3A_747 : i32 to index
        %get3A_763 = arith.constant 48 : index
        %get3A_764 = tpu.vector_load %arg7[%get3A_762, %get3A_763] {strides = array<i32>} : memref<64x128xf32, #tpu.memory_space<vmem>>, vector<1x16xf32>,
        %get3A_765 = vector.shape_cast %get3A_764 : vector<1x16xf32> to vector<16xf32>
        %add3A_766 = arith.addf %scan3A_737, %get3A_765 : vector<16xf32>
        %get3A_767 = arith.index_cast %add3A_747 : i32 to index
        %get3A_768 = arith.constant 64 : index
        %get3A_769 = tpu.vector_load %arg7[%get3A_767, %get3A_768] {strides = array<i32>} : memref<64x128xf32, #tpu.memory_space<vmem>>, vector<1x16xf32>,
        %get3A_770 = vector.shape_cast %get3A_769 : vector<1x16xf32> to vector<16xf32>
        %add3A_771 = arith.addf %scan3A_738, %get3A_770 : vector<16xf32>
        %get3A_772 = arith.index_cast %add3A_747 : i32 to index
        %get3A_773 = arith.constant 80 : index
        %get3A_774 = tpu.vector_load %arg7[%get3A_772, %get3A_773] {strides = array<i32>} : memref<64x128xf32, #tpu.memory_space<vmem>>, vector<1x16xf32>,
        %get3A_775 = vector.shape_cast %get3A_774 : vector<1x16xf32> to vector<16xf32>
        %add3A_776 = arith.addf %scan3A_739, %get3A_775 : vector<16xf32>
        %get3A_777 = arith.index_cast %add3A_747 : i32 to index
        %get3A_778 = arith.constant 96 : index
        %get3A_779 = tpu.vector_load %arg7[%get3A_777, %get3A_778] {strides = array<i32>} : memref<64x128xf32, #tpu.memory_space<vmem>>, vector<1x16xf32>,
        %get3A_780 = vector.shape_cast %get3A_779 : vector<1x16xf32> to vector<16xf32>
        %add3A_781 = arith.addf %scan3A_740, %get3A_780 : vector<16xf32>
        %get3A_782 = arith.index_cast %add3A_747 : i32 to index
        %get3A_783 = arith.constant 112 : index
        %get3A_784 = tpu.vector_load %arg7[%get3A_782, %get3A_783] {strides = array<i32>} : memref<64x128xf32, #tpu.memory_space<vmem>>, vector<1x16xf32>,
        %get3A_785 = vector.shape_cast %get3A_784 : vector<1x16xf32> to vector<16xf32>
        %add3A_786 = arith.addf %scan3A_741, %get3A_785 : vector<16xf32>
        %mul3A_787 = arith.constant 4 : i32
        %mul3A_788 = arith.muli %scan3A_733, %mul3A_787 : i32
        %add3A_789 = arith.constant 32 : i32
        %add3A_790 = arith.addi %add3A_789, %mul3A_788 : i32
        %add3A_791 = arith.constant 1 : i32
        %add3A_792 = arith.addi %add3A_790, %add3A_791 : i32
        %get3A_793 = arith.index_cast %add3A_792 : i32 to index
        %get3A_794 = arith.constant 0 : index
        %get3A_795 = tpu.vector_load %arg7[%get3A_793, %get3A_794] {strides = array<i32>} : memref<64x128xf32, #tpu.memory_space<vmem>>, vector<1x16xf32>,
        %get3A_796 = vector.shape_cast %get3A_795 : vector<1x16xf32> to vector<16xf32>
        %add3A_797 = arith.addf %add3A_751, %get3A_796 : vector<16xf32>
        %get3A_798 = arith.index_cast %add3A_792 : i32 to index
        %get3A_799 = arith.constant 16 : index
        %get3A_800 = tpu.vector_load %arg7[%get3A_798, %get3A_799] {strides = array<i32>} : memref<64x128xf32, #tpu.memory_space<vmem>>, vector<1x16xf32>,
        %get3A_801 = vector.shape_cast %get3A_800 : vector<1x16xf32> to vector<16xf32>
        %add3A_802 = arith.addf %add3A_756, %get3A_801 : vector<16xf32>
        %get3A_803 = arith.index_cast %add3A_792 : i32 to index
        %get3A_804 = arith.constant 32 : index
        %get3A_805 = tpu.vector_load %arg7[%get3A_803, %get3A_804] {strides = array<i32>} : memref<64x128xf32, #tpu.memory_space<vmem>>, vector<1x16xf32>,
        %get3A_806 = vector.shape_cast %get3A_805 : vector<1x16xf32> to vector<16xf32>
        %add3A_807 = arith.addf %add3A_761, %get3A_806 : vector<16xf32>
        %get3A_808 = arith.index_cast %add3A_792 : i32 to index
        %get3A_809 = arith.constant 48 : index
        %get3A_810 = tpu.vector_load %arg7[%get3A_808, %get3A_809] {strides = array<i32>} : memref<64x128xf32, #tpu.memory_space<vmem>>, vector<1x16xf32>,
        %get3A_811 = vector.shape_cast %get3A_810 : vector<1x16xf32> to vector<16xf32>
        %add3A_812 = arith.addf %add3A_766, %get3A_811 : vector<16xf32>
        %get3A_813 = arith.index_cast %add3A_792 : i32 to index
        %get3A_814 = arith.constant 64 : index
        %get3A_815 = tpu.vector_load %arg7[%get3A_813, %get3A_814] {strides = array<i32>} : memref<64x128xf32, #tpu.memory_space<vmem>>, vector<1x16xf32>,
        %get3A_816 = vector.shape_cast %get3A_815 : vector<1x16xf32> to vector<16xf32>
        %add3A_817 = arith.addf %add3A_771, %get3A_816 : vector<16xf32>
        %get3A_818 = arith.index_cast %add3A_792 : i32 to index
        %get3A_819 = arith.constant 80 : index
        %get3A_820 = tpu.vector_load %arg7[%get3A_818, %get3A_819] {strides = array<i32>} : memref<64x128xf32, #tpu.memory_space<vmem>>, vector<1x16xf32>,
        %get3A_821 = vector.shape_cast %get3A_820 : vector<1x16xf32> to vector<16xf32>
        %add3A_822 = arith.addf %add3A_776, %get3A_821 : vector<16xf32>
        %get3A_823 = arith.index_cast %add3A_792 : i32 to index
        %get3A_824 = arith.constant 96 : index
        %get3A_825 = tpu.vector_load %arg7[%get3A_823, %get3A_824] {strides = array<i32>} : memref<64x128xf32, #tpu.memory_space<vmem>>, vector<1x16xf32>,
        %get3A_826 = vector.shape_cast %get3A_825 : vector<1x16xf32> to vector<16xf32>
        %add3A_827 = arith.addf %add3A_781, %get3A_826 : vector<16xf32>
        %get3A_828 = arith.index_cast %add3A_792 : i32 to index
        %get3A_829 = arith.constant 112 : index
        %get3A_830 = tpu.vector_load %arg7[%get3A_828, %get3A_829] {strides = array<i32>} : memref<64x128xf32, #tpu.memory_space<vmem>>, vector<1x16xf32>,
        %get3A_831 = vector.shape_cast %get3A_830 : vector<1x16xf32> to vector<16xf32>
        %add3A_832 = arith.addf %add3A_786, %get3A_831 : vector<16xf32>
        %mul3A_833 = arith.constant 4 : i32
        %mul3A_834 = arith.muli %scan3A_733, %mul3A_833 : i32
        %add3A_835 = arith.constant 32 : i32
        %add3A_836 = arith.addi %add3A_835, %mul3A_834 : i32
        %add3A_837 = arith.constant 2 : i32
        %add3A_838 = arith.addi %add3A_836, %add3A_837 : i32
        %get3A_839 = arith.index_cast %add3A_838 : i32 to index
        %get3A_840 = arith.constant 0 : index
        %get3A_841 = tpu.vector_load %arg7[%get3A_839, %get3A_840] {strides = array<i32>} : memref<64x128xf32, #tpu.memory_space<vmem>>, vector<1x16xf32>,
        %get3A_842 = vector.shape_cast %get3A_841 : vector<1x16xf32> to vector<16xf32>
        %add3A_843 = arith.addf %add3A_797, %get3A_842 : vector<16xf32>
        %get3A_844 = arith.index_cast %add3A_838 : i32 to index
        %get3A_845 = arith.constant 16 : index
        %get3A_846 = tpu.vector_load %arg7[%get3A_844, %get3A_845] {strides = array<i32>} : memref<64x128xf32, #tpu.memory_space<vmem>>, vector<1x16xf32>,
        %get3A_847 = vector.shape_cast %get3A_846 : vector<1x16xf32> to vector<16xf32>
        %add3A_848 = arith.addf %add3A_802, %get3A_847 : vector<16xf32>
        %get3A_849 = arith.index_cast %add3A_838 : i32 to index
        %get3A_850 = arith.constant 32 : index
        %get3A_851 = tpu.vector_load %arg7[%get3A_849, %get3A_850] {strides = array<i32>} : memref<64x128xf32, #tpu.memory_space<vmem>>, vector<1x16xf32>,
        %get3A_852 = vector.shape_cast %get3A_851 : vector<1x16xf32> to vector<16xf32>
        %add3A_853 = arith.addf %add3A_807, %get3A_852 : vector<16xf32>
        %get3A_854 = arith.index_cast %add3A_838 : i32 to index
        %get3A_855 = arith.constant 48 : index
        %get3A_856 = tpu.vector_load %arg7[%get3A_854, %get3A_855] {strides = array<i32>} : memref<64x128xf32, #tpu.memory_space<vmem>>, vector<1x16xf32>,
        %get3A_857 = vector.shape_cast %get3A_856 : vector<1x16xf32> to vector<16xf32>
        %add3A_858 = arith.addf %add3A_812, %get3A_857 : vector<16xf32>
        %get3A_859 = arith.index_cast %add3A_838 : i32 to index
        %get3A_860 = arith.constant 64 : index
        %get3A_861 = tpu.vector_load %arg7[%get3A_859, %get3A_860] {strides = array<i32>} : memref<64x128xf32, #tpu.memory_space<vmem>>, vector<1x16xf32>,
        %get3A_862 = vector.shape_cast %get3A_861 : vector<1x16xf32> to vector<16xf32>
        %add3A_863 = arith.addf %add3A_817, %get3A_862 : vector<16xf32>
        %get3A_864 = arith.index_cast %add3A_838 : i32 to index
        %get3A_865 = arith.constant 80 : index
        %get3A_866 = tpu.vector_load %arg7[%get3A_864, %get3A_865] {strides = array<i32>} : memref<64x128xf32, #tpu.memory_space<vmem>>, vector<1x16xf32>,
        %get3A_867 = vector.shape_cast %get3A_866 : vector<1x16xf32> to vector<16xf32>
        %add3A_868 = arith.addf %add3A_822, %get3A_867 : vector<16xf32>
        %get3A_869 = arith.index_cast %add3A_838 : i32 to index
        %get3A_870 = arith.constant 96 : index
        %get3A_871 = tpu.vector_load %arg7[%get3A_869, %get3A_870] {strides = array<i32>} : memref<64x128xf32, #tpu.memory_space<vmem>>, vector<1x16xf32>,
        %get3A_872 = vector.shape_cast %get3A_871 : vector<1x16xf32> to vector<16xf32>
        %add3A_873 = arith.addf %add3A_827, %get3A_872 : vector<16xf32>
        %get3A_874 = arith.index_cast %add3A_838 : i32 to index
        %get3A_875 = arith.constant 112 : index
        %get3A_876 = tpu.vector_load %arg7[%get3A_874, %get3A_875] {strides = array<i32>} : memref<64x128xf32, #tpu.memory_space<vmem>>, vector<1x16xf32>,
        %get3A_877 = vector.shape_cast %get3A_876 : vector<1x16xf32> to vector<16xf32>
        %add3A_878 = arith.addf %add3A_832, %get3A_877 : vector<16xf32>
        %mul3A_879 = arith.constant 4 : i32
        %mul3A_880 = arith.muli %scan3A_733, %mul3A_879 : i32
        %add3A_881 = arith.constant 32 : i32
        %add3A_882 = arith.addi %add3A_881, %mul3A_880 : i32
        %add3A_883 = arith.constant 3 : i32
        %add3A_884 = arith.addi %add3A_882, %add3A_883 : i32
        %get3A_885 = arith.index_cast %add3A_884 : i32 to index
        %get3A_886 = arith.constant 0 : index
        %get3A_887 = tpu.vector_load %arg7[%get3A_885, %get3A_886] {strides = array<i32>} : memref<64x128xf32, #tpu.memory_space<vmem>>, vector<1x16xf32>,
        %get3A_888 = vector.shape_cast %get3A_887 : vector<1x16xf32> to vector<16xf32>
        %add3A_889 = arith.addf %add3A_843, %get3A_888 : vector<16xf32>
        %get3A_890 = arith.index_cast %add3A_884 : i32 to index
        %get3A_891 = arith.constant 16 : index
        %get3A_892 = tpu.vector_load %arg7[%get3A_890, %get3A_891] {strides = array<i32>} : memref<64x128xf32, #tpu.memory_space<vmem>>, vector<1x16xf32>,
        %get3A_893 = vector.shape_cast %get3A_892 : vector<1x16xf32> to vector<16xf32>
        %add3A_894 = arith.addf %add3A_848, %get3A_893 : vector<16xf32>
        %get3A_895 = arith.index_cast %add3A_884 : i32 to index
        %get3A_896 = arith.constant 32 : index
        %get3A_897 = tpu.vector_load %arg7[%get3A_895, %get3A_896] {strides = array<i32>} : memref<64x128xf32, #tpu.memory_space<vmem>>, vector<1x16xf32>,
        %get3A_898 = vector.shape_cast %get3A_897 : vector<1x16xf32> to vector<16xf32>
        %add3A_899 = arith.addf %add3A_853, %get3A_898 : vector<16xf32>
        %get3A_900 = arith.index_cast %add3A_884 : i32 to index
        %get3A_901 = arith.constant 48 : index
        %get3A_902 = tpu.vector_load %arg7[%get3A_900, %get3A_901] {strides = array<i32>} : memref<64x128xf32, #tpu.memory_space<vmem>>, vector<1x16xf32>,
        %get3A_903 = vector.shape_cast %get3A_902 : vector<1x16xf32> to vector<16xf32>
        %add3A_904 = arith.addf %add3A_858, %get3A_903 : vector<16xf32>
        %get3A_905 = arith.index_cast %add3A_884 : i32 to index
        %get3A_906 = arith.constant 64 : index
        %get3A_907 = tpu.vector_load %arg7[%get3A_905, %get3A_906] {strides = array<i32>} : memref<64x128xf32, #tpu.memory_space<vmem>>, vector<1x16xf32>,
        %get3A_908 = vector.shape_cast %get3A_907 : vector<1x16xf32> to vector<16xf32>
        %add3A_909 = arith.addf %add3A_863, %get3A_908 : vector<16xf32>
        %get3A_910 = arith.index_cast %add3A_884 : i32 to index
        %get3A_911 = arith.constant 80 : index
        %get3A_912 = tpu.vector_load %arg7[%get3A_910, %get3A_911] {strides = array<i32>} : memref<64x128xf32, #tpu.memory_space<vmem>>, vector<1x16xf32>,
        %get3A_913 = vector.shape_cast %get3A_912 : vector<1x16xf32> to vector<16xf32>
        %add3A_914 = arith.addf %add3A_868, %get3A_913 : vector<16xf32>
        %get3A_915 = arith.index_cast %add3A_884 : i32 to index
        %get3A_916 = arith.constant 96 : index
        %get3A_917 = tpu.vector_load %arg7[%get3A_915, %get3A_916] {strides = array<i32>} : memref<64x128xf32, #tpu.memory_space<vmem>>, vector<1x16xf32>,
        %get3A_918 = vector.shape_cast %get3A_917 : vector<1x16xf32> to vector<16xf32>
        %add3A_919 = arith.addf %add3A_873, %get3A_918 : vector<16xf32>
        %get3A_920 = arith.index_cast %add3A_884 : i32 to index
        %get3A_921 = arith.constant 112 : index
        %get3A_922 = tpu.vector_load %arg7[%get3A_920, %get3A_921] {strides = array<i32>} : memref<64x128xf32, #tpu.memory_space<vmem>>, vector<1x16xf32>,
        %get3A_923 = vector.shape_cast %get3A_922 : vector<1x16xf32> to vector<16xf32>
        %add3A_924 = arith.addf %add3A_878, %get3A_923 : vector<16xf32>
        scf.yield %add3A_889, %add3A_894, %add3A_899, %add3A_904, %add3A_909, %add3A_914, %add3A_919, %add3A_924 : vector<16xf32>, vector<16xf32>, vector<16xf32>, vector<16xf32>, vector<16xf32>, vector<16xf32>, vector<16xf32>, vector<16xf32>
      }
      %scan3A_168 = arith.constant 8 : i32
      %swap3A_169 = arith.constant 1 : i32
      %swap3A_170 = arith.index_cast %swap3A_169 : i32 to index
      %swap3A_171 = arith.constant 0 : index
      %swap3A_172 = tpu.vector_load %arg11[%swap3A_170, %swap3A_171] {strides = array<i32>} : memref<2x128xf32, #tpu.memory_space<vmem>>, vector<1x16xf32>,
      %swap3A_173 = vector.shape_cast %swap3A_172 : vector<1x16xf32> to vector<16xf32>
      %swap3A_174 = vector.shape_cast %scan3A_167#0 : vector<16xf32> to vector<1x16xf32>
      tpu.vector_store %arg11[%swap3A_170, %swap3A_171], %swap3A_174 {strides = array<i32>} : memref<2x128xf32, #tpu.memory_space<vmem>>, vector<1x16xf32>,
      %swap3A_175 = arith.constant 1 : i32
      %swap3A_176 = arith.index_cast %swap3A_175 : i32 to index
      %swap3A_177 = arith.constant 16 : index
      %swap3A_178 = tpu.vector_load %arg11[%swap3A_176, %swap3A_177] {strides = array<i32>} : memref<2x128xf32, #tpu.memory_space<vmem>>, vector<1x16xf32>,
      %swap3A_179 = vector.shape_cast %swap3A_178 : vector<1x16xf32> to vector<16xf32>
      %swap3A_180 = vector.shape_cast %scan3A_167#1 : vector<16xf32> to vector<1x16xf32>
      tpu.vector_store %arg11[%swap3A_176, %swap3A_177], %swap3A_180 {strides = array<i32>} : memref<2x128xf32, #tpu.memory_space<vmem>>, vector<1x16xf32>,
      %swap3A_181 = arith.constant 1 : i32
      %swap3A_182 = arith.index_cast %swap3A_181 : i32 to index
      %swap3A_183 = arith.constant 32 : index
      %swap3A_184 = tpu.vector_load %arg11[%swap3A_182, %swap3A_183] {strides = array<i32>} : memref<2x128xf32, #tpu.memory_space<vmem>>, vector<1x16xf32>,
      %swap3A_185 = vector.shape_cast %swap3A_184 : vector<1x16xf32> to vector<16xf32>
      %swap3A_186 = vector.shape_cast %scan3A_167#2 : vector<16xf32> to vector<1x16xf32>
      tpu.vector_store %arg11[%swap3A_182, %swap3A_183], %swap3A_186 {strides = array<i32>} : memref<2x128xf32, #tpu.memory_space<vmem>>, vector<1x16xf32>,
      %swap3A_187 = arith.constant 1 : i32
      %swap3A_188 = arith.index_cast %swap3A_187 : i32 to index
      %swap3A_189 = arith.constant 48 : index
      %swap3A_190 = tpu.vector_load %arg11[%swap3A_188, %swap3A_189] {strides = array<i32>} : memref<2x128xf32, #tpu.memory_space<vmem>>, vector<1x16xf32>,
      %swap3A_191 = vector.shape_cast %swap3A_190 : vector<1x16xf32> to vector<16xf32>
      %swap3A_192 = vector.shape_cast %scan3A_167#3 : vector<16xf32> to vector<1x16xf32>
      tpu.vector_store %arg11[%swap3A_188, %swap3A_189], %swap3A_192 {strides = array<i32>} : memref<2x128xf32, #tpu.memory_space<vmem>>, vector<1x16xf32>,
      %swap3A_193 = arith.constant 1 : i32
      %swap3A_194 = arith.index_cast %swap3A_193 : i32 to index
      %swap3A_195 = arith.constant 64 : index
      %swap3A_196 = tpu.vector_load %arg11[%swap3A_194, %swap3A_195] {strides = array<i32>} : memref<2x128xf32, #tpu.memory_space<vmem>>, vector<1x16xf32>,
      %swap3A_197 = vector.shape_cast %swap3A_196 : vector<1x16xf32> to vector<16xf32>
      %swap3A_198 = vector.shape_cast %scan3A_167#4 : vector<16xf32> to vector<1x16xf32>
      tpu.vector_store %arg11[%swap3A_194, %swap3A_195], %swap3A_198 {strides = array<i32>} : memref<2x128xf32, #tpu.memory_space<vmem>>, vector<1x16xf32>,
      %swap3A_199 = arith.constant 1 : i32
      %swap3A_200 = arith.index_cast %swap3A_199 : i32 to index
      %swap3A_201 = arith.constant 80 : index
      %swap3A_202 = tpu.vector_load %arg11[%swap3A_200, %swap3A_201] {strides = array<i32>} : memref<2x128xf32, #tpu.memory_space<vmem>>, vector<1x16xf32>,
      %swap3A_203 = vector.shape_cast %swap3A_202 : vector<1x16xf32> to vector<16xf32>
      %swap3A_204 = vector.shape_cast %scan3A_167#5 : vector<16xf32> to vector<1x16xf32>
      tpu.vector_store %arg11[%swap3A_200, %swap3A_201], %swap3A_204 {strides = array<i32>} : memref<2x128xf32, #tpu.memory_space<vmem>>, vector<1x16xf32>,
      %swap3A_205 = arith.constant 1 : i32
      %swap3A_206 = arith.index_cast %swap3A_205 : i32 to index
      %swap3A_207 = arith.constant 96 : index
      %swap3A_208 = tpu.vector_load %arg11[%swap3A_206, %swap3A_207] {strides = array<i32>} : memref<2x128xf32, #tpu.memory_space<vmem>>, vector<1x16xf32>,
      %swap3A_209 = vector.shape_cast %swap3A_208 : vector<1x16xf32> to vector<16xf32>
      %swap3A_210 = vector.shape_cast %scan3A_167#6 : vector<16xf32> to vector<1x16xf32>
      tpu.vector_store %arg11[%swap3A_206, %swap3A_207], %swap3A_210 {strides = array<i32>} : memref<2x128xf32, #tpu.memory_space<vmem>>, vector<1x16xf32>,
      %swap3A_211 = arith.constant 1 : i32
      %swap3A_212 = arith.index_cast %swap3A_211 : i32 to index
      %swap3A_213 = arith.constant 112 : index
      %swap3A_214 = tpu.vector_load %arg11[%swap3A_212, %swap3A_213] {strides = array<i32>} : memref<2x128xf32, #tpu.memory_space<vmem>>, vector<1x16xf32>,
      %swap3A_215 = vector.shape_cast %swap3A_214 : vector<1x16xf32> to vector<16xf32>
      %swap3A_216 = vector.shape_cast %scan3A_167#7 : vector<16xf32> to vector<1x16xf32>
      tpu.vector_store %arg11[%swap3A_212, %swap3A_213], %swap3A_216 {strides = array<i32>} : memref<2x128xf32, #tpu.memory_space<vmem>>, vector<1x16xf32>,
      %mul3A_217 = arith.constant 2 : i32
      %mul3A_218 = arith.muli %add3A_69, %mul3A_217 : i32
      %add3A_219 = arith.addi %mul3A_2, %mul3A_218 : i32
      %dma_start3A_220 = arith.constant 0 : i32
      %dma_start3A_221 = tpu.memref_slice %arg4[%add3A_219, %dma_start3A_220] : memref<10000x128xf32, #tpu.memory_space<hbm>> -> memref<2x128xf32, #tpu.memory_space<hbm>>
      %dma_start3A_222 = arith.constant 0 : i32
      %dma_start3A_223 = tpu.memref_slice %arg4[%add3A_219, %dma_start3A_222] : memref<10000x128xf32, #tpu.memory_space<hbm>> -> memref<2x128xf32, #tpu.memory_space<hbm>>
      tpu.enqueue_dma source(%arg11 : memref<2x128xf32, #tpu.memory_space<vmem>>) target(%dma_start3A_223 : memref<2x128xf32, #tpu.memory_space<hbm>>) target_semaphore(%arg19 : memref<!tpu.dma_semaphore, #tpu.memory_space<semaphore_mem>>)
      %sub3A = arith.constant 1 : i32
      %sub3A_224 = arith.subi %select_n3A, %sub3A : i32
      %lt3A_225 = arith.cmpi slt, %while3A_65, %sub3A_224 : i32
      %convert_element_type3A_226 = arith.extui %lt3A_225 : i1 to i32
      %cond3A_227 = arith.constant 0 : i32
      %cond3A_228 = arith.cmpi ne, %convert_element_type3A_226, %cond3A_227 : i32
      scf.if %cond3A_228 {
        %add3A_733 = arith.constant 4 : i32
        %add3A_734 = arith.addi %add3A_69, %add3A_733 : i32
        %mul3A_735 = arith.constant 64 : i32
        %mul3A_736 = arith.muli %add3A_734, %mul3A_735 : i32
        %dma_start3A_737 = tpu.memref_slice %arg6[%mul3A_736] : memref<10240xi32, #tpu.memory_space<vmem>> -> memref<64xi32, #tpu.memory_space<vmem>>
        %dma_start3A_738 = arith.constant 0 : i32
        %dma_start3A_739 = arith.constant 0 : i32
        %dma_start3A_740 = tpu.memref_slice %arg5[%dma_start3A_738, %dma_start3A_739] : memref<10000x128xf32, #tpu.memory_space<vmem_shared>> -> memref<10000x128xf32, #tpu.memory_space<vmem_shared>>
        tpu.enqueue_indirect_dma source(%dma_start3A_740 : memref<10000x128xf32, #tpu.memory_space<vmem_shared>>) target(%arg7 : memref<64x128xf32, #tpu.memory_space<vmem>>) offsets(%dma_start3A_737 : memref<64xi32, #tpu.memory_space<vmem>>) semaphore(%arg15 : memref<!tpu.dma_semaphore, #tpu.memory_space<semaphore_mem>>)
      } else {
      }
      %mul3A_229 = arith.constant 4 : i32
      %mul3A_230 = arith.muli %while3A_65, %mul3A_229 : i32
      %add3A_231 = arith.constant 1 : i32
      %add3A_232 = arith.addi %mul3A_230, %add3A_231 : i32
      %dma_wait3A_233 = arith.constant 0 : i32
      %dma_wait3A_234 = arith.constant 0 : i32
      %dma_wait3A_235 = tpu.memref_slice %arg2[%dma_wait3A_233, %dma_wait3A_234] : memref<10000x128xf32, #tpu.memory_space<hbm>> -> memref<64x128xf32, #tpu.memory_space<hbm>>
      %dma_wait3A_236 = arith.constant 0 : i32
      %dma_wait3A_237 = arith.constant 0 : i32
      %dma_wait3A_238 = tpu.memref_slice %arg2[%dma_wait3A_236, %dma_wait3A_237] : memref<10000x128xf32, #tpu.memory_space<hbm>> -> memref<64x128xf32, #tpu.memory_space<hbm>>
      tpu.wait_dma2 semaphore(%arg16 : memref<!tpu.dma_semaphore, #tpu.memory_space<semaphore_mem>>) src(%dma_wait3A_238 : memref<64x128xf32, #tpu.memory_space<hbm>>) dst(%arg8 : memref<64x128xf32, #tpu.memory_space<vmem>>)
      %gt3A_239 = arith.constant 0 : i32
      %gt3A_240 = arith.cmpi sgt, %while3A_65, %gt3A_239 : i32
      %convert_element_type3A_241 = arith.extui %gt3A_240 : i1 to i32
      %cond3A_242 = arith.constant 0 : i32
      %cond3A_243 = arith.cmpi ne, %convert_element_type3A_241, %cond3A_242 : i32
      scf.if %cond3A_243 {
        %dma_wait3A_733 = arith.constant 0 : i32
        %dma_wait3A_734 = tpu.memref_slice %arg4[%mul3A_2, %dma_wait3A_733] : memref<10000x128xf32, #tpu.memory_space<hbm>> -> memref<2x128xf32, #tpu.memory_space<hbm>>
        %dma_wait3A_735 = arith.constant 0 : i32
        %dma_wait3A_736 = tpu.memref_slice %arg4[%mul3A_2, %dma_wait3A_735] : memref<10000x128xf32, #tpu.memory_space<hbm>> -> memref<2x128xf32, #tpu.memory_space<hbm>>
        tpu.wait_dma2 semaphore(%arg20 : memref<!tpu.dma_semaphore, #tpu.memory_space<semaphore_mem>>) src(%arg12 : memref<2x128xf32, #tpu.memory_space<vmem>>) dst(%dma_wait3A_736 : memref<2x128xf32, #tpu.memory_space<hbm>>)
      } else {
      }
      %broadcast_in_dim3A_244 = arith.constant 0.000000e+00 : f32
      %broadcast_in_dim3A_245 = vector.broadcast %broadcast_in_dim3A_244 : f32 to vector<16xf32>
      %broadcast_in_dim3A_246 = arith.constant 0.000000e+00 : f32
      %broadcast_in_dim3A_247 = vector.broadcast %broadcast_in_dim3A_246 : f32 to vector<16xf32>
      %broadcast_in_dim3A_248 = arith.constant 0.000000e+00 : f32
      %broadcast_in_dim3A_249 = vector.broadcast %broadcast_in_dim3A_248 : f32 to vector<16xf32>
      %broadcast_in_dim3A_250 = arith.constant 0.000000e+00 : f32
      %broadcast_in_dim3A_251 = vector.broadcast %broadcast_in_dim3A_250 : f32 to vector<16xf32>
      %broadcast_in_dim3A_252 = arith.constant 0.000000e+00 : f32
      %broadcast_in_dim3A_253 = vector.broadcast %broadcast_in_dim3A_252 : f32 to vector<16xf32>
      %broadcast_in_dim3A_254 = arith.constant 0.000000e+00 : f32
      %broadcast_in_dim3A_255 = vector.broadcast %broadcast_in_dim3A_254 : f32 to vector<16xf32>
      %broadcast_in_dim3A_256 = arith.constant 0.000000e+00 : f32
      %broadcast_in_dim3A_257 = vector.broadcast %broadcast_in_dim3A_256 : f32 to vector<16xf32>
      %broadcast_in_dim3A_258 = arith.constant 0.000000e+00 : f32
      %broadcast_in_dim3A_259 = vector.broadcast %broadcast_in_dim3A_258 : f32 to vector<16xf32>
      %scan3A_260 = arith.constant 0 : i32
      %scan3A_261 = arith.constant 8 : i32
      %scan3A_262 = arith.addi %scan3A_260, %scan3A_261 : i32
      %scan3A_263 = arith.constant 1 : i32
      %scan3A_264:8 = scf.for %scan3A_733 = %scan3A_260 to %scan3A_262 step %scan3A_263 iter_args(%scan3A_734 = %broadcast_in_dim3A_245, %scan3A_735 = %broadcast_in_dim3A_247, %scan3A_736 = %broadcast_in_dim3A_249, %scan3A_737 = %broadcast_in_dim3A_251, %scan3A_738 = %broadcast_in_dim3A_253, %scan3A_739 = %broadcast_in_dim3A_255, %scan3A_740 = %broadcast_in_dim3A_257, %scan3A_741 = %broadcast_in_dim3A_259) -> (vector<16xf32>, vector<16xf32>, vector<16xf32>, vector<16xf32>, vector<16xf32>, vector<16xf32>, vector<16xf32>, vector<16xf32>)  : i32 {
        %mul3A_742 = arith.constant 4 : i32
        %mul3A_743 = arith.muli %scan3A_733, %mul3A_742 : i32
        %add3A_744 = arith.constant 0 : i32
        %add3A_745 = arith.addi %add3A_744, %mul3A_743 : i32
        %add3A_746 = arith.constant 0 : i32
        %add3A_747 = arith.addi %add3A_745, %add3A_746 : i32
        %get3A = arith.index_cast %add3A_747 : i32 to index
        %get3A_748 = arith.constant 0 : index
        %get3A_749 = tpu.vector_load %arg8[%get3A, %get3A_748] {strides = array<i32>} : memref<64x128xf32, #tpu.memory_space<vmem>>, vector<1x16xf32>,
        %get3A_750 = vector.shape_cast %get3A_749 : vector<1x16xf32> to vector<16xf32>
        %add3A_751 = arith.addf %scan3A_734, %get3A_750 : vector<16xf32>
        %get3A_752 = arith.index_cast %add3A_747 : i32 to index
        %get3A_753 = arith.constant 16 : index
        %get3A_754 = tpu.vector_load %arg8[%get3A_752, %get3A_753] {strides = array<i32>} : memref<64x128xf32, #tpu.memory_space<vmem>>, vector<1x16xf32>,
        %get3A_755 = vector.shape_cast %get3A_754 : vector<1x16xf32> to vector<16xf32>
        %add3A_756 = arith.addf %scan3A_735, %get3A_755 : vector<16xf32>
        %get3A_757 = arith.index_cast %add3A_747 : i32 to index
        %get3A_758 = arith.constant 32 : index
        %get3A_759 = tpu.vector_load %arg8[%get3A_757, %get3A_758] {strides = array<i32>} : memref<64x128xf32, #tpu.memory_space<vmem>>, vector<1x16xf32>,
        %get3A_760 = vector.shape_cast %get3A_759 : vector<1x16xf32> to vector<16xf32>
        %add3A_761 = arith.addf %scan3A_736, %get3A_760 : vector<16xf32>
        %get3A_762 = arith.index_cast %add3A_747 : i32 to index
        %get3A_763 = arith.constant 48 : index
        %get3A_764 = tpu.vector_load %arg8[%get3A_762, %get3A_763] {strides = array<i32>} : memref<64x128xf32, #tpu.memory_space<vmem>>, vector<1x16xf32>,
        %get3A_765 = vector.shape_cast %get3A_764 : vector<1x16xf32> to vector<16xf32>
        %add3A_766 = arith.addf %scan3A_737, %get3A_765 : vector<16xf32>
        %get3A_767 = arith.index_cast %add3A_747 : i32 to index
        %get3A_768 = arith.constant 64 : index
        %get3A_769 = tpu.vector_load %arg8[%get3A_767, %get3A_768] {strides = array<i32>} : memref<64x128xf32, #tpu.memory_space<vmem>>, vector<1x16xf32>,
        %get3A_770 = vector.shape_cast %get3A_769 : vector<1x16xf32> to vector<16xf32>
        %add3A_771 = arith.addf %scan3A_738, %get3A_770 : vector<16xf32>
        %get3A_772 = arith.index_cast %add3A_747 : i32 to index
        %get3A_773 = arith.constant 80 : index
        %get3A_774 = tpu.vector_load %arg8[%get3A_772, %get3A_773] {strides = array<i32>} : memref<64x128xf32, #tpu.memory_space<vmem>>, vector<1x16xf32>,
        %get3A_775 = vector.shape_cast %get3A_774 : vector<1x16xf32> to vector<16xf32>
        %add3A_776 = arith.addf %scan3A_739, %get3A_775 : vector<16xf32>
        %get3A_777 = arith.index_cast %add3A_747 : i32 to index
        %get3A_778 = arith.constant 96 : index
        %get3A_779 = tpu.vector_load %arg8[%get3A_777, %get3A_778] {strides = array<i32>} : memref<64x128xf32, #tpu.memory_space<vmem>>, vector<1x16xf32>,
        %get3A_780 = vector.shape_cast %get3A_779 : vector<1x16xf32> to vector<16xf32>
        %add3A_781 = arith.addf %scan3A_740, %get3A_780 : vector<16xf32>
        %get3A_782 = arith.index_cast %add3A_747 : i32 to index
        %get3A_783 = arith.constant 112 : index
        %get3A_784 = tpu.vector_load %arg8[%get3A_782, %get3A_783] {strides = array<i32>} : memref<64x128xf32, #tpu.memory_space<vmem>>, vector<1x16xf32>,
        %get3A_785 = vector.shape_cast %get3A_784 : vector<1x16xf32> to vector<16xf32>
        %add3A_786 = arith.addf %scan3A_741, %get3A_785 : vector<16xf32>
        %mul3A_787 = arith.constant 4 : i32
        %mul3A_788 = arith.muli %scan3A_733, %mul3A_787 : i32
        %add3A_789 = arith.constant 0 : i32
        %add3A_790 = arith.addi %add3A_789, %mul3A_788 : i32
        %add3A_791 = arith.constant 1 : i32
        %add3A_792 = arith.addi %add3A_790, %add3A_791 : i32
        %get3A_793 = arith.index_cast %add3A_792 : i32 to index
        %get3A_794 = arith.constant 0 : index
        %get3A_795 = tpu.vector_load %arg8[%get3A_793, %get3A_794] {strides = array<i32>} : memref<64x128xf32, #tpu.memory_space<vmem>>, vector<1x16xf32>,
        %get3A_796 = vector.shape_cast %get3A_795 : vector<1x16xf32> to vector<16xf32>
        %add3A_797 = arith.addf %add3A_751, %get3A_796 : vector<16xf32>
        %get3A_798 = arith.index_cast %add3A_792 : i32 to index
        %get3A_799 = arith.constant 16 : index
        %get3A_800 = tpu.vector_load %arg8[%get3A_798, %get3A_799] {strides = array<i32>} : memref<64x128xf32, #tpu.memory_space<vmem>>, vector<1x16xf32>,
        %get3A_801 = vector.shape_cast %get3A_800 : vector<1x16xf32> to vector<16xf32>
        %add3A_802 = arith.addf %add3A_756, %get3A_801 : vector<16xf32>
        %get3A_803 = arith.index_cast %add3A_792 : i32 to index
        %get3A_804 = arith.constant 32 : index
        %get3A_805 = tpu.vector_load %arg8[%get3A_803, %get3A_804] {strides = array<i32>} : memref<64x128xf32, #tpu.memory_space<vmem>>, vector<1x16xf32>,
        %get3A_806 = vector.shape_cast %get3A_805 : vector<1x16xf32> to vector<16xf32>
        %add3A_807 = arith.addf %add3A_761, %get3A_806 : vector<16xf32>
        %get3A_808 = arith.index_cast %add3A_792 : i32 to index
        %get3A_809 = arith.constant 48 : index
        %get3A_810 = tpu.vector_load %arg8[%get3A_808, %get3A_809] {strides = array<i32>} : memref<64x128xf32, #tpu.memory_space<vmem>>, vector<1x16xf32>,
        %get3A_811 = vector.shape_cast %get3A_810 : vector<1x16xf32> to vector<16xf32>
        %add3A_812 = arith.addf %add3A_766, %get3A_811 : vector<16xf32>
        %get3A_813 = arith.index_cast %add3A_792 : i32 to index
        %get3A_814 = arith.constant 64 : index
        %get3A_815 = tpu.vector_load %arg8[%get3A_813, %get3A_814] {strides = array<i32>} : memref<64x128xf32, #tpu.memory_space<vmem>>, vector<1x16xf32>,
        %get3A_816 = vector.shape_cast %get3A_815 : vector<1x16xf32> to vector<16xf32>
        %add3A_817 = arith.addf %add3A_771, %get3A_816 : vector<16xf32>
        %get3A_818 = arith.index_cast %add3A_792 : i32 to index
        %get3A_819 = arith.constant 80 : index
        %get3A_820 = tpu.vector_load %arg8[%get3A_818, %get3A_819] {strides = array<i32>} : memref<64x128xf32, #tpu.memory_space<vmem>>, vector<1x16xf32>,
        %get3A_821 = vector.shape_cast %get3A_820 : vector<1x16xf32> to vector<16xf32>
        %add3A_822 = arith.addf %add3A_776, %get3A_821 : vector<16xf32>
        %get3A_823 = arith.index_cast %add3A_792 : i32 to index
        %get3A_824 = arith.constant 96 : index
        %get3A_825 = tpu.vector_load %arg8[%get3A_823, %get3A_824] {strides = array<i32>} : memref<64x128xf32, #tpu.memory_space<vmem>>, vector<1x16xf32>,
        %get3A_826 = vector.shape_cast %get3A_825 : vector<1x16xf32> to vector<16xf32>
        %add3A_827 = arith.addf %add3A_781, %get3A_826 : vector<16xf32>
        %get3A_828 = arith.index_cast %add3A_792 : i32 to index
        %get3A_829 = arith.constant 112 : index
        %get3A_830 = tpu.vector_load %arg8[%get3A_828, %get3A_829] {strides = array<i32>} : memref<64x128xf32, #tpu.memory_space<vmem>>, vector<1x16xf32>,
        %get3A_831 = vector.shape_cast %get3A_830 : vector<1x16xf32> to vector<16xf32>
        %add3A_832 = arith.addf %add3A_786, %get3A_831 : vector<16xf32>
        %mul3A_833 = arith.constant 4 : i32
        %mul3A_834 = arith.muli %scan3A_733, %mul3A_833 : i32
        %add3A_835 = arith.constant 0 : i32
        %add3A_836 = arith.addi %add3A_835, %mul3A_834 : i32
        %add3A_837 = arith.constant 2 : i32
        %add3A_838 = arith.addi %add3A_836, %add3A_837 : i32
        %get3A_839 = arith.index_cast %add3A_838 : i32 to index
        %get3A_840 = arith.constant 0 : index
        %get3A_841 = tpu.vector_load %arg8[%get3A_839, %get3A_840] {strides = array<i32>} : memref<64x128xf32, #tpu.memory_space<vmem>>, vector<1x16xf32>,
        %get3A_842 = vector.shape_cast %get3A_841 : vector<1x16xf32> to vector<16xf32>
        %add3A_843 = arith.addf %add3A_797, %get3A_842 : vector<16xf32>
        %get3A_844 = arith.index_cast %add3A_838 : i32 to index
        %get3A_845 = arith.constant 16 : index
        %get3A_846 = tpu.vector_load %arg8[%get3A_844, %get3A_845] {strides = array<i32>} : memref<64x128xf32, #tpu.memory_space<vmem>>, vector<1x16xf32>,
        %get3A_847 = vector.shape_cast %get3A_846 : vector<1x16xf32> to vector<16xf32>
        %add3A_848 = arith.addf %add3A_802, %get3A_847 : vector<16xf32>
        %get3A_849 = arith.index_cast %add3A_838 : i32 to index
        %get3A_850 = arith.constant 32 : index
        %get3A_851 = tpu.vector_load %arg8[%get3A_849, %get3A_850] {strides = array<i32>} : memref<64x128xf32, #tpu.memory_space<vmem>>, vector<1x16xf32>,
        %get3A_852 = vector.shape_cast %get3A_851 : vector<1x16xf32> to vector<16xf32>
        %add3A_853 = arith.addf %add3A_807, %get3A_852 : vector<16xf32>
        %get3A_854 = arith.index_cast %add3A_838 : i32 to index
        %get3A_855 = arith.constant 48 : index
        %get3A_856 = tpu.vector_load %arg8[%get3A_854, %get3A_855] {strides = array<i32>} : memref<64x128xf32, #tpu.memory_space<vmem>>, vector<1x16xf32>,
        %get3A_857 = vector.shape_cast %get3A_856 : vector<1x16xf32> to vector<16xf32>
        %add3A_858 = arith.addf %add3A_812, %get3A_857 : vector<16xf32>
        %get3A_859 = arith.index_cast %add3A_838 : i32 to index
        %get3A_860 = arith.constant 64 : index
        %get3A_861 = tpu.vector_load %arg8[%get3A_859, %get3A_860] {strides = array<i32>} : memref<64x128xf32, #tpu.memory_space<vmem>>, vector<1x16xf32>,
        %get3A_862 = vector.shape_cast %get3A_861 : vector<1x16xf32> to vector<16xf32>
        %add3A_863 = arith.addf %add3A_817, %get3A_862 : vector<16xf32>
        %get3A_864 = arith.index_cast %add3A_838 : i32 to index
        %get3A_865 = arith.constant 80 : index
        %get3A_866 = tpu.vector_load %arg8[%get3A_864, %get3A_865] {strides = array<i32>} : memref<64x128xf32, #tpu.memory_space<vmem>>, vector<1x16xf32>,
        %get3A_867 = vector.shape_cast %get3A_866 : vector<1x16xf32> to vector<16xf32>
        %add3A_868 = arith.addf %add3A_822, %get3A_867 : vector<16xf32>
        %get3A_869 = arith.index_cast %add3A_838 : i32 to index
        %get3A_870 = arith.constant 96 : index
        %get3A_871 = tpu.vector_load %arg8[%get3A_869, %get3A_870] {strides = array<i32>} : memref<64x128xf32, #tpu.memory_space<vmem>>, vector<1x16xf32>,
        %get3A_872 = vector.shape_cast %get3A_871 : vector<1x16xf32> to vector<16xf32>
        %add3A_873 = arith.addf %add3A_827, %get3A_872 : vector<16xf32>
        %get3A_874 = arith.index_cast %add3A_838 : i32 to index
        %get3A_875 = arith.constant 112 : index
        %get3A_876 = tpu.vector_load %arg8[%get3A_874, %get3A_875] {strides = array<i32>} : memref<64x128xf32, #tpu.memory_space<vmem>>, vector<1x16xf32>,
        %get3A_877 = vector.shape_cast %get3A_876 : vector<1x16xf32> to vector<16xf32>
        %add3A_878 = arith.addf %add3A_832, %get3A_877 : vector<16xf32>
        %mul3A_879 = arith.constant 4 : i32
        %mul3A_880 = arith.muli %scan3A_733, %mul3A_879 : i32
        %add3A_881 = arith.constant 0 : i32
        %add3A_882 = arith.addi %add3A_881, %mul3A_880 : i32
        %add3A_883 = arith.constant 3 : i32
        %add3A_884 = arith.addi %add3A_882, %add3A_883 : i32
        %get3A_885 = arith.index_cast %add3A_884 : i32 to index
        %get3A_886 = arith.constant 0 : index
        %get3A_887 = tpu.vector_load %arg8[%get3A_885, %get3A_886] {strides = array<i32>} : memref<64x128xf32, #tpu.memory_space<vmem>>, vector<1x16xf32>,
        %get3A_888 = vector.shape_cast %get3A_887 : vector<1x16xf32> to vector<16xf32>
        %add3A_889 = arith.addf %add3A_843, %get3A_888 : vector<16xf32>
        %get3A_890 = arith.index_cast %add3A_884 : i32 to index
        %get3A_891 = arith.constant 16 : index
        %get3A_892 = tpu.vector_load %arg8[%get3A_890, %get3A_891] {strides = array<i32>} : memref<64x128xf32, #tpu.memory_space<vmem>>, vector<1x16xf32>,
        %get3A_893 = vector.shape_cast %get3A_892 : vector<1x16xf32> to vector<16xf32>
        %add3A_894 = arith.addf %add3A_848, %get3A_893 : vector<16xf32>
        %get3A_895 = arith.index_cast %add3A_884 : i32 to index
        %get3A_896 = arith.constant 32 : index
        %get3A_897 = tpu.vector_load %arg8[%get3A_895, %get3A_896] {strides = array<i32>} : memref<64x128xf32, #tpu.memory_space<vmem>>, vector<1x16xf32>,
        %get3A_898 = vector.shape_cast %get3A_897 : vector<1x16xf32> to vector<16xf32>
        %add3A_899 = arith.addf %add3A_853, %get3A_898 : vector<16xf32>
        %get3A_900 = arith.index_cast %add3A_884 : i32 to index
        %get3A_901 = arith.constant 48 : index
        %get3A_902 = tpu.vector_load %arg8[%get3A_900, %get3A_901] {strides = array<i32>} : memref<64x128xf32, #tpu.memory_space<vmem>>, vector<1x16xf32>,
        %get3A_903 = vector.shape_cast %get3A_902 : vector<1x16xf32> to vector<16xf32>
        %add3A_904 = arith.addf %add3A_858, %get3A_903 : vector<16xf32>
        %get3A_905 = arith.index_cast %add3A_884 : i32 to index
        %get3A_906 = arith.constant 64 : index
        %get3A_907 = tpu.vector_load %arg8[%get3A_905, %get3A_906] {strides = array<i32>} : memref<64x128xf32, #tpu.memory_space<vmem>>, vector<1x16xf32>,
        %get3A_908 = vector.shape_cast %get3A_907 : vector<1x16xf32> to vector<16xf32>
        %add3A_909 = arith.addf %add3A_863, %get3A_908 : vector<16xf32>
        %get3A_910 = arith.index_cast %add3A_884 : i32 to index
        %get3A_911 = arith.constant 80 : index
        %get3A_912 = tpu.vector_load %arg8[%get3A_910, %get3A_911] {strides = array<i32>} : memref<64x128xf32, #tpu.memory_space<vmem>>, vector<1x16xf32>,
        %get3A_913 = vector.shape_cast %get3A_912 : vector<1x16xf32> to vector<16xf32>
        %add3A_914 = arith.addf %add3A_868, %get3A_913 : vector<16xf32>
        %get3A_915 = arith.index_cast %add3A_884 : i32 to index
        %get3A_916 = arith.constant 96 : index
        %get3A_917 = tpu.vector_load %arg8[%get3A_915, %get3A_916] {strides = array<i32>} : memref<64x128xf32, #tpu.memory_space<vmem>>, vector<1x16xf32>,
        %get3A_918 = vector.shape_cast %get3A_917 : vector<1x16xf32> to vector<16xf32>
        %add3A_919 = arith.addf %add3A_873, %get3A_918 : vector<16xf32>
        %get3A_920 = arith.index_cast %add3A_884 : i32 to index
        %get3A_921 = arith.constant 112 : index
        %get3A_922 = tpu.vector_load %arg8[%get3A_920, %get3A_921] {strides = array<i32>} : memref<64x128xf32, #tpu.memory_space<vmem>>, vector<1x16xf32>,
        %get3A_923 = vector.shape_cast %get3A_922 : vector<1x16xf32> to vector<16xf32>
        %add3A_924 = arith.addf %add3A_878, %get3A_923 : vector<16xf32>
        scf.yield %add3A_889, %add3A_894, %add3A_899, %add3A_904, %add3A_909, %add3A_914, %add3A_919, %add3A_924 : vector<16xf32>, vector<16xf32>, vector<16xf32>, vector<16xf32>, vector<16xf32>, vector<16xf32>, vector<16xf32>, vector<16xf32>
      }
      %scan3A_265 = arith.constant 8 : i32
      %swap3A_266 = arith.constant 0 : i32
      %swap3A_267 = arith.index_cast %swap3A_266 : i32 to index
      %swap3A_268 = arith.constant 0 : index
      %swap3A_269 = tpu.vector_load %arg12[%swap3A_267, %swap3A_268] {strides = array<i32>} : memref<2x128xf32, #tpu.memory_space<vmem>>, vector<1x16xf32>,
      %swap3A_270 = vector.shape_cast %swap3A_269 : vector<1x16xf32> to vector<16xf32>
      %swap3A_271 = vector.shape_cast %scan3A_264#0 : vector<16xf32> to vector<1x16xf32>
      tpu.vector_store %arg12[%swap3A_267, %swap3A_268], %swap3A_271 {strides = array<i32>} : memref<2x128xf32, #tpu.memory_space<vmem>>, vector<1x16xf32>,
      %swap3A_272 = arith.constant 0 : i32
      %swap3A_273 = arith.index_cast %swap3A_272 : i32 to index
      %swap3A_274 = arith.constant 16 : index
      %swap3A_275 = tpu.vector_load %arg12[%swap3A_273, %swap3A_274] {strides = array<i32>} : memref<2x128xf32, #tpu.memory_space<vmem>>, vector<1x16xf32>,
      %swap3A_276 = vector.shape_cast %swap3A_275 : vector<1x16xf32> to vector<16xf32>
      %swap3A_277 = vector.shape_cast %scan3A_264#1 : vector<16xf32> to vector<1x16xf32>
      tpu.vector_store %arg12[%swap3A_273, %swap3A_274], %swap3A_277 {strides = array<i32>} : memref<2x128xf32, #tpu.memory_space<vmem>>, vector<1x16xf32>,
      %swap3A_278 = arith.constant 0 : i32
      %swap3A_279 = arith.index_cast %swap3A_278 : i32 to index
      %swap3A_280 = arith.constant 32 : index
      %swap3A_281 = tpu.vector_load %arg12[%swap3A_279, %swap3A_280] {strides = array<i32>} : memref<2x128xf32, #tpu.memory_space<vmem>>, vector<1x16xf32>,
      %swap3A_282 = vector.shape_cast %swap3A_281 : vector<1x16xf32> to vector<16xf32>
      %swap3A_283 = vector.shape_cast %scan3A_264#2 : vector<16xf32> to vector<1x16xf32>
      tpu.vector_store %arg12[%swap3A_279, %swap3A_280], %swap3A_283 {strides = array<i32>} : memref<2x128xf32, #tpu.memory_space<vmem>>, vector<1x16xf32>,
      %swap3A_284 = arith.constant 0 : i32
      %swap3A_285 = arith.index_cast %swap3A_284 : i32 to index
      %swap3A_286 = arith.constant 48 : index
      %swap3A_287 = tpu.vector_load %arg12[%swap3A_285, %swap3A_286] {strides = array<i32>} : memref<2x128xf32, #tpu.memory_space<vmem>>, vector<1x16xf32>,
      %swap3A_288 = vector.shape_cast %swap3A_287 : vector<1x16xf32> to vector<16xf32>
      %swap3A_289 = vector.shape_cast %scan3A_264#3 : vector<16xf32> to vector<1x16xf32>
      tpu.vector_store %arg12[%swap3A_285, %swap3A_286], %swap3A_289 {strides = array<i32>} : memref<2x128xf32, #tpu.memory_space<vmem>>, vector<1x16xf32>,
      %swap3A_290 = arith.constant 0 : i32
      %swap3A_291 = arith.index_cast %swap3A_290 : i32 to index
      %swap3A_292 = arith.constant 64 : index
      %swap3A_293 = tpu.vector_load %arg12[%swap3A_291, %swap3A_292] {strides = array<i32>} : memref<2x128xf32, #tpu.memory_space<vmem>>, vector<1x16xf32>,
      %swap3A_294 = vector.shape_cast %swap3A_293 : vector<1x16xf32> to vector<16xf32>
      %swap3A_295 = vector.shape_cast %scan3A_264#4 : vector<16xf32> to vector<1x16xf32>
      tpu.vector_store %arg12[%swap3A_291, %swap3A_292], %swap3A_295 {strides = array<i32>} : memref<2x128xf32, #tpu.memory_space<vmem>>, vector<1x16xf32>,
      %swap3A_296 = arith.constant 0 : i32
      %swap3A_297 = arith.index_cast %swap3A_296 : i32 to index
      %swap3A_298 = arith.constant 80 : index
      %swap3A_299 = tpu.vector_load %arg12[%swap3A_297, %swap3A_298] {strides = array<i32>} : memref<2x128xf32, #tpu.memory_space<vmem>>, vector<1x16xf32>,
      %swap3A_300 = vector.shape_cast %swap3A_299 : vector<1x16xf32> to vector<16xf32>
      %swap3A_301 = vector.shape_cast %scan3A_264#5 : vector<16xf32> to vector<1x16xf32>
      tpu.vector_store %arg12[%swap3A_297, %swap3A_298], %swap3A_301 {strides = array<i32>} : memref<2x128xf32, #tpu.memory_space<vmem>>, vector<1x16xf32>,
      %swap3A_302 = arith.constant 0 : i32
      %swap3A_303 = arith.index_cast %swap3A_302 : i32 to index
      %swap3A_304 = arith.constant 96 : index
      %swap3A_305 = tpu.vector_load %arg12[%swap3A_303, %swap3A_304] {strides = array<i32>} : memref<2x128xf32, #tpu.memory_space<vmem>>, vector<1x16xf32>,
      %swap3A_306 = vector.shape_cast %swap3A_305 : vector<1x16xf32> to vector<16xf32>
      %swap3A_307 = vector.shape_cast %scan3A_264#6 : vector<16xf32> to vector<1x16xf32>
      tpu.vector_store %arg12[%swap3A_303, %swap3A_304], %swap3A_307 {strides = array<i32>} : memref<2x128xf32, #tpu.memory_space<vmem>>, vector<1x16xf32>,
      %swap3A_308 = arith.constant 0 : i32
      %swap3A_309 = arith.index_cast %swap3A_308 : i32 to index
      %swap3A_310 = arith.constant 112 : index
      %swap3A_311 = tpu.vector_load %arg12[%swap3A_309, %swap3A_310] {strides = array<i32>} : memref<2x128xf32, #tpu.memory_space<vmem>>, vector<1x16xf32>,
      %swap3A_312 = vector.shape_cast %swap3A_311 : vector<1x16xf32> to vector<16xf32>
      %swap3A_313 = vector.shape_cast %scan3A_264#7 : vector<16xf32> to vector<1x16xf32>
      tpu.vector_store %arg12[%swap3A_309, %swap3A_310], %swap3A_313 {strides = array<i32>} : memref<2x128xf32, #tpu.memory_space<vmem>>, vector<1x16xf32>,
      %broadcast_in_dim3A_314 = arith.constant 0.000000e+00 : f32
      %broadcast_in_dim3A_315 = vector.broadcast %broadcast_in_dim3A_314 : f32 to vector<16xf32>
      %broadcast_in_dim3A_316 = arith.constant 0.000000e+00 : f32
      %broadcast_in_dim3A_317 = vector.broadcast %broadcast_in_dim3A_316 : f32 to vector<16xf32>
      %broadcast_in_dim3A_318 = arith.constant 0.000000e+00 : f32
      %broadcast_in_dim3A_319 = vector.broadcast %broadcast_in_dim3A_318 : f32 to vector<16xf32>
      %broadcast_in_dim3A_320 = arith.constant 0.000000e+00 : f32
      %broadcast_in_dim3A_321 = vector.broadcast %broadcast_in_dim3A_320 : f32 to vector<16xf32>
      %broadcast_in_dim3A_322 = arith.constant 0.000000e+00 : f32
      %broadcast_in_dim3A_323 = vector.broadcast %broadcast_in_dim3A_322 : f32 to vector<16xf32>
      %broadcast_in_dim3A_324 = arith.constant 0.000000e+00 : f32
      %broadcast_in_dim3A_325 = vector.broadcast %broadcast_in_dim3A_324 : f32 to vector<16xf32>
      %broadcast_in_dim3A_326 = arith.constant 0.000000e+00 : f32
      %broadcast_in_dim3A_327 = vector.broadcast %broadcast_in_dim3A_326 : f32 to vector<16xf32>
      %broadcast_in_dim3A_328 = arith.constant 0.000000e+00 : f32
      %broadcast_in_dim3A_329 = vector.broadcast %broadcast_in_dim3A_328 : f32 to vector<16xf32>
      %scan3A_330 = arith.constant 0 : i32
      %scan3A_331 = arith.constant 8 : i32
      %scan3A_332 = arith.addi %scan3A_330, %scan3A_331 : i32
      %scan3A_333 = arith.constant 1 : i32
      %scan3A_334:8 = scf.for %scan3A_733 = %scan3A_330 to %scan3A_332 step %scan3A_333 iter_args(%scan3A_734 = %broadcast_in_dim3A_315, %scan3A_735 = %broadcast_in_dim3A_317, %scan3A_736 = %broadcast_in_dim3A_319, %scan3A_737 = %broadcast_in_dim3A_321, %scan3A_738 = %broadcast_in_dim3A_323, %scan3A_739 = %broadcast_in_dim3A_325, %scan3A_740 = %broadcast_in_dim3A_327, %scan3A_741 = %broadcast_in_dim3A_329) -> (vector<16xf32>, vector<16xf32>, vector<16xf32>, vector<16xf32>, vector<16xf32>, vector<16xf32>, vector<16xf32>, vector<16xf32>)  : i32 {
        %mul3A_742 = arith.constant 4 : i32
        %mul3A_743 = arith.muli %scan3A_733, %mul3A_742 : i32
        %add3A_744 = arith.constant 32 : i32
        %add3A_745 = arith.addi %add3A_744, %mul3A_743 : i32
        %add3A_746 = arith.constant 0 : i32
        %add3A_747 = arith.addi %add3A_745, %add3A_746 : i32
        %get3A = arith.index_cast %add3A_747 : i32 to index
        %get3A_748 = arith.constant 0 : index
        %get3A_749 = tpu.vector_load %arg8[%get3A, %get3A_748] {strides = array<i32>} : memref<64x128xf32, #tpu.memory_space<vmem>>, vector<1x16xf32>,
        %get3A_750 = vector.shape_cast %get3A_749 : vector<1x16xf32> to vector<16xf32>
        %add3A_751 = arith.addf %scan3A_734, %get3A_750 : vector<16xf32>
        %get3A_752 = arith.index_cast %add3A_747 : i32 to index
        %get3A_753 = arith.constant 16 : index
        %get3A_754 = tpu.vector_load %arg8[%get3A_752, %get3A_753] {strides = array<i32>} : memref<64x128xf32, #tpu.memory_space<vmem>>, vector<1x16xf32>,
        %get3A_755 = vector.shape_cast %get3A_754 : vector<1x16xf32> to vector<16xf32>
        %add3A_756 = arith.addf %scan3A_735, %get3A_755 : vector<16xf32>
        %get3A_757 = arith.index_cast %add3A_747 : i32 to index
        %get3A_758 = arith.constant 32 : index
        %get3A_759 = tpu.vector_load %arg8[%get3A_757, %get3A_758] {strides = array<i32>} : memref<64x128xf32, #tpu.memory_space<vmem>>, vector<1x16xf32>,
        %get3A_760 = vector.shape_cast %get3A_759 : vector<1x16xf32> to vector<16xf32>
        %add3A_761 = arith.addf %scan3A_736, %get3A_760 : vector<16xf32>
        %get3A_762 = arith.index_cast %add3A_747 : i32 to index
        %get3A_763 = arith.constant 48 : index
        %get3A_764 = tpu.vector_load %arg8[%get3A_762, %get3A_763] {strides = array<i32>} : memref<64x128xf32, #tpu.memory_space<vmem>>, vector<1x16xf32>,
        %get3A_765 = vector.shape_cast %get3A_764 : vector<1x16xf32> to vector<16xf32>
        %add3A_766 = arith.addf %scan3A_737, %get3A_765 : vector<16xf32>
        %get3A_767 = arith.index_cast %add3A_747 : i32 to index
        %get3A_768 = arith.constant 64 : index
        %get3A_769 = tpu.vector_load %arg8[%get3A_767, %get3A_768] {strides = array<i32>} : memref<64x128xf32, #tpu.memory_space<vmem>>, vector<1x16xf32>,
        %get3A_770 = vector.shape_cast %get3A_769 : vector<1x16xf32> to vector<16xf32>
        %add3A_771 = arith.addf %scan3A_738, %get3A_770 : vector<16xf32>
        %get3A_772 = arith.index_cast %add3A_747 : i32 to index
        %get3A_773 = arith.constant 80 : index
        %get3A_774 = tpu.vector_load %arg8[%get3A_772, %get3A_773] {strides = array<i32>} : memref<64x128xf32, #tpu.memory_space<vmem>>, vector<1x16xf32>,
        %get3A_775 = vector.shape_cast %get3A_774 : vector<1x16xf32> to vector<16xf32>
        %add3A_776 = arith.addf %scan3A_739, %get3A_775 : vector<16xf32>
        %get3A_777 = arith.index_cast %add3A_747 : i32 to index
        %get3A_778 = arith.constant 96 : index
        %get3A_779 = tpu.vector_load %arg8[%get3A_777, %get3A_778] {strides = array<i32>} : memref<64x128xf32, #tpu.memory_space<vmem>>, vector<1x16xf32>,
        %get3A_780 = vector.shape_cast %get3A_779 : vector<1x16xf32> to vector<16xf32>
        %add3A_781 = arith.addf %scan3A_740, %get3A_780 : vector<16xf32>
        %get3A_782 = arith.index_cast %add3A_747 : i32 to index
        %get3A_783 = arith.constant 112 : index
        %get3A_784 = tpu.vector_load %arg8[%get3A_782, %get3A_783] {strides = array<i32>} : memref<64x128xf32, #tpu.memory_space<vmem>>, vector<1x16xf32>,
        %get3A_785 = vector.shape_cast %get3A_784 : vector<1x16xf32> to vector<16xf32>
        %add3A_786 = arith.addf %scan3A_741, %get3A_785 : vector<16xf32>
        %mul3A_787 = arith.constant 4 : i32
        %mul3A_788 = arith.muli %scan3A_733, %mul3A_787 : i32
        %add3A_789 = arith.constant 32 : i32
        %add3A_790 = arith.addi %add3A_789, %mul3A_788 : i32
        %add3A_791 = arith.constant 1 : i32
        %add3A_792 = arith.addi %add3A_790, %add3A_791 : i32
        %get3A_793 = arith.index_cast %add3A_792 : i32 to index
        %get3A_794 = arith.constant 0 : index
        %get3A_795 = tpu.vector_load %arg8[%get3A_793, %get3A_794] {strides = array<i32>} : memref<64x128xf32, #tpu.memory_space<vmem>>, vector<1x16xf32>,
        %get3A_796 = vector.shape_cast %get3A_795 : vector<1x16xf32> to vector<16xf32>
        %add3A_797 = arith.addf %add3A_751, %get3A_796 : vector<16xf32>
        %get3A_798 = arith.index_cast %add3A_792 : i32 to index
        %get3A_799 = arith.constant 16 : index
        %get3A_800 = tpu.vector_load %arg8[%get3A_798, %get3A_799] {strides = array<i32>} : memref<64x128xf32, #tpu.memory_space<vmem>>, vector<1x16xf32>,
        %get3A_801 = vector.shape_cast %get3A_800 : vector<1x16xf32> to vector<16xf32>
        %add3A_802 = arith.addf %add3A_756, %get3A_801 : vector<16xf32>
        %get3A_803 = arith.index_cast %add3A_792 : i32 to index
        %get3A_804 = arith.constant 32 : index
        %get3A_805 = tpu.vector_load %arg8[%get3A_803, %get3A_804] {strides = array<i32>} : memref<64x128xf32, #tpu.memory_space<vmem>>, vector<1x16xf32>,
        %get3A_806 = vector.shape_cast %get3A_805 : vector<1x16xf32> to vector<16xf32>
        %add3A_807 = arith.addf %add3A_761, %get3A_806 : vector<16xf32>
        %get3A_808 = arith.index_cast %add3A_792 : i32 to index
        %get3A_809 = arith.constant 48 : index
        %get3A_810 = tpu.vector_load %arg8[%get3A_808, %get3A_809] {strides = array<i32>} : memref<64x128xf32, #tpu.memory_space<vmem>>, vector<1x16xf32>,
        %get3A_811 = vector.shape_cast %get3A_810 : vector<1x16xf32> to vector<16xf32>
        %add3A_812 = arith.addf %add3A_766, %get3A_811 : vector<16xf32>
        %get3A_813 = arith.index_cast %add3A_792 : i32 to index
        %get3A_814 = arith.constant 64 : index
        %get3A_815 = tpu.vector_load %arg8[%get3A_813, %get3A_814] {strides = array<i32>} : memref<64x128xf32, #tpu.memory_space<vmem>>, vector<1x16xf32>,
        %get3A_816 = vector.shape_cast %get3A_815 : vector<1x16xf32> to vector<16xf32>
        %add3A_817 = arith.addf %add3A_771, %get3A_816 : vector<16xf32>
        %get3A_818 = arith.index_cast %add3A_792 : i32 to index
        %get3A_819 = arith.constant 80 : index
        %get3A_820 = tpu.vector_load %arg8[%get3A_818, %get3A_819] {strides = array<i32>} : memref<64x128xf32, #tpu.memory_space<vmem>>, vector<1x16xf32>,
        %get3A_821 = vector.shape_cast %get3A_820 : vector<1x16xf32> to vector<16xf32>
        %add3A_822 = arith.addf %add3A_776, %get3A_821 : vector<16xf32>
        %get3A_823 = arith.index_cast %add3A_792 : i32 to index
        %get3A_824 = arith.constant 96 : index
        %get3A_825 = tpu.vector_load %arg8[%get3A_823, %get3A_824] {strides = array<i32>} : memref<64x128xf32, #tpu.memory_space<vmem>>, vector<1x16xf32>,
        %get3A_826 = vector.shape_cast %get3A_825 : vector<1x16xf32> to vector<16xf32>
        %add3A_827 = arith.addf %add3A_781, %get3A_826 : vector<16xf32>
        %get3A_828 = arith.index_cast %add3A_792 : i32 to index
        %get3A_829 = arith.constant 112 : index
        %get3A_830 = tpu.vector_load %arg8[%get3A_828, %get3A_829] {strides = array<i32>} : memref<64x128xf32, #tpu.memory_space<vmem>>, vector<1x16xf32>,
        %get3A_831 = vector.shape_cast %get3A_830 : vector<1x16xf32> to vector<16xf32>
        %add3A_832 = arith.addf %add3A_786, %get3A_831 : vector<16xf32>
        %mul3A_833 = arith.constant 4 : i32
        %mul3A_834 = arith.muli %scan3A_733, %mul3A_833 : i32
        %add3A_835 = arith.constant 32 : i32
        %add3A_836 = arith.addi %add3A_835, %mul3A_834 : i32
        %add3A_837 = arith.constant 2 : i32
        %add3A_838 = arith.addi %add3A_836, %add3A_837 : i32
        %get3A_839 = arith.index_cast %add3A_838 : i32 to index
        %get3A_840 = arith.constant 0 : index
        %get3A_841 = tpu.vector_load %arg8[%get3A_839, %get3A_840] {strides = array<i32>} : memref<64x128xf32, #tpu.memory_space<vmem>>, vector<1x16xf32>,
        %get3A_842 = vector.shape_cast %get3A_841 : vector<1x16xf32> to vector<16xf32>
        %add3A_843 = arith.addf %add3A_797, %get3A_842 : vector<16xf32>
        %get3A_844 = arith.index_cast %add3A_838 : i32 to index
        %get3A_845 = arith.constant 16 : index
        %get3A_846 = tpu.vector_load %arg8[%get3A_844, %get3A_845] {strides = array<i32>} : memref<64x128xf32, #tpu.memory_space<vmem>>, vector<1x16xf32>,
        %get3A_847 = vector.shape_cast %get3A_846 : vector<1x16xf32> to vector<16xf32>
        %add3A_848 = arith.addf %add3A_802, %get3A_847 : vector<16xf32>
        %get3A_849 = arith.index_cast %add3A_838 : i32 to index
        %get3A_850 = arith.constant 32 : index
        %get3A_851 = tpu.vector_load %arg8[%get3A_849, %get3A_850] {strides = array<i32>} : memref<64x128xf32, #tpu.memory_space<vmem>>, vector<1x16xf32>,
        %get3A_852 = vector.shape_cast %get3A_851 : vector<1x16xf32> to vector<16xf32>
        %add3A_853 = arith.addf %add3A_807, %get3A_852 : vector<16xf32>
        %get3A_854 = arith.index_cast %add3A_838 : i32 to index
        %get3A_855 = arith.constant 48 : index
        %get3A_856 = tpu.vector_load %arg8[%get3A_854, %get3A_855] {strides = array<i32>} : memref<64x128xf32, #tpu.memory_space<vmem>>, vector<1x16xf32>,
        %get3A_857 = vector.shape_cast %get3A_856 : vector<1x16xf32> to vector<16xf32>
        %add3A_858 = arith.addf %add3A_812, %get3A_857 : vector<16xf32>
        %get3A_859 = arith.index_cast %add3A_838 : i32 to index
        %get3A_860 = arith.constant 64 : index
        %get3A_861 = tpu.vector_load %arg8[%get3A_859, %get3A_860] {strides = array<i32>} : memref<64x128xf32, #tpu.memory_space<vmem>>, vector<1x16xf32>,
        %get3A_862 = vector.shape_cast %get3A_861 : vector<1x16xf32> to vector<16xf32>
        %add3A_863 = arith.addf %add3A_817, %get3A_862 : vector<16xf32>
        %get3A_864 = arith.index_cast %add3A_838 : i32 to index
        %get3A_865 = arith.constant 80 : index
        %get3A_866 = tpu.vector_load %arg8[%get3A_864, %get3A_865] {strides = array<i32>} : memref<64x128xf32, #tpu.memory_space<vmem>>, vector<1x16xf32>,
        %get3A_867 = vector.shape_cast %get3A_866 : vector<1x16xf32> to vector<16xf32>
        %add3A_868 = arith.addf %add3A_822, %get3A_867 : vector<16xf32>
        %get3A_869 = arith.index_cast %add3A_838 : i32 to index
        %get3A_870 = arith.constant 96 : index
        %get3A_871 = tpu.vector_load %arg8[%get3A_869, %get3A_870] {strides = array<i32>} : memref<64x128xf32, #tpu.memory_space<vmem>>, vector<1x16xf32>,
        %get3A_872 = vector.shape_cast %get3A_871 : vector<1x16xf32> to vector<16xf32>
        %add3A_873 = arith.addf %add3A_827, %get3A_872 : vector<16xf32>
        %get3A_874 = arith.index_cast %add3A_838 : i32 to index
        %get3A_875 = arith.constant 112 : index
        %get3A_876 = tpu.vector_load %arg8[%get3A_874, %get3A_875] {strides = array<i32>} : memref<64x128xf32, #tpu.memory_space<vmem>>, vector<1x16xf32>,
        %get3A_877 = vector.shape_cast %get3A_876 : vector<1x16xf32> to vector<16xf32>
        %add3A_878 = arith.addf %add3A_832, %get3A_877 : vector<16xf32>
        %mul3A_879 = arith.constant 4 : i32
        %mul3A_880 = arith.muli %scan3A_733, %mul3A_879 : i32
        %add3A_881 = arith.constant 32 : i32
        %add3A_882 = arith.addi %add3A_881, %mul3A_880 : i32
        %add3A_883 = arith.constant 3 : i32
        %add3A_884 = arith.addi %add3A_882, %add3A_883 : i32
        %get3A_885 = arith.index_cast %add3A_884 : i32 to index
        %get3A_886 = arith.constant 0 : index
        %get3A_887 = tpu.vector_load %arg8[%get3A_885, %get3A_886] {strides = array<i32>} : memref<64x128xf32, #tpu.memory_space<vmem>>, vector<1x16xf32>,
        %get3A_888 = vector.shape_cast %get3A_887 : vector<1x16xf32> to vector<16xf32>
        %add3A_889 = arith.addf %add3A_843, %get3A_888 : vector<16xf32>
        %get3A_890 = arith.index_cast %add3A_884 : i32 to index
        %get3A_891 = arith.constant 16 : index
        %get3A_892 = tpu.vector_load %arg8[%get3A_890, %get3A_891] {strides = array<i32>} : memref<64x128xf32, #tpu.memory_space<vmem>>, vector<1x16xf32>,
        %get3A_893 = vector.shape_cast %get3A_892 : vector<1x16xf32> to vector<16xf32>
        %add3A_894 = arith.addf %add3A_848, %get3A_893 : vector<16xf32>
        %get3A_895 = arith.index_cast %add3A_884 : i32 to index
        %get3A_896 = arith.constant 32 : index
        %get3A_897 = tpu.vector_load %arg8[%get3A_895, %get3A_896] {strides = array<i32>} : memref<64x128xf32, #tpu.memory_space<vmem>>, vector<1x16xf32>,
        %get3A_898 = vector.shape_cast %get3A_897 : vector<1x16xf32> to vector<16xf32>
        %add3A_899 = arith.addf %add3A_853, %get3A_898 : vector<16xf32>
        %get3A_900 = arith.index_cast %add3A_884 : i32 to index
        %get3A_901 = arith.constant 48 : index
        %get3A_902 = tpu.vector_load %arg8[%get3A_900, %get3A_901] {strides = array<i32>} : memref<64x128xf32, #tpu.memory_space<vmem>>, vector<1x16xf32>,
        %get3A_903 = vector.shape_cast %get3A_902 : vector<1x16xf32> to vector<16xf32>
        %add3A_904 = arith.addf %add3A_858, %get3A_903 : vector<16xf32>
        %get3A_905 = arith.index_cast %add3A_884 : i32 to index
        %get3A_906 = arith.constant 64 : index
        %get3A_907 = tpu.vector_load %arg8[%get3A_905, %get3A_906] {strides = array<i32>} : memref<64x128xf32, #tpu.memory_space<vmem>>, vector<1x16xf32>,
        %get3A_908 = vector.shape_cast %get3A_907 : vector<1x16xf32> to vector<16xf32>
        %add3A_909 = arith.addf %add3A_863, %get3A_908 : vector<16xf32>
        %get3A_910 = arith.index_cast %add3A_884 : i32 to index
        %get3A_911 = arith.constant 80 : index
        %get3A_912 = tpu.vector_load %arg8[%get3A_910, %get3A_911] {strides = array<i32>} : memref<64x128xf32, #tpu.memory_space<vmem>>, vector<1x16xf32>,
        %get3A_913 = vector.shape_cast %get3A_912 : vector<1x16xf32> to vector<16xf32>
        %add3A_914 = arith.addf %add3A_868, %get3A_913 : vector<16xf32>
        %get3A_915 = arith.index_cast %add3A_884 : i32 to index
        %get3A_916 = arith.constant 96 : index
        %get3A_917 = tpu.vector_load %arg8[%get3A_915, %get3A_916] {strides = array<i32>} : memref<64x128xf32, #tpu.memory_space<vmem>>, vector<1x16xf32>,
        %get3A_918 = vector.shape_cast %get3A_917 : vector<1x16xf32> to vector<16xf32>
        %add3A_919 = arith.addf %add3A_873, %get3A_918 : vector<16xf32>
        %get3A_920 = arith.index_cast %add3A_884 : i32 to index
        %get3A_921 = arith.constant 112 : index
        %get3A_922 = tpu.vector_load %arg8[%get3A_920, %get3A_921] {strides = array<i32>} : memref<64x128xf32, #tpu.memory_space<vmem>>, vector<1x16xf32>,
        %get3A_923 = vector.shape_cast %get3A_922 : vector<1x16xf32> to vector<16xf32>
        %add3A_924 = arith.addf %add3A_878, %get3A_923 : vector<16xf32>
        scf.yield %add3A_889, %add3A_894, %add3A_899, %add3A_904, %add3A_909, %add3A_914, %add3A_919, %add3A_924 : vector<16xf32>, vector<16xf32>, vector<16xf32>, vector<16xf32>, vector<16xf32>, vector<16xf32>, vector<16xf32>, vector<16xf32>
      }
      %scan3A_335 = arith.constant 8 : i32
      %swap3A_336 = arith.constant 1 : i32
      %swap3A_337 = arith.index_cast %swap3A_336 : i32 to index
      %swap3A_338 = arith.constant 0 : index
      %swap3A_339 = tpu.vector_load %arg12[%swap3A_337, %swap3A_338] {strides = array<i32>} : memref<2x128xf32, #tpu.memory_space<vmem>>, vector<1x16xf32>,
      %swap3A_340 = vector.shape_cast %swap3A_339 : vector<1x16xf32> to vector<16xf32>
      %swap3A_341 = vector.shape_cast %scan3A_334#0 : vector<16xf32> to vector<1x16xf32>
      tpu.vector_store %arg12[%swap3A_337, %swap3A_338], %swap3A_341 {strides = array<i32>} : memref<2x128xf32, #tpu.memory_space<vmem>>, vector<1x16xf32>,
      %swap3A_342 = arith.constant 1 : i32
      %swap3A_343 = arith.index_cast %swap3A_342 : i32 to index
      %swap3A_344 = arith.constant 16 : index
      %swap3A_345 = tpu.vector_load %arg12[%swap3A_343, %swap3A_344] {strides = array<i32>} : memref<2x128xf32, #tpu.memory_space<vmem>>, vector<1x16xf32>,
      %swap3A_346 = vector.shape_cast %swap3A_345 : vector<1x16xf32> to vector<16xf32>
      %swap3A_347 = vector.shape_cast %scan3A_334#1 : vector<16xf32> to vector<1x16xf32>
      tpu.vector_store %arg12[%swap3A_343, %swap3A_344], %swap3A_347 {strides = array<i32>} : memref<2x128xf32, #tpu.memory_space<vmem>>, vector<1x16xf32>,
      %swap3A_348 = arith.constant 1 : i32
      %swap3A_349 = arith.index_cast %swap3A_348 : i32 to index
      %swap3A_350 = arith.constant 32 : index
      %swap3A_351 = tpu.vector_load %arg12[%swap3A_349, %swap3A_350] {strides = array<i32>} : memref<2x128xf32, #tpu.memory_space<vmem>>, vector<1x16xf32>,
      %swap3A_352 = vector.shape_cast %swap3A_351 : vector<1x16xf32> to vector<16xf32>
      %swap3A_353 = vector.shape_cast %scan3A_334#2 : vector<16xf32> to vector<1x16xf32>
      tpu.vector_store %arg12[%swap3A_349, %swap3A_350], %swap3A_353 {strides = array<i32>} : memref<2x128xf32, #tpu.memory_space<vmem>>, vector<1x16xf32>,
      %swap3A_354 = arith.constant 1 : i32
      %swap3A_355 = arith.index_cast %swap3A_354 : i32 to index
      %swap3A_356 = arith.constant 48 : index
      %swap3A_357 = tpu.vector_load %arg12[%swap3A_355, %swap3A_356] {strides = array<i32>} : memref<2x128xf32, #tpu.memory_space<vmem>>, vector<1x16xf32>,
      %swap3A_358 = vector.shape_cast %swap3A_357 : vector<1x16xf32> to vector<16xf32>
      %swap3A_359 = vector.shape_cast %scan3A_334#3 : vector<16xf32> to vector<1x16xf32>
      tpu.vector_store %arg12[%swap3A_355, %swap3A_356], %swap3A_359 {strides = array<i32>} : memref<2x128xf32, #tpu.memory_space<vmem>>, vector<1x16xf32>,
      %swap3A_360 = arith.constant 1 : i32
      %swap3A_361 = arith.index_cast %swap3A_360 : i32 to index
      %swap3A_362 = arith.constant 64 : index
      %swap3A_363 = tpu.vector_load %arg12[%swap3A_361, %swap3A_362] {strides = array<i32>} : memref<2x128xf32, #tpu.memory_space<vmem>>, vector<1x16xf32>,
      %swap3A_364 = vector.shape_cast %swap3A_363 : vector<1x16xf32> to vector<16xf32>
      %swap3A_365 = vector.shape_cast %scan3A_334#4 : vector<16xf32> to vector<1x16xf32>
      tpu.vector_store %arg12[%swap3A_361, %swap3A_362], %swap3A_365 {strides = array<i32>} : memref<2x128xf32, #tpu.memory_space<vmem>>, vector<1x16xf32>,
      %swap3A_366 = arith.constant 1 : i32
      %swap3A_367 = arith.index_cast %swap3A_366 : i32 to index
      %swap3A_368 = arith.constant 80 : index
      %swap3A_369 = tpu.vector_load %arg12[%swap3A_367, %swap3A_368] {strides = array<i32>} : memref<2x128xf32, #tpu.memory_space<vmem>>, vector<1x16xf32>,
      %swap3A_370 = vector.shape_cast %swap3A_369 : vector<1x16xf32> to vector<16xf32>
      %swap3A_371 = vector.shape_cast %scan3A_334#5 : vector<16xf32> to vector<1x16xf32>
      tpu.vector_store %arg12[%swap3A_367, %swap3A_368], %swap3A_371 {strides = array<i32>} : memref<2x128xf32, #tpu.memory_space<vmem>>, vector<1x16xf32>,
      %swap3A_372 = arith.constant 1 : i32
      %swap3A_373 = arith.index_cast %swap3A_372 : i32 to index
      %swap3A_374 = arith.constant 96 : index
      %swap3A_375 = tpu.vector_load %arg12[%swap3A_373, %swap3A_374] {strides = array<i32>} : memref<2x128xf32, #tpu.memory_space<vmem>>, vector<1x16xf32>,
      %swap3A_376 = vector.shape_cast %swap3A_375 : vector<1x16xf32> to vector<16xf32>
      %swap3A_377 = vector.shape_cast %scan3A_334#6 : vector<16xf32> to vector<1x16xf32>
      tpu.vector_store %arg12[%swap3A_373, %swap3A_374], %swap3A_377 {strides = array<i32>} : memref<2x128xf32, #tpu.memory_space<vmem>>, vector<1x16xf32>,
      %swap3A_378 = arith.constant 1 : i32
      %swap3A_379 = arith.index_cast %swap3A_378 : i32 to index
      %swap3A_380 = arith.constant 112 : index
      %swap3A_381 = tpu.vector_load %arg12[%swap3A_379, %swap3A_380] {strides = array<i32>} : memref<2x128xf32, #tpu.memory_space<vmem>>, vector<1x16xf32>,
      %swap3A_382 = vector.shape_cast %swap3A_381 : vector<1x16xf32> to vector<16xf32>
      %swap3A_383 = vector.shape_cast %scan3A_334#7 : vector<16xf32> to vector<1x16xf32>
      tpu.vector_store %arg12[%swap3A_379, %swap3A_380], %swap3A_383 {strides = array<i32>} : memref<2x128xf32, #tpu.memory_space<vmem>>, vector<1x16xf32>,
      %mul3A_384 = arith.constant 2 : i32
      %mul3A_385 = arith.muli %add3A_232, %mul3A_384 : i32
      %add3A_386 = arith.addi %mul3A_2, %mul3A_385 : i32
      %dma_start3A_387 = arith.constant 0 : i32
      %dma_start3A_388 = tpu.memref_slice %arg4[%add3A_386, %dma_start3A_387] : memref<10000x128xf32, #tpu.memory_space<hbm>> -> memref<2x128xf32, #tpu.memory_space<hbm>>
      %dma_start3A_389 = arith.constant 0 : i32
      %dma_start3A_390 = tpu.memref_slice %arg4[%add3A_386, %dma_start3A_389] : memref<10000x128xf32, #tpu.memory_space<hbm>> -> memref<2x128xf32, #tpu.memory_space<hbm>>
      tpu.enqueue_dma source(%arg12 : memref<2x128xf32, #tpu.memory_space<vmem>>) target(%dma_start3A_390 : memref<2x128xf32, #tpu.memory_space<hbm>>) target_semaphore(%arg20 : memref<!tpu.dma_semaphore, #tpu.memory_space<semaphore_mem>>)
      %sub3A_391 = arith.constant 1 : i32
      %sub3A_392 = arith.subi %select_n3A, %sub3A_391 : i32
      %lt3A_393 = arith.cmpi slt, %while3A_65, %sub3A_392 : i32
      %convert_element_type3A_394 = arith.extui %lt3A_393 : i1 to i32
      %cond3A_395 = arith.constant 0 : i32
      %cond3A_396 = arith.cmpi ne, %convert_element_type3A_394, %cond3A_395 : i32
      scf.if %cond3A_396 {
        %add3A_733 = arith.constant 4 : i32
        %add3A_734 = arith.addi %add3A_232, %add3A_733 : i32
        %mul3A_735 = arith.constant 64 : i32
        %mul3A_736 = arith.muli %add3A_734, %mul3A_735 : i32
        %dma_start3A_737 = tpu.memref_slice %arg6[%mul3A_736] : memref<10240xi32, #tpu.memory_space<vmem>> -> memref<64xi32, #tpu.memory_space<vmem>>
        %dma_start3A_738 = arith.constant 0 : i32
        %dma_start3A_739 = arith.constant 0 : i32
        %dma_start3A_740 = tpu.memref_slice %arg5[%dma_start3A_738, %dma_start3A_739] : memref<10000x128xf32, #tpu.memory_space<vmem_shared>> -> memref<10000x128xf32, #tpu.memory_space<vmem_shared>>
        tpu.enqueue_indirect_dma source(%dma_start3A_740 : memref<10000x128xf32, #tpu.memory_space<vmem_shared>>) target(%arg8 : memref<64x128xf32, #tpu.memory_space<vmem>>) offsets(%dma_start3A_737 : memref<64xi32, #tpu.memory_space<vmem>>) semaphore(%arg16 : memref<!tpu.dma_semaphore, #tpu.memory_space<semaphore_mem>>)
      } else {
      }
      %mul3A_397 = arith.constant 4 : i32
      %mul3A_398 = arith.muli %while3A_65, %mul3A_397 : i32
      %add3A_399 = arith.constant 2 : i32
      %add3A_400 = arith.addi %mul3A_398, %add3A_399 : i32
      %dma_wait3A_401 = arith.constant 0 : i32
      %dma_wait3A_402 = arith.constant 0 : i32
      %dma_wait3A_403 = tpu.memref_slice %arg2[%dma_wait3A_401, %dma_wait3A_402] : memref<10000x128xf32, #tpu.memory_space<hbm>> -> memref<64x128xf32, #tpu.memory_space<hbm>>
      %dma_wait3A_404 = arith.constant 0 : i32
      %dma_wait3A_405 = arith.constant 0 : i32
      %dma_wait3A_406 = tpu.memref_slice %arg2[%dma_wait3A_404, %dma_wait3A_405] : memref<10000x128xf32, #tpu.memory_space<hbm>> -> memref<64x128xf32, #tpu.memory_space<hbm>>
      tpu.wait_dma2 semaphore(%arg17 : memref<!tpu.dma_semaphore, #tpu.memory_space<semaphore_mem>>) src(%dma_wait3A_406 : memref<64x128xf32, #tpu.memory_space<hbm>>) dst(%arg9 : memref<64x128xf32, #tpu.memory_space<vmem>>)
      %gt3A_407 = arith.constant 0 : i32
      %gt3A_408 = arith.cmpi sgt, %while3A_65, %gt3A_407 : i32
      %convert_element_type3A_409 = arith.extui %gt3A_408 : i1 to i32
      %cond3A_410 = arith.constant 0 : i32
      %cond3A_411 = arith.cmpi ne, %convert_element_type3A_409, %cond3A_410 : i32
      scf.if %cond3A_411 {
        %dma_wait3A_733 = arith.constant 0 : i32
        %dma_wait3A_734 = tpu.memref_slice %arg4[%mul3A_2, %dma_wait3A_733] : memref<10000x128xf32, #tpu.memory_space<hbm>> -> memref<2x128xf32, #tpu.memory_space<hbm>>
        %dma_wait3A_735 = arith.constant 0 : i32
        %dma_wait3A_736 = tpu.memref_slice %arg4[%mul3A_2, %dma_wait3A_735] : memref<10000x128xf32, #tpu.memory_space<hbm>> -> memref<2x128xf32, #tpu.memory_space<hbm>>
        tpu.wait_dma2 semaphore(%arg21 : memref<!tpu.dma_semaphore, #tpu.memory_space<semaphore_mem>>) src(%arg13 : memref<2x128xf32, #tpu.memory_space<vmem>>) dst(%dma_wait3A_736 : memref<2x128xf32, #tpu.memory_space<hbm>>)
      } else {
      }
      %broadcast_in_dim3A_412 = arith.constant 0.000000e+00 : f32
      %broadcast_in_dim3A_413 = vector.broadcast %broadcast_in_dim3A_412 : f32 to vector<16xf32>
      %broadcast_in_dim3A_414 = arith.constant 0.000000e+00 : f32
      %broadcast_in_dim3A_415 = vector.broadcast %broadcast_in_dim3A_414 : f32 to vector<16xf32>
      %broadcast_in_dim3A_416 = arith.constant 0.000000e+00 : f32
      %broadcast_in_dim3A_417 = vector.broadcast %broadcast_in_dim3A_416 : f32 to vector<16xf32>
      %broadcast_in_dim3A_418 = arith.constant 0.000000e+00 : f32
      %broadcast_in_dim3A_419 = vector.broadcast %broadcast_in_dim3A_418 : f32 to vector<16xf32>
      %broadcast_in_dim3A_420 = arith.constant 0.000000e+00 : f32
      %broadcast_in_dim3A_421 = vector.broadcast %broadcast_in_dim3A_420 : f32 to vector<16xf32>
      %broadcast_in_dim3A_422 = arith.constant 0.000000e+00 : f32
      %broadcast_in_dim3A_423 = vector.broadcast %broadcast_in_dim3A_422 : f32 to vector<16xf32>
      %broadcast_in_dim3A_424 = arith.constant 0.000000e+00 : f32
      %broadcast_in_dim3A_425 = vector.broadcast %broadcast_in_dim3A_424 : f32 to vector<16xf32>
      %broadcast_in_dim3A_426 = arith.constant 0.000000e+00 : f32
      %broadcast_in_dim3A_427 = vector.broadcast %broadcast_in_dim3A_426 : f32 to vector<16xf32>
      %scan3A_428 = arith.constant 0 : i32
      %scan3A_429 = arith.constant 8 : i32
      %scan3A_430 = arith.addi %scan3A_428, %scan3A_429 : i32
      %scan3A_431 = arith.constant 1 : i32
      %scan3A_432:8 = scf.for %scan3A_733 = %scan3A_428 to %scan3A_430 step %scan3A_431 iter_args(%scan3A_734 = %broadcast_in_dim3A_413, %scan3A_735 = %broadcast_in_dim3A_415, %scan3A_736 = %broadcast_in_dim3A_417, %scan3A_737 = %broadcast_in_dim3A_419, %scan3A_738 = %broadcast_in_dim3A_421, %scan3A_739 = %broadcast_in_dim3A_423, %scan3A_740 = %broadcast_in_dim3A_425, %scan3A_741 = %broadcast_in_dim3A_427) -> (vector<16xf32>, vector<16xf32>, vector<16xf32>, vector<16xf32>, vector<16xf32>, vector<16xf32>, vector<16xf32>, vector<16xf32>)  : i32 {
        %mul3A_742 = arith.constant 4 : i32
        %mul3A_743 = arith.muli %scan3A_733, %mul3A_742 : i32
        %add3A_744 = arith.constant 0 : i32
        %add3A_745 = arith.addi %add3A_744, %mul3A_743 : i32
        %add3A_746 = arith.constant 0 : i32
        %add3A_747 = arith.addi %add3A_745, %add3A_746 : i32
        %get3A = arith.index_cast %add3A_747 : i32 to index
        %get3A_748 = arith.constant 0 : index
        %get3A_749 = tpu.vector_load %arg9[%get3A, %get3A_748] {strides = array<i32>} : memref<64x128xf32, #tpu.memory_space<vmem>>, vector<1x16xf32>,
        %get3A_750 = vector.shape_cast %get3A_749 : vector<1x16xf32> to vector<16xf32>
        %add3A_751 = arith.addf %scan3A_734, %get3A_750 : vector<16xf32>
        %get3A_752 = arith.index_cast %add3A_747 : i32 to index
        %get3A_753 = arith.constant 16 : index
        %get3A_754 = tpu.vector_load %arg9[%get3A_752, %get3A_753] {strides = array<i32>} : memref<64x128xf32, #tpu.memory_space<vmem>>, vector<1x16xf32>,
        %get3A_755 = vector.shape_cast %get3A_754 : vector<1x16xf32> to vector<16xf32>
        %add3A_756 = arith.addf %scan3A_735, %get3A_755 : vector<16xf32>
        %get3A_757 = arith.index_cast %add3A_747 : i32 to index
        %get3A_758 = arith.constant 32 : index
        %get3A_759 = tpu.vector_load %arg9[%get3A_757, %get3A_758] {strides = array<i32>} : memref<64x128xf32, #tpu.memory_space<vmem>>, vector<1x16xf32>,
        %get3A_760 = vector.shape_cast %get3A_759 : vector<1x16xf32> to vector<16xf32>
        %add3A_761 = arith.addf %scan3A_736, %get3A_760 : vector<16xf32>
        %get3A_762 = arith.index_cast %add3A_747 : i32 to index
        %get3A_763 = arith.constant 48 : index
        %get3A_764 = tpu.vector_load %arg9[%get3A_762, %get3A_763] {strides = array<i32>} : memref<64x128xf32, #tpu.memory_space<vmem>>, vector<1x16xf32>,
        %get3A_765 = vector.shape_cast %get3A_764 : vector<1x16xf32> to vector<16xf32>
        %add3A_766 = arith.addf %scan3A_737, %get3A_765 : vector<16xf32>
        %get3A_767 = arith.index_cast %add3A_747 : i32 to index
        %get3A_768 = arith.constant 64 : index
        %get3A_769 = tpu.vector_load %arg9[%get3A_767, %get3A_768] {strides = array<i32>} : memref<64x128xf32, #tpu.memory_space<vmem>>, vector<1x16xf32>,
        %get3A_770 = vector.shape_cast %get3A_769 : vector<1x16xf32> to vector<16xf32>
        %add3A_771 = arith.addf %scan3A_738, %get3A_770 : vector<16xf32>
        %get3A_772 = arith.index_cast %add3A_747 : i32 to index
        %get3A_773 = arith.constant 80 : index
        %get3A_774 = tpu.vector_load %arg9[%get3A_772, %get3A_773] {strides = array<i32>} : memref<64x128xf32, #tpu.memory_space<vmem>>, vector<1x16xf32>,
        %get3A_775 = vector.shape_cast %get3A_774 : vector<1x16xf32> to vector<16xf32>
        %add3A_776 = arith.addf %scan3A_739, %get3A_775 : vector<16xf32>
        %get3A_777 = arith.index_cast %add3A_747 : i32 to index
        %get3A_778 = arith.constant 96 : index
        %get3A_779 = tpu.vector_load %arg9[%get3A_777, %get3A_778] {strides = array<i32>} : memref<64x128xf32, #tpu.memory_space<vmem>>, vector<1x16xf32>,
        %get3A_780 = vector.shape_cast %get3A_779 : vector<1x16xf32> to vector<16xf32>
        %add3A_781 = arith.addf %scan3A_740, %get3A_780 : vector<16xf32>
        %get3A_782 = arith.index_cast %add3A_747 : i32 to index
        %get3A_783 = arith.constant 112 : index
        %get3A_784 = tpu.vector_load %arg9[%get3A_782, %get3A_783] {strides = array<i32>} : memref<64x128xf32, #tpu.memory_space<vmem>>, vector<1x16xf32>,
        %get3A_785 = vector.shape_cast %get3A_784 : vector<1x16xf32> to vector<16xf32>
        %add3A_786 = arith.addf %scan3A_741, %get3A_785 : vector<16xf32>
        %mul3A_787 = arith.constant 4 : i32
        %mul3A_788 = arith.muli %scan3A_733, %mul3A_787 : i32
        %add3A_789 = arith.constant 0 : i32
        %add3A_790 = arith.addi %add3A_789, %mul3A_788 : i32
        %add3A_791 = arith.constant 1 : i32
        %add3A_792 = arith.addi %add3A_790, %add3A_791 : i32
        %get3A_793 = arith.index_cast %add3A_792 : i32 to index
        %get3A_794 = arith.constant 0 : index
        %get3A_795 = tpu.vector_load %arg9[%get3A_793, %get3A_794] {strides = array<i32>} : memref<64x128xf32, #tpu.memory_space<vmem>>, vector<1x16xf32>,
        %get3A_796 = vector.shape_cast %get3A_795 : vector<1x16xf32> to vector<16xf32>
        %add3A_797 = arith.addf %add3A_751, %get3A_796 : vector<16xf32>
        %get3A_798 = arith.index_cast %add3A_792 : i32 to index
        %get3A_799 = arith.constant 16 : index
        %get3A_800 = tpu.vector_load %arg9[%get3A_798, %get3A_799] {strides = array<i32>} : memref<64x128xf32, #tpu.memory_space<vmem>>, vector<1x16xf32>,
        %get3A_801 = vector.shape_cast %get3A_800 : vector<1x16xf32> to vector<16xf32>
        %add3A_802 = arith.addf %add3A_756, %get3A_801 : vector<16xf32>
        %get3A_803 = arith.index_cast %add3A_792 : i32 to index
        %get3A_804 = arith.constant 32 : index
        %get3A_805 = tpu.vector_load %arg9[%get3A_803, %get3A_804] {strides = array<i32>} : memref<64x128xf32, #tpu.memory_space<vmem>>, vector<1x16xf32>,
        %get3A_806 = vector.shape_cast %get3A_805 : vector<1x16xf32> to vector<16xf32>
        %add3A_807 = arith.addf %add3A_761, %get3A_806 : vector<16xf32>
        %get3A_808 = arith.index_cast %add3A_792 : i32 to index
        %get3A_809 = arith.constant 48 : index
        %get3A_810 = tpu.vector_load %arg9[%get3A_808, %get3A_809] {strides = array<i32>} : memref<64x128xf32, #tpu.memory_space<vmem>>, vector<1x16xf32>,
        %get3A_811 = vector.shape_cast %get3A_810 : vector<1x16xf32> to vector<16xf32>
        %add3A_812 = arith.addf %add3A_766, %get3A_811 : vector<16xf32>
        %get3A_813 = arith.index_cast %add3A_792 : i32 to index
        %get3A_814 = arith.constant 64 : index
        %get3A_815 = tpu.vector_load %arg9[%get3A_813, %get3A_814] {strides = array<i32>} : memref<64x128xf32, #tpu.memory_space<vmem>>, vector<1x16xf32>,
        %get3A_816 = vector.shape_cast %get3A_815 : vector<1x16xf32> to vector<16xf32>
        %add3A_817 = arith.addf %add3A_771, %get3A_816 : vector<16xf32>
        %get3A_818 = arith.index_cast %add3A_792 : i32 to index
        %get3A_819 = arith.constant 80 : index
        %get3A_820 = tpu.vector_load %arg9[%get3A_818, %get3A_819] {strides = array<i32>} : memref<64x128xf32, #tpu.memory_space<vmem>>, vector<1x16xf32>,
        %get3A_821 = vector.shape_cast %get3A_820 : vector<1x16xf32> to vector<16xf32>
        %add3A_822 = arith.addf %add3A_776, %get3A_821 : vector<16xf32>
        %get3A_823 = arith.index_cast %add3A_792 : i32 to index
        %get3A_824 = arith.constant 96 : index
        %get3A_825 = tpu.vector_load %arg9[%get3A_823, %get3A_824] {strides = array<i32>} : memref<64x128xf32, #tpu.memory_space<vmem>>, vector<1x16xf32>,
        %get3A_826 = vector.shape_cast %get3A_825 : vector<1x16xf32> to vector<16xf32>
        %add3A_827 = arith.addf %add3A_781, %get3A_826 : vector<16xf32>
        %get3A_828 = arith.index_cast %add3A_792 : i32 to index
        %get3A_829 = arith.constant 112 : index
        %get3A_830 = tpu.vector_load %arg9[%get3A_828, %get3A_829] {strides = array<i32>} : memref<64x128xf32, #tpu.memory_space<vmem>>, vector<1x16xf32>,
        %get3A_831 = vector.shape_cast %get3A_830 : vector<1x16xf32> to vector<16xf32>
        %add3A_832 = arith.addf %add3A_786, %get3A_831 : vector<16xf32>
        %mul3A_833 = arith.constant 4 : i32
        %mul3A_834 = arith.muli %scan3A_733, %mul3A_833 : i32
        %add3A_835 = arith.constant 0 : i32
        %add3A_836 = arith.addi %add3A_835, %mul3A_834 : i32
        %add3A_837 = arith.constant 2 : i32
        %add3A_838 = arith.addi %add3A_836, %add3A_837 : i32
        %get3A_839 = arith.index_cast %add3A_838 : i32 to index
        %get3A_840 = arith.constant 0 : index
        %get3A_841 = tpu.vector_load %arg9[%get3A_839, %get3A_840] {strides = array<i32>} : memref<64x128xf32, #tpu.memory_space<vmem>>, vector<1x16xf32>,
        %get3A_842 = vector.shape_cast %get3A_841 : vector<1x16xf32> to vector<16xf32>
        %add3A_843 = arith.addf %add3A_797, %get3A_842 : vector<16xf32>
        %get3A_844 = arith.index_cast %add3A_838 : i32 to index
        %get3A_845 = arith.constant 16 : index
        %get3A_846 = tpu.vector_load %arg9[%get3A_844, %get3A_845] {strides = array<i32>} : memref<64x128xf32, #tpu.memory_space<vmem>>, vector<1x16xf32>,
        %get3A_847 = vector.shape_cast %get3A_846 : vector<1x16xf32> to vector<16xf32>
        %add3A_848 = arith.addf %add3A_802, %get3A_847 : vector<16xf32>
        %get3A_849 = arith.index_cast %add3A_838 : i32 to index
        %get3A_850 = arith.constant 32 : index
        %get3A_851 = tpu.vector_load %arg9[%get3A_849, %get3A_850] {strides = array<i32>} : memref<64x128xf32, #tpu.memory_space<vmem>>, vector<1x16xf32>,
        %get3A_852 = vector.shape_cast %get3A_851 : vector<1x16xf32> to vector<16xf32>
        %add3A_853 = arith.addf %add3A_807, %get3A_852 : vector<16xf32>
        %get3A_854 = arith.index_cast %add3A_838 : i32 to index
        %get3A_855 = arith.constant 48 : index
        %get3A_856 = tpu.vector_load %arg9[%get3A_854, %get3A_855] {strides = array<i32>} : memref<64x128xf32, #tpu.memory_space<vmem>>, vector<1x16xf32>,
        %get3A_857 = vector.shape_cast %get3A_856 : vector<1x16xf32> to vector<16xf32>
        %add3A_858 = arith.addf %add3A_812, %get3A_857 : vector<16xf32>
        %get3A_859 = arith.index_cast %add3A_838 : i32 to index
        %get3A_860 = arith.constant 64 : index
        %get3A_861 = tpu.vector_load %arg9[%get3A_859, %get3A_860] {strides = array<i32>} : memref<64x128xf32, #tpu.memory_space<vmem>>, vector<1x16xf32>,
        %get3A_862 = vector.shape_cast %get3A_861 : vector<1x16xf32> to vector<16xf32>
        %add3A_863 = arith.addf %add3A_817, %get3A_862 : vector<16xf32>
        %get3A_864 = arith.index_cast %add3A_838 : i32 to index
        %get3A_865 = arith.constant 80 : index
        %get3A_866 = tpu.vector_load %arg9[%get3A_864, %get3A_865] {strides = array<i32>} : memref<64x128xf32, #tpu.memory_space<vmem>>, vector<1x16xf32>,
        %get3A_867 = vector.shape_cast %get3A_866 : vector<1x16xf32> to vector<16xf32>
        %add3A_868 = arith.addf %add3A_822, %get3A_867 : vector<16xf32>
        %get3A_869 = arith.index_cast %add3A_838 : i32 to index
        %get3A_870 = arith.constant 96 : index
        %get3A_871 = tpu.vector_load %arg9[%get3A_869, %get3A_870] {strides = array<i32>} : memref<64x128xf32, #tpu.memory_space<vmem>>, vector<1x16xf32>,
        %get3A_872 = vector.shape_cast %get3A_871 : vector<1x16xf32> to vector<16xf32>
        %add3A_873 = arith.addf %add3A_827, %get3A_872 : vector<16xf32>
        %get3A_874 = arith.index_cast %add3A_838 : i32 to index
        %get3A_875 = arith.constant 112 : index
        %get3A_876 = tpu.vector_load %arg9[%get3A_874, %get3A_875] {strides = array<i32>} : memref<64x128xf32, #tpu.memory_space<vmem>>, vector<1x16xf32>,
        %get3A_877 = vector.shape_cast %get3A_876 : vector<1x16xf32> to vector<16xf32>
        %add3A_878 = arith.addf %add3A_832, %get3A_877 : vector<16xf32>
        %mul3A_879 = arith.constant 4 : i32
        %mul3A_880 = arith.muli %scan3A_733, %mul3A_879 : i32
        %add3A_881 = arith.constant 0 : i32
        %add3A_882 = arith.addi %add3A_881, %mul3A_880 : i32
        %add3A_883 = arith.constant 3 : i32
        %add3A_884 = arith.addi %add3A_882, %add3A_883 : i32
        %get3A_885 = arith.index_cast %add3A_884 : i32 to index
        %get3A_886 = arith.constant 0 : index
        %get3A_887 = tpu.vector_load %arg9[%get3A_885, %get3A_886] {strides = array<i32>} : memref<64x128xf32, #tpu.memory_space<vmem>>, vector<1x16xf32>,
        %get3A_888 = vector.shape_cast %get3A_887 : vector<1x16xf32> to vector<16xf32>
        %add3A_889 = arith.addf %add3A_843, %get3A_888 : vector<16xf32>
        %get3A_890 = arith.index_cast %add3A_884 : i32 to index
        %get3A_891 = arith.constant 16 : index
        %get3A_892 = tpu.vector_load %arg9[%get3A_890, %get3A_891] {strides = array<i32>} : memref<64x128xf32, #tpu.memory_space<vmem>>, vector<1x16xf32>,
        %get3A_893 = vector.shape_cast %get3A_892 : vector<1x16xf32> to vector<16xf32>
        %add3A_894 = arith.addf %add3A_848, %get3A_893 : vector<16xf32>
        %get3A_895 = arith.index_cast %add3A_884 : i32 to index
        %get3A_896 = arith.constant 32 : index
        %get3A_897 = tpu.vector_load %arg9[%get3A_895, %get3A_896] {strides = array<i32>} : memref<64x128xf32, #tpu.memory_space<vmem>>, vector<1x16xf32>,
        %get3A_898 = vector.shape_cast %get3A_897 : vector<1x16xf32> to vector<16xf32>
        %add3A_899 = arith.addf %add3A_853, %get3A_898 : vector<16xf32>
        %get3A_900 = arith.index_cast %add3A_884 : i32 to index
        %get3A_901 = arith.constant 48 : index
        %get3A_902 = tpu.vector_load %arg9[%get3A_900, %get3A_901] {strides = array<i32>} : memref<64x128xf32, #tpu.memory_space<vmem>>, vector<1x16xf32>,
        %get3A_903 = vector.shape_cast %get3A_902 : vector<1x16xf32> to vector<16xf32>
        %add3A_904 = arith.addf %add3A_858, %get3A_903 : vector<16xf32>
        %get3A_905 = arith.index_cast %add3A_884 : i32 to index
        %get3A_906 = arith.constant 64 : index
        %get3A_907 = tpu.vector_load %arg9[%get3A_905, %get3A_906] {strides = array<i32>} : memref<64x128xf32, #tpu.memory_space<vmem>>, vector<1x16xf32>,
        %get3A_908 = vector.shape_cast %get3A_907 : vector<1x16xf32> to vector<16xf32>
        %add3A_909 = arith.addf %add3A_863, %get3A_908 : vector<16xf32>
        %get3A_910 = arith.index_cast %add3A_884 : i32 to index
        %get3A_911 = arith.constant 80 : index
        %get3A_912 = tpu.vector_load %arg9[%get3A_910, %get3A_911] {strides = array<i32>} : memref<64x128xf32, #tpu.memory_space<vmem>>, vector<1x16xf32>,
        %get3A_913 = vector.shape_cast %get3A_912 : vector<1x16xf32> to vector<16xf32>
        %add3A_914 = arith.addf %add3A_868, %get3A_913 : vector<16xf32>
        %get3A_915 = arith.index_cast %add3A_884 : i32 to index
        %get3A_916 = arith.constant 96 : index
        %get3A_917 = tpu.vector_load %arg9[%get3A_915, %get3A_916] {strides = array<i32>} : memref<64x128xf32, #tpu.memory_space<vmem>>, vector<1x16xf32>,
        %get3A_918 = vector.shape_cast %get3A_917 : vector<1x16xf32> to vector<16xf32>
        %add3A_919 = arith.addf %add3A_873, %get3A_918 : vector<16xf32>
        %get3A_920 = arith.index_cast %add3A_884 : i32 to index
        %get3A_921 = arith.constant 112 : index
        %get3A_922 = tpu.vector_load %arg9[%get3A_920, %get3A_921] {strides = array<i32>} : memref<64x128xf32, #tpu.memory_space<vmem>>, vector<1x16xf32>,
        %get3A_923 = vector.shape_cast %get3A_922 : vector<1x16xf32> to vector<16xf32>
        %add3A_924 = arith.addf %add3A_878, %get3A_923 : vector<16xf32>
        scf.yield %add3A_889, %add3A_894, %add3A_899, %add3A_904, %add3A_909, %add3A_914, %add3A_919, %add3A_924 : vector<16xf32>, vector<16xf32>, vector<16xf32>, vector<16xf32>, vector<16xf32>, vector<16xf32>, vector<16xf32>, vector<16xf32>
      }
      %scan3A_433 = arith.constant 8 : i32
      %swap3A_434 = arith.constant 0 : i32
      %swap3A_435 = arith.index_cast %swap3A_434 : i32 to index
      %swap3A_436 = arith.constant 0 : index
      %swap3A_437 = tpu.vector_load %arg13[%swap3A_435, %swap3A_436] {strides = array<i32>} : memref<2x128xf32, #tpu.memory_space<vmem>>, vector<1x16xf32>,
      %swap3A_438 = vector.shape_cast %swap3A_437 : vector<1x16xf32> to vector<16xf32>
      %swap3A_439 = vector.shape_cast %scan3A_432#0 : vector<16xf32> to vector<1x16xf32>
      tpu.vector_store %arg13[%swap3A_435, %swap3A_436], %swap3A_439 {strides = array<i32>} : memref<2x128xf32, #tpu.memory_space<vmem>>, vector<1x16xf32>,
      %swap3A_440 = arith.constant 0 : i32
      %swap3A_441 = arith.index_cast %swap3A_440 : i32 to index
      %swap3A_442 = arith.constant 16 : index
      %swap3A_443 = tpu.vector_load %arg13[%swap3A_441, %swap3A_442] {strides = array<i32>} : memref<2x128xf32, #tpu.memory_space<vmem>>, vector<1x16xf32>,
      %swap3A_444 = vector.shape_cast %swap3A_443 : vector<1x16xf32> to vector<16xf32>
      %swap3A_445 = vector.shape_cast %scan3A_432#1 : vector<16xf32> to vector<1x16xf32>
      tpu.vector_store %arg13[%swap3A_441, %swap3A_442], %swap3A_445 {strides = array<i32>} : memref<2x128xf32, #tpu.memory_space<vmem>>, vector<1x16xf32>,
      %swap3A_446 = arith.constant 0 : i32
      %swap3A_447 = arith.index_cast %swap3A_446 : i32 to index
      %swap3A_448 = arith.constant 32 : index
      %swap3A_449 = tpu.vector_load %arg13[%swap3A_447, %swap3A_448] {strides = array<i32>} : memref<2x128xf32, #tpu.memory_space<vmem>>, vector<1x16xf32>,
      %swap3A_450 = vector.shape_cast %swap3A_449 : vector<1x16xf32> to vector<16xf32>
      %swap3A_451 = vector.shape_cast %scan3A_432#2 : vector<16xf32> to vector<1x16xf32>
      tpu.vector_store %arg13[%swap3A_447, %swap3A_448], %swap3A_451 {strides = array<i32>} : memref<2x128xf32, #tpu.memory_space<vmem>>, vector<1x16xf32>,
      %swap3A_452 = arith.constant 0 : i32
      %swap3A_453 = arith.index_cast %swap3A_452 : i32 to index
      %swap3A_454 = arith.constant 48 : index
      %swap3A_455 = tpu.vector_load %arg13[%swap3A_453, %swap3A_454] {strides = array<i32>} : memref<2x128xf32, #tpu.memory_space<vmem>>, vector<1x16xf32>,
      %swap3A_456 = vector.shape_cast %swap3A_455 : vector<1x16xf32> to vector<16xf32>
      %swap3A_457 = vector.shape_cast %scan3A_432#3 : vector<16xf32> to vector<1x16xf32>
      tpu.vector_store %arg13[%swap3A_453, %swap3A_454], %swap3A_457 {strides = array<i32>} : memref<2x128xf32, #tpu.memory_space<vmem>>, vector<1x16xf32>,
      %swap3A_458 = arith.constant 0 : i32
      %swap3A_459 = arith.index_cast %swap3A_458 : i32 to index
      %swap3A_460 = arith.constant 64 : index
      %swap3A_461 = tpu.vector_load %arg13[%swap3A_459, %swap3A_460] {strides = array<i32>} : memref<2x128xf32, #tpu.memory_space<vmem>>, vector<1x16xf32>,
      %swap3A_462 = vector.shape_cast %swap3A_461 : vector<1x16xf32> to vector<16xf32>
      %swap3A_463 = vector.shape_cast %scan3A_432#4 : vector<16xf32> to vector<1x16xf32>
      tpu.vector_store %arg13[%swap3A_459, %swap3A_460], %swap3A_463 {strides = array<i32>} : memref<2x128xf32, #tpu.memory_space<vmem>>, vector<1x16xf32>,
      %swap3A_464 = arith.constant 0 : i32
      %swap3A_465 = arith.index_cast %swap3A_464 : i32 to index
      %swap3A_466 = arith.constant 80 : index
      %swap3A_467 = tpu.vector_load %arg13[%swap3A_465, %swap3A_466] {strides = array<i32>} : memref<2x128xf32, #tpu.memory_space<vmem>>, vector<1x16xf32>,
      %swap3A_468 = vector.shape_cast %swap3A_467 : vector<1x16xf32> to vector<16xf32>
      %swap3A_469 = vector.shape_cast %scan3A_432#5 : vector<16xf32> to vector<1x16xf32>
      tpu.vector_store %arg13[%swap3A_465, %swap3A_466], %swap3A_469 {strides = array<i32>} : memref<2x128xf32, #tpu.memory_space<vmem>>, vector<1x16xf32>,
      %swap3A_470 = arith.constant 0 : i32
      %swap3A_471 = arith.index_cast %swap3A_470 : i32 to index
      %swap3A_472 = arith.constant 96 : index
      %swap3A_473 = tpu.vector_load %arg13[%swap3A_471, %swap3A_472] {strides = array<i32>} : memref<2x128xf32, #tpu.memory_space<vmem>>, vector<1x16xf32>,
      %swap3A_474 = vector.shape_cast %swap3A_473 : vector<1x16xf32> to vector<16xf32>
      %swap3A_475 = vector.shape_cast %scan3A_432#6 : vector<16xf32> to vector<1x16xf32>
      tpu.vector_store %arg13[%swap3A_471, %swap3A_472], %swap3A_475 {strides = array<i32>} : memref<2x128xf32, #tpu.memory_space<vmem>>, vector<1x16xf32>,
      %swap3A_476 = arith.constant 0 : i32
      %swap3A_477 = arith.index_cast %swap3A_476 : i32 to index
      %swap3A_478 = arith.constant 112 : index
      %swap3A_479 = tpu.vector_load %arg13[%swap3A_477, %swap3A_478] {strides = array<i32>} : memref<2x128xf32, #tpu.memory_space<vmem>>, vector<1x16xf32>,
      %swap3A_480 = vector.shape_cast %swap3A_479 : vector<1x16xf32> to vector<16xf32>
      %swap3A_481 = vector.shape_cast %scan3A_432#7 : vector<16xf32> to vector<1x16xf32>
      tpu.vector_store %arg13[%swap3A_477, %swap3A_478], %swap3A_481 {strides = array<i32>} : memref<2x128xf32, #tpu.memory_space<vmem>>, vector<1x16xf32>,
      %broadcast_in_dim3A_482 = arith.constant 0.000000e+00 : f32
      %broadcast_in_dim3A_483 = vector.broadcast %broadcast_in_dim3A_482 : f32 to vector<16xf32>
      %broadcast_in_dim3A_484 = arith.constant 0.000000e+00 : f32
      %broadcast_in_dim3A_485 = vector.broadcast %broadcast_in_dim3A_484 : f32 to vector<16xf32>
      %broadcast_in_dim3A_486 = arith.constant 0.000000e+00 : f32
      %broadcast_in_dim3A_487 = vector.broadcast %broadcast_in_dim3A_486 : f32 to vector<16xf32>
      %broadcast_in_dim3A_488 = arith.constant 0.000000e+00 : f32
      %broadcast_in_dim3A_489 = vector.broadcast %broadcast_in_dim3A_488 : f32 to vector<16xf32>
      %broadcast_in_dim3A_490 = arith.constant 0.000000e+00 : f32
      %broadcast_in_dim3A_491 = vector.broadcast %broadcast_in_dim3A_490 : f32 to vector<16xf32>
      %broadcast_in_dim3A_492 = arith.constant 0.000000e+00 : f32
      %broadcast_in_dim3A_493 = vector.broadcast %broadcast_in_dim3A_492 : f32 to vector<16xf32>
      %broadcast_in_dim3A_494 = arith.constant 0.000000e+00 : f32
      %broadcast_in_dim3A_495 = vector.broadcast %broadcast_in_dim3A_494 : f32 to vector<16xf32>
      %broadcast_in_dim3A_496 = arith.constant 0.000000e+00 : f32
      %broadcast_in_dim3A_497 = vector.broadcast %broadcast_in_dim3A_496 : f32 to vector<16xf32>
      %scan3A_498 = arith.constant 0 : i32
      %scan3A_499 = arith.constant 8 : i32
      %scan3A_500 = arith.addi %scan3A_498, %scan3A_499 : i32
      %scan3A_501 = arith.constant 1 : i32
      %scan3A_502:8 = scf.for %scan3A_733 = %scan3A_498 to %scan3A_500 step %scan3A_501 iter_args(%scan3A_734 = %broadcast_in_dim3A_483, %scan3A_735 = %broadcast_in_dim3A_485, %scan3A_736 = %broadcast_in_dim3A_487, %scan3A_737 = %broadcast_in_dim3A_489, %scan3A_738 = %broadcast_in_dim3A_491, %scan3A_739 = %broadcast_in_dim3A_493, %scan3A_740 = %broadcast_in_dim3A_495, %scan3A_741 = %broadcast_in_dim3A_497) -> (vector<16xf32>, vector<16xf32>, vector<16xf32>, vector<16xf32>, vector<16xf32>, vector<16xf32>, vector<16xf32>, vector<16xf32>)  : i32 {
        %mul3A_742 = arith.constant 4 : i32
        %mul3A_743 = arith.muli %scan3A_733, %mul3A_742 : i32
        %add3A_744 = arith.constant 32 : i32
        %add3A_745 = arith.addi %add3A_744, %mul3A_743 : i32
        %add3A_746 = arith.constant 0 : i32
        %add3A_747 = arith.addi %add3A_745, %add3A_746 : i32
        %get3A = arith.index_cast %add3A_747 : i32 to index
        %get3A_748 = arith.constant 0 : index
        %get3A_749 = tpu.vector_load %arg9[%get3A, %get3A_748] {strides = array<i32>} : memref<64x128xf32, #tpu.memory_space<vmem>>, vector<1x16xf32>,
        %get3A_750 = vector.shape_cast %get3A_749 : vector<1x16xf32> to vector<16xf32>
        %add3A_751 = arith.addf %scan3A_734, %get3A_750 : vector<16xf32>
        %get3A_752 = arith.index_cast %add3A_747 : i32 to index
        %get3A_753 = arith.constant 16 : index
        %get3A_754 = tpu.vector_load %arg9[%get3A_752, %get3A_753] {strides = array<i32>} : memref<64x128xf32, #tpu.memory_space<vmem>>, vector<1x16xf32>,
        %get3A_755 = vector.shape_cast %get3A_754 : vector<1x16xf32> to vector<16xf32>
        %add3A_756 = arith.addf %scan3A_735, %get3A_755 : vector<16xf32>
        %get3A_757 = arith.index_cast %add3A_747 : i32 to index
        %get3A_758 = arith.constant 32 : index
        %get3A_759 = tpu.vector_load %arg9[%get3A_757, %get3A_758] {strides = array<i32>} : memref<64x128xf32, #tpu.memory_space<vmem>>, vector<1x16xf32>,
        %get3A_760 = vector.shape_cast %get3A_759 : vector<1x16xf32> to vector<16xf32>
        %add3A_761 = arith.addf %scan3A_736, %get3A_760 : vector<16xf32>
        %get3A_762 = arith.index_cast %add3A_747 : i32 to index
        %get3A_763 = arith.constant 48 : index
        %get3A_764 = tpu.vector_load %arg9[%get3A_762, %get3A_763] {strides = array<i32>} : memref<64x128xf32, #tpu.memory_space<vmem>>, vector<1x16xf32>,
        %get3A_765 = vector.shape_cast %get3A_764 : vector<1x16xf32> to vector<16xf32>
        %add3A_766 = arith.addf %scan3A_737, %get3A_765 : vector<16xf32>
        %get3A_767 = arith.index_cast %add3A_747 : i32 to index
        %get3A_768 = arith.constant 64 : index
        %get3A_769 = tpu.vector_load %arg9[%get3A_767, %get3A_768] {strides = array<i32>} : memref<64x128xf32, #tpu.memory_space<vmem>>, vector<1x16xf32>,
        %get3A_770 = vector.shape_cast %get3A_769 : vector<1x16xf32> to vector<16xf32>
        %add3A_771 = arith.addf %scan3A_738, %get3A_770 : vector<16xf32>
        %get3A_772 = arith.index_cast %add3A_747 : i32 to index
        %get3A_773 = arith.constant 80 : index
        %get3A_774 = tpu.vector_load %arg9[%get3A_772, %get3A_773] {strides = array<i32>} : memref<64x128xf32, #tpu.memory_space<vmem>>, vector<1x16xf32>,
        %get3A_775 = vector.shape_cast %get3A_774 : vector<1x16xf32> to vector<16xf32>
        %add3A_776 = arith.addf %scan3A_739, %get3A_775 : vector<16xf32>
        %get3A_777 = arith.index_cast %add3A_747 : i32 to index
        %get3A_778 = arith.constant 96 : index
        %get3A_779 = tpu.vector_load %arg9[%get3A_777, %get3A_778] {strides = array<i32>} : memref<64x128xf32, #tpu.memory_space<vmem>>, vector<1x16xf32>,
        %get3A_780 = vector.shape_cast %get3A_779 : vector<1x16xf32> to vector<16xf32>
        %add3A_781 = arith.addf %scan3A_740, %get3A_780 : vector<16xf32>
        %get3A_782 = arith.index_cast %add3A_747 : i32 to index
        %get3A_783 = arith.constant 112 : index
        %get3A_784 = tpu.vector_load %arg9[%get3A_782, %get3A_783] {strides = array<i32>} : memref<64x128xf32, #tpu.memory_space<vmem>>, vector<1x16xf32>,
        %get3A_785 = vector.shape_cast %get3A_784 : vector<1x16xf32> to vector<16xf32>
        %add3A_786 = arith.addf %scan3A_741, %get3A_785 : vector<16xf32>
        %mul3A_787 = arith.constant 4 : i32
        %mul3A_788 = arith.muli %scan3A_733, %mul3A_787 : i32
        %add3A_789 = arith.constant 32 : i32
        %add3A_790 = arith.addi %add3A_789, %mul3A_788 : i32
        %add3A_791 = arith.constant 1 : i32
        %add3A_792 = arith.addi %add3A_790, %add3A_791 : i32
        %get3A_793 = arith.index_cast %add3A_792 : i32 to index
        %get3A_794 = arith.constant 0 : index
        %get3A_795 = tpu.vector_load %arg9[%get3A_793, %get3A_794] {strides = array<i32>} : memref<64x128xf32, #tpu.memory_space<vmem>>, vector<1x16xf32>,
        %get3A_796 = vector.shape_cast %get3A_795 : vector<1x16xf32> to vector<16xf32>
        %add3A_797 = arith.addf %add3A_751, %get3A_796 : vector<16xf32>
        %get3A_798 = arith.index_cast %add3A_792 : i32 to index
        %get3A_799 = arith.constant 16 : index
        %get3A_800 = tpu.vector_load %arg9[%get3A_798, %get3A_799] {strides = array<i32>} : memref<64x128xf32, #tpu.memory_space<vmem>>, vector<1x16xf32>,
        %get3A_801 = vector.shape_cast %get3A_800 : vector<1x16xf32> to vector<16xf32>
        %add3A_802 = arith.addf %add3A_756, %get3A_801 : vector<16xf32>
        %get3A_803 = arith.index_cast %add3A_792 : i32 to index
        %get3A_804 = arith.constant 32 : index
        %get3A_805 = tpu.vector_load %arg9[%get3A_803, %get3A_804] {strides = array<i32>} : memref<64x128xf32, #tpu.memory_space<vmem>>, vector<1x16xf32>,
        %get3A_806 = vector.shape_cast %get3A_805 : vector<1x16xf32> to vector<16xf32>
        %add3A_807 = arith.addf %add3A_761, %get3A_806 : vector<16xf32>
        %get3A_808 = arith.index_cast %add3A_792 : i32 to index
        %get3A_809 = arith.constant 48 : index
        %get3A_810 = tpu.vector_load %arg9[%get3A_808, %get3A_809] {strides = array<i32>} : memref<64x128xf32, #tpu.memory_space<vmem>>, vector<1x16xf32>,
        %get3A_811 = vector.shape_cast %get3A_810 : vector<1x16xf32> to vector<16xf32>
        %add3A_812 = arith.addf %add3A_766, %get3A_811 : vector<16xf32>
        %get3A_813 = arith.index_cast %add3A_792 : i32 to index
        %get3A_814 = arith.constant 64 : index
        %get3A_815 = tpu.vector_load %arg9[%get3A_813, %get3A_814] {strides = array<i32>} : memref<64x128xf32, #tpu.memory_space<vmem>>, vector<1x16xf32>,
        %get3A_816 = vector.shape_cast %get3A_815 : vector<1x16xf32> to vector<16xf32>
        %add3A_817 = arith.addf %add3A_771, %get3A_816 : vector<16xf32>
        %get3A_818 = arith.index_cast %add3A_792 : i32 to index
        %get3A_819 = arith.constant 80 : index
        %get3A_820 = tpu.vector_load %arg9[%get3A_818, %get3A_819] {strides = array<i32>} : memref<64x128xf32, #tpu.memory_space<vmem>>, vector<1x16xf32>,
        %get3A_821 = vector.shape_cast %get3A_820 : vector<1x16xf32> to vector<16xf32>
        %add3A_822 = arith.addf %add3A_776, %get3A_821 : vector<16xf32>
        %get3A_823 = arith.index_cast %add3A_792 : i32 to index
        %get3A_824 = arith.constant 96 : index
        %get3A_825 = tpu.vector_load %arg9[%get3A_823, %get3A_824] {strides = array<i32>} : memref<64x128xf32, #tpu.memory_space<vmem>>, vector<1x16xf32>,
        %get3A_826 = vector.shape_cast %get3A_825 : vector<1x16xf32> to vector<16xf32>
        %add3A_827 = arith.addf %add3A_781, %get3A_826 : vector<16xf32>
        %get3A_828 = arith.index_cast %add3A_792 : i32 to index
        %get3A_829 = arith.constant 112 : index
        %get3A_830 = tpu.vector_load %arg9[%get3A_828, %get3A_829] {strides = array<i32>} : memref<64x128xf32, #tpu.memory_space<vmem>>, vector<1x16xf32>,
        %get3A_831 = vector.shape_cast %get3A_830 : vector<1x16xf32> to vector<16xf32>
        %add3A_832 = arith.addf %add3A_786, %get3A_831 : vector<16xf32>
        %mul3A_833 = arith.constant 4 : i32
        %mul3A_834 = arith.muli %scan3A_733, %mul3A_833 : i32
        %add3A_835 = arith.constant 32 : i32
        %add3A_836 = arith.addi %add3A_835, %mul3A_834 : i32
        %add3A_837 = arith.constant 2 : i32
        %add3A_838 = arith.addi %add3A_836, %add3A_837 : i32
        %get3A_839 = arith.index_cast %add3A_838 : i32 to index
        %get3A_840 = arith.constant 0 : index
        %get3A_841 = tpu.vector_load %arg9[%get3A_839, %get3A_840] {strides = array<i32>} : memref<64x128xf32, #tpu.memory_space<vmem>>, vector<1x16xf32>,
        %get3A_842 = vector.shape_cast %get3A_841 : vector<1x16xf32> to vector<16xf32>
        %add3A_843 = arith.addf %add3A_797, %get3A_842 : vector<16xf32>
        %get3A_844 = arith.index_cast %add3A_838 : i32 to index
        %get3A_845 = arith.constant 16 : index
        %get3A_846 = tpu.vector_load %arg9[%get3A_844, %get3A_845] {strides = array<i32>} : memref<64x128xf32, #tpu.memory_space<vmem>>, vector<1x16xf32>,
        %get3A_847 = vector.shape_cast %get3A_846 : vector<1x16xf32> to vector<16xf32>
        %add3A_848 = arith.addf %add3A_802, %get3A_847 : vector<16xf32>
        %get3A_849 = arith.index_cast %add3A_838 : i32 to index
        %get3A_850 = arith.constant 32 : index
        %get3A_851 = tpu.vector_load %arg9[%get3A_849, %get3A_850] {strides = array<i32>} : memref<64x128xf32, #tpu.memory_space<vmem>>, vector<1x16xf32>,
        %get3A_852 = vector.shape_cast %get3A_851 : vector<1x16xf32> to vector<16xf32>
        %add3A_853 = arith.addf %add3A_807, %get3A_852 : vector<16xf32>
        %get3A_854 = arith.index_cast %add3A_838 : i32 to index
        %get3A_855 = arith.constant 48 : index
        %get3A_856 = tpu.vector_load %arg9[%get3A_854, %get3A_855] {strides = array<i32>} : memref<64x128xf32, #tpu.memory_space<vmem>>, vector<1x16xf32>,
        %get3A_857 = vector.shape_cast %get3A_856 : vector<1x16xf32> to vector<16xf32>
        %add3A_858 = arith.addf %add3A_812, %get3A_857 : vector<16xf32>
        %get3A_859 = arith.index_cast %add3A_838 : i32 to index
        %get3A_860 = arith.constant 64 : index
        %get3A_861 = tpu.vector_load %arg9[%get3A_859, %get3A_860] {strides = array<i32>} : memref<64x128xf32, #tpu.memory_space<vmem>>, vector<1x16xf32>,
        %get3A_862 = vector.shape_cast %get3A_861 : vector<1x16xf32> to vector<16xf32>
        %add3A_863 = arith.addf %add3A_817, %get3A_862 : vector<16xf32>
        %get3A_864 = arith.index_cast %add3A_838 : i32 to index
        %get3A_865 = arith.constant 80 : index
        %get3A_866 = tpu.vector_load %arg9[%get3A_864, %get3A_865] {strides = array<i32>} : memref<64x128xf32, #tpu.memory_space<vmem>>, vector<1x16xf32>,
        %get3A_867 = vector.shape_cast %get3A_866 : vector<1x16xf32> to vector<16xf32>
        %add3A_868 = arith.addf %add3A_822, %get3A_867 : vector<16xf32>
        %get3A_869 = arith.index_cast %add3A_838 : i32 to index
        %get3A_870 = arith.constant 96 : index
        %get3A_871 = tpu.vector_load %arg9[%get3A_869, %get3A_870] {strides = array<i32>} : memref<64x128xf32, #tpu.memory_space<vmem>>, vector<1x16xf32>,
        %get3A_872 = vector.shape_cast %get3A_871 : vector<1x16xf32> to vector<16xf32>
        %add3A_873 = arith.addf %add3A_827, %get3A_872 : vector<16xf32>
        %get3A_874 = arith.index_cast %add3A_838 : i32 to index
        %get3A_875 = arith.constant 112 : index
        %get3A_876 = tpu.vector_load %arg9[%get3A_874, %get3A_875] {strides = array<i32>} : memref<64x128xf32, #tpu.memory_space<vmem>>, vector<1x16xf32>,
        %get3A_877 = vector.shape_cast %get3A_876 : vector<1x16xf32> to vector<16xf32>
        %add3A_878 = arith.addf %add3A_832, %get3A_877 : vector<16xf32>
        %mul3A_879 = arith.constant 4 : i32
        %mul3A_880 = arith.muli %scan3A_733, %mul3A_879 : i32
        %add3A_881 = arith.constant 32 : i32
        %add3A_882 = arith.addi %add3A_881, %mul3A_880 : i32
        %add3A_883 = arith.constant 3 : i32
        %add3A_884 = arith.addi %add3A_882, %add3A_883 : i32
        %get3A_885 = arith.index_cast %add3A_884 : i32 to index
        %get3A_886 = arith.constant 0 : index
        %get3A_887 = tpu.vector_load %arg9[%get3A_885, %get3A_886] {strides = array<i32>} : memref<64x128xf32, #tpu.memory_space<vmem>>, vector<1x16xf32>,
        %get3A_888 = vector.shape_cast %get3A_887 : vector<1x16xf32> to vector<16xf32>
        %add3A_889 = arith.addf %add3A_843, %get3A_888 : vector<16xf32>
        %get3A_890 = arith.index_cast %add3A_884 : i32 to index
        %get3A_891 = arith.constant 16 : index
        %get3A_892 = tpu.vector_load %arg9[%get3A_890, %get3A_891] {strides = array<i32>} : memref<64x128xf32, #tpu.memory_space<vmem>>, vector<1x16xf32>,
        %get3A_893 = vector.shape_cast %get3A_892 : vector<1x16xf32> to vector<16xf32>
        %add3A_894 = arith.addf %add3A_848, %get3A_893 : vector<16xf32>
        %get3A_895 = arith.index_cast %add3A_884 : i32 to index
        %get3A_896 = arith.constant 32 : index
        %get3A_897 = tpu.vector_load %arg9[%get3A_895, %get3A_896] {strides = array<i32>} : memref<64x128xf32, #tpu.memory_space<vmem>>, vector<1x16xf32>,
        %get3A_898 = vector.shape_cast %get3A_897 : vector<1x16xf32> to vector<16xf32>
        %add3A_899 = arith.addf %add3A_853, %get3A_898 : vector<16xf32>
        %get3A_900 = arith.index_cast %add3A_884 : i32 to index
        %get3A_901 = arith.constant 48 : index
        %get3A_902 = tpu.vector_load %arg9[%get3A_900, %get3A_901] {strides = array<i32>} : memref<64x128xf32, #tpu.memory_space<vmem>>, vector<1x16xf32>,
        %get3A_903 = vector.shape_cast %get3A_902 : vector<1x16xf32> to vector<16xf32>
        %add3A_904 = arith.addf %add3A_858, %get3A_903 : vector<16xf32>
        %get3A_905 = arith.index_cast %add3A_884 : i32 to index
        %get3A_906 = arith.constant 64 : index
        %get3A_907 = tpu.vector_load %arg9[%get3A_905, %get3A_906] {strides = array<i32>} : memref<64x128xf32, #tpu.memory_space<vmem>>, vector<1x16xf32>,
        %get3A_908 = vector.shape_cast %get3A_907 : vector<1x16xf32> to vector<16xf32>
        %add3A_909 = arith.addf %add3A_863, %get3A_908 : vector<16xf32>
        %get3A_910 = arith.index_cast %add3A_884 : i32 to index
        %get3A_911 = arith.constant 80 : index
        %get3A_912 = tpu.vector_load %arg9[%get3A_910, %get3A_911] {strides = array<i32>} : memref<64x128xf32, #tpu.memory_space<vmem>>, vector<1x16xf32>,
        %get3A_913 = vector.shape_cast %get3A_912 : vector<1x16xf32> to vector<16xf32>
        %add3A_914 = arith.addf %add3A_868, %get3A_913 : vector<16xf32>
        %get3A_915 = arith.index_cast %add3A_884 : i32 to index
        %get3A_916 = arith.constant 96 : index
        %get3A_917 = tpu.vector_load %arg9[%get3A_915, %get3A_916] {strides = array<i32>} : memref<64x128xf32, #tpu.memory_space<vmem>>, vector<1x16xf32>,
        %get3A_918 = vector.shape_cast %get3A_917 : vector<1x16xf32> to vector<16xf32>
        %add3A_919 = arith.addf %add3A_873, %get3A_918 : vector<16xf32>
        %get3A_920 = arith.index_cast %add3A_884 : i32 to index
        %get3A_921 = arith.constant 112 : index
        %get3A_922 = tpu.vector_load %arg9[%get3A_920, %get3A_921] {strides = array<i32>} : memref<64x128xf32, #tpu.memory_space<vmem>>, vector<1x16xf32>,
        %get3A_923 = vector.shape_cast %get3A_922 : vector<1x16xf32> to vector<16xf32>
        %add3A_924 = arith.addf %add3A_878, %get3A_923 : vector<16xf32>
        scf.yield %add3A_889, %add3A_894, %add3A_899, %add3A_904, %add3A_909, %add3A_914, %add3A_919, %add3A_924 : vector<16xf32>, vector<16xf32>, vector<16xf32>, vector<16xf32>, vector<16xf32>, vector<16xf32>, vector<16xf32>, vector<16xf32>
      }
      %scan3A_503 = arith.constant 8 : i32
      %swap3A_504 = arith.constant 1 : i32
      %swap3A_505 = arith.index_cast %swap3A_504 : i32 to index
      %swap3A_506 = arith.constant 0 : index
      %swap3A_507 = tpu.vector_load %arg13[%swap3A_505, %swap3A_506] {strides = array<i32>} : memref<2x128xf32, #tpu.memory_space<vmem>>, vector<1x16xf32>,
      %swap3A_508 = vector.shape_cast %swap3A_507 : vector<1x16xf32> to vector<16xf32>
      %swap3A_509 = vector.shape_cast %scan3A_502#0 : vector<16xf32> to vector<1x16xf32>
      tpu.vector_store %arg13[%swap3A_505, %swap3A_506], %swap3A_509 {strides = array<i32>} : memref<2x128xf32, #tpu.memory_space<vmem>>, vector<1x16xf32>,
      %swap3A_510 = arith.constant 1 : i32
      %swap3A_511 = arith.index_cast %swap3A_510 : i32 to index
      %swap3A_512 = arith.constant 16 : index
      %swap3A_513 = tpu.vector_load %arg13[%swap3A_511, %swap3A_512] {strides = array<i32>} : memref<2x128xf32, #tpu.memory_space<vmem>>, vector<1x16xf32>,
      %swap3A_514 = vector.shape_cast %swap3A_513 : vector<1x16xf32> to vector<16xf32>
      %swap3A_515 = vector.shape_cast %scan3A_502#1 : vector<16xf32> to vector<1x16xf32>
      tpu.vector_store %arg13[%swap3A_511, %swap3A_512], %swap3A_515 {strides = array<i32>} : memref<2x128xf32, #tpu.memory_space<vmem>>, vector<1x16xf32>,
      %swap3A_516 = arith.constant 1 : i32
      %swap3A_517 = arith.index_cast %swap3A_516 : i32 to index
      %swap3A_518 = arith.constant 32 : index
      %swap3A_519 = tpu.vector_load %arg13[%swap3A_517, %swap3A_518] {strides = array<i32>} : memref<2x128xf32, #tpu.memory_space<vmem>>, vector<1x16xf32>,
      %swap3A_520 = vector.shape_cast %swap3A_519 : vector<1x16xf32> to vector<16xf32>
      %swap3A_521 = vector.shape_cast %scan3A_502#2 : vector<16xf32> to vector<1x16xf32>
      tpu.vector_store %arg13[%swap3A_517, %swap3A_518], %swap3A_521 {strides = array<i32>} : memref<2x128xf32, #tpu.memory_space<vmem>>, vector<1x16xf32>,
      %swap3A_522 = arith.constant 1 : i32
      %swap3A_523 = arith.index_cast %swap3A_522 : i32 to index
      %swap3A_524 = arith.constant 48 : index
      %swap3A_525 = tpu.vector_load %arg13[%swap3A_523, %swap3A_524] {strides = array<i32>} : memref<2x128xf32, #tpu.memory_space<vmem>>, vector<1x16xf32>,
      %swap3A_526 = vector.shape_cast %swap3A_525 : vector<1x16xf32> to vector<16xf32>
      %swap3A_527 = vector.shape_cast %scan3A_502#3 : vector<16xf32> to vector<1x16xf32>
      tpu.vector_store %arg13[%swap3A_523, %swap3A_524], %swap3A_527 {strides = array<i32>} : memref<2x128xf32, #tpu.memory_space<vmem>>, vector<1x16xf32>,
      %swap3A_528 = arith.constant 1 : i32
      %swap3A_529 = arith.index_cast %swap3A_528 : i32 to index
      %swap3A_530 = arith.constant 64 : index
      %swap3A_531 = tpu.vector_load %arg13[%swap3A_529, %swap3A_530] {strides = array<i32>} : memref<2x128xf32, #tpu.memory_space<vmem>>, vector<1x16xf32>,
      %swap3A_532 = vector.shape_cast %swap3A_531 : vector<1x16xf32> to vector<16xf32>
      %swap3A_533 = vector.shape_cast %scan3A_502#4 : vector<16xf32> to vector<1x16xf32>
      tpu.vector_store %arg13[%swap3A_529, %swap3A_530], %swap3A_533 {strides = array<i32>} : memref<2x128xf32, #tpu.memory_space<vmem>>, vector<1x16xf32>,
      %swap3A_534 = arith.constant 1 : i32
      %swap3A_535 = arith.index_cast %swap3A_534 : i32 to index
      %swap3A_536 = arith.constant 80 : index
      %swap3A_537 = tpu.vector_load %arg13[%swap3A_535, %swap3A_536] {strides = array<i32>} : memref<2x128xf32, #tpu.memory_space<vmem>>, vector<1x16xf32>,
      %swap3A_538 = vector.shape_cast %swap3A_537 : vector<1x16xf32> to vector<16xf32>
      %swap3A_539 = vector.shape_cast %scan3A_502#5 : vector<16xf32> to vector<1x16xf32>
      tpu.vector_store %arg13[%swap3A_535, %swap3A_536], %swap3A_539 {strides = array<i32>} : memref<2x128xf32, #tpu.memory_space<vmem>>, vector<1x16xf32>,
      %swap3A_540 = arith.constant 1 : i32
      %swap3A_541 = arith.index_cast %swap3A_540 : i32 to index
      %swap3A_542 = arith.constant 96 : index
      %swap3A_543 = tpu.vector_load %arg13[%swap3A_541, %swap3A_542] {strides = array<i32>} : memref<2x128xf32, #tpu.memory_space<vmem>>, vector<1x16xf32>,
      %swap3A_544 = vector.shape_cast %swap3A_543 : vector<1x16xf32> to vector<16xf32>
      %swap3A_545 = vector.shape_cast %scan3A_502#6 : vector<16xf32> to vector<1x16xf32>
      tpu.vector_store %arg13[%swap3A_541, %swap3A_542], %swap3A_545 {strides = array<i32>} : memref<2x128xf32, #tpu.memory_space<vmem>>, vector<1x16xf32>,
      %swap3A_546 = arith.constant 1 : i32
      %swap3A_547 = arith.index_cast %swap3A_546 : i32 to index
      %swap3A_548 = arith.constant 112 : index
      %swap3A_549 = tpu.vector_load %arg13[%swap3A_547, %swap3A_548] {strides = array<i32>} : memref<2x128xf32, #tpu.memory_space<vmem>>, vector<1x16xf32>,
      %swap3A_550 = vector.shape_cast %swap3A_549 : vector<1x16xf32> to vector<16xf32>
      %swap3A_551 = vector.shape_cast %scan3A_502#7 : vector<16xf32> to vector<1x16xf32>
      tpu.vector_store %arg13[%swap3A_547, %swap3A_548], %swap3A_551 {strides = array<i32>} : memref<2x128xf32, #tpu.memory_space<vmem>>, vector<1x16xf32>,
      %mul3A_552 = arith.constant 2 : i32
      %mul3A_553 = arith.muli %add3A_400, %mul3A_552 : i32
      %add3A_554 = arith.addi %mul3A_2, %mul3A_553 : i32
      %dma_start3A_555 = arith.constant 0 : i32
      %dma_start3A_556 = tpu.memref_slice %arg4[%add3A_554, %dma_start3A_555] : memref<10000x128xf32, #tpu.memory_space<hbm>> -> memref<2x128xf32, #tpu.memory_space<hbm>>
      %dma_start3A_557 = arith.constant 0 : i32
      %dma_start3A_558 = tpu.memref_slice %arg4[%add3A_554, %dma_start3A_557] : memref<10000x128xf32, #tpu.memory_space<hbm>> -> memref<2x128xf32, #tpu.memory_space<hbm>>
      tpu.enqueue_dma source(%arg13 : memref<2x128xf32, #tpu.memory_space<vmem>>) target(%dma_start3A_558 : memref<2x128xf32, #tpu.memory_space<hbm>>) target_semaphore(%arg21 : memref<!tpu.dma_semaphore, #tpu.memory_space<semaphore_mem>>)
      %sub3A_559 = arith.constant 1 : i32
      %sub3A_560 = arith.subi %select_n3A, %sub3A_559 : i32
      %lt3A_561 = arith.cmpi slt, %while3A_65, %sub3A_560 : i32
      %convert_element_type3A_562 = arith.extui %lt3A_561 : i1 to i32
      %cond3A_563 = arith.constant 0 : i32
      %cond3A_564 = arith.cmpi ne, %convert_element_type3A_562, %cond3A_563 : i32
      scf.if %cond3A_564 {
        %add3A_733 = arith.constant 4 : i32
        %add3A_734 = arith.addi %add3A_400, %add3A_733 : i32
        %mul3A_735 = arith.constant 64 : i32
        %mul3A_736 = arith.muli %add3A_734, %mul3A_735 : i32
        %dma_start3A_737 = tpu.memref_slice %arg6[%mul3A_736] : memref<10240xi32, #tpu.memory_space<vmem>> -> memref<64xi32, #tpu.memory_space<vmem>>
        %dma_start3A_738 = arith.constant 0 : i32
        %dma_start3A_739 = arith.constant 0 : i32
        %dma_start3A_740 = tpu.memref_slice %arg5[%dma_start3A_738, %dma_start3A_739] : memref<10000x128xf32, #tpu.memory_space<vmem_shared>> -> memref<10000x128xf32, #tpu.memory_space<vmem_shared>>
        tpu.enqueue_indirect_dma source(%dma_start3A_740 : memref<10000x128xf32, #tpu.memory_space<vmem_shared>>) target(%arg9 : memref<64x128xf32, #tpu.memory_space<vmem>>) offsets(%dma_start3A_737 : memref<64xi32, #tpu.memory_space<vmem>>) semaphore(%arg17 : memref<!tpu.dma_semaphore, #tpu.memory_space<semaphore_mem>>)
      } else {
      }
      %mul3A_565 = arith.constant 4 : i32
      %mul3A_566 = arith.muli %while3A_65, %mul3A_565 : i32
      %add3A_567 = arith.constant 3 : i32
      %add3A_568 = arith.addi %mul3A_566, %add3A_567 : i32
      %dma_wait3A_569 = arith.constant 0 : i32
      %dma_wait3A_570 = arith.constant 0 : i32
      %dma_wait3A_571 = tpu.memref_slice %arg2[%dma_wait3A_569, %dma_wait3A_570] : memref<10000x128xf32, #tpu.memory_space<hbm>> -> memref<64x128xf32, #tpu.memory_space<hbm>>
      %dma_wait3A_572 = arith.constant 0 : i32
      %dma_wait3A_573 = arith.constant 0 : i32
      %dma_wait3A_574 = tpu.memref_slice %arg2[%dma_wait3A_572, %dma_wait3A_573] : memref<10000x128xf32, #tpu.memory_space<hbm>> -> memref<64x128xf32, #tpu.memory_space<hbm>>
      tpu.wait_dma2 semaphore(%arg18 : memref<!tpu.dma_semaphore, #tpu.memory_space<semaphore_mem>>) src(%dma_wait3A_574 : memref<64x128xf32, #tpu.memory_space<hbm>>) dst(%arg10 : memref<64x128xf32, #tpu.memory_space<vmem>>)
      %gt3A_575 = arith.constant 0 : i32
      %gt3A_576 = arith.cmpi sgt, %while3A_65, %gt3A_575 : i32
      %convert_element_type3A_577 = arith.extui %gt3A_576 : i1 to i32
      %cond3A_578 = arith.constant 0 : i32
      %cond3A_579 = arith.cmpi ne, %convert_element_type3A_577, %cond3A_578 : i32
      scf.if %cond3A_579 {
        %dma_wait3A_733 = arith.constant 0 : i32
        %dma_wait3A_734 = tpu.memref_slice %arg4[%mul3A_2, %dma_wait3A_733] : memref<10000x128xf32, #tpu.memory_space<hbm>> -> memref<2x128xf32, #tpu.memory_space<hbm>>
        %dma_wait3A_735 = arith.constant 0 : i32
        %dma_wait3A_736 = tpu.memref_slice %arg4[%mul3A_2, %dma_wait3A_735] : memref<10000x128xf32, #tpu.memory_space<hbm>> -> memref<2x128xf32, #tpu.memory_space<hbm>>
        tpu.wait_dma2 semaphore(%arg22 : memref<!tpu.dma_semaphore, #tpu.memory_space<semaphore_mem>>) src(%arg14 : memref<2x128xf32, #tpu.memory_space<vmem>>) dst(%dma_wait3A_736 : memref<2x128xf32, #tpu.memory_space<hbm>>)
      } else {
      }
      %broadcast_in_dim3A_580 = arith.constant 0.000000e+00 : f32
      %broadcast_in_dim3A_581 = vector.broadcast %broadcast_in_dim3A_580 : f32 to vector<16xf32>
      %broadcast_in_dim3A_582 = arith.constant 0.000000e+00 : f32
      %broadcast_in_dim3A_583 = vector.broadcast %broadcast_in_dim3A_582 : f32 to vector<16xf32>
      %broadcast_in_dim3A_584 = arith.constant 0.000000e+00 : f32
      %broadcast_in_dim3A_585 = vector.broadcast %broadcast_in_dim3A_584 : f32 to vector<16xf32>
      %broadcast_in_dim3A_586 = arith.constant 0.000000e+00 : f32
      %broadcast_in_dim3A_587 = vector.broadcast %broadcast_in_dim3A_586 : f32 to vector<16xf32>
      %broadcast_in_dim3A_588 = arith.constant 0.000000e+00 : f32
      %broadcast_in_dim3A_589 = vector.broadcast %broadcast_in_dim3A_588 : f32 to vector<16xf32>
      %broadcast_in_dim3A_590 = arith.constant 0.000000e+00 : f32
      %broadcast_in_dim3A_591 = vector.broadcast %broadcast_in_dim3A_590 : f32 to vector<16xf32>
      %broadcast_in_dim3A_592 = arith.constant 0.000000e+00 : f32
      %broadcast_in_dim3A_593 = vector.broadcast %broadcast_in_dim3A_592 : f32 to vector<16xf32>
      %broadcast_in_dim3A_594 = arith.constant 0.000000e+00 : f32
      %broadcast_in_dim3A_595 = vector.broadcast %broadcast_in_dim3A_594 : f32 to vector<16xf32>
      %scan3A_596 = arith.constant 0 : i32
      %scan3A_597 = arith.constant 8 : i32
      %scan3A_598 = arith.addi %scan3A_596, %scan3A_597 : i32
      %scan3A_599 = arith.constant 1 : i32
      %scan3A_600:8 = scf.for %scan3A_733 = %scan3A_596 to %scan3A_598 step %scan3A_599 iter_args(%scan3A_734 = %broadcast_in_dim3A_581, %scan3A_735 = %broadcast_in_dim3A_583, %scan3A_736 = %broadcast_in_dim3A_585, %scan3A_737 = %broadcast_in_dim3A_587, %scan3A_738 = %broadcast_in_dim3A_589, %scan3A_739 = %broadcast_in_dim3A_591, %scan3A_740 = %broadcast_in_dim3A_593, %scan3A_741 = %broadcast_in_dim3A_595) -> (vector<16xf32>, vector<16xf32>, vector<16xf32>, vector<16xf32>, vector<16xf32>, vector<16xf32>, vector<16xf32>, vector<16xf32>)  : i32 {
        %mul3A_742 = arith.constant 4 : i32
        %mul3A_743 = arith.muli %scan3A_733, %mul3A_742 : i32
        %add3A_744 = arith.constant 0 : i32
        %add3A_745 = arith.addi %add3A_744, %mul3A_743 : i32
        %add3A_746 = arith.constant 0 : i32
        %add3A_747 = arith.addi %add3A_745, %add3A_746 : i32
        %get3A = arith.index_cast %add3A_747 : i32 to index
        %get3A_748 = arith.constant 0 : index
        %get3A_749 = tpu.vector_load %arg10[%get3A, %get3A_748] {strides = array<i32>} : memref<64x128xf32, #tpu.memory_space<vmem>>, vector<1x16xf32>,
        %get3A_750 = vector.shape_cast %get3A_749 : vector<1x16xf32> to vector<16xf32>
        %add3A_751 = arith.addf %scan3A_734, %get3A_750 : vector<16xf32>
        %get3A_752 = arith.index_cast %add3A_747 : i32 to index
        %get3A_753 = arith.constant 16 : index
        %get3A_754 = tpu.vector_load %arg10[%get3A_752, %get3A_753] {strides = array<i32>} : memref<64x128xf32, #tpu.memory_space<vmem>>, vector<1x16xf32>,
        %get3A_755 = vector.shape_cast %get3A_754 : vector<1x16xf32> to vector<16xf32>
        %add3A_756 = arith.addf %scan3A_735, %get3A_755 : vector<16xf32>
        %get3A_757 = arith.index_cast %add3A_747 : i32 to index
        %get3A_758 = arith.constant 32 : index
        %get3A_759 = tpu.vector_load %arg10[%get3A_757, %get3A_758] {strides = array<i32>} : memref<64x128xf32, #tpu.memory_space<vmem>>, vector<1x16xf32>,
        %get3A_760 = vector.shape_cast %get3A_759 : vector<1x16xf32> to vector<16xf32>
        %add3A_761 = arith.addf %scan3A_736, %get3A_760 : vector<16xf32>
        %get3A_762 = arith.index_cast %add3A_747 : i32 to index
        %get3A_763 = arith.constant 48 : index
        %get3A_764 = tpu.vector_load %arg10[%get3A_762, %get3A_763] {strides = array<i32>} : memref<64x128xf32, #tpu.memory_space<vmem>>, vector<1x16xf32>,
        %get3A_765 = vector.shape_cast %get3A_764 : vector<1x16xf32> to vector<16xf32>
        %add3A_766 = arith.addf %scan3A_737, %get3A_765 : vector<16xf32>
        %get3A_767 = arith.index_cast %add3A_747 : i32 to index
        %get3A_768 = arith.constant 64 : index
        %get3A_769 = tpu.vector_load %arg10[%get3A_767, %get3A_768] {strides = array<i32>} : memref<64x128xf32, #tpu.memory_space<vmem>>, vector<1x16xf32>,
        %get3A_770 = vector.shape_cast %get3A_769 : vector<1x16xf32> to vector<16xf32>
        %add3A_771 = arith.addf %scan3A_738, %get3A_770 : vector<16xf32>
        %get3A_772 = arith.index_cast %add3A_747 : i32 to index
        %get3A_773 = arith.constant 80 : index
        %get3A_774 = tpu.vector_load %arg10[%get3A_772, %get3A_773] {strides = array<i32>} : memref<64x128xf32, #tpu.memory_space<vmem>>, vector<1x16xf32>,
        %get3A_775 = vector.shape_cast %get3A_774 : vector<1x16xf32> to vector<16xf32>
        %add3A_776 = arith.addf %scan3A_739, %get3A_775 : vector<16xf32>
        %get3A_777 = arith.index_cast %add3A_747 : i32 to index
        %get3A_778 = arith.constant 96 : index
        %get3A_779 = tpu.vector_load %arg10[%get3A_777, %get3A_778] {strides = array<i32>} : memref<64x128xf32, #tpu.memory_space<vmem>>, vector<1x16xf32>,
        %get3A_780 = vector.shape_cast %get3A_779 : vector<1x16xf32> to vector<16xf32>
        %add3A_781 = arith.addf %scan3A_740, %get3A_780 : vector<16xf32>
        %get3A_782 = arith.index_cast %add3A_747 : i32 to index
        %get3A_783 = arith.constant 112 : index
        %get3A_784 = tpu.vector_load %arg10[%get3A_782, %get3A_783] {strides = array<i32>} : memref<64x128xf32, #tpu.memory_space<vmem>>, vector<1x16xf32>,
        %get3A_785 = vector.shape_cast %get3A_784 : vector<1x16xf32> to vector<16xf32>
        %add3A_786 = arith.addf %scan3A_741, %get3A_785 : vector<16xf32>
        %mul3A_787 = arith.constant 4 : i32
        %mul3A_788 = arith.muli %scan3A_733, %mul3A_787 : i32
        %add3A_789 = arith.constant 0 : i32
        %add3A_790 = arith.addi %add3A_789, %mul3A_788 : i32
        %add3A_791 = arith.constant 1 : i32
        %add3A_792 = arith.addi %add3A_790, %add3A_791 : i32
        %get3A_793 = arith.index_cast %add3A_792 : i32 to index
        %get3A_794 = arith.constant 0 : index
        %get3A_795 = tpu.vector_load %arg10[%get3A_793, %get3A_794] {strides = array<i32>} : memref<64x128xf32, #tpu.memory_space<vmem>>, vector<1x16xf32>,
        %get3A_796 = vector.shape_cast %get3A_795 : vector<1x16xf32> to vector<16xf32>
        %add3A_797 = arith.addf %add3A_751, %get3A_796 : vector<16xf32>
        %get3A_798 = arith.index_cast %add3A_792 : i32 to index
        %get3A_799 = arith.constant 16 : index
        %get3A_800 = tpu.vector_load %arg10[%get3A_798, %get3A_799] {strides = array<i32>} : memref<64x128xf32, #tpu.memory_space<vmem>>, vector<1x16xf32>,
        %get3A_801 = vector.shape_cast %get3A_800 : vector<1x16xf32> to vector<16xf32>
        %add3A_802 = arith.addf %add3A_756, %get3A_801 : vector<16xf32>
        %get3A_803 = arith.index_cast %add3A_792 : i32 to index
        %get3A_804 = arith.constant 32 : index
        %get3A_805 = tpu.vector_load %arg10[%get3A_803, %get3A_804] {strides = array<i32>} : memref<64x128xf32, #tpu.memory_space<vmem>>, vector<1x16xf32>,
        %get3A_806 = vector.shape_cast %get3A_805 : vector<1x16xf32> to vector<16xf32>
        %add3A_807 = arith.addf %add3A_761, %get3A_806 : vector<16xf32>
        %get3A_808 = arith.index_cast %add3A_792 : i32 to index
        %get3A_809 = arith.constant 48 : index
        %get3A_810 = tpu.vector_load %arg10[%get3A_808, %get3A_809] {strides = array<i32>} : memref<64x128xf32, #tpu.memory_space<vmem>>, vector<1x16xf32>,
        %get3A_811 = vector.shape_cast %get3A_810 : vector<1x16xf32> to vector<16xf32>
        %add3A_812 = arith.addf %add3A_766, %get3A_811 : vector<16xf32>
        %get3A_813 = arith.index_cast %add3A_792 : i32 to index
        %get3A_814 = arith.constant 64 : index
        %get3A_815 = tpu.vector_load %arg10[%get3A_813, %get3A_814] {strides = array<i32>} : memref<64x128xf32, #tpu.memory_space<vmem>>, vector<1x16xf32>,
        %get3A_816 = vector.shape_cast %get3A_815 : vector<1x16xf32> to vector<16xf32>
        %add3A_817 = arith.addf %add3A_771, %get3A_816 : vector<16xf32>
        %get3A_818 = arith.index_cast %add3A_792 : i32 to index
        %get3A_819 = arith.constant 80 : index
        %get3A_820 = tpu.vector_load %arg10[%get3A_818, %get3A_819] {strides = array<i32>} : memref<64x128xf32, #tpu.memory_space<vmem>>, vector<1x16xf32>,
        %get3A_821 = vector.shape_cast %get3A_820 : vector<1x16xf32> to vector<16xf32>
        %add3A_822 = arith.addf %add3A_776, %get3A_821 : vector<16xf32>
        %get3A_823 = arith.index_cast %add3A_792 : i32 to index
        %get3A_824 = arith.constant 96 : index
        %get3A_825 = tpu.vector_load %arg10[%get3A_823, %get3A_824] {strides = array<i32>} : memref<64x128xf32, #tpu.memory_space<vmem>>, vector<1x16xf32>,
        %get3A_826 = vector.shape_cast %get3A_825 : vector<1x16xf32> to vector<16xf32>
        %add3A_827 = arith.addf %add3A_781, %get3A_826 : vector<16xf32>
        %get3A_828 = arith.index_cast %add3A_792 : i32 to index
        %get3A_829 = arith.constant 112 : index
        %get3A_830 = tpu.vector_load %arg10[%get3A_828, %get3A_829] {strides = array<i32>} : memref<64x128xf32, #tpu.memory_space<vmem>>, vector<1x16xf32>,
        %get3A_831 = vector.shape_cast %get3A_830 : vector<1x16xf32> to vector<16xf32>
        %add3A_832 = arith.addf %add3A_786, %get3A_831 : vector<16xf32>
        %mul3A_833 = arith.constant 4 : i32
        %mul3A_834 = arith.muli %scan3A_733, %mul3A_833 : i32
        %add3A_835 = arith.constant 0 : i32
        %add3A_836 = arith.addi %add3A_835, %mul3A_834 : i32
        %add3A_837 = arith.constant 2 : i32
        %add3A_838 = arith.addi %add3A_836, %add3A_837 : i32
        %get3A_839 = arith.index_cast %add3A_838 : i32 to index
        %get3A_840 = arith.constant 0 : index
        %get3A_841 = tpu.vector_load %arg10[%get3A_839, %get3A_840] {strides = array<i32>} : memref<64x128xf32, #tpu.memory_space<vmem>>, vector<1x16xf32>,
        %get3A_842 = vector.shape_cast %get3A_841 : vector<1x16xf32> to vector<16xf32>
        %add3A_843 = arith.addf %add3A_797, %get3A_842 : vector<16xf32>
        %get3A_844 = arith.index_cast %add3A_838 : i32 to index
        %get3A_845 = arith.constant 16 : index
        %get3A_846 = tpu.vector_load %arg10[%get3A_844, %get3A_845] {strides = array<i32>} : memref<64x128xf32, #tpu.memory_space<vmem>>, vector<1x16xf32>,
        %get3A_847 = vector.shape_cast %get3A_846 : vector<1x16xf32> to vector<16xf32>
        %add3A_848 = arith.addf %add3A_802, %get3A_847 : vector<16xf32>
        %get3A_849 = arith.index_cast %add3A_838 : i32 to index
        %get3A_850 = arith.constant 32 : index
        %get3A_851 = tpu.vector_load %arg10[%get3A_849, %get3A_850] {strides = array<i32>} : memref<64x128xf32, #tpu.memory_space<vmem>>, vector<1x16xf32>,
        %get3A_852 = vector.shape_cast %get3A_851 : vector<1x16xf32> to vector<16xf32>
        %add3A_853 = arith.addf %add3A_807, %get3A_852 : vector<16xf32>
        %get3A_854 = arith.index_cast %add3A_838 : i32 to index
        %get3A_855 = arith.constant 48 : index
        %get3A_856 = tpu.vector_load %arg10[%get3A_854, %get3A_855] {strides = array<i32>} : memref<64x128xf32, #tpu.memory_space<vmem>>, vector<1x16xf32>,
        %get3A_857 = vector.shape_cast %get3A_856 : vector<1x16xf32> to vector<16xf32>
        %add3A_858 = arith.addf %add3A_812, %get3A_857 : vector<16xf32>
        %get3A_859 = arith.index_cast %add3A_838 : i32 to index
        %get3A_860 = arith.constant 64 : index
        %get3A_861 = tpu.vector_load %arg10[%get3A_859, %get3A_860] {strides = array<i32>} : memref<64x128xf32, #tpu.memory_space<vmem>>, vector<1x16xf32>,
        %get3A_862 = vector.shape_cast %get3A_861 : vector<1x16xf32> to vector<16xf32>
        %add3A_863 = arith.addf %add3A_817, %get3A_862 : vector<16xf32>
        %get3A_864 = arith.index_cast %add3A_838 : i32 to index
        %get3A_865 = arith.constant 80 : index
        %get3A_866 = tpu.vector_load %arg10[%get3A_864, %get3A_865] {strides = array<i32>} : memref<64x128xf32, #tpu.memory_space<vmem>>, vector<1x16xf32>,
        %get3A_867 = vector.shape_cast %get3A_866 : vector<1x16xf32> to vector<16xf32>
        %add3A_868 = arith.addf %add3A_822, %get3A_867 : vector<16xf32>
        %get3A_869 = arith.index_cast %add3A_838 : i32 to index
        %get3A_870 = arith.constant 96 : index
        %get3A_871 = tpu.vector_load %arg10[%get3A_869, %get3A_870] {strides = array<i32>} : memref<64x128xf32, #tpu.memory_space<vmem>>, vector<1x16xf32>,
        %get3A_872 = vector.shape_cast %get3A_871 : vector<1x16xf32> to vector<16xf32>
        %add3A_873 = arith.addf %add3A_827, %get3A_872 : vector<16xf32>
        %get3A_874 = arith.index_cast %add3A_838 : i32 to index
        %get3A_875 = arith.constant 112 : index
        %get3A_876 = tpu.vector_load %arg10[%get3A_874, %get3A_875] {strides = array<i32>} : memref<64x128xf32, #tpu.memory_space<vmem>>, vector<1x16xf32>,
        %get3A_877 = vector.shape_cast %get3A_876 : vector<1x16xf32> to vector<16xf32>
        %add3A_878 = arith.addf %add3A_832, %get3A_877 : vector<16xf32>
        %mul3A_879 = arith.constant 4 : i32
        %mul3A_880 = arith.muli %scan3A_733, %mul3A_879 : i32
        %add3A_881 = arith.constant 0 : i32
        %add3A_882 = arith.addi %add3A_881, %mul3A_880 : i32
        %add3A_883 = arith.constant 3 : i32
        %add3A_884 = arith.addi %add3A_882, %add3A_883 : i32
        %get3A_885 = arith.index_cast %add3A_884 : i32 to index
        %get3A_886 = arith.constant 0 : index
        %get3A_887 = tpu.vector_load %arg10[%get3A_885, %get3A_886] {strides = array<i32>} : memref<64x128xf32, #tpu.memory_space<vmem>>, vector<1x16xf32>,
        %get3A_888 = vector.shape_cast %get3A_887 : vector<1x16xf32> to vector<16xf32>
        %add3A_889 = arith.addf %add3A_843, %get3A_888 : vector<16xf32>
        %get3A_890 = arith.index_cast %add3A_884 : i32 to index
        %get3A_891 = arith.constant 16 : index
        %get3A_892 = tpu.vector_load %arg10[%get3A_890, %get3A_891] {strides = array<i32>} : memref<64x128xf32, #tpu.memory_space<vmem>>, vector<1x16xf32>,
        %get3A_893 = vector.shape_cast %get3A_892 : vector<1x16xf32> to vector<16xf32>
        %add3A_894 = arith.addf %add3A_848, %get3A_893 : vector<16xf32>
        %get3A_895 = arith.index_cast %add3A_884 : i32 to index
        %get3A_896 = arith.constant 32 : index
        %get3A_897 = tpu.vector_load %arg10[%get3A_895, %get3A_896] {strides = array<i32>} : memref<64x128xf32, #tpu.memory_space<vmem>>, vector<1x16xf32>,
        %get3A_898 = vector.shape_cast %get3A_897 : vector<1x16xf32> to vector<16xf32>
        %add3A_899 = arith.addf %add3A_853, %get3A_898 : vector<16xf32>
        %get3A_900 = arith.index_cast %add3A_884 : i32 to index
        %get3A_901 = arith.constant 48 : index
        %get3A_902 = tpu.vector_load %arg10[%get3A_900, %get3A_901] {strides = array<i32>} : memref<64x128xf32, #tpu.memory_space<vmem>>, vector<1x16xf32>,
        %get3A_903 = vector.shape_cast %get3A_902 : vector<1x16xf32> to vector<16xf32>
        %add3A_904 = arith.addf %add3A_858, %get3A_903 : vector<16xf32>
        %get3A_905 = arith.index_cast %add3A_884 : i32 to index
        %get3A_906 = arith.constant 64 : index
        %get3A_907 = tpu.vector_load %arg10[%get3A_905, %get3A_906] {strides = array<i32>} : memref<64x128xf32, #tpu.memory_space<vmem>>, vector<1x16xf32>,
        %get3A_908 = vector.shape_cast %get3A_907 : vector<1x16xf32> to vector<16xf32>
        %add3A_909 = arith.addf %add3A_863, %get3A_908 : vector<16xf32>
        %get3A_910 = arith.index_cast %add3A_884 : i32 to index
        %get3A_911 = arith.constant 80 : index
        %get3A_912 = tpu.vector_load %arg10[%get3A_910, %get3A_911] {strides = array<i32>} : memref<64x128xf32, #tpu.memory_space<vmem>>, vector<1x16xf32>,
        %get3A_913 = vector.shape_cast %get3A_912 : vector<1x16xf32> to vector<16xf32>
        %add3A_914 = arith.addf %add3A_868, %get3A_913 : vector<16xf32>
        %get3A_915 = arith.index_cast %add3A_884 : i32 to index
        %get3A_916 = arith.constant 96 : index
        %get3A_917 = tpu.vector_load %arg10[%get3A_915, %get3A_916] {strides = array<i32>} : memref<64x128xf32, #tpu.memory_space<vmem>>, vector<1x16xf32>,
        %get3A_918 = vector.shape_cast %get3A_917 : vector<1x16xf32> to vector<16xf32>
        %add3A_919 = arith.addf %add3A_873, %get3A_918 : vector<16xf32>
        %get3A_920 = arith.index_cast %add3A_884 : i32 to index
        %get3A_921 = arith.constant 112 : index
        %get3A_922 = tpu.vector_load %arg10[%get3A_920, %get3A_921] {strides = array<i32>} : memref<64x128xf32, #tpu.memory_space<vmem>>, vector<1x16xf32>,
        %get3A_923 = vector.shape_cast %get3A_922 : vector<1x16xf32> to vector<16xf32>
        %add3A_924 = arith.addf %add3A_878, %get3A_923 : vector<16xf32>
        scf.yield %add3A_889, %add3A_894, %add3A_899, %add3A_904, %add3A_909, %add3A_914, %add3A_919, %add3A_924 : vector<16xf32>, vector<16xf32>, vector<16xf32>, vector<16xf32>, vector<16xf32>, vector<16xf32>, vector<16xf32>, vector<16xf32>
      }
      %scan3A_601 = arith.constant 8 : i32
      %swap3A_602 = arith.constant 0 : i32
      %swap3A_603 = arith.index_cast %swap3A_602 : i32 to index
      %swap3A_604 = arith.constant 0 : index
      %swap3A_605 = tpu.vector_load %arg14[%swap3A_603, %swap3A_604] {strides = array<i32>} : memref<2x128xf32, #tpu.memory_space<vmem>>, vector<1x16xf32>,
      %swap3A_606 = vector.shape_cast %swap3A_605 : vector<1x16xf32> to vector<16xf32>
      %swap3A_607 = vector.shape_cast %scan3A_600#0 : vector<16xf32> to vector<1x16xf32>
      tpu.vector_store %arg14[%swap3A_603, %swap3A_604], %swap3A_607 {strides = array<i32>} : memref<2x128xf32, #tpu.memory_space<vmem>>, vector<1x16xf32>,
      %swap3A_608 = arith.constant 0 : i32
      %swap3A_609 = arith.index_cast %swap3A_608 : i32 to index
      %swap3A_610 = arith.constant 16 : index
      %swap3A_611 = tpu.vector_load %arg14[%swap3A_609, %swap3A_610] {strides = array<i32>} : memref<2x128xf32, #tpu.memory_space<vmem>>, vector<1x16xf32>,
      %swap3A_612 = vector.shape_cast %swap3A_611 : vector<1x16xf32> to vector<16xf32>
      %swap3A_613 = vector.shape_cast %scan3A_600#1 : vector<16xf32> to vector<1x16xf32>
      tpu.vector_store %arg14[%swap3A_609, %swap3A_610], %swap3A_613 {strides = array<i32>} : memref<2x128xf32, #tpu.memory_space<vmem>>, vector<1x16xf32>,
      %swap3A_614 = arith.constant 0 : i32
      %swap3A_615 = arith.index_cast %swap3A_614 : i32 to index
      %swap3A_616 = arith.constant 32 : index
      %swap3A_617 = tpu.vector_load %arg14[%swap3A_615, %swap3A_616] {strides = array<i32>} : memref<2x128xf32, #tpu.memory_space<vmem>>, vector<1x16xf32>,
      %swap3A_618 = vector.shape_cast %swap3A_617 : vector<1x16xf32> to vector<16xf32>
      %swap3A_619 = vector.shape_cast %scan3A_600#2 : vector<16xf32> to vector<1x16xf32>
      tpu.vector_store %arg14[%swap3A_615, %swap3A_616], %swap3A_619 {strides = array<i32>} : memref<2x128xf32, #tpu.memory_space<vmem>>, vector<1x16xf32>,
      %swap3A_620 = arith.constant 0 : i32
      %swap3A_621 = arith.index_cast %swap3A_620 : i32 to index
      %swap3A_622 = arith.constant 48 : index
      %swap3A_623 = tpu.vector_load %arg14[%swap3A_621, %swap3A_622] {strides = array<i32>} : memref<2x128xf32, #tpu.memory_space<vmem>>, vector<1x16xf32>,
      %swap3A_624 = vector.shape_cast %swap3A_623 : vector<1x16xf32> to vector<16xf32>
      %swap3A_625 = vector.shape_cast %scan3A_600#3 : vector<16xf32> to vector<1x16xf32>
      tpu.vector_store %arg14[%swap3A_621, %swap3A_622], %swap3A_625 {strides = array<i32>} : memref<2x128xf32, #tpu.memory_space<vmem>>, vector<1x16xf32>,
      %swap3A_626 = arith.constant 0 : i32
      %swap3A_627 = arith.index_cast %swap3A_626 : i32 to index
      %swap3A_628 = arith.constant 64 : index
      %swap3A_629 = tpu.vector_load %arg14[%swap3A_627, %swap3A_628] {strides = array<i32>} : memref<2x128xf32, #tpu.memory_space<vmem>>, vector<1x16xf32>,
      %swap3A_630 = vector.shape_cast %swap3A_629 : vector<1x16xf32> to vector<16xf32>
      %swap3A_631 = vector.shape_cast %scan3A_600#4 : vector<16xf32> to vector<1x16xf32>
      tpu.vector_store %arg14[%swap3A_627, %swap3A_628], %swap3A_631 {strides = array<i32>} : memref<2x128xf32, #tpu.memory_space<vmem>>, vector<1x16xf32>,
      %swap3A_632 = arith.constant 0 : i32
      %swap3A_633 = arith.index_cast %swap3A_632 : i32 to index
      %swap3A_634 = arith.constant 80 : index
      %swap3A_635 = tpu.vector_load %arg14[%swap3A_633, %swap3A_634] {strides = array<i32>} : memref<2x128xf32, #tpu.memory_space<vmem>>, vector<1x16xf32>,
      %swap3A_636 = vector.shape_cast %swap3A_635 : vector<1x16xf32> to vector<16xf32>
      %swap3A_637 = vector.shape_cast %scan3A_600#5 : vector<16xf32> to vector<1x16xf32>
      tpu.vector_store %arg14[%swap3A_633, %swap3A_634], %swap3A_637 {strides = array<i32>} : memref<2x128xf32, #tpu.memory_space<vmem>>, vector<1x16xf32>,
      %swap3A_638 = arith.constant 0 : i32
      %swap3A_639 = arith.index_cast %swap3A_638 : i32 to index
      %swap3A_640 = arith.constant 96 : index
      %swap3A_641 = tpu.vector_load %arg14[%swap3A_639, %swap3A_640] {strides = array<i32>} : memref<2x128xf32, #tpu.memory_space<vmem>>, vector<1x16xf32>,
      %swap3A_642 = vector.shape_cast %swap3A_641 : vector<1x16xf32> to vector<16xf32>
      %swap3A_643 = vector.shape_cast %scan3A_600#6 : vector<16xf32> to vector<1x16xf32>
      tpu.vector_store %arg14[%swap3A_639, %swap3A_640], %swap3A_643 {strides = array<i32>} : memref<2x128xf32, #tpu.memory_space<vmem>>, vector<1x16xf32>,
      %swap3A_644 = arith.constant 0 : i32
      %swap3A_645 = arith.index_cast %swap3A_644 : i32 to index
      %swap3A_646 = arith.constant 112 : index
      %swap3A_647 = tpu.vector_load %arg14[%swap3A_645, %swap3A_646] {strides = array<i32>} : memref<2x128xf32, #tpu.memory_space<vmem>>, vector<1x16xf32>,
      %swap3A_648 = vector.shape_cast %swap3A_647 : vector<1x16xf32> to vector<16xf32>
      %swap3A_649 = vector.shape_cast %scan3A_600#7 : vector<16xf32> to vector<1x16xf32>
      tpu.vector_store %arg14[%swap3A_645, %swap3A_646], %swap3A_649 {strides = array<i32>} : memref<2x128xf32, #tpu.memory_space<vmem>>, vector<1x16xf32>,
      %broadcast_in_dim3A_650 = arith.constant 0.000000e+00 : f32
      %broadcast_in_dim3A_651 = vector.broadcast %broadcast_in_dim3A_650 : f32 to vector<16xf32>
      %broadcast_in_dim3A_652 = arith.constant 0.000000e+00 : f32
      %broadcast_in_dim3A_653 = vector.broadcast %broadcast_in_dim3A_652 : f32 to vector<16xf32>
      %broadcast_in_dim3A_654 = arith.constant 0.000000e+00 : f32
      %broadcast_in_dim3A_655 = vector.broadcast %broadcast_in_dim3A_654 : f32 to vector<16xf32>
      %broadcast_in_dim3A_656 = arith.constant 0.000000e+00 : f32
      %broadcast_in_dim3A_657 = vector.broadcast %broadcast_in_dim3A_656 : f32 to vector<16xf32>
      %broadcast_in_dim3A_658 = arith.constant 0.000000e+00 : f32
      %broadcast_in_dim3A_659 = vector.broadcast %broadcast_in_dim3A_658 : f32 to vector<16xf32>
      %broadcast_in_dim3A_660 = arith.constant 0.000000e+00 : f32
      %broadcast_in_dim3A_661 = vector.broadcast %broadcast_in_dim3A_660 : f32 to vector<16xf32>
      %broadcast_in_dim3A_662 = arith.constant 0.000000e+00 : f32
      %broadcast_in_dim3A_663 = vector.broadcast %broadcast_in_dim3A_662 : f32 to vector<16xf32>
      %broadcast_in_dim3A_664 = arith.constant 0.000000e+00 : f32
      %broadcast_in_dim3A_665 = vector.broadcast %broadcast_in_dim3A_664 : f32 to vector<16xf32>
      %scan3A_666 = arith.constant 0 : i32
      %scan3A_667 = arith.constant 8 : i32
      %scan3A_668 = arith.addi %scan3A_666, %scan3A_667 : i32
      %scan3A_669 = arith.constant 1 : i32
      %scan3A_670:8 = scf.for %scan3A_733 = %scan3A_666 to %scan3A_668 step %scan3A_669 iter_args(%scan3A_734 = %broadcast_in_dim3A_651, %scan3A_735 = %broadcast_in_dim3A_653, %scan3A_736 = %broadcast_in_dim3A_655, %scan3A_737 = %broadcast_in_dim3A_657, %scan3A_738 = %broadcast_in_dim3A_659, %scan3A_739 = %broadcast_in_dim3A_661, %scan3A_740 = %broadcast_in_dim3A_663, %scan3A_741 = %broadcast_in_dim3A_665) -> (vector<16xf32>, vector<16xf32>, vector<16xf32>, vector<16xf32>, vector<16xf32>, vector<16xf32>, vector<16xf32>, vector<16xf32>)  : i32 {
        %mul3A_742 = arith.constant 4 : i32
        %mul3A_743 = arith.muli %scan3A_733, %mul3A_742 : i32
        %add3A_744 = arith.constant 32 : i32
        %add3A_745 = arith.addi %add3A_744, %mul3A_743 : i32
        %add3A_746 = arith.constant 0 : i32
        %add3A_747 = arith.addi %add3A_745, %add3A_746 : i32
        %get3A = arith.index_cast %add3A_747 : i32 to index
        %get3A_748 = arith.constant 0 : index
        %get3A_749 = tpu.vector_load %arg10[%get3A, %get3A_748] {strides = array<i32>} : memref<64x128xf32, #tpu.memory_space<vmem>>, vector<1x16xf32>,
        %get3A_750 = vector.shape_cast %get3A_749 : vector<1x16xf32> to vector<16xf32>
        %add3A_751 = arith.addf %scan3A_734, %get3A_750 : vector<16xf32>
        %get3A_752 = arith.index_cast %add3A_747 : i32 to index
        %get3A_753 = arith.constant 16 : index
        %get3A_754 = tpu.vector_load %arg10[%get3A_752, %get3A_753] {strides = array<i32>} : memref<64x128xf32, #tpu.memory_space<vmem>>, vector<1x16xf32>,
        %get3A_755 = vector.shape_cast %get3A_754 : vector<1x16xf32> to vector<16xf32>
        %add3A_756 = arith.addf %scan3A_735, %get3A_755 : vector<16xf32>
        %get3A_757 = arith.index_cast %add3A_747 : i32 to index
        %get3A_758 = arith.constant 32 : index
        %get3A_759 = tpu.vector_load %arg10[%get3A_757, %get3A_758] {strides = array<i32>} : memref<64x128xf32, #tpu.memory_space<vmem>>, vector<1x16xf32>,
        %get3A_760 = vector.shape_cast %get3A_759 : vector<1x16xf32> to vector<16xf32>
        %add3A_761 = arith.addf %scan3A_736, %get3A_760 : vector<16xf32>
        %get3A_762 = arith.index_cast %add3A_747 : i32 to index
        %get3A_763 = arith.constant 48 : index
        %get3A_764 = tpu.vector_load %arg10[%get3A_762, %get3A_763] {strides = array<i32>} : memref<64x128xf32, #tpu.memory_space<vmem>>, vector<1x16xf32>,
        %get3A_765 = vector.shape_cast %get3A_764 : vector<1x16xf32> to vector<16xf32>
        %add3A_766 = arith.addf %scan3A_737, %get3A_765 : vector<16xf32>
        %get3A_767 = arith.index_cast %add3A_747 : i32 to index
        %get3A_768 = arith.constant 64 : index
        %get3A_769 = tpu.vector_load %arg10[%get3A_767, %get3A_768] {strides = array<i32>} : memref<64x128xf32, #tpu.memory_space<vmem>>, vector<1x16xf32>,
        %get3A_770 = vector.shape_cast %get3A_769 : vector<1x16xf32> to vector<16xf32>
        %add3A_771 = arith.addf %scan3A_738, %get3A_770 : vector<16xf32>
        %get3A_772 = arith.index_cast %add3A_747 : i32 to index
        %get3A_773 = arith.constant 80 : index
        %get3A_774 = tpu.vector_load %arg10[%get3A_772, %get3A_773] {strides = array<i32>} : memref<64x128xf32, #tpu.memory_space<vmem>>, vector<1x16xf32>,
        %get3A_775 = vector.shape_cast %get3A_774 : vector<1x16xf32> to vector<16xf32>
        %add3A_776 = arith.addf %scan3A_739, %get3A_775 : vector<16xf32>
        %get3A_777 = arith.index_cast %add3A_747 : i32 to index
        %get3A_778 = arith.constant 96 : index
        %get3A_779 = tpu.vector_load %arg10[%get3A_777, %get3A_778] {strides = array<i32>} : memref<64x128xf32, #tpu.memory_space<vmem>>, vector<1x16xf32>,
        %get3A_780 = vector.shape_cast %get3A_779 : vector<1x16xf32> to vector<16xf32>
        %add3A_781 = arith.addf %scan3A_740, %get3A_780 : vector<16xf32>
        %get3A_782 = arith.index_cast %add3A_747 : i32 to index
        %get3A_783 = arith.constant 112 : index
        %get3A_784 = tpu.vector_load %arg10[%get3A_782, %get3A_783] {strides = array<i32>} : memref<64x128xf32, #tpu.memory_space<vmem>>, vector<1x16xf32>,
        %get3A_785 = vector.shape_cast %get3A_784 : vector<1x16xf32> to vector<16xf32>
        %add3A_786 = arith.addf %scan3A_741, %get3A_785 : vector<16xf32>
        %mul3A_787 = arith.constant 4 : i32
        %mul3A_788 = arith.muli %scan3A_733, %mul3A_787 : i32
        %add3A_789 = arith.constant 32 : i32
        %add3A_790 = arith.addi %add3A_789, %mul3A_788 : i32
        %add3A_791 = arith.constant 1 : i32
        %add3A_792 = arith.addi %add3A_790, %add3A_791 : i32
        %get3A_793 = arith.index_cast %add3A_792 : i32 to index
        %get3A_794 = arith.constant 0 : index
        %get3A_795 = tpu.vector_load %arg10[%get3A_793, %get3A_794] {strides = array<i32>} : memref<64x128xf32, #tpu.memory_space<vmem>>, vector<1x16xf32>,
        %get3A_796 = vector.shape_cast %get3A_795 : vector<1x16xf32> to vector<16xf32>
        %add3A_797 = arith.addf %add3A_751, %get3A_796 : vector<16xf32>
        %get3A_798 = arith.index_cast %add3A_792 : i32 to index
        %get3A_799 = arith.constant 16 : index
        %get3A_800 = tpu.vector_load %arg10[%get3A_798, %get3A_799] {strides = array<i32>} : memref<64x128xf32, #tpu.memory_space<vmem>>, vector<1x16xf32>,
        %get3A_801 = vector.shape_cast %get3A_800 : vector<1x16xf32> to vector<16xf32>
        %add3A_802 = arith.addf %add3A_756, %get3A_801 : vector<16xf32>
        %get3A_803 = arith.index_cast %add3A_792 : i32 to index
        %get3A_804 = arith.constant 32 : index
        %get3A_805 = tpu.vector_load %arg10[%get3A_803, %get3A_804] {strides = array<i32>} : memref<64x128xf32, #tpu.memory_space<vmem>>, vector<1x16xf32>,
        %get3A_806 = vector.shape_cast %get3A_805 : vector<1x16xf32> to vector<16xf32>
        %add3A_807 = arith.addf %add3A_761, %get3A_806 : vector<16xf32>
        %get3A_808 = arith.index_cast %add3A_792 : i32 to index
        %get3A_809 = arith.constant 48 : index
        %get3A_810 = tpu.vector_load %arg10[%get3A_808, %get3A_809] {strides = array<i32>} : memref<64x128xf32, #tpu.memory_space<vmem>>, vector<1x16xf32>,
        %get3A_811 = vector.shape_cast %get3A_810 : vector<1x16xf32> to vector<16xf32>
        %add3A_812 = arith.addf %add3A_766, %get3A_811 : vector<16xf32>
        %get3A_813 = arith.index_cast %add3A_792 : i32 to index
        %get3A_814 = arith.constant 64 : index
        %get3A_815 = tpu.vector_load %arg10[%get3A_813, %get3A_814] {strides = array<i32>} : memref<64x128xf32, #tpu.memory_space<vmem>>, vector<1x16xf32>,
        %get3A_816 = vector.shape_cast %get3A_815 : vector<1x16xf32> to vector<16xf32>
        %add3A_817 = arith.addf %add3A_771, %get3A_816 : vector<16xf32>
        %get3A_818 = arith.index_cast %add3A_792 : i32 to index
        %get3A_819 = arith.constant 80 : index
        %get3A_820 = tpu.vector_load %arg10[%get3A_818, %get3A_819] {strides = array<i32>} : memref<64x128xf32, #tpu.memory_space<vmem>>, vector<1x16xf32>,
        %get3A_821 = vector.shape_cast %get3A_820 : vector<1x16xf32> to vector<16xf32>
        %add3A_822 = arith.addf %add3A_776, %get3A_821 : vector<16xf32>
        %get3A_823 = arith.index_cast %add3A_792 : i32 to index
        %get3A_824 = arith.constant 96 : index
        %get3A_825 = tpu.vector_load %arg10[%get3A_823, %get3A_824] {strides = array<i32>} : memref<64x128xf32, #tpu.memory_space<vmem>>, vector<1x16xf32>,
        %get3A_826 = vector.shape_cast %get3A_825 : vector<1x16xf32> to vector<16xf32>
        %add3A_827 = arith.addf %add3A_781, %get3A_826 : vector<16xf32>
        %get3A_828 = arith.index_cast %add3A_792 : i32 to index
        %get3A_829 = arith.constant 112 : index
        %get3A_830 = tpu.vector_load %arg10[%get3A_828, %get3A_829] {strides = array<i32>} : memref<64x128xf32, #tpu.memory_space<vmem>>, vector<1x16xf32>,
        %get3A_831 = vector.shape_cast %get3A_830 : vector<1x16xf32> to vector<16xf32>
        %add3A_832 = arith.addf %add3A_786, %get3A_831 : vector<16xf32>
        %mul3A_833 = arith.constant 4 : i32
        %mul3A_834 = arith.muli %scan3A_733, %mul3A_833 : i32
        %add3A_835 = arith.constant 32 : i32
        %add3A_836 = arith.addi %add3A_835, %mul3A_834 : i32
        %add3A_837 = arith.constant 2 : i32
        %add3A_838 = arith.addi %add3A_836, %add3A_837 : i32
        %get3A_839 = arith.index_cast %add3A_838 : i32 to index
        %get3A_840 = arith.constant 0 : index
        %get3A_841 = tpu.vector_load %arg10[%get3A_839, %get3A_840] {strides = array<i32>} : memref<64x128xf32, #tpu.memory_space<vmem>>, vector<1x16xf32>,
        %get3A_842 = vector.shape_cast %get3A_841 : vector<1x16xf32> to vector<16xf32>
        %add3A_843 = arith.addf %add3A_797, %get3A_842 : vector<16xf32>
        %get3A_844 = arith.index_cast %add3A_838 : i32 to index
        %get3A_845 = arith.constant 16 : index
        %get3A_846 = tpu.vector_load %arg10[%get3A_844, %get3A_845] {strides = array<i32>} : memref<64x128xf32, #tpu.memory_space<vmem>>, vector<1x16xf32>,
        %get3A_847 = vector.shape_cast %get3A_846 : vector<1x16xf32> to vector<16xf32>
        %add3A_848 = arith.addf %add3A_802, %get3A_847 : vector<16xf32>
        %get3A_849 = arith.index_cast %add3A_838 : i32 to index
        %get3A_850 = arith.constant 32 : index
        %get3A_851 = tpu.vector_load %arg10[%get3A_849, %get3A_850] {strides = array<i32>} : memref<64x128xf32, #tpu.memory_space<vmem>>, vector<1x16xf32>,
        %get3A_852 = vector.shape_cast %get3A_851 : vector<1x16xf32> to vector<16xf32>
        %add3A_853 = arith.addf %add3A_807, %get3A_852 : vector<16xf32>
        %get3A_854 = arith.index_cast %add3A_838 : i32 to index
        %get3A_855 = arith.constant 48 : index
        %get3A_856 = tpu.vector_load %arg10[%get3A_854, %get3A_855] {strides = array<i32>} : memref<64x128xf32, #tpu.memory_space<vmem>>, vector<1x16xf32>,
        %get3A_857 = vector.shape_cast %get3A_856 : vector<1x16xf32> to vector<16xf32>
        %add3A_858 = arith.addf %add3A_812, %get3A_857 : vector<16xf32>
        %get3A_859 = arith.index_cast %add3A_838 : i32 to index
        %get3A_860 = arith.constant 64 : index
        %get3A_861 = tpu.vector_load %arg10[%get3A_859, %get3A_860] {strides = array<i32>} : memref<64x128xf32, #tpu.memory_space<vmem>>, vector<1x16xf32>,
        %get3A_862 = vector.shape_cast %get3A_861 : vector<1x16xf32> to vector<16xf32>
        %add3A_863 = arith.addf %add3A_817, %get3A_862 : vector<16xf32>
        %get3A_864 = arith.index_cast %add3A_838 : i32 to index
        %get3A_865 = arith.constant 80 : index
        %get3A_866 = tpu.vector_load %arg10[%get3A_864, %get3A_865] {strides = array<i32>} : memref<64x128xf32, #tpu.memory_space<vmem>>, vector<1x16xf32>,
        %get3A_867 = vector.shape_cast %get3A_866 : vector<1x16xf32> to vector<16xf32>
        %add3A_868 = arith.addf %add3A_822, %get3A_867 : vector<16xf32>
        %get3A_869 = arith.index_cast %add3A_838 : i32 to index
        %get3A_870 = arith.constant 96 : index
        %get3A_871 = tpu.vector_load %arg10[%get3A_869, %get3A_870] {strides = array<i32>} : memref<64x128xf32, #tpu.memory_space<vmem>>, vector<1x16xf32>,
        %get3A_872 = vector.shape_cast %get3A_871 : vector<1x16xf32> to vector<16xf32>
        %add3A_873 = arith.addf %add3A_827, %get3A_872 : vector<16xf32>
        %get3A_874 = arith.index_cast %add3A_838 : i32 to index
        %get3A_875 = arith.constant 112 : index
        %get3A_876 = tpu.vector_load %arg10[%get3A_874, %get3A_875] {strides = array<i32>} : memref<64x128xf32, #tpu.memory_space<vmem>>, vector<1x16xf32>,
        %get3A_877 = vector.shape_cast %get3A_876 : vector<1x16xf32> to vector<16xf32>
        %add3A_878 = arith.addf %add3A_832, %get3A_877 : vector<16xf32>
        %mul3A_879 = arith.constant 4 : i32
        %mul3A_880 = arith.muli %scan3A_733, %mul3A_879 : i32
        %add3A_881 = arith.constant 32 : i32
        %add3A_882 = arith.addi %add3A_881, %mul3A_880 : i32
        %add3A_883 = arith.constant 3 : i32
        %add3A_884 = arith.addi %add3A_882, %add3A_883 : i32
        %get3A_885 = arith.index_cast %add3A_884 : i32 to index
        %get3A_886 = arith.constant 0 : index
        %get3A_887 = tpu.vector_load %arg10[%get3A_885, %get3A_886] {strides = array<i32>} : memref<64x128xf32, #tpu.memory_space<vmem>>, vector<1x16xf32>,
        %get3A_888 = vector.shape_cast %get3A_887 : vector<1x16xf32> to vector<16xf32>
        %add3A_889 = arith.addf %add3A_843, %get3A_888 : vector<16xf32>
        %get3A_890 = arith.index_cast %add3A_884 : i32 to index
        %get3A_891 = arith.constant 16 : index
        %get3A_892 = tpu.vector_load %arg10[%get3A_890, %get3A_891] {strides = array<i32>} : memref<64x128xf32, #tpu.memory_space<vmem>>, vector<1x16xf32>,
        %get3A_893 = vector.shape_cast %get3A_892 : vector<1x16xf32> to vector<16xf32>
        %add3A_894 = arith.addf %add3A_848, %get3A_893 : vector<16xf32>
        %get3A_895 = arith.index_cast %add3A_884 : i32 to index
        %get3A_896 = arith.constant 32 : index
        %get3A_897 = tpu.vector_load %arg10[%get3A_895, %get3A_896] {strides = array<i32>} : memref<64x128xf32, #tpu.memory_space<vmem>>, vector<1x16xf32>,
        %get3A_898 = vector.shape_cast %get3A_897 : vector<1x16xf32> to vector<16xf32>
        %add3A_899 = arith.addf %add3A_853, %get3A_898 : vector<16xf32>
        %get3A_900 = arith.index_cast %add3A_884 : i32 to index
        %get3A_901 = arith.constant 48 : index
        %get3A_902 = tpu.vector_load %arg10[%get3A_900, %get3A_901] {strides = array<i32>} : memref<64x128xf32, #tpu.memory_space<vmem>>, vector<1x16xf32>,
        %get3A_903 = vector.shape_cast %get3A_902 : vector<1x16xf32> to vector<16xf32>
        %add3A_904 = arith.addf %add3A_858, %get3A_903 : vector<16xf32>
        %get3A_905 = arith.index_cast %add3A_884 : i32 to index
        %get3A_906 = arith.constant 64 : index
        %get3A_907 = tpu.vector_load %arg10[%get3A_905, %get3A_906] {strides = array<i32>} : memref<64x128xf32, #tpu.memory_space<vmem>>, vector<1x16xf32>,
        %get3A_908 = vector.shape_cast %get3A_907 : vector<1x16xf32> to vector<16xf32>
        %add3A_909 = arith.addf %add3A_863, %get3A_908 : vector<16xf32>
        %get3A_910 = arith.index_cast %add3A_884 : i32 to index
        %get3A_911 = arith.constant 80 : index
        %get3A_912 = tpu.vector_load %arg10[%get3A_910, %get3A_911] {strides = array<i32>} : memref<64x128xf32, #tpu.memory_space<vmem>>, vector<1x16xf32>,
        %get3A_913 = vector.shape_cast %get3A_912 : vector<1x16xf32> to vector<16xf32>
        %add3A_914 = arith.addf %add3A_868, %get3A_913 : vector<16xf32>
        %get3A_915 = arith.index_cast %add3A_884 : i32 to index
        %get3A_916 = arith.constant 96 : index
        %get3A_917 = tpu.vector_load %arg10[%get3A_915, %get3A_916] {strides = array<i32>} : memref<64x128xf32, #tpu.memory_space<vmem>>, vector<1x16xf32>,
        %get3A_918 = vector.shape_cast %get3A_917 : vector<1x16xf32> to vector<16xf32>
        %add3A_919 = arith.addf %add3A_873, %get3A_918 : vector<16xf32>
        %get3A_920 = arith.index_cast %add3A_884 : i32 to index
        %get3A_921 = arith.constant 112 : index
        %get3A_922 = tpu.vector_load %arg10[%get3A_920, %get3A_921] {strides = array<i32>} : memref<64x128xf32, #tpu.memory_space<vmem>>, vector<1x16xf32>,
        %get3A_923 = vector.shape_cast %get3A_922 : vector<1x16xf32> to vector<16xf32>
        %add3A_924 = arith.addf %add3A_878, %get3A_923 : vector<16xf32>
        scf.yield %add3A_889, %add3A_894, %add3A_899, %add3A_904, %add3A_909, %add3A_914, %add3A_919, %add3A_924 : vector<16xf32>, vector<16xf32>, vector<16xf32>, vector<16xf32>, vector<16xf32>, vector<16xf32>, vector<16xf32>, vector<16xf32>
      }
      %scan3A_671 = arith.constant 8 : i32
      %swap3A_672 = arith.constant 1 : i32
      %swap3A_673 = arith.index_cast %swap3A_672 : i32 to index
      %swap3A_674 = arith.constant 0 : index
      %swap3A_675 = tpu.vector_load %arg14[%swap3A_673, %swap3A_674] {strides = array<i32>} : memref<2x128xf32, #tpu.memory_space<vmem>>, vector<1x16xf32>,
      %swap3A_676 = vector.shape_cast %swap3A_675 : vector<1x16xf32> to vector<16xf32>
      %swap3A_677 = vector.shape_cast %scan3A_670#0 : vector<16xf32> to vector<1x16xf32>
      tpu.vector_store %arg14[%swap3A_673, %swap3A_674], %swap3A_677 {strides = array<i32>} : memref<2x128xf32, #tpu.memory_space<vmem>>, vector<1x16xf32>,
      %swap3A_678 = arith.constant 1 : i32
      %swap3A_679 = arith.index_cast %swap3A_678 : i32 to index
      %swap3A_680 = arith.constant 16 : index
      %swap3A_681 = tpu.vector_load %arg14[%swap3A_679, %swap3A_680] {strides = array<i32>} : memref<2x128xf32, #tpu.memory_space<vmem>>, vector<1x16xf32>,
      %swap3A_682 = vector.shape_cast %swap3A_681 : vector<1x16xf32> to vector<16xf32>
      %swap3A_683 = vector.shape_cast %scan3A_670#1 : vector<16xf32> to vector<1x16xf32>
      tpu.vector_store %arg14[%swap3A_679, %swap3A_680], %swap3A_683 {strides = array<i32>} : memref<2x128xf32, #tpu.memory_space<vmem>>, vector<1x16xf32>,
      %swap3A_684 = arith.constant 1 : i32
      %swap3A_685 = arith.index_cast %swap3A_684 : i32 to index
      %swap3A_686 = arith.constant 32 : index
      %swap3A_687 = tpu.vector_load %arg14[%swap3A_685, %swap3A_686] {strides = array<i32>} : memref<2x128xf32, #tpu.memory_space<vmem>>, vector<1x16xf32>,
      %swap3A_688 = vector.shape_cast %swap3A_687 : vector<1x16xf32> to vector<16xf32>
      %swap3A_689 = vector.shape_cast %scan3A_670#2 : vector<16xf32> to vector<1x16xf32>
      tpu.vector_store %arg14[%swap3A_685, %swap3A_686], %swap3A_689 {strides = array<i32>} : memref<2x128xf32, #tpu.memory_space<vmem>>, vector<1x16xf32>,
      %swap3A_690 = arith.constant 1 : i32
      %swap3A_691 = arith.index_cast %swap3A_690 : i32 to index
      %swap3A_692 = arith.constant 48 : index
      %swap3A_693 = tpu.vector_load %arg14[%swap3A_691, %swap3A_692] {strides = array<i32>} : memref<2x128xf32, #tpu.memory_space<vmem>>, vector<1x16xf32>,
      %swap3A_694 = vector.shape_cast %swap3A_693 : vector<1x16xf32> to vector<16xf32>
      %swap3A_695 = vector.shape_cast %scan3A_670#3 : vector<16xf32> to vector<1x16xf32>
      tpu.vector_store %arg14[%swap3A_691, %swap3A_692], %swap3A_695 {strides = array<i32>} : memref<2x128xf32, #tpu.memory_space<vmem>>, vector<1x16xf32>,
      %swap3A_696 = arith.constant 1 : i32
      %swap3A_697 = arith.index_cast %swap3A_696 : i32 to index
      %swap3A_698 = arith.constant 64 : index
      %swap3A_699 = tpu.vector_load %arg14[%swap3A_697, %swap3A_698] {strides = array<i32>} : memref<2x128xf32, #tpu.memory_space<vmem>>, vector<1x16xf32>,
      %swap3A_700 = vector.shape_cast %swap3A_699 : vector<1x16xf32> to vector<16xf32>
      %swap3A_701 = vector.shape_cast %scan3A_670#4 : vector<16xf32> to vector<1x16xf32>
      tpu.vector_store %arg14[%swap3A_697, %swap3A_698], %swap3A_701 {strides = array<i32>} : memref<2x128xf32, #tpu.memory_space<vmem>>, vector<1x16xf32>,
      %swap3A_702 = arith.constant 1 : i32
      %swap3A_703 = arith.index_cast %swap3A_702 : i32 to index
      %swap3A_704 = arith.constant 80 : index
      %swap3A_705 = tpu.vector_load %arg14[%swap3A_703, %swap3A_704] {strides = array<i32>} : memref<2x128xf32, #tpu.memory_space<vmem>>, vector<1x16xf32>,
      %swap3A_706 = vector.shape_cast %swap3A_705 : vector<1x16xf32> to vector<16xf32>
      %swap3A_707 = vector.shape_cast %scan3A_670#5 : vector<16xf32> to vector<1x16xf32>
      tpu.vector_store %arg14[%swap3A_703, %swap3A_704], %swap3A_707 {strides = array<i32>} : memref<2x128xf32, #tpu.memory_space<vmem>>, vector<1x16xf32>,
      %swap3A_708 = arith.constant 1 : i32
      %swap3A_709 = arith.index_cast %swap3A_708 : i32 to index
      %swap3A_710 = arith.constant 96 : index
      %swap3A_711 = tpu.vector_load %arg14[%swap3A_709, %swap3A_710] {strides = array<i32>} : memref<2x128xf32, #tpu.memory_space<vmem>>, vector<1x16xf32>,
      %swap3A_712 = vector.shape_cast %swap3A_711 : vector<1x16xf32> to vector<16xf32>
      %swap3A_713 = vector.shape_cast %scan3A_670#6 : vector<16xf32> to vector<1x16xf32>
      tpu.vector_store %arg14[%swap3A_709, %swap3A_710], %swap3A_713 {strides = array<i32>} : memref<2x128xf32, #tpu.memory_space<vmem>>, vector<1x16xf32>,
      %swap3A_714 = arith.constant 1 : i32
      %swap3A_715 = arith.index_cast %swap3A_714 : i32 to index
      %swap3A_716 = arith.constant 112 : index
      %swap3A_717 = tpu.vector_load %arg14[%swap3A_715, %swap3A_716] {strides = array<i32>} : memref<2x128xf32, #tpu.memory_space<vmem>>, vector<1x16xf32>,
      %swap3A_718 = vector.shape_cast %swap3A_717 : vector<1x16xf32> to vector<16xf32>
      %swap3A_719 = vector.shape_cast %scan3A_670#7 : vector<16xf32> to vector<1x16xf32>
      tpu.vector_store %arg14[%swap3A_715, %swap3A_716], %swap3A_719 {strides = array<i32>} : memref<2x128xf32, #tpu.memory_space<vmem>>, vector<1x16xf32>,
      %mul3A_720 = arith.constant 2 : i32
      %mul3A_721 = arith.muli %add3A_568, %mul3A_720 : i32
      %add3A_722 = arith.addi %mul3A_2, %mul3A_721 : i32
      %dma_start3A_723 = arith.constant 0 : i32
      %dma_start3A_724 = tpu.memref_slice %arg4[%add3A_722, %dma_start3A_723] : memref<10000x128xf32, #tpu.memory_space<hbm>> -> memref<2x128xf32, #tpu.memory_space<hbm>>
      %dma_start3A_725 = arith.constant 0 : i32
      %dma_start3A_726 = tpu.memref_slice %arg4[%add3A_722, %dma_start3A_725] : memref<10000x128xf32, #tpu.memory_space<hbm>> -> memref<2x128xf32, #tpu.memory_space<hbm>>
      tpu.enqueue_dma source(%arg14 : memref<2x128xf32, #tpu.memory_space<vmem>>) target(%dma_start3A_726 : memref<2x128xf32, #tpu.memory_space<hbm>>) target_semaphore(%arg22 : memref<!tpu.dma_semaphore, #tpu.memory_space<semaphore_mem>>)
      %sub3A_727 = arith.constant 1 : i32
      %sub3A_728 = arith.subi %select_n3A, %sub3A_727 : i32
      %lt3A_729 = arith.cmpi slt, %while3A_65, %sub3A_728 : i32
      %convert_element_type3A_730 = arith.extui %lt3A_729 : i1 to i32
      %cond3A_731 = arith.constant 0 : i32
      %cond3A_732 = arith.cmpi ne, %convert_element_type3A_730, %cond3A_731 : i32
      scf.if %cond3A_732 {
        %add3A_733 = arith.constant 4 : i32
        %add3A_734 = arith.addi %add3A_568, %add3A_733 : i32
        %mul3A_735 = arith.constant 64 : i32
        %mul3A_736 = arith.muli %add3A_734, %mul3A_735 : i32
        %dma_start3A_737 = tpu.memref_slice %arg6[%mul3A_736] : memref<10240xi32, #tpu.memory_space<vmem>> -> memref<64xi32, #tpu.memory_space<vmem>>
        %dma_start3A_738 = arith.constant 0 : i32
        %dma_start3A_739 = arith.constant 0 : i32
        %dma_start3A_740 = tpu.memref_slice %arg5[%dma_start3A_738, %dma_start3A_739] : memref<10000x128xf32, #tpu.memory_space<vmem_shared>> -> memref<10000x128xf32, #tpu.memory_space<vmem_shared>>
        tpu.enqueue_indirect_dma source(%dma_start3A_740 : memref<10000x128xf32, #tpu.memory_space<vmem_shared>>) target(%arg10 : memref<64x128xf32, #tpu.memory_space<vmem>>) offsets(%dma_start3A_737 : memref<64xi32, #tpu.memory_space<vmem>>) semaphore(%arg18 : memref<!tpu.dma_semaphore, #tpu.memory_space<semaphore_mem>>)
      } else {
      }
    }
    %dma_wait3A = arith.constant 0 : i32
    %dma_wait3A_50 = tpu.memref_slice %arg4[%mul3A_2, %dma_wait3A] : memref<10000x128xf32, #tpu.memory_space<hbm>> -> memref<2x128xf32, #tpu.memory_space<hbm>>
    %dma_wait3A_51 = arith.constant 0 : i32
    %dma_wait3A_52 = tpu.memref_slice %arg4[%mul3A_2, %dma_wait3A_51] : memref<10000x128xf32, #tpu.memory_space<hbm>> -> memref<2x128xf32, #tpu.memory_space<hbm>>
    tpu.wait_dma2 semaphore(%arg19 : memref<!tpu.dma_semaphore, #tpu.memory_space<semaphore_mem>>) src(%arg11 : memref<2x128xf32, #tpu.memory_space<vmem>>) dst(%dma_wait3A_52 : memref<2x128xf32, #tpu.memory_space<hbm>>)
    %dma_wait3A_53 = arith.constant 0 : i32
    %dma_wait3A_54 = tpu.memref_slice %arg4[%mul3A_2, %dma_wait3A_53] : memref<10000x128xf32, #tpu.memory_space<hbm>> -> memref<2x128xf32, #tpu.memory_space<hbm>>
    %dma_wait3A_55 = arith.constant 0 : i32
    %dma_wait3A_56 = tpu.memref_slice %arg4[%mul3A_2, %dma_wait3A_55] : memref<10000x128xf32, #tpu.memory_space<hbm>> -> memref<2x128xf32, #tpu.memory_space<hbm>>
    tpu.wait_dma2 semaphore(%arg20 : memref<!tpu.dma_semaphore, #tpu.memory_space<semaphore_mem>>) src(%arg12 : memref<2x128xf32, #tpu.memory_space<vmem>>) dst(%dma_wait3A_56 : memref<2x128xf32, #tpu.memory_space<hbm>>)
    %dma_wait3A_57 = arith.constant 0 : i32
    %dma_wait3A_58 = tpu.memref_slice %arg4[%mul3A_2, %dma_wait3A_57] : memref<10000x128xf32, #tpu.memory_space<hbm>> -> memref<2x128xf32, #tpu.memory_space<hbm>>
    %dma_wait3A_59 = arith.constant 0 : i32
    %dma_wait3A_60 = tpu.memref_slice %arg4[%mul3A_2, %dma_wait3A_59] : memref<10000x128xf32, #tpu.memory_space<hbm>> -> memref<2x128xf32, #tpu.memory_space<hbm>>
    tpu.wait_dma2 semaphore(%arg21 : memref<!tpu.dma_semaphore, #tpu.memory_space<semaphore_mem>>) src(%arg13 : memref<2x128xf32, #tpu.memory_space<vmem>>) dst(%dma_wait3A_60 : memref<2x128xf32, #tpu.memory_space<hbm>>)
    %dma_wait3A_61 = arith.constant 0 : i32
    %dma_wait3A_62 = tpu.memref_slice %arg4[%mul3A_2, %dma_wait3A_61] : memref<10000x128xf32, #tpu.memory_space<hbm>> -> memref<2x128xf32, #tpu.memory_space<hbm>>
    %dma_wait3A_63 = arith.constant 0 : i32
    %dma_wait3A_64 = tpu.memref_slice %arg4[%mul3A_2, %dma_wait3A_63] : memref<10000x128xf32, #tpu.memory_space<hbm>> -> memref<2x128xf32, #tpu.memory_space<hbm>>
    tpu.wait_dma2 semaphore(%arg22 : memref<!tpu.dma_semaphore, #tpu.memory_space<semaphore_mem>>) src(%arg14 : memref<2x128xf32, #tpu.memory_space<vmem>>) dst(%dma_wait3A_64 : memref<2x128xf32, #tpu.memory_space<hbm>>)
    return
  }
}

module attributes {stable_mosaic.version = 14 : i64} {
  func.func @_tc_self_body(%arg0: i32, %arg1: memref<2000x128xf32, #tpu.memory_space<vmem>>, %arg2: memref<128x128xf32, #tpu.memory_space<vmem>>, %arg3: memref<1x128xf32, #tpu.memory_space<vmem>>, %arg4: memref<2000x128xf32, #tpu.memory_space<vmem>>) attributes {dimension_semantics = [#tpu.dimension_semantics<arbitrary>], iteration_bounds = array<i64: 5>, scalar_prefetch = 0 : i64, scratch_operands = 0 : i64, tpu.core_type = #tpu.core_type<tc>, window_params = [{transform_indices = @transform_0, window_bounds = array<i64: 2000, 128>}, {pipeline_mode = #tpu.pipeline_mode<synchronous>, transform_indices = @transform_1, window_bounds = array<i64: 128, 128>}, {pipeline_mode = #tpu.pipeline_mode<synchronous>, transform_indices = @transform_2, window_bounds = array<i64: 1, 128>}, {transform_indices = @transform_3, window_bounds = array<i64: 2000, 128>}]} {
    %get3A = arith.constant 0 : index
    %get3A_0 = arith.constant 0 : index
    %get3A_1 = vector.load %arg1[%get3A, %get3A_0] : memref<2000x128xf32, #tpu.memory_space<vmem>>, vector<2000x128xf32>
    %get3A_2 = arith.constant 0 : index
    %get3A_3 = arith.constant 0 : index
    %get3A_4 = vector.load %arg2[%get3A_2, %get3A_3] : memref<128x128xf32, #tpu.memory_space<vmem>>, vector<128x128xf32>
    %dot_general3A = arith.constant dense<0.000000e+00> : vector<2000x128xf32>
    %dot_general3A_5 = tpu.matmul %get3A_1, %get3A_4, %dot_general3A {dimension_numbers = #tpu.dot_dimension_numbers<[1], [0], [0], [1], [0, 0, 1, 1], [], []>, precision = #tpu.contract_precision<fp32>, transpose_lhs_hint = false} : vector<2000x128xf32>, vector<128x128xf32>, vector<2000x128xf32> -> vector<2000x128xf32>
    %get3A_6 = arith.constant 0 : index
    %get3A_7 = arith.constant 0 : index
    %get3A_8 = vector.load %arg3[%get3A_6, %get3A_7] : memref<1x128xf32, #tpu.memory_space<vmem>>, vector<1x128xf32>
    %add3A = vector.broadcast %get3A_8 : vector<1x128xf32> to vector<2000x128xf32>
    %add3A_9 = arith.addf %dot_general3A_5, %add3A : vector<2000x128xf32>
    %swap3A = arith.constant 0 : index
    %swap3A_10 = arith.constant 0 : index
    %swap3A_11 = vector.load %arg4[%swap3A, %swap3A_10] : memref<2000x128xf32, #tpu.memory_space<vmem>>, vector<2000x128xf32>
    tpu.vector_store %arg4[%swap3A, %swap3A_10], %add3A_9 {strides = array<i32>} : memref<2000x128xf32, #tpu.memory_space<vmem>>, vector<2000x128xf32>,
    return
  }
  func.func @transform_0(%arg0: i32) -> (i32, i32) {
    %c0_i32 = arith.constant 0 : i32
    %c0_i32_0 = arith.constant 0 : i32
    return %arg0, %c0_i32 : i32, i32
  }
  func.func @transform_1(%arg0: i32) -> (i32, i32) {
    %c0_i32 = arith.constant 0 : i32
    %c0_i32_0 = arith.constant 0 : i32
    %c0_i32_1 = arith.constant 0 : i32
    return %c0_i32, %c0_i32_0 : i32, i32
  }
  func.func @transform_2(%arg0: i32) -> (i32, i32) {
    %c0_i32 = arith.constant 0 : i32
    %c0_i32_0 = arith.constant 0 : i32
    %c0_i32_1 = arith.constant 0 : i32
    return %c0_i32, %c0_i32_0 : i32, i32
  }
  func.func @transform_3(%arg0: i32) -> (i32, i32) {
    %c0_i32 = arith.constant 0 : i32
    %c0_i32_0 = arith.constant 0 : i32
    return %arg0, %c0_i32 : i32, i32
  }
}

module attributes {stable_mosaic.version = 14 : i64} {
  func.func @_tc_comb_body(%arg0: i32, %arg1: memref<2000x128xf32, #tpu.memory_space<vmem>>, %arg2: memref<2000x128xf32, #tpu.memory_space<vmem>>, %arg3: memref<128x128xf32, #tpu.memory_space<vmem>>, %arg4: memref<2000x128xf32, #tpu.memory_space<vmem>>) attributes {dimension_semantics = [#tpu.dimension_semantics<arbitrary>], iteration_bounds = array<i64: 5>, scalar_prefetch = 0 : i64, scratch_operands = 0 : i64, tpu.core_type = #tpu.core_type<tc>, window_params = [{transform_indices = @transform_0, window_bounds = array<i64: 2000, 128>}, {transform_indices = @transform_1, window_bounds = array<i64: 2000, 128>}, {pipeline_mode = #tpu.pipeline_mode<synchronous>, transform_indices = @transform_2, window_bounds = array<i64: 128, 128>}, {transform_indices = @transform_3, window_bounds = array<i64: 2000, 128>}]} {
    %get3A = arith.constant 0 : index
    %get3A_0 = arith.constant 0 : index
    %get3A_1 = vector.load %arg1[%get3A, %get3A_0] : memref<2000x128xf32, #tpu.memory_space<vmem>>, vector<2000x128xf32>
    %get3A_2 = arith.constant 0 : index
    %get3A_3 = arith.constant 0 : index
    %get3A_4 = vector.load %arg2[%get3A_2, %get3A_3] : memref<2000x128xf32, #tpu.memory_space<vmem>>, vector<2000x128xf32>
    %get3A_5 = arith.constant 0 : index
    %get3A_6 = arith.constant 0 : index
    %get3A_7 = vector.load %arg3[%get3A_5, %get3A_6] : memref<128x128xf32, #tpu.memory_space<vmem>>, vector<128x128xf32>
    %dot_general3A = arith.constant dense<0.000000e+00> : vector<2000x128xf32>
    %dot_general3A_8 = tpu.matmul %get3A_4, %get3A_7, %dot_general3A {dimension_numbers = #tpu.dot_dimension_numbers<[1], [0], [0], [1], [0, 0, 1, 1], [], []>, transpose_lhs_hint = false} : vector<2000x128xf32>, vector<128x128xf32>, vector<2000x128xf32> -> vector<2000x128xf32>
    %add3A = arith.addf %get3A_1, %dot_general3A_8 : vector<2000x128xf32>
    %max3A = arith.constant 0.000000e+00 : f32
    %max3A_9 = vector.broadcast %max3A : f32 to vector<2000x128xf32>
    %max3A_10 = arith.maximumf %add3A, %max3A_9 : vector<2000x128xf32>
    %swap3A = arith.constant 0 : index
    %swap3A_11 = arith.constant 0 : index
    %swap3A_12 = vector.load %arg4[%swap3A, %swap3A_11] : memref<2000x128xf32, #tpu.memory_space<vmem>>, vector<2000x128xf32>
    tpu.vector_store %arg4[%swap3A, %swap3A_11], %max3A_10 {strides = array<i32>} : memref<2000x128xf32, #tpu.memory_space<vmem>>, vector<2000x128xf32>,
    return
  }
  func.func @transform_0(%arg0: i32) -> (i32, i32) {
    %c0_i32 = arith.constant 0 : i32
    %c0_i32_0 = arith.constant 0 : i32
    return %arg0, %c0_i32 : i32, i32
  }
  func.func @transform_1(%arg0: i32) -> (i32, i32) {
    %c0_i32 = arith.constant 0 : i32
    %c0_i32_0 = arith.constant 0 : i32
    return %arg0, %c0_i32 : i32, i32
  }
  func.func @transform_2(%arg0: i32) -> (i32, i32) {
    %c0_i32 = arith.constant 0 : i32
    %c0_i32_0 = arith.constant 0 : i32
    %c0_i32_1 = arith.constant 0 : i32
    return %c0_i32, %c0_i32_0 : i32, i32
  }
  func.func @transform_3(%arg0: i32) -> (i32, i32) {
    %c0_i32 = arith.constant 0 : i32
    %c0_i32_0 = arith.constant 0 : i32
    return %arg0, %c0_i32 : i32, i32
  }
}

</mosaic_0001>

<sc_bundles>
// kernel: kernel.5.cloned.1.call-start
scs
__scs_entry_jumppad:
0x0: {  	(pc) =	sbr.rel $0x88, $3  }
0x1: {  	(tag) =	ssettag $0x0;
	lr =	simm.s32 $0x1  }
0x2: {  	[smem:$0x3F9B] =	sst lr;
	_ =	strace $0xD0000000  }
0x3: {  	_ = 	snop  }
0x4: {  	_ = 	snop  }
0x5: {  	_ = 	snop  }
0x6: {  	_ = 	snop  }
0x7: {  	_ = 	snop  }
__scs_overlays_trampoline_lowered:
0x8: {  	[smem:$0x3FAA] =	sst s0  }
0x9: {  	[smem:$0x3FAB] =	sst s1  }
0xa: {  	[smem:$0x3FAC] =	sst s2  }
0xb: {  	[smem:$0x3FAD] =	sst s3  }
0xc: {  	[smem:$0x3FAE] =	sst s4  }
0xd: {  	[smem:$0x3FAF] =	sst s5  }
0xe: {  	[smem:$0x3FB0] =	sst s6  }
0xf: {  	[smem:$0x3FB1] =	sst s7  }
0x10: {  	[smem:$0x3FB2] =	sst s8  }
0x11: {  	[smem:$0x3FB3] =	sst s9;
	s0 =	simm.s32 @!p0 $0x0  }
0x12: {  	s1 =	sld [smem:$0x3F99];
	s0 =	simm.s32 @p0 $0x1  }
0x13: {  	[smem:$0x3FB4] =	sst s0;
	s0 =	simm.s32 @!p1 $0x0  }
0x14: {  	s2 =	sld [smem:$0x3F98];
	s0 =	simm.s32 @p1 $0x1  }
0x15: {  	[smem:$0x3FB5] =	sst s0;
	s0 =	simm.s32 @!p2 $0x0  }
0x16: {  	s3 =	sld [smem:$0x3FDB];
	s0 =	simm.s32 @p2 $0x1  }
0x17: {  	s4 =	simm.s32 $0x1BF5;
	[smem:$0x3FB7] =	sst s0  }
0x18: {  	s0 =	sld [smem:$0x3F9A];
	_ =	swait.ge [sflag:s4], $0x0  }
0x19: {  	s7 =	sld [smem:$0x3F9B]  }
0x1a: {  	s8 =	sadd.s32 $0xFFFFE003, lr  }
0x1b: {  	s9 =	sadd.s32 $0xFFFFFEF7, lr;
	s5 =	simm.s32 $0xFFFFFFFF;
	p2 =	slt.u32 s8, $0xFFFFF086  }
0x1c: {  	p1 =	slt.u32 s9, $0xF7A;
	s5 =	simm.s32 @!p2 $0x0  }
0x1d: {  	s5 =	simm.s32 @p1 $0x1;
	p0 =	seq.s32 s7, s2  }
0x1e: {  	s7 =	smul.u32 @!p0 $0xF7A, s2;
	p2 =	seq.s32 @!p0 s5, $0x0  }
0x1f: {  	s9 =	smul.u32 $0xF7A, s1;
	s8 =	simm.s32 @!p0 $0x1BF5;
	p2 =	por !p2, p0  }
0x20: {  	[sflag:s8] =	ssyncset.s32 @!p0 $0xFFFFF086;
	s6 =	sadd.s32 @!p0 s3, s7;
	s7 =	simm.s32 @!p0 $0x108  }
0x21: {  	s3 =	sadd.s32 s3, s9;
	s6 =	sadd.s32 @!p0 $0x88, s6;
	s7 =	simm.s32 @p2 $0x1082  }
0x22: {  	[simem:s7], [sflag:s8] =	dma.local @!p0 [hbm:s6], $0xF7A  }
0x23: {  	s9 =	sor.u32 $0xD0000000, s2;
	s6 =	simm.s32 $0x108;
	_ =	swait.ge @!p0 [sflag:s8], $0x0  }
0x24: {  	s3 =	sadd.s32 $0x88, s3;
	s6 =	simm.s32 @!p1 $0x1082;
	[sflag:s4] =	ssyncset.s32 $0xFFFFF086  }
0x25: {  	[simem:s6], [sflag:s4] =	dma.local [hbm:s3], $0xF7A  }
0x26: {  	[smem:$0x3F9B] =	sst s1;
	(tag) =	ssettag s2;
	_ =	strace s9  }
0x27: {  	s1 =	sld [smem:$0x3FAB]  }
0x28: {  	s2 =	sld [smem:$0x3FAC]  }
0x29: {  	s4 =	sld [smem:$0x3FAE]  }
0x2a: {  	p0 =	seq.s32 s5, $0x0;
	s5 =	sld [smem:$0x3FAF]  }
0x2b: {  	s6 =	sld [smem:$0x3FB0]  }
0x2c: {  	s7 =	sld [smem:$0x3FB1]  }
0x2d: {  	s3 =	simm.s32 $0x108;
	s8 =	sld [smem:$0x3FB2]  }
0x2e: {  	s3 =	simm.s32 @!p0 $0x1082;
	s9 =	sld [smem:$0x3FB3]  }
0x2f: {  	lr =	sadd.s32 s0, s3;
	s0 =	sld [smem:$0x3FAA]  }
0x30: {  	s3 =	sld [smem:$0x3FAD]  }
0x31: {  	[smem:$0x3FB6] =	sst s10  }
0x32: {  	s10 =	sld [smem:$0x3FB4];
	_ =	sdelay $0x3  }
0x33: {  	p0 =	seq.s32 s10, $0x1;
	s10 =	sld [smem:$0x3FB6];
	_ =	sdelay $0x3  }
0x34: {  	[smem:$0x3FB6] =	sst s10  }
0x35: {  	s10 =	sld [smem:$0x3FB5];
	_ =	sdelay $0x3  }
0x36: {  	p1 =	seq.s32 s10, $0x1;
	s10 =	sld [smem:$0x3FB6];
	_ =	sdelay $0x3  }
0x37: {  	[smem:$0x3FB6] =	sst s10  }
0x38: {  	s10 =	sld [smem:$0x3FB7]  }
0x39: {  	_ = 	snop;
	(pc) =	sbr.ind lr, $3  }
0x3a: {  	_ = 	snop  }
0x3b: {  	_ = 	snop  }
0x3c: {  	p2 =	seq.s32 s10, $0x1;
	s10 =	sld [smem:$0x3FB6]  }
0x3d: {  	_ =	shalt  }
0x3e: {  	_ =	shalt  }
0x3f: {  	_ =	shalt  }
0x40: {  	_ =	shalt  }
0x41: {  	_ =	shalt  }
0x42: {  	_ =	shalt  }
0x43: {  	_ =	shalt  }
0x44: {  	_ =	shalt  }
0x45: {  	_ =	shalt  }
0x46: {  	_ =	shalt  }
0x47: {  	_ =	shalt  }
0x48: {  	_ =	shalt  }
0x49: {  	_ =	shalt  }
0x4a: {  	_ =	shalt  }
0x4b: {  	_ =	shalt  }
0x4c: {  	_ =	shalt  }
0x4d: {  	_ =	shalt  }
0x4e: {  	_ =	shalt  }
0x4f: {  	_ =	shalt  }
0x50: {  	_ =	shalt  }
0x51: {  	_ =	shalt  }
0x52: {  	_ =	shalt  }
0x53: {  	_ =	shalt  }
0x54: {  	_ =	shalt  }
0x55: {  	_ =	shalt  }
0x56: {  	_ =	shalt  }
0x57: {  	_ =	shalt  }
0x58: {  	_ =	shalt  }
0x59: {  	_ =	shalt  }
0x5a: {  	_ =	shalt  }
0x5b: {  	_ =	shalt  }
0x5c: {  	_ =	shalt  }
0x5d: {  	_ =	shalt  }
0x5e: {  	_ =	shalt  }
0x5f: {  	_ =	shalt  }
0x60: {  	_ =	shalt  }
0x61: {  	_ =	shalt  }
0x62: {  	_ =	shalt  }
0x63: {  	_ =	shalt  }
0x64: {  	_ =	shalt  }
0x65: {  	_ =	shalt  }
0x66: {  	_ =	shalt  }
0x67: {  	_ =	shalt  }
0x68: {  	_ =	shalt  }
0x69: {  	_ =	shalt  }
0x6a: {  	_ =	shalt  }
0x6b: {  	_ =	shalt  }
0x6c: {  	_ =	shalt  }
0x6d: {  	_ =	shalt  }
0x6e: {  	_ =	shalt  }
0x6f: {  	_ =	shalt  }
0x70: {  	_ =	shalt  }
0x71: {  	_ =	shalt  }
0x72: {  	_ =	shalt  }
0x73: {  	_ =	shalt  }
0x74: {  	_ =	shalt  }
0x75: {  	_ =	shalt  }
0x76: {  	_ =	shalt  }
0x77: {  	_ =	shalt  }
0x78: {  	_ =	shalt  }
0x79: {  	_ =	shalt  }
0x7a: {  	_ =	shalt  }
0x7b: {  	_ =	shalt  }
0x7c: {  	_ =	shalt  }
0x7d: {  	_ =	shalt  }
0x7e: {  	_ =	shalt  }
0x7f: {  	_ =	shalt  }
0x80: {  	_ =	shalt  }
0x81: {  	_ =	shalt  }
0x82: {  	_ =	shalt  }
0x83: {  	_ =	shalt  }
0x84: {  	_ =	shalt  }
0x85: {  	_ =	shalt  }
0x86: {  	_ =	shalt  }
0x87: {  	_ =	shalt  }
.Lfunc_end0:
.L_simem_size_0:
called_computation_lowered:
.L_overlay_start_0:
0x88: {  	s2 =	sld [smem:$0x3FD9]  }
0x89: {  	s3 =	sld [smem:$0x3FFE];
	_ =	sdelay $0x1  }
0x8a: {  	s1 =	srdreg.scid  }
0x8b: {  	s0 =	sand.u32 $0x1, s1  }
0x8c: {  	s17 =	sshll.u32 s0, $0xA;
	s2 =	sadd.s32 s3, s2  }
0x8d: {  	s2 =	sadd.s32 s2, s17  }
0x8e: {  	[smem:$0x3FC2] =	sst s2  }
0x8f: {  	_ = 	snop  }
0x90: {  	s2 =	sld [smem:$0x3FC9]  }
0x91: {  	s18 =	sld [smem:$0x3FD0];
	(tm) =	ssettm $0x1  }
0x92: {  	s4 =	sld [smem:$0x3FFB];
	_ =	sdelay $0x3  }
0x93: {  	_ =	strace s4  }
0x94: {  	s4 =	sld [smem:$0x3FFC];
	_ =	sdelay $0x3  }
0x95: {  	_ =	strace s4  }
0x96: {  	s4 =	sld [smem:$0x3FFD];
	_ =	sdelay $0x3  }
0x97: {  	_ =	strace s4  }
0x98: {  	_ =	strace $0x8FFFFFFF  }
0x99: {  	s19 =	sld [smem:$0x3FDB];
	_ =	sdelay $0x1  }
0x9a: {  	s5 =	simm.s32 $_scs_section_size  }
0x9b: {  	s6 =	simm.s32 $_size__tile_overlayer_lowered;
	s7 =	simm.s32 $_tile_overlayer_lowered  }
0x9c: {  	s22 =	simm.s32 $0x1BFF;
	s21 =	sshll.u32 s7, $0x1;
	s4 =	sadd.s32 s5, s19  }
0x9d: {  	s8 =	simm.s32 $0x0;
	s20 =	sshll.u32 s6, $0x1;
	s6 =	sadd.s32 s21, s4  }
0x9e: {  	[timem:s8], [sflag:s22] =	dma.local [hbm:s6], s20  }
0x9f: {  	_ =	swait.ge [sflag:s22], s20  }
0xa0: {  	s5 =	ssub.s32 $0x0, s20;
	[sflag:s22] =	ssyncset.done $0x0  }
0xa1: {  	[sflag:s22] =	ssyncadd.s32 s5;
	_ =	sdelay $0x1  }
0xa2: {  	s23 =	simm.s32 $0x1B8B  }
0xa3: {  	_ =	swait.ge [sflag:s23], $0x1  }
0xa4: {  	[sflag:s23] =	ssyncset.done $0x0  }
0xa5: {  	s25 =	simm.s32 $0x1B8E;
	s24 =	sld [smem:$0x3FFE];
	[sflag:s23] =	ssyncadd.s32 $0xFFFFFFFF  }
0xa6: {  	s26 =	simm.s32 $execute0_lowered;
	[smem:$0x3FD2] =	sst s25  }
0xa7: {  	s6 =	sshll.u32 s26, $0x1;
	_ =	strace $0x80000046;
	[dreg:$0x1] =	wrdreg $0xFFFFFFFF  }
0xa8: {  	s28 =	simm.s32 $_size_execute0_lowered;
	s4 =	sadd.s32 s4, s6;
	[dreg:$0x0] =	wrdreg $0x0  }
0xa9: {  	s6 =	sshll.u32 s28, $0x1;
	[dreg:$0x2] =	wrdreg s4  }
0xaa: {  	[dreg:$0x3] =	wrdreg s6  }
0xab: {  	[dreg:$0x4] =	wrdreg $0xC0  }
0xac: {  	_ =	task [dreg:s8], $0x5FFFF  }
0xad: {  	[dreg:$0x1] =	wrdreg $0xFFFFFFFF  }
0xae: {  	[dreg:$0x0] =	wrdreg $0x60  }
0xaf: {  	[dreg:$0x2] =	wrdreg s2  }
0xb0: {  	[dreg:$0x3] =	wrdreg s24  }
0xb1: {  	[dreg:$0x4] =	wrdreg s18  }
0xb2: {  	[dreg:$0x5] =	wrdreg $0x0  }
0xb3: {  	[dreg:$0x6] =	wrdreg $0x9  }
0xb4: {  	_ =	task.clear_ibuf [dreg:s8], $0x7FFFF;
	_ =	strace $0x90000046  }
0xb5: {  	s29 =	simm.s32 $0x9;
	_ =	strace $0x80000048  }
0xb6: {  	_ =	swait.ge [sflag:s29], $0x1  }
0xb7: {  	[sflag:s29] =	ssyncadd.s32 $0xFFFFFFFF  }
0xb8: {  	_ =	strace $0x90000048  }
0xb9: {  	_ =	sfence  }
0xba: {  	s30 =	sld [smem:$0x0];
	_ =	sdelay $0x2  }
0xbb: {  	s31 =	sshll.u32 s1, $0xD;
	s1 =	sshrl.u32 s1, $0x2  }
0xbc: {  	s3 =	sand.u32 $0x4000, s31;
	s1 =	sadd.s32 s1, s30  }
0xbd: {  	s0 =	sor.u32 s3, s0;
	s1 =	sshll.u32 s1, $0x11  }
0xbe: {  	s0 =	sor.u32 s1, s0  }
0xbf: {  	s0 =	sadd.s32 $0x8F2B, s0  }
0xc0: {  	[sflag:s0] =	ssyncadd.remote.s32 $0x1  }
0xc1: {  	_ =	sfence.sel $0xFFFF  }
0xc2: {  	[dreg:$0x0] =	wrdreg $0xFFFFFFFF;
	(pc) =	sbr.abs _section_cstart, $3  }
0xc3: {  	[dreg:$0x1] =	wrdreg $0xFFFFFFFF  }
0xc4: {  	_ =	task.clear_ibuf [dreg:s8], $0x2FFFF;
	_ =	strace $0x9FFFFFFF  }
0xc5: {  	(tm) =	ssettm $0x7FFFFFFF  }
tec
execute0_lowered:
.L_overlay_start_1:
0x0: {  	(tag) =	ssettag $0x1  }
0x1: {  	s0 =	rddreg [dreg:$0x0]  }
0x2: {  	s1 =	rddreg [dreg:$0x1]  }
0x3: {  	s2 =	rddreg [dreg:$0x2];
	s4 =	srdreg.scid  }
0x4: {  	s16 =	stileid.u32;
	s3 =	rddreg [dreg:$0x3];
	s19 =	simm.s32 $0x40  }
0x5: {  	s29 =	simm.s32 $0x1;
	s30 =	simm.s32 $0x1E080;
	s31 =	simm.s32 $0x2  }
0x6: {  	s20 =	simm.s32 $0x1E280;
	s21 =	simm.s32 $0x4;
	s22 =	simm.s32 $0x1E380  }
0x7: {  	s23 =	simm.s32 $0x5;
	s28 =	simm.s32 $0x0;
	s5 =	sand.u32 $0x1, s4  }
0x8: {  	s6 =	sshll.u32 s16, $0x1;
	s4 =	simm.s32 $0x0;
	s9 =	smul.u32 $0x50000, s16  }
0x9: {  	s10 =	smul.u32 $0x2800, s16;
	s15 =	sadd.s32 $0x12C000, s3;
	s25 =	sadd.s32 $0xB100, s1  }
0xa: {  	p1 =	seq.s32 s16, $0xF;
	s6 =	sor.u32 s5, s6;
	[smem:$0x7FF] =	sst s4  }
0xb: {  	s5 =	ssub.s32 $0x2, s5;
	s7 =	smul.u32 $0x500, s6;
	_ =	strace $0x80000047  }
0xc: {  	s8 =	sshrl.u32 s5, $0x1;
	p0 =	seq.s32 s6, $0x1F;
	s6 =	smul.u32 $0x140, s6  }
0xd: {  	s9 =	sshrl.u32 s9, $0x2;
	s10 =	sadd.s32 s0, s10;
	s0 =	sadd.s32 $0x25800, s0  }
0xe: {  	[dreg:$0x8] =	wrdreg s25;
	s25 =	simm.s32 $0x7;
	s8 =	ssub.s32 s5, s8  }
0xf: {  	s5 =	simm.s32 $0xA;
	s9 =	sadd.s32 s9, s3;
	[dreg:$0x5] =	wrdreg s10  }
0x10: {  	[dreg:$0x6] =	wrdreg s0;
	s0 =	sshrl.u32 @p1 s15, $0x3;
	s7 =	sadd.s32 s7, s1  }
0x11: {  	s5 =	simm.s32 @!p0 $0x28;
	s10 =	sshrl.u32 s6, $0x3;
	s12 =	sor.u32 $0x2, s6  }
0x12: {  	s13 =	sor.u32 $0x4, s6;
	s14 =	sor.u32 $0x6, s6;
	s26 =	smax.u32 s8, $0x1  }
0x13: {  	[dreg:$0xa] =	wrdreg s0;
	s0 =	sshll.u32 @!p1 s16, $0x6;
	s18 =	sshrl.u32 @!p1 s9, $0x3  }
0x14: {  	s1 =	simm.s32 $0x1E180;
	s24 =	sadd.s32 $0x1600, s7;
	s11 =	sadd.s32 $0xFFFFFFFF, s5  }
0x15: {  	[dreg:$0x9] =	wrdreg s26;
	s17 =	sor.u32 @!p1 $0x1C09, s0;
	s0 =	simm.s32 $0x3  }
0x16: {  	s26 =	simm.s32 $0x8;
	[dreg:$0x7] =	wrdreg s24;
	s24 =	simm.s32 $0x6  }
.LBB2_1:
0x17: {  	s7 =	rddreg [dreg:$0x6]  }
0x18: {  	s6 =	simm.s32 @p1 $0x1FC9;
	s8 =	rddreg [dreg:$0xa]  }
0x19: {  	[spmem:s8], [sflag:s6] =	dma.local @p1 [hbm:s7], $0x1900  }
0x1a: {  	s6 =	simm.s32 @p1 $0x9  }
0x1b: {  	_ =	swait.ge @p1 [sflag:s6], $0x1900  }
0x1c: {  	[sflag:s6] =	ssyncset.done @p1 $0x0  }
0x1d: {  	[sflag:s6] =	ssyncadd.s32 @p1 $0xFFFFE700;
	s6 =	rddreg [dreg:$0x5]  }
0x1e: {  	[spmem:s18], [sflag:s17] =	dma.local @!p1 [hbm:s6], $0x2800  }
0x1f: {  	s6 =	simm.s32 @!p1 $0x9  }
0x20: {  	_ =	swait.ge @!p1 [sflag:s6], $0x2800  }
0x21: {  	s7 =	simm.s32 @p0 $0x13880;
	[sflag:s6] =	ssyncset.done @!p1 $0x0  }
0x22: {  	s8 =	rddreg [dreg:$0x8];
	[sflag:s6] =	ssyncadd.s32 @!p1 $0xFFFFD800;
	s6 =	simm.s32 @p0 $0x0  }
0x23: {  	[tilespmem:s7], [sflag:$0x9] =	stream.linear.gather @p0 [hbm4b:s8+s6], $0xA00, $0x38;
	[tilespmem:$0x1E480] =	vst v63  }
0x24: {  	s6 =	simm.s32 @p0 $0x9  }
0x25: {  	_ =	swait.ge @p0 [sflag:s6], $0xA00  }
0x26: {  	s7 =	simm.s32 @!p0 $0x13880;
	[sflag:s6] =	ssyncset.done @p0 $0x0  }
0x27: {  	s8 =	rddreg [dreg:$0x7];
	[sflag:s6] =	ssyncadd.s32 @p0 $0xFFFFF600;
	s6 =	simm.s32 @!p0 $0x0  }
0x28: {  	[tilespmem:s7], [sflag:$0x9] =	stream.linear.gather @!p0 [hbm4b:s8+s6], $0x2800, $0x38;
	[tilespmem:$0x1E480] =	vst v63  }
0x29: {  	s6 =	simm.s32 @!p0 $0x9  }
0x2a: {  	_ =	swait.ge @!p0 [sflag:s6], $0x2800  }
0x2b: {  	[sflag:s6] =	ssyncset.done @!p0 $0x0  }
0x2c: {  	[sflag:s6] =	ssyncadd.s32 @!p0 $0xFFFFD800  }
0x2d: {  	s9 =	simm.s32 $0x16080;
	s8 =	simm.s32 $0x13880;
	[bflag:$0x0] =	sbarrier.arrive $0xFFFF  }
0x2e: {  	[tilespmem:s9], [sflag:$0x1] =	stream.indirect.gather [spmem:s3], $0x80, s8, s19, $0xb8;
	[tilespmem:$0x1E480] =	vst v63  }
0x2f: {  	s15 =	simm.s32 $0x138C0;
	s16 =	simm.s32 $0x18080  }
0x30: {  	[tilespmem:s16], [sflag:$0x2] =	stream.indirect.gather [spmem:s3], $0x80, s15, s19, $0xb8;
	[tilespmem:$0x1E480] =	vst v63  }
0x31: {  	s8 =	simm.s32 $0x13900;
	s9 =	simm.s32 $0x1A080  }
0x32: {  	[tilespmem:s9], [sflag:$0x3] =	stream.indirect.gather [spmem:s3], $0x80, s8, s19, $0xb8;
	[tilespmem:$0x1E480] =	vst v63  }
0x33: {  	s6 =	simm.s32 $0x0;
	s15 =	simm.s32 $0x13940;
	s16 =	simm.s32 $0x1C080  }
0x34: {  	[tilespmem:s16], [sflag:$0x4] =	stream.indirect.gather [spmem:s3], $0x80, s15, s19, $0xb8;
	[tilespmem:$0x1E480] =	vst v63  }
.LBB2_2:
0x35: {  	_ =	swait.ge [sflag:s29], $0x2000  }
0x36: {  	p2 =	seq.s32 s6, $0x0;
	[sflag:s29] =	ssyncset.done $0x0  }
0x37: {  	s7 =	simm.s32 @!p2 $0x5;
	[sflag:s29] =	ssyncadd.s32 $0xFFFFE000  }
0x38: {  	_ =	swait.ge @!p2 [sflag:s7], $0x100  }
0x39: {  	[sflag:s7] =	ssyncset.done @!p2 $0x0  }
0x3a: {  	[sflag:s7] =	ssyncadd.s32 @!p2 $0xFFFFFF00;
	s7 =	simm.s32 $0x0  }
0x3b: {  	v2 =	vld [tilespmem:s7+$0x16200]  }
0x3c: {  	v4 =	vld [tilespmem:s7+$0x16210]  }
0x3d: {  	v5 =	vld [tilespmem:s7+$0x16220]  }
0x3e: {  	v6 =	vld [tilespmem:s7+$0x16230]  }
0x3f: {  	v0 =	vld [tilespmem:s7+$0x16240]  }
0x40: {  	v1 =	vld [tilespmem:s7+$0x16250]  }
0x41: {  	v13 =	vld [tilespmem:s7+$0x16180]  }
0x42: {  	v15 =	vld [tilespmem:s7+$0x16190]  }
0x43: {  	v12 =	vld [tilespmem:s7+$0x161A0]  }
0x44: {  	v14 =	vld [tilespmem:s7+$0x161B0]  }
0x45: {  	v3 =	vld [tilespmem:s7+$0x161C0]  }
0x46: {  	v9 =	vld [tilespmem:s7+$0x16100]  }
0x47: {  	v10 =	vld [tilespmem:s7+$0x16110]  }
0x48: {  	v11 =	vld [tilespmem:s7+$0x16080]  }
0x49: {  	v17 =	vld [tilespmem:s7+$0x16090]  }
0x4a: {  	v18 =	vld [tilespmem:s7+$0x160A0]  }
0x4b: {  	v19 =	vld [tilespmem:s7+$0x160B0]  }
0x4c: {  	v20 =	vld [tilespmem:s7+$0x16120]  }
0x4d: {  	v24 =	vld [tilespmem:s7+$0x16130]  }
0x4e: {  	v8 =	vimm.f32 $0.0e+00;
	v7 =	vld [tilespmem:s7+$0x161D0]  }
0x4f: {  	v16 =	vld [tilespmem:s7+$0x16140];
	v11 =	vadd.f32 v11, v8;
	v22 =	vadd.f32 v17, v8  }
0x50: {  	v17 =	vld [tilespmem:s7+$0x16150];
	v23 =	vadd.f32 v18, v8;
	v25 =	vadd.f32 v19, v8  }
0x51: {  	v18 =	vld [tilespmem:s7+$0x160C0];
	v21 =	vadd.f32 v9, v11;
	v22 =	vadd.f32 v10, v22  }
0x52: {  	v19 =	vld [tilespmem:s7+$0x160D0];
	v23 =	vadd.f32 v20, v23;
	v24 =	vadd.f32 v24, v25  }
0x53: {  	s8 =	simm.s32 $0x800;
	v20 =	vld [tilespmem:s7+$0x160E0];
	v11 =	vimm.f32 $0.0e+00;
	v10 =	vimm.f32 $0.0e+00;
	v9 =	vimm.f32 $0.0e+00  }
.LBB2_3:
0x54: {  	p3 =	sne.s32 s8, $0x3800;
	v25 =	vld [tilespmem:s7+$0x160F0];
	v13 =	vadd.f32 v13, v21;
	v15 =	vadd.f32 v15, v22  }
0x55: {  	v21 =	vld [tilespmem:s7+$0x16160];
	v12 =	vadd.f32 v12, v23;
	v14 =	vadd.f32 v14, v24  }
0x56: {  	v22 =	vld [tilespmem:s7+$0x16170];
	v23 =	vadd.f32 v2, v13;
	v24 =	vadd.f32 v4, v15  }
0x57: {  	v13 =	vld [tilespmem:s7+$0x161E0];
	v26 =	vadd.f32 v5, v12;
	v27 =	vadd.f32 v6, v14  }
0x58: {  	v2 =	vadd.f32 v18, v8;
	v4 =	vadd.f32 v19, v11;
	v6 =	vld [tilespmem:s7+$0x161F0]  }
0x59: {  	v5 =	vadd.f32 v20, v10;
	v8 =	vadd.f32 v25, v9;
	v9 =	vld [tilespmem:s7+$0x16260]  }
0x5a: {  	v10 =	vadd.f32 v16, v2;
	v11 =	vadd.f32 v17, v4;
	v12 =	vld [tilespmem:s7+$0x16270];
	s7 =	sshra.s32 s8, $0x2  }
0x5b: {  	v14 =	vadd.f32 v21, v5;
	v2 =	vld [tilespmem:s7+$0x16200];
	v8 =	vadd.f32 v22, v8  }
0x5c: {  	v3 =	vadd.f32 v3, v10;
	v7 =	vadd.f32 v7, v11;
	v4 =	vld [tilespmem:s7+$0x16210]  }
0x5d: {  	v10 =	vadd.f32 v13, v14;
	v5 =	vld [tilespmem:s7+$0x16220];
	v13 =	vadd.f32 v6, v8  }
0x5e: {  	v8 =	vadd.f32 v0, v3;
	v11 =	vadd.f32 v1, v7;
	v6 =	vld [tilespmem:s7+$0x16230]  }
0x5f: {  	v10 =	vadd.f32 v9, v10;
	v0 =	vld [tilespmem:s7+$0x16240];
	v9 =	vadd.f32 v12, v13  }
0x60: {  	v1 =	vld [tilespmem:s7+$0x16250]  }
0x61: {  	v13 =	vld [tilespmem:s7+$0x16180]  }
0x62: {  	v15 =	vld [tilespmem:s7+$0x16190]  }
0x63: {  	v12 =	vld [tilespmem:s7+$0x161A0]  }
0x64: {  	v14 =	vld [tilespmem:s7+$0x161B0]  }
0x65: {  	v3 =	vld [tilespmem:s7+$0x161C0]  }
0x66: {  	v7 =	vld [tilespmem:s7+$0x161D0]  }
0x67: {  	v20 =	vld [tilespmem:s7+$0x16100]  }
0x68: {  	v22 =	vld [tilespmem:s7+$0x16110]  }
0x69: {  	v17 =	vld [tilespmem:s7+$0x16080]  }
0x6a: {  	v18 =	vld [tilespmem:s7+$0x16090]  }
0x6b: {  	v19 =	vld [tilespmem:s7+$0x160A0]  }
0x6c: {  	v21 =	vld [tilespmem:s7+$0x160B0]  }
0x6d: {  	v25 =	vld [tilespmem:s7+$0x16120]  }
0x6e: {  	v28 =	vld [tilespmem:s7+$0x16130]  }
.Ltmp0:
0x6f: {  	v16 =	vld [tilespmem:s7+$0x16140];
	(pc) =	sbr.rel @p3 .LBB2_3-.Ltmp0, $4  }
0x70: {  	v23 =	vadd.f32 v17, v23;
	v24 =	vadd.f32 v18, v24;
	v17 =	vld [tilespmem:s7+$0x16150]  }
0x71: {  	v26 =	vadd.f32 v19, v26;
	v27 =	vadd.f32 v21, v27;
	v18 =	vld [tilespmem:s7+$0x160C0]  }
0x72: {  	v21 =	vadd.f32 v20, v23;
	v22 =	vadd.f32 v22, v24;
	v19 =	vld [tilespmem:s7+$0x160D0]  }
0x73: {  	s8 =	sadd.s32 $0x800, s8;
	v23 =	vadd.f32 v25, v26;
	v20 =	vld [tilespmem:s7+$0x160E0];
	v24 =	vadd.f32 v28, v27  }
0x74: {  	v13 =	vadd.f32 v13, v21;
	v15 =	vadd.f32 v15, v22  }
0x75: {  	v25 =	vld [tilespmem:s7+$0x160F0];
	v12 =	vadd.f32 v12, v23;
	v14 =	vadd.f32 v14, v24  }
0x76: {  	v21 =	vld [tilespmem:s7+$0x16160];
	v2 =	vadd.f32 v2, v13;
	v4 =	vadd.f32 v4, v15  }
0x77: {  	v22 =	vld [tilespmem:s7+$0x16170];
	v8 =	vadd.f32 v18, v8;
	v5 =	vadd.f32 v5, v12  }
0x78: {  	v13 =	vld [tilespmem:s7+$0x161E0];
	v6 =	vadd.f32 v6, v14;
	v11 =	vadd.f32 v19, v11  }
0x79: {  	v12 =	vld [tilespmem:s7+$0x161F0];
	v10 =	vadd.f32 v20, v10;
	v8 =	vadd.f32 v16, v8  }
0x7a: {  	v14 =	vld [tilespmem:s7+$0x16260];
	v9 =	vadd.f32 v25, v9;
	v11 =	vadd.f32 v17, v11  }
0x7b: {  	v15 =	vld [tilespmem:s7+$0x16270];
	[tilespmem:$0x1E080] =	vst v2;
	v10 =	vadd.f32 v21, v10;
	v3 =	vadd.f32 v3, v8  }
0x7c: {  	[tilespmem:$0x1E090] =	vst v4;
	v2 =	vadd.f32 v22, v9;
	v7 =	vadd.f32 v7, v11  }
0x7d: {  	[tilespmem:$0x1E0A0] =	vst v5;
	v4 =	vadd.f32 v13, v10;
	v0 =	vadd.f32 v0, v3  }
0x7e: {  	[tilespmem:$0x1E0B0] =	vst v6;
	v2 =	vadd.f32 v12, v2;
	v1 =	vadd.f32 v1, v7  }
0x7f: {  	v3 =	vadd.f32 v14, v4;
	[tilespmem:$0x1E0C0] =	vst v0  }
0x80: {  	v0 =	vadd.f32 v15, v2;
	[tilespmem:$0x1E0D0] =	vst v1  }
0x81: {  	[tilespmem:$0x1E0E0] =	vst v3  }
0x82: {  	s7 =	simm.s32 $0x0;
	[tilespmem:$0x1E0F0] =	vst v0  }
0x83: {  	v2 =	vld [tilespmem:s7+$0x17200]  }
0x84: {  	v4 =	vld [tilespmem:s7+$0x17210]  }
0x85: {  	v5 =	vld [tilespmem:s7+$0x17220]  }
0x86: {  	v6 =	vld [tilespmem:s7+$0x17230]  }
0x87: {  	v0 =	vld [tilespmem:s7+$0x17240]  }
0x88: {  	v1 =	vld [tilespmem:s7+$0x17250]  }
0x89: {  	v13 =	vld [tilespmem:s7+$0x17180]  }
0x8a: {  	v15 =	vld [tilespmem:s7+$0x17190]  }
0x8b: {  	v12 =	vld [tilespmem:s7+$0x171A0]  }
0x8c: {  	v14 =	vld [tilespmem:s7+$0x171B0]  }
0x8d: {  	v3 =	vld [tilespmem:s7+$0x171C0]  }
0x8e: {  	v9 =	vld [tilespmem:s7+$0x17100]  }
0x8f: {  	v10 =	vld [tilespmem:s7+$0x17110]  }
0x90: {  	v11 =	vld [tilespmem:s7+$0x17080]  }
0x91: {  	v17 =	vld [tilespmem:s7+$0x17090]  }
0x92: {  	v18 =	vld [tilespmem:s7+$0x170A0]  }
0x93: {  	v19 =	vld [tilespmem:s7+$0x170B0]  }
0x94: {  	v20 =	vld [tilespmem:s7+$0x17120]  }
0x95: {  	v24 =	vld [tilespmem:s7+$0x17130]  }
0x96: {  	v8 =	vimm.f32 $0.0e+00;
	v7 =	vld [tilespmem:s7+$0x171D0]  }
0x97: {  	v16 =	vld [tilespmem:s7+$0x17140];
	v11 =	vadd.f32 v11, v8;
	v22 =	vadd.f32 v17, v8  }
0x98: {  	v17 =	vld [tilespmem:s7+$0x17150];
	v23 =	vadd.f32 v18, v8;
	v25 =	vadd.f32 v19, v8  }
0x99: {  	v18 =	vld [tilespmem:s7+$0x170C0];
	v21 =	vadd.f32 v9, v11;
	v22 =	vadd.f32 v10, v22  }
0x9a: {  	v19 =	vld [tilespmem:s7+$0x170D0];
	v23 =	vadd.f32 v20, v23;
	v24 =	vadd.f32 v24, v25  }
0x9b: {  	s8 =	simm.s32 $0x800;
	v20 =	vld [tilespmem:s7+$0x170E0];
	v11 =	vimm.f32 $0.0e+00;
	v10 =	vimm.f32 $0.0e+00;
	v9 =	vimm.f32 $0.0e+00  }
.LBB2_5:
0x9c: {  	p3 =	sne.s32 s8, $0x3800;
	v25 =	vld [tilespmem:s7+$0x170F0];
	v13 =	vadd.f32 v13, v21;
	v15 =	vadd.f32 v15, v22  }
0x9d: {  	v21 =	vld [tilespmem:s7+$0x17160];
	v12 =	vadd.f32 v12, v23;
	v14 =	vadd.f32 v14, v24  }
0x9e: {  	v22 =	vld [tilespmem:s7+$0x17170];
	v23 =	vadd.f32 v2, v13;
	v24 =	vadd.f32 v4, v15  }
0x9f: {  	v13 =	vld [tilespmem:s7+$0x171E0];
	v26 =	vadd.f32 v5, v12;
	v27 =	vadd.f32 v6, v14  }
0xa0: {  	v2 =	vadd.f32 v18, v8;
	v4 =	vadd.f32 v19, v11;
	v6 =	vld [tilespmem:s7+$0x171F0]  }
0xa1: {  	v5 =	vadd.f32 v20, v10;
	v8 =	vadd.f32 v25, v9;
	v9 =	vld [tilespmem:s7+$0x17260]  }
0xa2: {  	v10 =	vadd.f32 v16, v2;
	v11 =	vadd.f32 v17, v4;
	v12 =	vld [tilespmem:s7+$0x17270];
	s7 =	sshra.s32 s8, $0x2  }
0xa3: {  	v14 =	vadd.f32 v21, v5;
	v2 =	vld [tilespmem:s7+$0x17200];
	v8 =	vadd.f32 v22, v8  }
0xa4: {  	v3 =	vadd.f32 v3, v10;
	v7 =	vadd.f32 v7, v11;
	v4 =	vld [tilespmem:s7+$0x17210]  }
0xa5: {  	v10 =	vadd.f32 v13, v14;
	v5 =	vld [tilespmem:s7+$0x17220];
	v13 =	vadd.f32 v6, v8  }
0xa6: {  	v8 =	vadd.f32 v0, v3;
	v11 =	vadd.f32 v1, v7;
	v6 =	vld [tilespmem:s7+$0x17230]  }
0xa7: {  	v10 =	vadd.f32 v9, v10;
	v0 =	vld [tilespmem:s7+$0x17240];
	v9 =	vadd.f32 v12, v13  }
0xa8: {  	v1 =	vld [tilespmem:s7+$0x17250]  }
0xa9: {  	v13 =	vld [tilespmem:s7+$0x17180]  }
0xaa: {  	v15 =	vld [tilespmem:s7+$0x17190]  }
0xab: {  	v12 =	vld [tilespmem:s7+$0x171A0]  }
0xac: {  	v14 =	vld [tilespmem:s7+$0x171B0]  }
0xad: {  	v3 =	vld [tilespmem:s7+$0x171C0]  }
0xae: {  	v7 =	vld [tilespmem:s7+$0x171D0]  }
0xaf: {  	v20 =	vld [tilespmem:s7+$0x17100]  }
0xb0: {  	v22 =	vld [tilespmem:s7+$0x17110]  }
0xb1: {  	v17 =	vld [tilespmem:s7+$0x17080]  }
0xb2: {  	v18 =	vld [tilespmem:s7+$0x17090]  }
0xb3: {  	v19 =	vld [tilespmem:s7+$0x170A0]  }
0xb4: {  	v21 =	vld [tilespmem:s7+$0x170B0]  }
0xb5: {  	v25 =	vld [tilespmem:s7+$0x17120]  }
0xb6: {  	v28 =	vld [tilespmem:s7+$0x17130]  }
.Ltmp1:
0xb7: {  	v16 =	vld [tilespmem:s7+$0x17140];
	(pc) =	sbr.rel @p3 .LBB2_5-.Ltmp1, $4  }
0xb8: {  	v23 =	vadd.f32 v17, v23;
	v24 =	vadd.f32 v18, v24;
	v17 =	vld [tilespmem:s7+$0x17150]  }
0xb9: {  	v26 =	vadd.f32 v19, v26;
	v27 =	vadd.f32 v21, v27;
	v18 =	vld [tilespmem:s7+$0x170C0]  }
0xba: {  	v21 =	vadd.f32 v20, v23;
	v22 =	vadd.f32 v22, v24;
	v19 =	vld [tilespmem:s7+$0x170D0]  }
0xbb: {  	s8 =	sadd.s32 $0x800, s8;
	v23 =	vadd.f32 v25, v26;
	v20 =	vld [tilespmem:s7+$0x170E0];
	v24 =	vadd.f32 v28, v27  }
0xbc: {  	v13 =	vadd.f32 v13, v21;
	v15 =	vadd.f32 v15, v22  }
0xbd: {  	v25 =	vld [tilespmem:s7+$0x170F0];
	v12 =	vadd.f32 v12, v23;
	v14 =	vadd.f32 v14, v24  }
0xbe: {  	v21 =	vld [tilespmem:s7+$0x17160];
	v2 =	vadd.f32 v2, v13;
	v4 =	vadd.f32 v4, v15  }
0xbf: {  	v22 =	vld [tilespmem:s7+$0x17170];
	v8 =	vadd.f32 v18, v8;
	v5 =	vadd.f32 v5, v12  }
0xc0: {  	v13 =	vld [tilespmem:s7+$0x171E0];
	v6 =	vadd.f32 v6, v14;
	v11 =	vadd.f32 v19, v11  }
0xc1: {  	v12 =	vld [tilespmem:s7+$0x171F0];
	v10 =	vadd.f32 v20, v10;
	v8 =	vadd.f32 v16, v8  }
0xc2: {  	v14 =	vld [tilespmem:s7+$0x17260];
	v9 =	vadd.f32 v25, v9;
	v11 =	vadd.f32 v17, v11  }
0xc3: {  	v15 =	vld [tilespmem:s7+$0x17270];
	[tilespmem:$0x1E100] =	vst v2;
	v10 =	vadd.f32 v21, v10;
	v3 =	vadd.f32 v3, v8  }
0xc4: {  	[tilespmem:$0x1E110] =	vst v4;
	v2 =	vadd.f32 v22, v9;
	v7 =	vadd.f32 v7, v11  }
0xc5: {  	[tilespmem:$0x1E120] =	vst v5;
	v4 =	vadd.f32 v13, v10;
	v0 =	vadd.f32 v0, v3  }
0xc6: {  	[tilespmem:$0x1E130] =	vst v6;
	v2 =	vadd.f32 v12, v2;
	v1 =	vadd.f32 v1, v7  }
0xc7: {  	v3 =	vadd.f32 v14, v4;
	[tilespmem:$0x1E140] =	vst v0  }
0xc8: {  	s16 =	sadd.s32 s10, s6;
	v0 =	vadd.f32 v15, v2;
	[tilespmem:$0x1E150] =	vst v1  }
0xc9: {  	s7 =	sshll.u32 s16, $0x7;
	[tilespmem:$0x1E160] =	vst v3  }
0xca: {  	p3 =	sge.u32 s6, s11;
	s7 =	sadd.s32 s2, s7;
	[tilespmem:$0x1E170] =	vst v0  }
0xcb: {  	[hbm4b:s7+s4] =	stream.linear.scatter [tilespmem:s30], [sflag:$0x5], $0x100, $0x38;
	[tilespmem:$0x1E480] =	vst v63  }
0xcc: {  	s7 =	sshll.u32 @!p3 s6, $0x8  }
0xcd: {  	s7 =	sand.u32 @!p3 $0x3FFFFF00, s7  }
0xce: {  	s9 =	simm.s32 @!p3 $0x40;
	s15 =	simm.s32 @!p3 $0x16080;
	s8 =	sadd.s32 @!p3 $0x13980, s7  }
0xcf: {  	[tilespmem:s15], [sflag:$0x1] =	stream.indirect.gather @!p3 [spmem:s3], $0x80, s8, s9, $0xb8;
	[tilespmem:$0x1E480] =	vst v63  }
0xd0: {  	_ =	swait.ge [sflag:s31], $0x2000  }
0xd1: {  	[sflag:s31] =	ssyncset.done $0x0  }
0xd2: {  	s8 =	simm.s32 @!p2 $0x6;
	[sflag:s31] =	ssyncadd.s32 $0xFFFFE000  }
0xd3: {  	_ =	swait.ge @!p2 [sflag:s8], $0x100  }
0xd4: {  	[sflag:s8] =	ssyncset.done @!p2 $0x0  }
0xd5: {  	[sflag:s8] =	ssyncadd.s32 @!p2 $0xFFFFFF00;
	s8 =	simm.s32 $0x0  }
0xd6: {  	v2 =	vld [tilespmem:s8+$0x18200]  }
0xd7: {  	v4 =	vld [tilespmem:s8+$0x18210]  }
0xd8: {  	v5 =	vld [tilespmem:s8+$0x18220]  }
0xd9: {  	v6 =	vld [tilespmem:s8+$0x18230]  }
0xda: {  	v0 =	vld [tilespmem:s8+$0x18240]  }
0xdb: {  	v1 =	vld [tilespmem:s8+$0x18250]  }
0xdc: {  	v13 =	vld [tilespmem:s8+$0x18180]  }
0xdd: {  	v15 =	vld [tilespmem:s8+$0x18190]  }
0xde: {  	v12 =	vld [tilespmem:s8+$0x181A0]  }
0xdf: {  	v14 =	vld [tilespmem:s8+$0x181B0]  }
0xe0: {  	v3 =	vld [tilespmem:s8+$0x181C0]  }
0xe1: {  	v9 =	vld [tilespmem:s8+$0x18100]  }
0xe2: {  	v10 =	vld [tilespmem:s8+$0x18110]  }
0xe3: {  	v11 =	vld [tilespmem:s8+$0x18080]  }
0xe4: {  	v17 =	vld [tilespmem:s8+$0x18090]  }
0xe5: {  	v18 =	vld [tilespmem:s8+$0x180A0]  }
0xe6: {  	v19 =	vld [tilespmem:s8+$0x180B0]  }
0xe7: {  	v20 =	vld [tilespmem:s8+$0x18120]  }
0xe8: {  	v24 =	vld [tilespmem:s8+$0x18130]  }
0xe9: {  	v8 =	vimm.f32 $0.0e+00;
	v7 =	vld [tilespmem:s8+$0x181D0]  }
0xea: {  	v16 =	vld [tilespmem:s8+$0x18140];
	v11 =	vadd.f32 v11, v8;
	v22 =	vadd.f32 v17, v8  }
0xeb: {  	v17 =	vld [tilespmem:s8+$0x18150];
	v23 =	vadd.f32 v18, v8;
	v25 =	vadd.f32 v19, v8  }
0xec: {  	v18 =	vld [tilespmem:s8+$0x180C0];
	v21 =	vadd.f32 v9, v11;
	v22 =	vadd.f32 v10, v22  }
0xed: {  	v19 =	vld [tilespmem:s8+$0x180D0];
	v23 =	vadd.f32 v20, v23;
	v24 =	vadd.f32 v24, v25  }
0xee: {  	s9 =	simm.s32 $0x800;
	v20 =	vld [tilespmem:s8+$0x180E0];
	v11 =	vimm.f32 $0.0e+00;
	v10 =	vimm.f32 $0.0e+00;
	v9 =	vimm.f32 $0.0e+00  }
.LBB2_7:
0xef: {  	p4 =	sne.s32 s9, $0x3800;
	v25 =	vld [tilespmem:s8+$0x180F0];
	v13 =	vadd.f32 v13, v21;
	v15 =	vadd.f32 v15, v22  }
0xf0: {  	v21 =	vld [tilespmem:s8+$0x18160];
	v12 =	vadd.f32 v12, v23;
	v14 =	vadd.f32 v14, v24  }
0xf1: {  	v22 =	vld [tilespmem:s8+$0x18170];
	v23 =	vadd.f32 v2, v13;
	v24 =	vadd.f32 v4, v15  }
0xf2: {  	v13 =	vld [tilespmem:s8+$0x181E0];
	v26 =	vadd.f32 v5, v12;
	v27 =	vadd.f32 v6, v14  }
0xf3: {  	v2 =	vadd.f32 v18, v8;
	v4 =	vadd.f32 v19, v11;
	v6 =	vld [tilespmem:s8+$0x181F0]  }
0xf4: {  	v5 =	vadd.f32 v20, v10;
	v8 =	vadd.f32 v25, v9;
	v9 =	vld [tilespmem:s8+$0x18260]  }
0xf5: {  	v10 =	vadd.f32 v16, v2;
	v11 =	vadd.f32 v17, v4;
	v12 =	vld [tilespmem:s8+$0x18270];
	s8 =	sshra.s32 s9, $0x2  }
0xf6: {  	v14 =	vadd.f32 v21, v5;
	v2 =	vld [tilespmem:s8+$0x18200];
	v8 =	vadd.f32 v22, v8  }
0xf7: {  	v3 =	vadd.f32 v3, v10;
	v7 =	vadd.f32 v7, v11;
	v4 =	vld [tilespmem:s8+$0x18210]  }
0xf8: {  	v10 =	vadd.f32 v13, v14;
	v5 =	vld [tilespmem:s8+$0x18220];
	v13 =	vadd.f32 v6, v8  }
0xf9: {  	v8 =	vadd.f32 v0, v3;
	v11 =	vadd.f32 v1, v7;
	v6 =	vld [tilespmem:s8+$0x18230]  }
0xfa: {  	v10 =	vadd.f32 v9, v10;
	v0 =	vld [tilespmem:s8+$0x18240];
	v9 =	vadd.f32 v12, v13  }
0xfb: {  	v1 =	vld [tilespmem:s8+$0x18250]  }
0xfc: {  	v13 =	vld [tilespmem:s8+$0x18180]  }
0xfd: {  	v15 =	vld [tilespmem:s8+$0x18190]  }
0xfe: {  	v12 =	vld [tilespmem:s8+$0x181A0]  }
0xff: {  	v14 =	vld [tilespmem:s8+$0x181B0]  }
0x100: {  	v3 =	vld [tilespmem:s8+$0x181C0]  }
0x101: {  	v7 =	vld [tilespmem:s8+$0x181D0]  }
0x102: {  	v20 =	vld [tilespmem:s8+$0x18100]  }
0x103: {  	v22 =	vld [tilespmem:s8+$0x18110]  }
0x104: {  	v17 =	vld [tilespmem:s8+$0x18080]  }
0x105: {  	v18 =	vld [tilespmem:s8+$0x18090]  }
0x106: {  	v19 =	vld [tilespmem:s8+$0x180A0]  }
0x107: {  	v21 =	vld [tilespmem:s8+$0x180B0]  }
0x108: {  	v25 =	vld [tilespmem:s8+$0x18120]  }
0x109: {  	v28 =	vld [tilespmem:s8+$0x18130]  }
.Ltmp2:
0x10a: {  	v16 =	vld [tilespmem:s8+$0x18140];
	(pc) =	sbr.rel @p4 .LBB2_7-.Ltmp2, $4  }
0x10b: {  	v23 =	vadd.f32 v17, v23;
	v24 =	vadd.f32 v18, v24;
	v17 =	vld [tilespmem:s8+$0x18150]  }
0x10c: {  	v26 =	vadd.f32 v19, v26;
	v27 =	vadd.f32 v21, v27;
	v18 =	vld [tilespmem:s8+$0x180C0]  }
0x10d: {  	v21 =	vadd.f32 v20, v23;
	v22 =	vadd.f32 v22, v24;
	v19 =	vld [tilespmem:s8+$0x180D0]  }
0x10e: {  	s9 =	sadd.s32 $0x800, s9;
	v23 =	vadd.f32 v25, v26;
	v20 =	vld [tilespmem:s8+$0x180E0];
	v24 =	vadd.f32 v28, v27  }
0x10f: {  	v13 =	vadd.f32 v13, v21;
	v15 =	vadd.f32 v15, v22  }
0x110: {  	v25 =	vld [tilespmem:s8+$0x180F0];
	v12 =	vadd.f32 v12, v23;
	v14 =	vadd.f32 v14, v24  }
0x111: {  	v21 =	vld [tilespmem:s8+$0x18160];
	v2 =	vadd.f32 v2, v13;
	v4 =	vadd.f32 v4, v15  }
0x112: {  	v22 =	vld [tilespmem:s8+$0x18170];
	v8 =	vadd.f32 v18, v8;
	v5 =	vadd.f32 v5, v12  }
0x113: {  	v13 =	vld [tilespmem:s8+$0x181E0];
	v6 =	vadd.f32 v6, v14;
	v11 =	vadd.f32 v19, v11  }
0x114: {  	v12 =	vld [tilespmem:s8+$0x181F0];
	v10 =	vadd.f32 v20, v10;
	v8 =	vadd.f32 v16, v8  }
0x115: {  	v14 =	vld [tilespmem:s8+$0x18260];
	v9 =	vadd.f32 v25, v9;
	v11 =	vadd.f32 v17, v11  }
0x116: {  	v15 =	vld [tilespmem:s8+$0x18270];
	[tilespmem:$0x1E180] =	vst v2;
	v10 =	vadd.f32 v21, v10;
	v3 =	vadd.f32 v3, v8  }
0x117: {  	[tilespmem:$0x1E190] =	vst v4;
	v2 =	vadd.f32 v22, v9;
	v7 =	vadd.f32 v7, v11  }
0x118: {  	[tilespmem:$0x1E1A0] =	vst v5;
	v4 =	vadd.f32 v13, v10;
	v0 =	vadd.f32 v0, v3  }
0x119: {  	[tilespmem:$0x1E1B0] =	vst v6;
	v2 =	vadd.f32 v12, v2;
	v1 =	vadd.f32 v1, v7  }
0x11a: {  	v3 =	vadd.f32 v14, v4;
	[tilespmem:$0x1E1C0] =	vst v0  }
0x11b: {  	v0 =	vadd.f32 v15, v2;
	[tilespmem:$0x1E1D0] =	vst v1  }
0x11c: {  	[tilespmem:$0x1E1E0] =	vst v3  }
0x11d: {  	s8 =	simm.s32 $0x0;
	[tilespmem:$0x1E1F0] =	vst v0  }
0x11e: {  	v2 =	vld [tilespmem:s8+$0x19200]  }
0x11f: {  	v4 =	vld [tilespmem:s8+$0x19210]  }
0x120: {  	v5 =	vld [tilespmem:s8+$0x19220]  }
0x121: {  	v6 =	vld [tilespmem:s8+$0x19230]  }
0x122: {  	v0 =	vld [tilespmem:s8+$0x19240]  }
0x123: {  	v1 =	vld [tilespmem:s8+$0x19250]  }
0x124: {  	v13 =	vld [tilespmem:s8+$0x19180]  }
0x125: {  	v15 =	vld [tilespmem:s8+$0x19190]  }
0x126: {  	v12 =	vld [tilespmem:s8+$0x191A0]  }
0x127: {  	v14 =	vld [tilespmem:s8+$0x191B0]  }
0x128: {  	v3 =	vld [tilespmem:s8+$0x191C0]  }
0x129: {  	v9 =	vld [tilespmem:s8+$0x19100]  }
0x12a: {  	v10 =	vld [tilespmem:s8+$0x19110]  }
0x12b: {  	v11 =	vld [tilespmem:s8+$0x19080]  }
0x12c: {  	v17 =	vld [tilespmem:s8+$0x19090]  }
0x12d: {  	v18 =	vld [tilespmem:s8+$0x190A0]  }
0x12e: {  	v19 =	vld [tilespmem:s8+$0x190B0]  }
0x12f: {  	v20 =	vld [tilespmem:s8+$0x19120]  }
0x130: {  	v24 =	vld [tilespmem:s8+$0x19130]  }
0x131: {  	v8 =	vimm.f32 $0.0e+00;
	v7 =	vld [tilespmem:s8+$0x191D0]  }
0x132: {  	v16 =	vld [tilespmem:s8+$0x19140];
	v11 =	vadd.f32 v11, v8;
	v22 =	vadd.f32 v17, v8  }
0x133: {  	v17 =	vld [tilespmem:s8+$0x19150];
	v23 =	vadd.f32 v18, v8;
	v25 =	vadd.f32 v19, v8  }
0x134: {  	v18 =	vld [tilespmem:s8+$0x190C0];
	v21 =	vadd.f32 v9, v11;
	v22 =	vadd.f32 v10, v22  }
0x135: {  	v19 =	vld [tilespmem:s8+$0x190D0];
	v23 =	vadd.f32 v20, v23;
	v24 =	vadd.f32 v24, v25  }
0x136: {  	s9 =	simm.s32 $0x800;
	v20 =	vld [tilespmem:s8+$0x190E0];
	v11 =	vimm.f32 $0.0e+00;
	v10 =	vimm.f32 $0.0e+00;
	v9 =	vimm.f32 $0.0e+00  }
.LBB2_9:
0x137: {  	p4 =	sne.s32 s9, $0x3800;
	v25 =	vld [tilespmem:s8+$0x190F0];
	v13 =	vadd.f32 v13, v21;
	v15 =	vadd.f32 v15, v22  }
0x138: {  	v21 =	vld [tilespmem:s8+$0x19160];
	v12 =	vadd.f32 v12, v23;
	v14 =	vadd.f32 v14, v24  }
0x139: {  	v22 =	vld [tilespmem:s8+$0x19170];
	v23 =	vadd.f32 v2, v13;
	v24 =	vadd.f32 v4, v15  }
0x13a: {  	v13 =	vld [tilespmem:s8+$0x191E0];
	v26 =	vadd.f32 v5, v12;
	v27 =	vadd.f32 v6, v14  }
0x13b: {  	v2 =	vadd.f32 v18, v8;
	v4 =	vadd.f32 v19, v11;
	v6 =	vld [tilespmem:s8+$0x191F0]  }
0x13c: {  	v5 =	vadd.f32 v20, v10;
	v8 =	vadd.f32 v25, v9;
	v9 =	vld [tilespmem:s8+$0x19260]  }
0x13d: {  	v10 =	vadd.f32 v16, v2;
	v11 =	vadd.f32 v17, v4;
	v12 =	vld [tilespmem:s8+$0x19270];
	s8 =	sshra.s32 s9, $0x2  }
0x13e: {  	v14 =	vadd.f32 v21, v5;
	v2 =	vld [tilespmem:s8+$0x19200];
	v8 =	vadd.f32 v22, v8  }
0x13f: {  	v3 =	vadd.f32 v3, v10;
	v7 =	vadd.f32 v7, v11;
	v4 =	vld [tilespmem:s8+$0x19210]  }
0x140: {  	v10 =	vadd.f32 v13, v14;
	v5 =	vld [tilespmem:s8+$0x19220];
	v13 =	vadd.f32 v6, v8  }
0x141: {  	v8 =	vadd.f32 v0, v3;
	v11 =	vadd.f32 v1, v7;
	v6 =	vld [tilespmem:s8+$0x19230]  }
0x142: {  	v10 =	vadd.f32 v9, v10;
	v0 =	vld [tilespmem:s8+$0x19240];
	v9 =	vadd.f32 v12, v13  }
0x143: {  	v1 =	vld [tilespmem:s8+$0x19250]  }
0x144: {  	v13 =	vld [tilespmem:s8+$0x19180]  }
0x145: {  	v15 =	vld [tilespmem:s8+$0x19190]  }
0x146: {  	v12 =	vld [tilespmem:s8+$0x191A0]  }
0x147: {  	v14 =	vld [tilespmem:s8+$0x191B0]  }
0x148: {  	v3 =	vld [tilespmem:s8+$0x191C0]  }
0x149: {  	v7 =	vld [tilespmem:s8+$0x191D0]  }
0x14a: {  	v20 =	vld [tilespmem:s8+$0x19100]  }
0x14b: {  	v22 =	vld [tilespmem:s8+$0x19110]  }
0x14c: {  	v17 =	vld [tilespmem:s8+$0x19080]  }
0x14d: {  	v18 =	vld [tilespmem:s8+$0x19090]  }
0x14e: {  	v19 =	vld [tilespmem:s8+$0x190A0]  }
0x14f: {  	v21 =	vld [tilespmem:s8+$0x190B0]  }
0x150: {  	v25 =	vld [tilespmem:s8+$0x19120]  }
0x151: {  	v28 =	vld [tilespmem:s8+$0x19130]  }
.Ltmp3:
0x152: {  	v16 =	vld [tilespmem:s8+$0x19140];
	(pc) =	sbr.rel @p4 .LBB2_9-.Ltmp3, $4  }
0x153: {  	v23 =	vadd.f32 v17, v23;
	v24 =	vadd.f32 v18, v24;
	v17 =	vld [tilespmem:s8+$0x19150]  }
0x154: {  	v26 =	vadd.f32 v19, v26;
	v27 =	vadd.f32 v21, v27;
	v18 =	vld [tilespmem:s8+$0x190C0]  }
0x155: {  	v21 =	vadd.f32 v20, v23;
	v22 =	vadd.f32 v22, v24;
	v19 =	vld [tilespmem:s8+$0x190D0]  }
0x156: {  	s9 =	sadd.s32 $0x800, s9;
	v23 =	vadd.f32 v25, v26;
	v20 =	vld [tilespmem:s8+$0x190E0];
	v24 =	vadd.f32 v28, v27  }
0x157: {  	v13 =	vadd.f32 v13, v21;
	v15 =	vadd.f32 v15, v22  }
0x158: {  	v25 =	vld [tilespmem:s8+$0x190F0];
	v12 =	vadd.f32 v12, v23;
	v14 =	vadd.f32 v14, v24  }
0x159: {  	v21 =	vld [tilespmem:s8+$0x19160];
	v2 =	vadd.f32 v2, v13;
	v4 =	vadd.f32 v4, v15  }
0x15a: {  	v22 =	vld [tilespmem:s8+$0x19170];
	v8 =	vadd.f32 v18, v8;
	v5 =	vadd.f32 v5, v12  }
0x15b: {  	v13 =	vld [tilespmem:s8+$0x191E0];
	v6 =	vadd.f32 v6, v14;
	v11 =	vadd.f32 v19, v11  }
0x15c: {  	v12 =	vld [tilespmem:s8+$0x191F0];
	v10 =	vadd.f32 v20, v10;
	v8 =	vadd.f32 v16, v8  }
0x15d: {  	v14 =	vld [tilespmem:s8+$0x19260];
	v9 =	vadd.f32 v25, v9;
	v11 =	vadd.f32 v17, v11  }
0x15e: {  	v15 =	vld [tilespmem:s8+$0x19270];
	[tilespmem:$0x1E200] =	vst v2;
	v10 =	vadd.f32 v21, v10;
	v3 =	vadd.f32 v3, v8  }
0x15f: {  	[tilespmem:$0x1E210] =	vst v4;
	v2 =	vadd.f32 v22, v9;
	v7 =	vadd.f32 v7, v11  }
0x160: {  	[tilespmem:$0x1E220] =	vst v5;
	v4 =	vadd.f32 v13, v10;
	v0 =	vadd.f32 v0, v3  }
0x161: {  	s8 =	sshll.u32 s6, $0x3;
	[tilespmem:$0x1E230] =	vst v6;
	v2 =	vadd.f32 v12, v2;
	v1 =	vadd.f32 v1, v7  }
0x162: {  	s9 =	sadd.s32 s8, s12;
	v3 =	vadd.f32 v14, v4;
	[tilespmem:$0x1E240] =	vst v0  }
0x163: {  	s9 =	sshll.u32 s9, $0x4;
	v0 =	vadd.f32 v15, v2;
	[tilespmem:$0x1E250] =	vst v1  }
0x164: {  	s9 =	sand.u32 $0x1FFFFFA0, s9;
	[tilespmem:$0x1E260] =	vst v3  }
0x165: {  	s9 =	sadd.s32 s2, s9;
	[tilespmem:$0x1E270] =	vst v0  }
0x166: {  	[hbm4b:s9+s4] =	stream.linear.scatter [tilespmem:s1], [sflag:$0x6], $0x100, $0x38;
	[tilespmem:$0x1E480] =	vst v63  }
0x167: {  	s15 =	simm.s32 @!p3 $0x40;
	s16 =	simm.s32 @!p3 $0x18080;
	s9 =	sadd.s32 @!p3 $0x139C0, s7  }
0x168: {  	[tilespmem:s16], [sflag:$0x2] =	stream.indirect.gather @!p3 [spmem:s3], $0x80, s9, s15, $0xb8;
	[tilespmem:$0x1E480] =	vst v63  }
0x169: {  	_ =	swait.ge [sflag:s0], $0x2000  }
0x16a: {  	[sflag:s0] =	ssyncset.done $0x0  }
0x16b: {  	s9 =	simm.s32 @!p2 $0x7;
	[sflag:s0] =	ssyncadd.s32 $0xFFFFE000  }
0x16c: {  	_ =	swait.ge @!p2 [sflag:s9], $0x100  }
0x16d: {  	[sflag:s9] =	ssyncset.done @!p2 $0x0  }
0x16e: {  	[sflag:s9] =	ssyncadd.s32 @!p2 $0xFFFFFF00;
	s9 =	simm.s32 $0x0  }
0x16f: {  	v2 =	vld [tilespmem:s9+$0x1A200]  }
0x170: {  	v4 =	vld [tilespmem:s9+$0x1A210]  }
0x171: {  	v5 =	vld [tilespmem:s9+$0x1A220]  }
0x172: {  	v6 =	vld [tilespmem:s9+$0x1A230]  }
0x173: {  	v0 =	vld [tilespmem:s9+$0x1A240]  }
0x174: {  	v1 =	vld [tilespmem:s9+$0x1A250]  }
0x175: {  	v13 =	vld [tilespmem:s9+$0x1A180]  }
0x176: {  	v15 =	vld [tilespmem:s9+$0x1A190]  }
0x177: {  	v12 =	vld [tilespmem:s9+$0x1A1A0]  }
0x178: {  	v14 =	vld [tilespmem:s9+$0x1A1B0]  }
0x179: {  	v3 =	vld [tilespmem:s9+$0x1A1C0]  }
0x17a: {  	v9 =	vld [tilespmem:s9+$0x1A100]  }
0x17b: {  	v10 =	vld [tilespmem:s9+$0x1A110]  }
0x17c: {  	v11 =	vld [tilespmem:s9+$0x1A080]  }
0x17d: {  	v17 =	vld [tilespmem:s9+$0x1A090]  }
0x17e: {  	v18 =	vld [tilespmem:s9+$0x1A0A0]  }
0x17f: {  	v19 =	vld [tilespmem:s9+$0x1A0B0]  }
0x180: {  	v20 =	vld [tilespmem:s9+$0x1A120]  }
0x181: {  	v24 =	vld [tilespmem:s9+$0x1A130]  }
0x182: {  	v8 =	vimm.f32 $0.0e+00;
	v7 =	vld [tilespmem:s9+$0x1A1D0]  }
0x183: {  	v16 =	vld [tilespmem:s9+$0x1A140];
	v11 =	vadd.f32 v11, v8;
	v22 =	vadd.f32 v17, v8  }
0x184: {  	v17 =	vld [tilespmem:s9+$0x1A150];
	v23 =	vadd.f32 v18, v8;
	v25 =	vadd.f32 v19, v8  }
0x185: {  	v18 =	vld [tilespmem:s9+$0x1A0C0];
	v21 =	vadd.f32 v9, v11;
	v22 =	vadd.f32 v10, v22  }
0x186: {  	v19 =	vld [tilespmem:s9+$0x1A0D0];
	v23 =	vadd.f32 v20, v23;
	v24 =	vadd.f32 v24, v25  }
0x187: {  	s15 =	simm.s32 $0x800;
	v20 =	vld [tilespmem:s9+$0x1A0E0];
	v11 =	vimm.f32 $0.0e+00;
	v10 =	vimm.f32 $0.0e+00;
	v9 =	vimm.f32 $0.0e+00  }
.LBB2_11:
0x188: {  	p4 =	sne.s32 s15, $0x3800;
	v25 =	vld [tilespmem:s9+$0x1A0F0];
	v13 =	vadd.f32 v13, v21;
	v15 =	vadd.f32 v15, v22  }
0x189: {  	v21 =	vld [tilespmem:s9+$0x1A160];
	v12 =	vadd.f32 v12, v23;
	v14 =	vadd.f32 v14, v24  }
0x18a: {  	v22 =	vld [tilespmem:s9+$0x1A170];
	v23 =	vadd.f32 v2, v13;
	v24 =	vadd.f32 v4, v15  }
0x18b: {  	v13 =	vld [tilespmem:s9+$0x1A1E0];
	v26 =	vadd.f32 v5, v12;
	v27 =	vadd.f32 v6, v14  }
0x18c: {  	v2 =	vadd.f32 v18, v8;
	v4 =	vadd.f32 v19, v11;
	v6 =	vld [tilespmem:s9+$0x1A1F0]  }
0x18d: {  	v5 =	vadd.f32 v20, v10;
	v8 =	vadd.f32 v25, v9;
	v9 =	vld [tilespmem:s9+$0x1A260]  }
0x18e: {  	v10 =	vadd.f32 v16, v2;
	v11 =	vadd.f32 v17, v4;
	v12 =	vld [tilespmem:s9+$0x1A270];
	s9 =	sshra.s32 s15, $0x2  }
0x18f: {  	v14 =	vadd.f32 v21, v5;
	v2 =	vld [tilespmem:s9+$0x1A200];
	v8 =	vadd.f32 v22, v8  }
0x190: {  	v3 =	vadd.f32 v3, v10;
	v7 =	vadd.f32 v7, v11;
	v4 =	vld [tilespmem:s9+$0x1A210]  }
0x191: {  	v10 =	vadd.f32 v13, v14;
	v5 =	vld [tilespmem:s9+$0x1A220];
	v13 =	vadd.f32 v6, v8  }
0x192: {  	v8 =	vadd.f32 v0, v3;
	v11 =	vadd.f32 v1, v7;
	v6 =	vld [tilespmem:s9+$0x1A230]  }
0x193: {  	v10 =	vadd.f32 v9, v10;
	v0 =	vld [tilespmem:s9+$0x1A240];
	v9 =	vadd.f32 v12, v13  }
0x194: {  	v1 =	vld [tilespmem:s9+$0x1A250]  }
0x195: {  	v13 =	vld [tilespmem:s9+$0x1A180]  }
0x196: {  	v15 =	vld [tilespmem:s9+$0x1A190]  }
0x197: {  	v12 =	vld [tilespmem:s9+$0x1A1A0]  }
0x198: {  	v14 =	vld [tilespmem:s9+$0x1A1B0]  }
0x199: {  	v3 =	vld [tilespmem:s9+$0x1A1C0]  }
0x19a: {  	v7 =	vld [tilespmem:s9+$0x1A1D0]  }
0x19b: {  	v20 =	vld [tilespmem:s9+$0x1A100]  }
0x19c: {  	v22 =	vld [tilespmem:s9+$0x1A110]  }
0x19d: {  	v17 =	vld [tilespmem:s9+$0x1A080]  }
0x19e: {  	v18 =	vld [tilespmem:s9+$0x1A090]  }
0x19f: {  	v19 =	vld [tilespmem:s9+$0x1A0A0]  }
0x1a0: {  	v21 =	vld [tilespmem:s9+$0x1A0B0]  }
0x1a1: {  	v25 =	vld [tilespmem:s9+$0x1A120]  }
0x1a2: {  	v28 =	vld [tilespmem:s9+$0x1A130]  }
.Ltmp4:
0x1a3: {  	v16 =	vld [tilespmem:s9+$0x1A140];
	(pc) =	sbr.rel @p4 .LBB2_11-.Ltmp4, $4  }
0x1a4: {  	v23 =	vadd.f32 v17, v23;
	v24 =	vadd.f32 v18, v24;
	v17 =	vld [tilespmem:s9+$0x1A150]  }
0x1a5: {  	v26 =	vadd.f32 v19, v26;
	v27 =	vadd.f32 v21, v27;
	v18 =	vld [tilespmem:s9+$0x1A0C0]  }
0x1a6: {  	v21 =	vadd.f32 v20, v23;
	v22 =	vadd.f32 v22, v24;
	v19 =	vld [tilespmem:s9+$0x1A0D0]  }
0x1a7: {  	s15 =	sadd.s32 $0x800, s15;
	v23 =	vadd.f32 v25, v26;
	v20 =	vld [tilespmem:s9+$0x1A0E0];
	v24 =	vadd.f32 v28, v27  }
0x1a8: {  	v13 =	vadd.f32 v13, v21;
	v15 =	vadd.f32 v15, v22  }
0x1a9: {  	v25 =	vld [tilespmem:s9+$0x1A0F0];
	v12 =	vadd.f32 v12, v23;
	v14 =	vadd.f32 v14, v24  }
0x1aa: {  	v21 =	vld [tilespmem:s9+$0x1A160];
	v2 =	vadd.f32 v2, v13;
	v4 =	vadd.f32 v4, v15  }
0x1ab: {  	v22 =	vld [tilespmem:s9+$0x1A170];
	v8 =	vadd.f32 v18, v8;
	v5 =	vadd.f32 v5, v12  }
0x1ac: {  	v13 =	vld [tilespmem:s9+$0x1A1E0];
	v6 =	vadd.f32 v6, v14;
	v11 =	vadd.f32 v19, v11  }
0x1ad: {  	v12 =	vld [tilespmem:s9+$0x1A1F0];
	v10 =	vadd.f32 v20, v10;
	v8 =	vadd.f32 v16, v8  }
0x1ae: {  	v14 =	vld [tilespmem:s9+$0x1A260];
	v9 =	vadd.f32 v25, v9;
	v11 =	vadd.f32 v17, v11  }
0x1af: {  	v15 =	vld [tilespmem:s9+$0x1A270];
	[tilespmem:$0x1E280] =	vst v2;
	v10 =	vadd.f32 v21, v10;
	v3 =	vadd.f32 v3, v8  }
0x1b0: {  	[tilespmem:$0x1E290] =	vst v4;
	v2 =	vadd.f32 v22, v9;
	v7 =	vadd.f32 v7, v11  }
0x1b1: {  	[tilespmem:$0x1E2A0] =	vst v5;
	v4 =	vadd.f32 v13, v10;
	v0 =	vadd.f32 v0, v3  }
0x1b2: {  	[tilespmem:$0x1E2B0] =	vst v6;
	v2 =	vadd.f32 v12, v2;
	v1 =	vadd.f32 v1, v7  }
0x1b3: {  	v3 =	vadd.f32 v14, v4;
	[tilespmem:$0x1E2C0] =	vst v0  }
0x1b4: {  	v0 =	vadd.f32 v15, v2;
	[tilespmem:$0x1E2D0] =	vst v1  }
0x1b5: {  	[tilespmem:$0x1E2E0] =	vst v3  }
0x1b6: {  	s9 =	simm.s32 $0x0;
	[tilespmem:$0x1E2F0] =	vst v0  }
0x1b7: {  	v2 =	vld [tilespmem:s9+$0x1B200]  }
0x1b8: {  	v4 =	vld [tilespmem:s9+$0x1B210]  }
0x1b9: {  	v5 =	vld [tilespmem:s9+$0x1B220]  }
0x1ba: {  	v6 =	vld [tilespmem:s9+$0x1B230]  }
0x1bb: {  	v0 =	vld [tilespmem:s9+$0x1B240]  }
0x1bc: {  	v1 =	vld [tilespmem:s9+$0x1B250]  }
0x1bd: {  	v13 =	vld [tilespmem:s9+$0x1B180]  }
0x1be: {  	v15 =	vld [tilespmem:s9+$0x1B190]  }
0x1bf: {  	v12 =	vld [tilespmem:s9+$0x1B1A0]  }
0x1c0: {  	v14 =	vld [tilespmem:s9+$0x1B1B0]  }
0x1c1: {  	v3 =	vld [tilespmem:s9+$0x1B1C0]  }
0x1c2: {  	v9 =	vld [tilespmem:s9+$0x1B100]  }
0x1c3: {  	v10 =	vld [tilespmem:s9+$0x1B110]  }
0x1c4: {  	v11 =	vld [tilespmem:s9+$0x1B080]  }
0x1c5: {  	v17 =	vld [tilespmem:s9+$0x1B090]  }
0x1c6: {  	v18 =	vld [tilespmem:s9+$0x1B0A0]  }
0x1c7: {  	v19 =	vld [tilespmem:s9+$0x1B0B0]  }
0x1c8: {  	v20 =	vld [tilespmem:s9+$0x1B120]  }
0x1c9: {  	v24 =	vld [tilespmem:s9+$0x1B130]  }
0x1ca: {  	v8 =	vimm.f32 $0.0e+00;
	v7 =	vld [tilespmem:s9+$0x1B1D0]  }
0x1cb: {  	v16 =	vld [tilespmem:s9+$0x1B140];
	v11 =	vadd.f32 v11, v8;
	v22 =	vadd.f32 v17, v8  }
0x1cc: {  	v17 =	vld [tilespmem:s9+$0x1B150];
	v23 =	vadd.f32 v18, v8;
	v25 =	vadd.f32 v19, v8  }
0x1cd: {  	v18 =	vld [tilespmem:s9+$0x1B0C0];
	v21 =	vadd.f32 v9, v11;
	v22 =	vadd.f32 v10, v22  }
0x1ce: {  	v19 =	vld [tilespmem:s9+$0x1B0D0];
	v23 =	vadd.f32 v20, v23;
	v24 =	vadd.f32 v24, v25  }
0x1cf: {  	s15 =	simm.s32 $0x800;
	v20 =	vld [tilespmem:s9+$0x1B0E0];
	v11 =	vimm.f32 $0.0e+00;
	v10 =	vimm.f32 $0.0e+00;
	v9 =	vimm.f32 $0.0e+00  }
.LBB2_13:
0x1d0: {  	p4 =	sne.s32 s15, $0x3800;
	v25 =	vld [tilespmem:s9+$0x1B0F0];
	v13 =	vadd.f32 v13, v21;
	v15 =	vadd.f32 v15, v22  }
0x1d1: {  	v21 =	vld [tilespmem:s9+$0x1B160];
	v12 =	vadd.f32 v12, v23;
	v14 =	vadd.f32 v14, v24  }
0x1d2: {  	v22 =	vld [tilespmem:s9+$0x1B170];
	v23 =	vadd.f32 v2, v13;
	v24 =	vadd.f32 v4, v15  }
0x1d3: {  	v13 =	vld [tilespmem:s9+$0x1B1E0];
	v26 =	vadd.f32 v5, v12;
	v27 =	vadd.f32 v6, v14  }
0x1d4: {  	v2 =	vadd.f32 v18, v8;
	v4 =	vadd.f32 v19, v11;
	v6 =	vld [tilespmem:s9+$0x1B1F0]  }
0x1d5: {  	v5 =	vadd.f32 v20, v10;
	v8 =	vadd.f32 v25, v9;
	v9 =	vld [tilespmem:s9+$0x1B260]  }
0x1d6: {  	v10 =	vadd.f32 v16, v2;
	v11 =	vadd.f32 v17, v4;
	v12 =	vld [tilespmem:s9+$0x1B270];
	s9 =	sshra.s32 s15, $0x2  }
0x1d7: {  	v14 =	vadd.f32 v21, v5;
	v2 =	vld [tilespmem:s9+$0x1B200];
	v8 =	vadd.f32 v22, v8  }
0x1d8: {  	v3 =	vadd.f32 v3, v10;
	v7 =	vadd.f32 v7, v11;
	v4 =	vld [tilespmem:s9+$0x1B210]  }
0x1d9: {  	v10 =	vadd.f32 v13, v14;
	v5 =	vld [tilespmem:s9+$0x1B220];
	v13 =	vadd.f32 v6, v8  }
0x1da: {  	v8 =	vadd.f32 v0, v3;
	v11 =	vadd.f32 v1, v7;
	v6 =	vld [tilespmem:s9+$0x1B230]  }
0x1db: {  	v10 =	vadd.f32 v9, v10;
	v0 =	vld [tilespmem:s9+$0x1B240];
	v9 =	vadd.f32 v12, v13  }
0x1dc: {  	v1 =	vld [tilespmem:s9+$0x1B250]  }
0x1dd: {  	v13 =	vld [tilespmem:s9+$0x1B180]  }
0x1de: {  	v15 =	vld [tilespmem:s9+$0x1B190]  }
0x1df: {  	v12 =	vld [tilespmem:s9+$0x1B1A0]  }
0x1e0: {  	v14 =	vld [tilespmem:s9+$0x1B1B0]  }
0x1e1: {  	v3 =	vld [tilespmem:s9+$0x1B1C0]  }
0x1e2: {  	v7 =	vld [tilespmem:s9+$0x1B1D0]  }
0x1e3: {  	v20 =	vld [tilespmem:s9+$0x1B100]  }
0x1e4: {  	v22 =	vld [tilespmem:s9+$0x1B110]  }
0x1e5: {  	v17 =	vld [tilespmem:s9+$0x1B080]  }
0x1e6: {  	v18 =	vld [tilespmem:s9+$0x1B090]  }
0x1e7: {  	v19 =	vld [tilespmem:s9+$0x1B0A0]  }
0x1e8: {  	v21 =	vld [tilespmem:s9+$0x1B0B0]  }
0x1e9: {  	v25 =	vld [tilespmem:s9+$0x1B120]  }
0x1ea: {  	v28 =	vld [tilespmem:s9+$0x1B130]  }
.Ltmp5:
0x1eb: {  	v16 =	vld [tilespmem:s9+$0x1B140];
	(pc) =	sbr.rel @p4 .LBB2_13-.Ltmp5, $4  }
0x1ec: {  	v23 =	vadd.f32 v17, v23;
	v24 =	vadd.f32 v18, v24;
	v17 =	vld [tilespmem:s9+$0x1B150]  }
0x1ed: {  	v26 =	vadd.f32 v19, v26;
	v27 =	vadd.f32 v21, v27;
	v18 =	vld [tilespmem:s9+$0x1B0C0]  }
0x1ee: {  	v21 =	vadd.f32 v20, v23;
	v22 =	vadd.f32 v22, v24;
	v19 =	vld [tilespmem:s9+$0x1B0D0]  }
0x1ef: {  	s15 =	sadd.s32 $0x800, s15;
	v23 =	vadd.f32 v25, v26;
	v20 =	vld [tilespmem:s9+$0x1B0E0];
	v24 =	vadd.f32 v28, v27  }
0x1f0: {  	v13 =	vadd.f32 v13, v21;
	v15 =	vadd.f32 v15, v22  }
0x1f1: {  	v25 =	vld [tilespmem:s9+$0x1B0F0];
	v12 =	vadd.f32 v12, v23;
	v14 =	vadd.f32 v14, v24  }
0x1f2: {  	v21 =	vld [tilespmem:s9+$0x1B160];
	v2 =	vadd.f32 v2, v13;
	v4 =	vadd.f32 v4, v15  }
0x1f3: {  	v22 =	vld [tilespmem:s9+$0x1B170];
	v8 =	vadd.f32 v18, v8;
	v5 =	vadd.f32 v5, v12  }
0x1f4: {  	v13 =	vld [tilespmem:s9+$0x1B1E0];
	v6 =	vadd.f32 v6, v14;
	v11 =	vadd.f32 v19, v11  }
0x1f5: {  	v12 =	vld [tilespmem:s9+$0x1B1F0];
	v10 =	vadd.f32 v20, v10;
	v8 =	vadd.f32 v16, v8  }
0x1f6: {  	v14 =	vld [tilespmem:s9+$0x1B260];
	v9 =	vadd.f32 v25, v9;
	v11 =	vadd.f32 v17, v11  }
0x1f7: {  	v15 =	vld [tilespmem:s9+$0x1B270];
	[tilespmem:$0x1E300] =	vst v2;
	v10 =	vadd.f32 v21, v10;
	v3 =	vadd.f32 v3, v8  }
0x1f8: {  	[tilespmem:$0x1E310] =	vst v4;
	v2 =	vadd.f32 v22, v9;
	v7 =	vadd.f32 v7, v11  }
0x1f9: {  	[tilespmem:$0x1E320] =	vst v5;
	v4 =	vadd.f32 v13, v10;
	v0 =	vadd.f32 v0, v3  }
0x1fa: {  	[tilespmem:$0x1E330] =	vst v6;
	v2 =	vadd.f32 v12, v2;
	v1 =	vadd.f32 v1, v7  }
0x1fb: {  	s16 =	sadd.s32 s8, s13;
	v3 =	vadd.f32 v14, v4;
	[tilespmem:$0x1E340] =	vst v0  }
0x1fc: {  	s9 =	sshll.u32 s16, $0x4;
	v0 =	vadd.f32 v15, v2;
	[tilespmem:$0x1E350] =	vst v1  }
0x1fd: {  	s9 =	sand.u32 $0x1FFFFFC0, s9;
	[tilespmem:$0x1E360] =	vst v3  }
0x1fe: {  	s9 =	sadd.s32 s2, s9;
	[tilespmem:$0x1E370] =	vst v0  }
0x1ff: {  	[hbm4b:s9+s4] =	stream.linear.scatter [tilespmem:s20], [sflag:$0x7], $0x100, $0x38;
	[tilespmem:$0x1E480] =	vst v63  }
0x200: {  	s15 =	simm.s32 @!p3 $0x40;
	s16 =	simm.s32 @!p3 $0x1A080;
	s9 =	sadd.s32 @!p3 $0x13A00, s7  }
0x201: {  	[tilespmem:s16], [sflag:$0x3] =	stream.indirect.gather @!p3 [spmem:s3], $0x80, s9, s15, $0xb8;
	[tilespmem:$0x1E480] =	vst v63  }
0x202: {  	_ =	swait.ge [sflag:s21], $0x2000  }
0x203: {  	[sflag:s21] =	ssyncset.done $0x0  }
0x204: {  	s9 =	simm.s32 @!p2 $0x8;
	[sflag:s21] =	ssyncadd.s32 $0xFFFFE000  }
0x205: {  	_ =	swait.ge @!p2 [sflag:s9], $0x100  }
0x206: {  	[sflag:s9] =	ssyncset.done @!p2 $0x0  }
0x207: {  	[sflag:s9] =	ssyncadd.s32 @!p2 $0xFFFFFF00;
	s9 =	simm.s32 $0x0  }
0x208: {  	v2 =	vld [tilespmem:s9+$0x1C200]  }
0x209: {  	v4 =	vld [tilespmem:s9+$0x1C210]  }
0x20a: {  	v5 =	vld [tilespmem:s9+$0x1C220]  }
0x20b: {  	v6 =	vld [tilespmem:s9+$0x1C230]  }
0x20c: {  	v0 =	vld [tilespmem:s9+$0x1C240]  }
0x20d: {  	v1 =	vld [tilespmem:s9+$0x1C250]  }
0x20e: {  	v13 =	vld [tilespmem:s9+$0x1C180]  }
0x20f: {  	v15 =	vld [tilespmem:s9+$0x1C190]  }
0x210: {  	v12 =	vld [tilespmem:s9+$0x1C1A0]  }
0x211: {  	v14 =	vld [tilespmem:s9+$0x1C1B0]  }
0x212: {  	v3 =	vld [tilespmem:s9+$0x1C1C0]  }
0x213: {  	v9 =	vld [tilespmem:s9+$0x1C100]  }
0x214: {  	v10 =	vld [tilespmem:s9+$0x1C110]  }
0x215: {  	v11 =	vld [tilespmem:s9+$0x1C080]  }
0x216: {  	v17 =	vld [tilespmem:s9+$0x1C090]  }
0x217: {  	v18 =	vld [tilespmem:s9+$0x1C0A0]  }
0x218: {  	v19 =	vld [tilespmem:s9+$0x1C0B0]  }
0x219: {  	v20 =	vld [tilespmem:s9+$0x1C120]  }
0x21a: {  	v24 =	vld [tilespmem:s9+$0x1C130]  }
0x21b: {  	v8 =	vimm.f32 $0.0e+00;
	v7 =	vld [tilespmem:s9+$0x1C1D0]  }
0x21c: {  	v16 =	vld [tilespmem:s9+$0x1C140];
	v11 =	vadd.f32 v11, v8;
	v22 =	vadd.f32 v17, v8  }
0x21d: {  	v17 =	vld [tilespmem:s9+$0x1C150];
	v23 =	vadd.f32 v18, v8;
	v25 =	vadd.f32 v19, v8  }
0x21e: {  	v18 =	vld [tilespmem:s9+$0x1C0C0];
	v21 =	vadd.f32 v9, v11;
	v22 =	vadd.f32 v10, v22  }
0x21f: {  	v19 =	vld [tilespmem:s9+$0x1C0D0];
	v23 =	vadd.f32 v20, v23;
	v24 =	vadd.f32 v24, v25  }
0x220: {  	s15 =	simm.s32 $0x800;
	v20 =	vld [tilespmem:s9+$0x1C0E0];
	v11 =	vimm.f32 $0.0e+00;
	v10 =	vimm.f32 $0.0e+00;
	v9 =	vimm.f32 $0.0e+00  }
.LBB2_15:
0x221: {  	p2 =	sne.s32 s15, $0x3800;
	v25 =	vld [tilespmem:s9+$0x1C0F0];
	v13 =	vadd.f32 v13, v21;
	v15 =	vadd.f32 v15, v22  }
0x222: {  	v21 =	vld [tilespmem:s9+$0x1C160];
	v12 =	vadd.f32 v12, v23;
	v14 =	vadd.f32 v14, v24  }
0x223: {  	v22 =	vld [tilespmem:s9+$0x1C170];
	v23 =	vadd.f32 v2, v13;
	v24 =	vadd.f32 v4, v15  }
0x224: {  	v13 =	vld [tilespmem:s9+$0x1C1E0];
	v26 =	vadd.f32 v5, v12;
	v27 =	vadd.f32 v6, v14  }
0x225: {  	v2 =	vadd.f32 v18, v8;
	v4 =	vadd.f32 v19, v11;
	v6 =	vld [tilespmem:s9+$0x1C1F0]  }
0x226: {  	v5 =	vadd.f32 v20, v10;
	v8 =	vadd.f32 v25, v9;
	v9 =	vld [tilespmem:s9+$0x1C260]  }
0x227: {  	v10 =	vadd.f32 v16, v2;
	v11 =	vadd.f32 v17, v4;
	v12 =	vld [tilespmem:s9+$0x1C270];
	s9 =	sshra.s32 s15, $0x2  }
0x228: {  	v14 =	vadd.f32 v21, v5;
	v2 =	vld [tilespmem:s9+$0x1C200];
	v8 =	vadd.f32 v22, v8  }
0x229: {  	v3 =	vadd.f32 v3, v10;
	v7 =	vadd.f32 v7, v11;
	v4 =	vld [tilespmem:s9+$0x1C210]  }
0x22a: {  	v10 =	vadd.f32 v13, v14;
	v5 =	vld [tilespmem:s9+$0x1C220];
	v13 =	vadd.f32 v6, v8  }
0x22b: {  	v8 =	vadd.f32 v0, v3;
	v11 =	vadd.f32 v1, v7;
	v6 =	vld [tilespmem:s9+$0x1C230]  }
0x22c: {  	v10 =	vadd.f32 v9, v10;
	v0 =	vld [tilespmem:s9+$0x1C240];
	v9 =	vadd.f32 v12, v13  }
0x22d: {  	v1 =	vld [tilespmem:s9+$0x1C250]  }
0x22e: {  	v13 =	vld [tilespmem:s9+$0x1C180]  }
0x22f: {  	v15 =	vld [tilespmem:s9+$0x1C190]  }
0x230: {  	v12 =	vld [tilespmem:s9+$0x1C1A0]  }
0x231: {  	v14 =	vld [tilespmem:s9+$0x1C1B0]  }
0x232: {  	v3 =	vld [tilespmem:s9+$0x1C1C0]  }
0x233: {  	v7 =	vld [tilespmem:s9+$0x1C1D0]  }
0x234: {  	v20 =	vld [tilespmem:s9+$0x1C100]  }
0x235: {  	v22 =	vld [tilespmem:s9+$0x1C110]  }
0x236: {  	v17 =	vld [tilespmem:s9+$0x1C080]  }
0x237: {  	v18 =	vld [tilespmem:s9+$0x1C090]  }
0x238: {  	v19 =	vld [tilespmem:s9+$0x1C0A0]  }
0x239: {  	v21 =	vld [tilespmem:s9+$0x1C0B0]  }
0x23a: {  	v25 =	vld [tilespmem:s9+$0x1C120]  }
0x23b: {  	v28 =	vld [tilespmem:s9+$0x1C130]  }
.Ltmp6:
0x23c: {  	v16 =	vld [tilespmem:s9+$0x1C140];
	(pc) =	sbr.rel @p2 .LBB2_15-.Ltmp6, $4  }
0x23d: {  	v23 =	vadd.f32 v17, v23;
	v24 =	vadd.f32 v18, v24;
	v17 =	vld [tilespmem:s9+$0x1C150]  }
0x23e: {  	v26 =	vadd.f32 v19, v26;
	v27 =	vadd.f32 v21, v27;
	v18 =	vld [tilespmem:s9+$0x1C0C0]  }
0x23f: {  	v21 =	vadd.f32 v20, v23;
	v22 =	vadd.f32 v22, v24;
	v19 =	vld [tilespmem:s9+$0x1C0D0]  }
0x240: {  	s15 =	sadd.s32 $0x800, s15;
	v23 =	vadd.f32 v25, v26;
	v20 =	vld [tilespmem:s9+$0x1C0E0];
	v24 =	vadd.f32 v28, v27  }
0x241: {  	v13 =	vadd.f32 v13, v21;
	v15 =	vadd.f32 v15, v22  }
0x242: {  	v25 =	vld [tilespmem:s9+$0x1C0F0];
	v12 =	vadd.f32 v12, v23;
	v14 =	vadd.f32 v14, v24  }
0x243: {  	v21 =	vld [tilespmem:s9+$0x1C160];
	v2 =	vadd.f32 v2, v13;
	v4 =	vadd.f32 v4, v15  }
0x244: {  	v22 =	vld [tilespmem:s9+$0x1C170];
	v8 =	vadd.f32 v18, v8;
	v5 =	vadd.f32 v5, v12  }
0x245: {  	v13 =	vld [tilespmem:s9+$0x1C1E0];
	v6 =	vadd.f32 v6, v14;
	v11 =	vadd.f32 v19, v11  }
0x246: {  	v12 =	vld [tilespmem:s9+$0x1C1F0];
	v10 =	vadd.f32 v20, v10;
	v8 =	vadd.f32 v16, v8  }
0x247: {  	v14 =	vld [tilespmem:s9+$0x1C260];
	v9 =	vadd.f32 v25, v9;
	v11 =	vadd.f32 v17, v11  }
0x248: {  	v15 =	vld [tilespmem:s9+$0x1C270];
	[tilespmem:$0x1E380] =	vst v2;
	v10 =	vadd.f32 v21, v10;
	v3 =	vadd.f32 v3, v8  }
0x249: {  	[tilespmem:$0x1E390] =	vst v4;
	v2 =	vadd.f32 v22, v9;
	v7 =	vadd.f32 v7, v11  }
0x24a: {  	[tilespmem:$0x1E3A0] =	vst v5;
	v4 =	vadd.f32 v13, v10;
	v0 =	vadd.f32 v0, v3  }
0x24b: {  	[tilespmem:$0x1E3B0] =	vst v6;
	v2 =	vadd.f32 v12, v2;
	v1 =	vadd.f32 v1, v7  }
0x24c: {  	v3 =	vadd.f32 v14, v4;
	[tilespmem:$0x1E3C0] =	vst v0  }
0x24d: {  	v0 =	vadd.f32 v15, v2;
	[tilespmem:$0x1E3D0] =	vst v1  }
0x24e: {  	[tilespmem:$0x1E3E0] =	vst v3  }
0x24f: {  	s9 =	simm.s32 $0x0;
	[tilespmem:$0x1E3F0] =	vst v0  }
0x250: {  	v2 =	vld [tilespmem:s9+$0x1D200]  }
0x251: {  	v4 =	vld [tilespmem:s9+$0x1D210]  }
0x252: {  	v5 =	vld [tilespmem:s9+$0x1D220]  }
0x253: {  	v6 =	vld [tilespmem:s9+$0x1D230]  }
0x254: {  	v0 =	vld [tilespmem:s9+$0x1D240]  }
0x255: {  	v1 =	vld [tilespmem:s9+$0x1D250]  }
0x256: {  	v13 =	vld [tilespmem:s9+$0x1D180]  }
0x257: {  	v15 =	vld [tilespmem:s9+$0x1D190]  }
0x258: {  	v12 =	vld [tilespmem:s9+$0x1D1A0]  }
0x259: {  	v14 =	vld [tilespmem:s9+$0x1D1B0]  }
0x25a: {  	v3 =	vld [tilespmem:s9+$0x1D1C0]  }
0x25b: {  	v9 =	vld [tilespmem:s9+$0x1D100]  }
0x25c: {  	v10 =	vld [tilespmem:s9+$0x1D110]  }
0x25d: {  	v11 =	vld [tilespmem:s9+$0x1D080]  }
0x25e: {  	v17 =	vld [tilespmem:s9+$0x1D090]  }
0x25f: {  	v18 =	vld [tilespmem:s9+$0x1D0A0]  }
0x260: {  	v19 =	vld [tilespmem:s9+$0x1D0B0]  }
0x261: {  	v20 =	vld [tilespmem:s9+$0x1D120]  }
0x262: {  	v24 =	vld [tilespmem:s9+$0x1D130]  }
0x263: {  	v8 =	vimm.f32 $0.0e+00;
	v7 =	vld [tilespmem:s9+$0x1D1D0]  }
0x264: {  	v16 =	vld [tilespmem:s9+$0x1D140];
	v11 =	vadd.f32 v11, v8;
	v22 =	vadd.f32 v17, v8  }
0x265: {  	v17 =	vld [tilespmem:s9+$0x1D150];
	v23 =	vadd.f32 v18, v8;
	v25 =	vadd.f32 v19, v8  }
0x266: {  	v18 =	vld [tilespmem:s9+$0x1D0C0];
	v21 =	vadd.f32 v9, v11;
	v22 =	vadd.f32 v10, v22  }
0x267: {  	v19 =	vld [tilespmem:s9+$0x1D0D0];
	v23 =	vadd.f32 v20, v23;
	v24 =	vadd.f32 v24, v25  }
0x268: {  	s15 =	simm.s32 $0x800;
	v20 =	vld [tilespmem:s9+$0x1D0E0];
	v11 =	vimm.f32 $0.0e+00;
	v10 =	vimm.f32 $0.0e+00;
	v9 =	vimm.f32 $0.0e+00  }
.LBB2_17:
0x269: {  	p2 =	sne.s32 s15, $0x3800;
	v25 =	vld [tilespmem:s9+$0x1D0F0];
	v13 =	vadd.f32 v13, v21;
	v15 =	vadd.f32 v15, v22  }
0x26a: {  	v21 =	vld [tilespmem:s9+$0x1D160];
	v12 =	vadd.f32 v12, v23;
	v14 =	vadd.f32 v14, v24  }
0x26b: {  	v22 =	vld [tilespmem:s9+$0x1D170];
	v23 =	vadd.f32 v2, v13;
	v24 =	vadd.f32 v4, v15  }
0x26c: {  	v13 =	vld [tilespmem:s9+$0x1D1E0];
	v26 =	vadd.f32 v5, v12;
	v27 =	vadd.f32 v6, v14  }
0x26d: {  	v2 =	vadd.f32 v18, v8;
	v4 =	vadd.f32 v19, v11;
	v6 =	vld [tilespmem:s9+$0x1D1F0]  }
0x26e: {  	v5 =	vadd.f32 v20, v10;
	v8 =	vadd.f32 v25, v9;
	v9 =	vld [tilespmem:s9+$0x1D260]  }
0x26f: {  	v10 =	vadd.f32 v16, v2;
	v11 =	vadd.f32 v17, v4;
	v12 =	vld [tilespmem:s9+$0x1D270];
	s9 =	sshra.s32 s15, $0x2  }
0x270: {  	v14 =	vadd.f32 v21, v5;
	v2 =	vld [tilespmem:s9+$0x1D200];
	v8 =	vadd.f32 v22, v8  }
0x271: {  	v3 =	vadd.f32 v3, v10;
	v7 =	vadd.f32 v7, v11;
	v4 =	vld [tilespmem:s9+$0x1D210]  }
0x272: {  	v10 =	vadd.f32 v13, v14;
	v5 =	vld [tilespmem:s9+$0x1D220];
	v13 =	vadd.f32 v6, v8  }
0x273: {  	v8 =	vadd.f32 v0, v3;
	v11 =	vadd.f32 v1, v7;
	v6 =	vld [tilespmem:s9+$0x1D230]  }
0x274: {  	v10 =	vadd.f32 v9, v10;
	v0 =	vld [tilespmem:s9+$0x1D240];
	v9 =	vadd.f32 v12, v13  }
0x275: {  	v1 =	vld [tilespmem:s9+$0x1D250]  }
0x276: {  	v13 =	vld [tilespmem:s9+$0x1D180]  }
0x277: {  	v15 =	vld [tilespmem:s9+$0x1D190]  }
0x278: {  	v12 =	vld [tilespmem:s9+$0x1D1A0]  }
0x279: {  	v14 =	vld [tilespmem:s9+$0x1D1B0]  }
0x27a: {  	v3 =	vld [tilespmem:s9+$0x1D1C0]  }
0x27b: {  	v7 =	vld [tilespmem:s9+$0x1D1D0]  }
0x27c: {  	v20 =	vld [tilespmem:s9+$0x1D100]  }
0x27d: {  	v22 =	vld [tilespmem:s9+$0x1D110]  }
0x27e: {  	v17 =	vld [tilespmem:s9+$0x1D080]  }
0x27f: {  	v18 =	vld [tilespmem:s9+$0x1D090]  }
0x280: {  	v19 =	vld [tilespmem:s9+$0x1D0A0]  }
0x281: {  	v21 =	vld [tilespmem:s9+$0x1D0B0]  }
0x282: {  	v25 =	vld [tilespmem:s9+$0x1D120]  }
0x283: {  	v28 =	vld [tilespmem:s9+$0x1D130]  }
.Ltmp7:
0x284: {  	v16 =	vld [tilespmem:s9+$0x1D140];
	(pc) =	sbr.rel @p2 .LBB2_17-.Ltmp7, $4  }
0x285: {  	v23 =	vadd.f32 v17, v23;
	v24 =	vadd.f32 v18, v24;
	v17 =	vld [tilespmem:s9+$0x1D150]  }
0x286: {  	v26 =	vadd.f32 v19, v26;
	v27 =	vadd.f32 v21, v27;
	v18 =	vld [tilespmem:s9+$0x1D0C0]  }
0x287: {  	v21 =	vadd.f32 v20, v23;
	v22 =	vadd.f32 v22, v24;
	v19 =	vld [tilespmem:s9+$0x1D0D0]  }
0x288: {  	s15 =	sadd.s32 $0x800, s15;
	v23 =	vadd.f32 v25, v26;
	v20 =	vld [tilespmem:s9+$0x1D0E0];
	v24 =	vadd.f32 v28, v27  }
0x289: {  	v13 =	vadd.f32 v13, v21;
	v15 =	vadd.f32 v15, v22  }
0x28a: {  	v25 =	vld [tilespmem:s9+$0x1D0F0];
	v12 =	vadd.f32 v12, v23;
	v14 =	vadd.f32 v14, v24  }
0x28b: {  	v54 =	vld [tilespmem:s9+$0x1D160];
	v2 =	vadd.f32 v2, v13;
	v4 =	vadd.f32 v4, v15  }
0x28c: {  	v55 =	vld [tilespmem:s9+$0x1D170];
	v8 =	vadd.f32 v18, v8;
	v5 =	vadd.f32 v5, v12  }
0x28d: {  	v56 =	vld [tilespmem:s9+$0x1D1E0];
	v6 =	vadd.f32 v6, v14;
	v11 =	vadd.f32 v19, v11  }
0x28e: {  	v57 =	vld [tilespmem:s9+$0x1D1F0];
	v10 =	vadd.f32 v20, v10;
	v8 =	vadd.f32 v16, v8  }
0x28f: {  	v58 =	vld [tilespmem:s9+$0x1D260];
	v9 =	vadd.f32 v25, v9;
	v11 =	vadd.f32 v17, v11  }
0x290: {  	v59 =	vld [tilespmem:s9+$0x1D270];
	[tilespmem:$0x1E400] =	vst v2;
	v10 =	vadd.f32 v54, v10;
	v3 =	vadd.f32 v3, v8  }
0x291: {  	[tilespmem:$0x1E410] =	vst v4;
	v60 =	vadd.f32 v55, v9;
	v7 =	vadd.f32 v7, v11  }
0x292: {  	[tilespmem:$0x1E420] =	vst v5;
	v61 =	vadd.f32 v56, v10;
	v0 =	vadd.f32 v0, v3  }
0x293: {  	[tilespmem:$0x1E430] =	vst v6;
	v2 =	vadd.f32 v57, v60;
	v1 =	vadd.f32 v1, v7  }
0x294: {  	s8 =	sadd.s32 s8, s14;
	s6 =	sadd.s32 $0x1, s6;
	v62 =	vadd.f32 v58, v61;
	[tilespmem:$0x1E440] =	vst v0  }
0x295: {  	s8 =	sshll.u32 s8, $0x4;
	p2 =	sne.s32 s6, s5;
	v63 =	vadd.f32 v59, v2;
	[tilespmem:$0x1E450] =	vst v1  }
.Ltmp8:
0x296: {  	s8 =	sand.u32 $0x1FFFFFE0, s8;
	[tilespmem:$0x1E460] =	vst v62;
	(pc) =	sbr.rel @p2 .LBB2_2-.Ltmp8, $4  }
0x297: {  	s8 =	sadd.s32 s2, s8;
	[tilespmem:$0x1E470] =	vst v63  }
0x298: {  	[hbm4b:s8+s4] =	stream.linear.scatter [tilespmem:s22], [sflag:$0x8], $0x100, $0x38;
	[tilespmem:$0x1E480] =	vst v63  }
0x299: {  	s7 =	sadd.s32 @!p3 $0x13A40, s7;
	s9 =	simm.s32 @!p3 $0x1C080;
	s8 =	simm.s32 @!p3 $0x40  }
0x29a: {  	[tilespmem:s9], [sflag:$0x4] =	stream.indirect.gather @!p3 [spmem:s3], $0x80, s7, s8, $0xb8;
	[tilespmem:$0x1E480] =	vst v63  }
0x29b: {  	_ =	swait.ge [sflag:s23], $0x100  }
0x29c: {  	[sflag:s23] =	ssyncset.done $0x0  }
0x29d: {  	[sflag:s23] =	ssyncadd.s32 $0xFFFFFF00  }
0x29e: {  	_ =	swait.ge [sflag:s24], $0x100  }
0x29f: {  	[sflag:s24] =	ssyncset.done $0x0  }
0x2a0: {  	[sflag:s24] =	ssyncadd.s32 $0xFFFFFF00  }
0x2a1: {  	_ =	swait.ge [sflag:s25], $0x100  }
0x2a2: {  	[sflag:s25] =	ssyncset.done $0x0  }
0x2a3: {  	[sflag:s25] =	ssyncadd.s32 $0xFFFFFF00  }
0x2a4: {  	_ =	swait.ge [sflag:s26], $0x100  }
0x2a5: {  	s28 =	sadd.s32 $0x1, s28;
	s6 =	rddreg [dreg:$0x9]  }
0x2a6: {  	p2 =	sne.s32 s28, s6  }
.Ltmp9:
0x2a7: {  	_ = 	snop;
	(pc) =	sbr.rel @p2 .LBB2_1-.Ltmp9, $3  }
0x2a8: {  	_ =	sdelay $0x1  }
0x2a9: {  	[sflag:s26] =	ssyncset.done $0x0  }
0x2aa: {  	[sflag:s26] =	ssyncadd.s32 $0xFFFFFF00  }
0x2ab: {  	_ =	sfence.sel $0x180000  }
0x2ac: {  	[bflag:$0x0] =	sbarrier.arrive $0xFFFF  }
0x2ad: {  	_ =	strace $0x90000047  }
0x2ae: {  	s0 =	stileid.u32;
	[bflag:$0x2] =	sbarrier.arrive $0xFFFF  }
0x2af: {  	p0 =	sne.s32 s0, $0x0;
	s0 =	rddreg [dreg:$0x4]  }
0x2b0: {  	s0 =	sadd.s32 @!p0 $0x100000, s0  }
0x2b1: {  	[sflag:s0] =	ssyncadd.tile.s32 @!p0 $0x1;
	_ =	shalt  }
.Lfunc_end2:
_tile_overlayer_lowered:
.L_overlay_start_2:
0x2b2: {  	(tag) =	ssettag $0x2  }
0x2b3: {  	s0 =	rddreg [dreg:$0x0];
	s2 =	stileid.u32  }
0x2b4: {  	s1 =	rddreg [dreg:$0x1];
	p0 =	sne.s32 s2, $0x0  }
0x2b5: {  	s3 =	rddreg [dreg:$0x2];
	[bflag:$0x3] =	sbarrier.arrive $0xFFFF;
	s2 =	simm.s32 @!p0 $0x1C09  }
0x2b6: {  	[timem:s3], [sflag:s2] =	dma.local @!p0 [hbm:s0], s1  }
0x2b7: {  	s0 =	simm.s32 @!p0 $0x9  }
0x2b8: {  	_ =	swait.ge @!p0 [sflag:s0], s1  }
0x2b9: {  	s1 =	ssub.s32 @!p0 $0x0, s1;
	[sflag:s0] =	ssyncset.done @!p0 $0x0  }
0x2ba: {  	[sflag:s0] =	ssyncadd.s32 @!p0 s1  }
0x2bb: {  	[bflag:$0x3] =	sbarrier.arrive $0xFFFF  }
0x2bc: {  	_ =	shalt  }

</sc_bundles>
